<compile_context>
chip_gen: v7x
topology: tpu7x:2x2x1
jax: 0.10.2.dev20260603
libtpu: 0.0.44.dev20260713+nightly
codegen_flags: <defaults>
</compile_context>

<pallas_src>
import jax
import jax.numpy as jnp
from jax import lax
from jax.experimental import pallas as pl
from jax.experimental.pallas import tpu as pltpu
from jax.experimental.pallas import tpu_sc as plsc

BEAM = 8
VOCAB = 100000
T_STEPS = 4
END_ID = 2
NEG_INF = float("-inf")
IMAX = 2**31 - 1

NC, NS, L = 2, 16, 16
NW = NC * NS
CHUNK = (BEAM * VOCAB) // NW
G = 16
RPG = 98
NVEC = G * RPG
GLEN = RPG * L
BUF = NVEC * L
NPOP = 8


def _sc_body(flat_hbm, val_out, idx_out, buf, sv, si, ov, oi, sem):
    wid = lax.axis_index("c") * NS + lax.axis_index("s")
    beam = wid // (NW // BEAM)
    part = wid % (NW // BEAM)
    hbm_base = beam * (T_STEPS * VOCAB) + (T_STEPS - 1) * VOCAB + part * CHUNK
    wbase = beam * VOCAB + part * CHUNK

    GPP = G // 4
    PIECE = GPP * GLEN
    copies = []
    for p4 in range(4):
        lo = p4 * PIECE
        hi = min((p4 + 1) * PIECE, CHUNK)
        copies.append(pltpu.async_copy(
            flat_hbm.at[pl.ds(hbm_base + lo, hi - lo)],
            buf.at[pl.ds(lo, hi - lo)], sem.at[p4]))

    lane = jnp.arange(L, dtype=jnp.int32)
    ninf = jnp.full((L,), NEG_INF, jnp.float32)

    sv[pl.ds(L, L)] = ninf
    si[pl.ds(L, L)] = jnp.full((L,), IMAX, jnp.int32)

    mv = []
    tail = CHUNK // L
    for p4 in range(4):
        copies[p4].wait()
        if p4 == 3:
            tv = buf[pl.ds(tail * L, L)]
            buf[pl.ds(tail * L, L)] = jnp.where(
                lane < (CHUNK - tail * L), tv, ninf)
            for j in range(tail + 1, NVEC):
                buf[pl.ds(j * L, L)] = ninf

        def fold_step(r2, carry, p4=p4):
            nmv = []
            for gg in range(GPP):
                base = (p4 * GPP + gg) * GLEN + r2 * (2 * L)
                v = jnp.maximum(buf[pl.ds(base, L)], buf[pl.ds(base + L, L)])
                nmv.append(jnp.maximum(carry[gg], v))
            return tuple(nmv)

        mvp = lax.fori_loop(0, RPG // 2, fold_step,
                            tuple(ninf for _ in range(GPP)))
        mv.extend(mvp)

    outv = ninf
    outi = jnp.full((L,), IMAX, jnp.int32)
    gsent = jnp.full((L,), G, jnp.int32)
    for p in range(NPOP):
        t = mv[0]
        for g in range(1, G):
            t = jnp.maximum(t, mv[g])
        for sh in (8, 4, 2, 1):
            sv[pl.ds(0, L)] = t
            t = jnp.maximum(t, sv[pl.ds(sh, L)])
        mx = t[0]
        gv = gsent
        for g in range(G):
            gv = jnp.where(mv[g] == mx, jnp.minimum(gv, g), gv)
        for sh in (8, 4, 2, 1):
            si[pl.ds(0, L)] = gv
            gv = jnp.minimum(gv, si[pl.ds(sh, L)])
        gstar = gv[0]
        gbase = gstar * GLEN

        def locate_step(r, cand):
            v = buf[pl.ds(gbase + r * L, L)]
            return jnp.minimum(cand, jnp.where(v == mx, r * L + lane, IMAX))

        cand = lax.fori_loop(0, RPG, locate_step,
                             jnp.full((L,), IMAX, jnp.int32))
        for sh in (8, 4, 2, 1):
            si[pl.ds(0, L)] = cand
            cand = jnp.minimum(cand, si[pl.ds(sh, L)])
        off = cand[0]

        outv = jnp.where(lane == p, mx, outv)
        outi = jnp.where(lane == p, wbase + gstar * GLEN + off, outi)

        row = off // L
        lpos = off % L
        vv = buf[pl.ds(gbase + row * L, L)]
        buf[pl.ds(gbase + row * L, L)] = jnp.where(lane == lpos, ninf, vv)

        def refold_step(r2, carry):
            a, b = carry
            base = gbase + r2 * (2 * L)
            return (jnp.maximum(a, buf[pl.ds(base, L)]),
                    jnp.maximum(b, buf[pl.ds(base + L, L)]))

        ra, rb = lax.fori_loop(0, RPG // 2, refold_step, (ninf, ninf))
        rv = jnp.maximum(ra, rb)
        for g in range(G):
            mv[g] = jnp.where(g == gstar, rv, mv[g])

    ov[...] = outv
    oi[...] = outi
    pltpu.async_copy(ov, val_out.at[wid], sem.at[0]).wait()
    pltpu.async_copy(oi, idx_out.at[wid], sem.at[1]).wait()


def _sc_top8(flat):
    mesh = plsc.VectorSubcoreMesh(core_axis_name="c", subcore_axis_name="s",
                                  num_cores=NC, num_subcores=NS)
    fn = pl.kernel(
        _sc_body,
        out_type=[
            jax.ShapeDtypeStruct((NW, L), jnp.float32),
            jax.ShapeDtypeStruct((NW, L), jnp.int32),
        ],
        mesh=mesh,
        scratch_types=[
            pltpu.VMEM((BUF,), jnp.float32),
            pltpu.VMEM((2 * L,), jnp.float32),
            pltpu.VMEM((2 * L,), jnp.int32),
            pltpu.VMEM((L,), jnp.float32),
            pltpu.VMEM((L,), jnp.int32),
            pltpu.SemaphoreType.DMA((4,)),
        ],
    )
    return fn(flat)


def _merge_body(val_ref, idx_ref, tok_ref, sc_ref, best_ref, ntok_ref, done_ref):
    s = val_ref[:, :]
    idx = idx_ref[:, :]
    beam = idx // VOCAB
    for b in range(BEAM):
        s = jnp.where(beam == b, s + sc_ref[b, 0], s)

    vals = []
    idxs = []
    for _ in range(BEAM):
        m = jnp.max(s)
        cand = jnp.where(s == m, idx, IMAX)
        pidx = jnp.min(cand)
        vals.append(m)
        idxs.append(pidx)
        s = jnp.where(idx == pidx, NEG_INF, s)

    rows81 = lax.broadcasted_iota(jnp.int32, (BEAM, 1), 0)
    rows82 = lax.broadcasted_iota(jnp.int32, (BEAM, 2), 0)
    cols82 = lax.broadcasted_iota(jnp.int32, (BEAM, 2), 1)

    best = jnp.zeros((BEAM, 1), jnp.float32)
    ntok = jnp.zeros((BEAM, 2), jnp.int32)
    word0 = None
    for i in range(BEAM):
        beam_i = idxs[i] // VOCAB
        word_i = idxs[i] % VOCAB
        if i == 0:
            word0 = word_i
        gath_i = tok_ref[beam_i, 0]
        best = jnp.where(rows81 == i, vals[i], best)
        ntok = jnp.where(rows82 == i,
                         jnp.where(cols82 == 0, gath_i, word_i), ntok)

    best_ref[:, :] = best
    ntok_ref[:, :] = ntok
    done_ref[:, :] = jnp.full((1, 1), (word0 == END_ID).astype(jnp.int32))


def kernel(output, tokens, scores):
    flat = output.reshape(-1)
    cand_val, cand_idx = _sc_top8(flat)
    best, ntok, done = pl.pallas_call(
        _merge_body,
        grid=(),
        in_specs=[
            pl.BlockSpec((NW, L), lambda: (0, 0)),
            pl.BlockSpec((NW, L), lambda: (0, 0)),
            pl.BlockSpec(memory_space=pltpu.SMEM),
            pl.BlockSpec(memory_space=pltpu.SMEM),
        ],
        out_specs=[
            pl.BlockSpec((BEAM, 1), lambda: (0, 0)),
            pl.BlockSpec((BEAM, 2), lambda: (0, 0)),
            pl.BlockSpec((1, 1), lambda: (0, 0)),
        ],
        out_shape=[
            jax.ShapeDtypeStruct((BEAM, 1), jnp.float32),
            jax.ShapeDtypeStruct((BEAM, 2), jnp.int32),
            jax.ShapeDtypeStruct((1, 1), jnp.int32),
        ],
    )(cand_val, cand_idx, tokens, scores)
    return best, ntok, (done[0, 0] == 1)

# --- scband reference (transcript-rebuilt; emitter-appended) ---
"""Pipeline reference for scband-beam-61873298866900 (READ-ONLY COPY).

The authoritative reference and input builder live on the scoring server;
editing this copy changes nothing except your own understanding.
"""

import jax, jax.numpy as jnp
import numpy as np

BEAM_SIZE = 8
START_ID = 1
END_ID = 2
PAD_ID = 0
T_STEPS = 4
VOCAB = 100000


def setup_inputs(seed: int = 0) -> dict:
    key = jax.random.key(seed)
    output = jax.random.normal(key, (BEAM_SIZE, T_STEPS, VOCAB), dtype=jnp.float32)
    # Beam state as initialized in __init__: tokens filled with pad, tokens[0,0]=start_id;
    # scores filled with -30.
    tokens = jnp.full((BEAM_SIZE, 1), PAD_ID, dtype=jnp.int32).at[0, 0].set(START_ID)
    scores = jnp.full((BEAM_SIZE, 1), -30.0, dtype=jnp.float32)
    return {"output": output, "tokens": tokens, "scores": scores}


def reference(output, tokens, scores):
    # Faithful translation of Beam.update
    log_probs = output[:, -1, :]                      # [beam, vocab]
    vocab_size = output.shape[-1]
    s = log_probs + scores                            # broadcast add of per-beam scores [beam,1]
    s_flat = s.reshape(-1)                            # torch views as [-1,1] then topk over dim 0
    best_scores, best_scores_id = jax.lax.top_k(s_flat, BEAM_SIZE)
    best_scores = best_scores.reshape(-1, 1)
    beams_order = best_scores_id // vocab_size        # integer beam index (intended // semantics)
    best_words = (best_scores_id % vocab_size).reshape(-1, 1)
    new_tokens = jnp.take(tokens, beams_order, axis=0)  # reorder beams (gather)
    new_tokens = jnp.concatenate([new_tokens, best_words.astype(new_tokens.dtype)], axis=1)
    done = (best_words[0, 0] == END_ID)
    return best_scores, new_tokens, done

if __name__ == "__main__":
    import jax
    _d = setup_inputs()
    print(jax.jit(kernel)(*tuple(_d.values())))

</pallas_src>

<mosaic_0001>
#map = affine_map<(d0, d1) -> (0)>
#map1 = affine_map<(d0, d1) -> (0, 0)>
module attributes {stable_mosaic.version = 14 : i64} {
  func.func @_sc_body(%arg0: i32, %arg1: i32, %arg2: memref<3200000xf32, #tpu.memory_space<hbm>>, %arg3: memref<32x16xf32, #tpu.memory_space<hbm>>, %arg4: memref<32x16xi32, #tpu.memory_space<hbm>>, %arg5: memref<25088xf32, #tpu.memory_space<vmem>>, %arg6: memref<32xf32, #tpu.memory_space<vmem>>, %arg7: memref<32xi32, #tpu.memory_space<vmem>>, %arg8: memref<16xf32, #tpu.memory_space<vmem>>, %arg9: memref<16xi32, #tpu.memory_space<vmem>>, %arg10: memref<4x!tpu.dma_semaphore, #tpu.memory_space<semaphore_mem>>) attributes {dimension_semantics = [#tpu.dimension_semantics<core_parallel>, #tpu.dimension_semantics<subcore_parallel>], iteration_bounds = array<i64: 2, 16>, scalar_prefetch = 0 : i64, scratch_operands = 6 : i64, tpu.core_type = #tpu.core_type<sc_vector_subcore>, window_params = [{transform_indices = #map}, {transform_indices = #map1}, {transform_indices = #map1}]} {
    %mul3A = arith.constant 16 : i32
    %mul3A_0 = arith.muli %arg0, %mul3A : i32
    %add3A = arith.addi %mul3A_0, %arg1 : i32
    %jit3A = arith.constant 4 : i32
    %div3A = arith.divsi %add3A, %jit3A : i32
    %sign3A = arith.constant 0 : i32
    %sign3A_1 = arith.cmpi sgt, %add3A, %sign3A : i32
    %sign3A_2 = arith.extui %sign3A_1 : i1 to i32
    %sign3A_3 = arith.constant 0 : i32
    %sign3A_4 = arith.cmpi slt, %add3A, %sign3A_3 : i32
    %sign3A_5 = arith.extui %sign3A_4 : i1 to i32
    %sign3A_6 = arith.subi %sign3A_2, %sign3A_5 : i32
    %sign3A_7 = arith.constant 0 : i32
    %sign3A_8 = arith.cmpi sgt, %jit3A, %sign3A_7 : i32
    %sign3A_9 = arith.extui %sign3A_8 : i1 to i32
    %sign3A_10 = arith.constant 0 : i32
    %sign3A_11 = arith.cmpi slt, %jit3A, %sign3A_10 : i32
    %sign3A_12 = arith.extui %sign3A_11 : i1 to i32
    %sign3A_13 = arith.subi %sign3A_9, %sign3A_12 : i32
    %ne3A = arith.cmpi ne, %sign3A_6, %sign3A_13 : i32
    %rem3A = arith.remsi %add3A, %jit3A : i32
    %ne3A_14 = arith.constant 0 : i32
    %ne3A_15 = arith.cmpi ne, %rem3A, %ne3A_14 : i32
    %and3A = arith.andi %ne3A, %ne3A_15 : i1
    %sub3A = arith.constant 1 : i32
    %sub3A_16 = arith.subi %div3A, %sub3A : i32
    %select_n3A = arith.select %and3A, %sub3A_16, %div3A : i32
    %jit3A_17 = arith.constant 4 : i32
    %eq3A = arith.constant 0 : i32
    %eq3A_18 = arith.cmpi eq, %jit3A_17, %eq3A : i32
    %jit3A_19 = arith.constant 1 : i32
    %select_n3A_20 = arith.select %eq3A_18, %jit3A_19, %jit3A_17 : i32
    %rem3A_21 = arith.remsi %add3A, %select_n3A_20 : i32
    %ne3A_22 = arith.constant 0 : i32
    %ne3A_23 = arith.cmpi ne, %rem3A_21, %ne3A_22 : i32
    %lt3A = arith.constant 0 : i32
    %lt3A_24 = arith.cmpi slt, %rem3A_21, %lt3A : i32
    %lt3A_25 = arith.constant 0 : i32
    %lt3A_26 = arith.cmpi slt, %select_n3A_20, %lt3A_25 : i32
    %ne3A_27 = arith.xori %lt3A_24, %lt3A_26 : i1
    %and3A_28 = arith.andi %ne3A_27, %ne3A_23 : i1
    %add3A_29 = arith.addi %rem3A_21, %select_n3A_20 : i32
    %select_n3A_30 = arith.select %and3A_28, %add3A_29, %rem3A_21 : i32
    %mul3A_31 = arith.constant 400000 : i32
    %mul3A_32 = arith.muli %select_n3A, %mul3A_31 : i32
    %add3A_33 = arith.constant 300000 : i32
    %add3A_34 = arith.addi %mul3A_32, %add3A_33 : i32
    %mul3A_35 = arith.constant 25000 : i32
    %mul3A_36 = arith.muli %select_n3A_30, %mul3A_35 : i32
    %add3A_37 = arith.addi %add3A_34, %mul3A_36 : i32
    %mul3A_38 = arith.constant 100000 : i32
    %mul3A_39 = arith.muli %select_n3A, %mul3A_38 : i32
    %mul3A_40 = arith.constant 25000 : i32
    %mul3A_41 = arith.muli %select_n3A_30, %mul3A_40 : i32
    %add3A_42 = arith.addi %mul3A_39, %mul3A_41 : i32
    %add3A_43 = arith.constant 0 : i32
    %add3A_44 = arith.addi %add3A_37, %add3A_43 : i32
    %dma_start3A = arith.constant 0 : i32
    %dma_start3A_45 = arith.constant 0 : i32
    %dma_start3A_46 = tpu.memref_slice %arg5[%dma_start3A_45] : memref<25088xf32, #tpu.memory_space<vmem>> -> memref<6272xf32, #tpu.memory_space<vmem>>
    %dma_start3A_47 = tpu.memref_slice %arg2[%add3A_44] : memref<3200000xf32, #tpu.memory_space<hbm>> -> memref<6272xf32, #tpu.memory_space<hbm>>
    %dma_start3A_48 = tpu.memref_slice %arg10[%dma_start3A] : memref<4x!tpu.dma_semaphore, #tpu.memory_space<semaphore_mem>> -> memref<1x!tpu.dma_semaphore, #tpu.memory_space<semaphore_mem>>
    %dma_start3A_49 = tpu.memref_squeeze %dma_start3A_48 : memref<1x!tpu.dma_semaphore, #tpu.memory_space<semaphore_mem>> -> memref<!tpu.dma_semaphore, #tpu.memory_space<semaphore_mem>>
    %dma_start3A_50 = arith.constant 0 : i32
    %dma_start3A_51 = tpu.memref_slice %arg5[%dma_start3A_50] : memref<25088xf32, #tpu.memory_space<vmem>> -> memref<6272xf32, #tpu.memory_space<vmem>>
    %dma_start3A_52 = tpu.memref_slice %arg2[%add3A_44] : memref<3200000xf32, #tpu.memory_space<hbm>> -> memref<6272xf32, #tpu.memory_space<hbm>>
    tpu.enqueue_dma source(%dma_start3A_52 : memref<6272xf32, #tpu.memory_space<hbm>>) target(%dma_start3A_51 : memref<6272xf32, #tpu.memory_space<vmem>>) target_semaphore(%dma_start3A_49 : memref<!tpu.dma_semaphore, #tpu.memory_space<semaphore_mem>>)
    %add3A_53 = arith.constant 6272 : i32
    %add3A_54 = arith.addi %add3A_37, %add3A_53 : i32
    %dma_start3A_55 = arith.constant 1 : i32
    %dma_start3A_56 = arith.constant 6272 : i32
    %dma_start3A_57 = tpu.memref_slice %arg5[%dma_start3A_56] : memref<25088xf32, #tpu.memory_space<vmem>> -> memref<6272xf32, #tpu.memory_space<vmem>>
    %dma_start3A_58 = tpu.memref_slice %arg2[%add3A_54] : memref<3200000xf32, #tpu.memory_space<hbm>> -> memref<6272xf32, #tpu.memory_space<hbm>>
    %dma_start3A_59 = tpu.memref_slice %arg10[%dma_start3A_55] : memref<4x!tpu.dma_semaphore, #tpu.memory_space<semaphore_mem>> -> memref<1x!tpu.dma_semaphore, #tpu.memory_space<semaphore_mem>>
    %dma_start3A_60 = tpu.memref_squeeze %dma_start3A_59 : memref<1x!tpu.dma_semaphore, #tpu.memory_space<semaphore_mem>> -> memref<!tpu.dma_semaphore, #tpu.memory_space<semaphore_mem>>
    %dma_start3A_61 = arith.constant 6272 : i32
    %dma_start3A_62 = tpu.memref_slice %arg5[%dma_start3A_61] : memref<25088xf32, #tpu.memory_space<vmem>> -> memref<6272xf32, #tpu.memory_space<vmem>>
    %dma_start3A_63 = tpu.memref_slice %arg2[%add3A_54] : memref<3200000xf32, #tpu.memory_space<hbm>> -> memref<6272xf32, #tpu.memory_space<hbm>>
    tpu.enqueue_dma source(%dma_start3A_63 : memref<6272xf32, #tpu.memory_space<hbm>>) target(%dma_start3A_62 : memref<6272xf32, #tpu.memory_space<vmem>>) target_semaphore(%dma_start3A_60 : memref<!tpu.dma_semaphore, #tpu.memory_space<semaphore_mem>>)
    %add3A_64 = arith.constant 12544 : i32
    %add3A_65 = arith.addi %add3A_37, %add3A_64 : i32
    %dma_start3A_66 = arith.constant 2 : i32
    %dma_start3A_67 = arith.constant 12544 : i32
    %dma_start3A_68 = tpu.memref_slice %arg5[%dma_start3A_67] : memref<25088xf32, #tpu.memory_space<vmem>> -> memref<6272xf32, #tpu.memory_space<vmem>>
    %dma_start3A_69 = tpu.memref_slice %arg2[%add3A_65] : memref<3200000xf32, #tpu.memory_space<hbm>> -> memref<6272xf32, #tpu.memory_space<hbm>>
    %dma_start3A_70 = tpu.memref_slice %arg10[%dma_start3A_66] : memref<4x!tpu.dma_semaphore, #tpu.memory_space<semaphore_mem>> -> memref<1x!tpu.dma_semaphore, #tpu.memory_space<semaphore_mem>>
    %dma_start3A_71 = tpu.memref_squeeze %dma_start3A_70 : memref<1x!tpu.dma_semaphore, #tpu.memory_space<semaphore_mem>> -> memref<!tpu.dma_semaphore, #tpu.memory_space<semaphore_mem>>
    %dma_start3A_72 = arith.constant 12544 : i32
    %dma_start3A_73 = tpu.memref_slice %arg5[%dma_start3A_72] : memref<25088xf32, #tpu.memory_space<vmem>> -> memref<6272xf32, #tpu.memory_space<vmem>>
    %dma_start3A_74 = tpu.memref_slice %arg2[%add3A_65] : memref<3200000xf32, #tpu.memory_space<hbm>> -> memref<6272xf32, #tpu.memory_space<hbm>>
    tpu.enqueue_dma source(%dma_start3A_74 : memref<6272xf32, #tpu.memory_space<hbm>>) target(%dma_start3A_73 : memref<6272xf32, #tpu.memory_space<vmem>>) target_semaphore(%dma_start3A_71 : memref<!tpu.dma_semaphore, #tpu.memory_space<semaphore_mem>>)
    %add3A_75 = arith.constant 18816 : i32
    %add3A_76 = arith.addi %add3A_37, %add3A_75 : i32
    %dma_start3A_77 = arith.constant 3 : i32
    %dma_start3A_78 = arith.constant 18816 : i32
    %dma_start3A_79 = tpu.memref_slice %arg5[%dma_start3A_78] : memref<25088xf32, #tpu.memory_space<vmem>> -> memref<6184xf32, #tpu.memory_space<vmem>>
    %dma_start3A_80 = tpu.memref_slice %arg2[%add3A_76] : memref<3200000xf32, #tpu.memory_space<hbm>> -> memref<6184xf32, #tpu.memory_space<hbm>>
    %dma_start3A_81 = tpu.memref_slice %arg10[%dma_start3A_77] : memref<4x!tpu.dma_semaphore, #tpu.memory_space<semaphore_mem>> -> memref<1x!tpu.dma_semaphore, #tpu.memory_space<semaphore_mem>>
    %dma_start3A_82 = tpu.memref_squeeze %dma_start3A_81 : memref<1x!tpu.dma_semaphore, #tpu.memory_space<semaphore_mem>> -> memref<!tpu.dma_semaphore, #tpu.memory_space<semaphore_mem>>
    %dma_start3A_83 = arith.constant 18816 : i32
    %dma_start3A_84 = tpu.memref_slice %arg5[%dma_start3A_83] : memref<25088xf32, #tpu.memory_space<vmem>> -> memref<6184xf32, #tpu.memory_space<vmem>>
    %dma_start3A_85 = tpu.memref_slice %arg2[%add3A_76] : memref<3200000xf32, #tpu.memory_space<hbm>> -> memref<6184xf32, #tpu.memory_space<hbm>>
    tpu.enqueue_dma source(%dma_start3A_85 : memref<6184xf32, #tpu.memory_space<hbm>>) target(%dma_start3A_84 : memref<6184xf32, #tpu.memory_space<vmem>>) target_semaphore(%dma_start3A_82 : memref<!tpu.dma_semaphore, #tpu.memory_space<semaphore_mem>>)
    %iota3A = tpu.iota {dimensions = array<i32: 0>} : vector<16xi32>
    %broadcast_in_dim3A = arith.constant 0xFF800000 : f32
    %broadcast_in_dim3A_86 = vector.broadcast %broadcast_in_dim3A : f32 to vector<16xf32>
    %swap3A = arith.constant 16 : index
    %swap3A_87 = tpu.vector_load %arg6[%swap3A] {strides = array<i32>} : memref<32xf32, #tpu.memory_space<vmem>>, vector<16xf32>,
    %swap3A_88 = vector.shape_cast %swap3A_87 : vector<16xf32> to vector<16xf32>
    %swap3A_89 = vector.shape_cast %broadcast_in_dim3A_86 : vector<16xf32> to vector<16xf32>
    tpu.vector_store %arg6[%swap3A], %swap3A_89 {strides = array<i32>} : memref<32xf32, #tpu.memory_space<vmem>>, vector<16xf32>,
    %broadcast_in_dim3A_90 = arith.constant 2147483647 : i32
    %broadcast_in_dim3A_91 = vector.broadcast %broadcast_in_dim3A_90 : i32 to vector<16xi32>
    %swap3A_92 = arith.constant 16 : index
    %swap3A_93 = tpu.vector_load %arg7[%swap3A_92] {strides = array<i32>} : memref<32xi32, #tpu.memory_space<vmem>>, vector<16xi32>,
    %swap3A_94 = vector.shape_cast %swap3A_93 : vector<16xi32> to vector<16xi32>
    %swap3A_95 = vector.shape_cast %broadcast_in_dim3A_91 : vector<16xi32> to vector<16xi32>
    tpu.vector_store %arg7[%swap3A_92], %swap3A_95 {strides = array<i32>} : memref<32xi32, #tpu.memory_space<vmem>>, vector<16xi32>,
    %dma_wait3A = arith.constant 0 : i32
    %dma_wait3A_96 = arith.constant 0 : i32
    %dma_wait3A_97 = tpu.memref_slice %arg5[%dma_wait3A_96] : memref<25088xf32, #tpu.memory_space<vmem>> -> memref<6272xf32, #tpu.memory_space<vmem>>
    %dma_wait3A_98 = tpu.memref_slice %arg2[%add3A_44] : memref<3200000xf32, #tpu.memory_space<hbm>> -> memref<6272xf32, #tpu.memory_space<hbm>>
    %dma_wait3A_99 = tpu.memref_slice %arg10[%dma_wait3A] : memref<4x!tpu.dma_semaphore, #tpu.memory_space<semaphore_mem>> -> memref<1x!tpu.dma_semaphore, #tpu.memory_space<semaphore_mem>>
    %dma_wait3A_100 = tpu.memref_squeeze %dma_wait3A_99 : memref<1x!tpu.dma_semaphore, #tpu.memory_space<semaphore_mem>> -> memref<!tpu.dma_semaphore, #tpu.memory_space<semaphore_mem>>
    %dma_wait3A_101 = arith.constant 0 : i32
    %dma_wait3A_102 = tpu.memref_slice %arg5[%dma_wait3A_101] : memref<25088xf32, #tpu.memory_space<vmem>> -> memref<6272xf32, #tpu.memory_space<vmem>>
    %dma_wait3A_103 = tpu.memref_slice %arg2[%add3A_44] : memref<3200000xf32, #tpu.memory_space<hbm>> -> memref<6272xf32, #tpu.memory_space<hbm>>
    tpu.wait_dma2 semaphore(%dma_wait3A_100 : memref<!tpu.dma_semaphore, #tpu.memory_space<semaphore_mem>>) src(%dma_wait3A_103 : memref<6272xf32, #tpu.memory_space<hbm>>) dst(%dma_wait3A_102 : memref<6272xf32, #tpu.memory_space<vmem>>)
    %scan3A = arith.constant 0 : i32
    %scan3A_104 = arith.constant 49 : i32
    %scan3A_105 = arith.addi %scan3A, %scan3A_104 : i32
    %scan3A_106 = arith.constant 1 : i32
    %scan3A_107:4 = scf.for %scan3A_3012 = %scan3A to %scan3A_105 step %scan3A_106 iter_args(%scan3A_3013 = %broadcast_in_dim3A_86, %scan3A_3014 = %broadcast_in_dim3A_86, %scan3A_3015 = %broadcast_in_dim3A_86, %scan3A_3016 = %broadcast_in_dim3A_86) -> (vector<16xf32>, vector<16xf32>, vector<16xf32>, vector<16xf32>)  : i32 {
      %mul3A_3017 = arith.constant 32 : i32
      %mul3A_3018 = arith.muli %scan3A_3012, %mul3A_3017 : i32
      %add3A_3019 = arith.constant 0 : i32
      %add3A_3020 = arith.addi %add3A_3019, %mul3A_3018 : i32
      %get3A_3021 = arith.index_cast %add3A_3020 : i32 to index
      %get3A_3022 = tpu.vector_load %arg5[%get3A_3021] {strides = array<i32>} : memref<25088xf32, #tpu.memory_space<vmem>>, vector<16xf32>,
      %get3A_3023 = vector.shape_cast %get3A_3022 : vector<16xf32> to vector<16xf32>
      %add3A_3024 = arith.constant 16 : i32
      %add3A_3025 = arith.addi %add3A_3020, %add3A_3024 : i32
      %get3A_3026 = arith.index_cast %add3A_3025 : i32 to index
      %get3A_3027 = tpu.vector_load %arg5[%get3A_3026] {strides = array<i32>} : memref<25088xf32, #tpu.memory_space<vmem>>, vector<16xf32>,
      %get3A_3028 = vector.shape_cast %get3A_3027 : vector<16xf32> to vector<16xf32>
      %max3A_3029 = arith.maximumf %get3A_3023, %get3A_3028 : vector<16xf32>
      %max3A_3030 = arith.maximumf %scan3A_3013, %max3A_3029 : vector<16xf32>
      %mul3A_3031 = arith.constant 32 : i32
      %mul3A_3032 = arith.muli %scan3A_3012, %mul3A_3031 : i32
      %add3A_3033 = arith.constant 1568 : i32
      %add3A_3034 = arith.addi %add3A_3033, %mul3A_3032 : i32
      %get3A_3035 = arith.index_cast %add3A_3034 : i32 to index
      %get3A_3036 = tpu.vector_load %arg5[%get3A_3035] {strides = array<i32>} : memref<25088xf32, #tpu.memory_space<vmem>>, vector<16xf32>,
      %get3A_3037 = vector.shape_cast %get3A_3036 : vector<16xf32> to vector<16xf32>
      %add3A_3038 = arith.constant 16 : i32
      %add3A_3039 = arith.addi %add3A_3034, %add3A_3038 : i32
      %get3A_3040 = arith.index_cast %add3A_3039 : i32 to index
      %get3A_3041 = tpu.vector_load %arg5[%get3A_3040] {strides = array<i32>} : memref<25088xf32, #tpu.memory_space<vmem>>, vector<16xf32>,
      %get3A_3042 = vector.shape_cast %get3A_3041 : vector<16xf32> to vector<16xf32>
      %max3A_3043 = arith.maximumf %get3A_3037, %get3A_3042 : vector<16xf32>
      %max3A_3044 = arith.maximumf %scan3A_3014, %max3A_3043 : vector<16xf32>
      %mul3A_3045 = arith.constant 32 : i32
      %mul3A_3046 = arith.muli %scan3A_3012, %mul3A_3045 : i32
      %add3A_3047 = arith.constant 3136 : i32
      %add3A_3048 = arith.addi %add3A_3047, %mul3A_3046 : i32
      %get3A_3049 = arith.index_cast %add3A_3048 : i32 to index
      %get3A_3050 = tpu.vector_load %arg5[%get3A_3049] {strides = array<i32>} : memref<25088xf32, #tpu.memory_space<vmem>>, vector<16xf32>,
      %get3A_3051 = vector.shape_cast %get3A_3050 : vector<16xf32> to vector<16xf32>
      %add3A_3052 = arith.constant 16 : i32
      %add3A_3053 = arith.addi %add3A_3048, %add3A_3052 : i32
      %get3A_3054 = arith.index_cast %add3A_3053 : i32 to index
      %get3A_3055 = tpu.vector_load %arg5[%get3A_3054] {strides = array<i32>} : memref<25088xf32, #tpu.memory_space<vmem>>, vector<16xf32>,
      %get3A_3056 = vector.shape_cast %get3A_3055 : vector<16xf32> to vector<16xf32>
      %max3A_3057 = arith.maximumf %get3A_3051, %get3A_3056 : vector<16xf32>
      %max3A_3058 = arith.maximumf %scan3A_3015, %max3A_3057 : vector<16xf32>
      %mul3A_3059 = arith.constant 32 : i32
      %mul3A_3060 = arith.muli %scan3A_3012, %mul3A_3059 : i32
      %add3A_3061 = arith.constant 4704 : i32
      %add3A_3062 = arith.addi %add3A_3061, %mul3A_3060 : i32
      %get3A_3063 = arith.index_cast %add3A_3062 : i32 to index
      %get3A_3064 = tpu.vector_load %arg5[%get3A_3063] {strides = array<i32>} : memref<25088xf32, #tpu.memory_space<vmem>>, vector<16xf32>,
      %get3A_3065 = vector.shape_cast %get3A_3064 : vector<16xf32> to vector<16xf32>
      %add3A_3066 = arith.constant 16 : i32
      %add3A_3067 = arith.addi %add3A_3062, %add3A_3066 : i32
      %get3A_3068 = arith.index_cast %add3A_3067 : i32 to index
      %get3A_3069 = tpu.vector_load %arg5[%get3A_3068] {strides = array<i32>} : memref<25088xf32, #tpu.memory_space<vmem>>, vector<16xf32>,
      %get3A_3070 = vector.shape_cast %get3A_3069 : vector<16xf32> to vector<16xf32>
      %max3A_3071 = arith.maximumf %get3A_3065, %get3A_3070 : vector<16xf32>
      %max3A_3072 = arith.maximumf %scan3A_3016, %max3A_3071 : vector<16xf32>
      scf.yield %max3A_3030, %max3A_3044, %max3A_3058, %max3A_3072 : vector<16xf32>, vector<16xf32>, vector<16xf32>, vector<16xf32>
    }
    %scan3A_108 = arith.constant 49 : i32
    %dma_wait3A_109 = arith.constant 1 : i32
    %dma_wait3A_110 = arith.constant 6272 : i32
    %dma_wait3A_111 = tpu.memref_slice %arg5[%dma_wait3A_110] : memref<25088xf32, #tpu.memory_space<vmem>> -> memref<6272xf32, #tpu.memory_space<vmem>>
    %dma_wait3A_112 = tpu.memref_slice %arg2[%add3A_54] : memref<3200000xf32, #tpu.memory_space<hbm>> -> memref<6272xf32, #tpu.memory_space<hbm>>
    %dma_wait3A_113 = tpu.memref_slice %arg10[%dma_wait3A_109] : memref<4x!tpu.dma_semaphore, #tpu.memory_space<semaphore_mem>> -> memref<1x!tpu.dma_semaphore, #tpu.memory_space<semaphore_mem>>
    %dma_wait3A_114 = tpu.memref_squeeze %dma_wait3A_113 : memref<1x!tpu.dma_semaphore, #tpu.memory_space<semaphore_mem>> -> memref<!tpu.dma_semaphore, #tpu.memory_space<semaphore_mem>>
    %dma_wait3A_115 = arith.constant 6272 : i32
    %dma_wait3A_116 = tpu.memref_slice %arg5[%dma_wait3A_115] : memref<25088xf32, #tpu.memory_space<vmem>> -> memref<6272xf32, #tpu.memory_space<vmem>>
    %dma_wait3A_117 = tpu.memref_slice %arg2[%add3A_54] : memref<3200000xf32, #tpu.memory_space<hbm>> -> memref<6272xf32, #tpu.memory_space<hbm>>
    tpu.wait_dma2 semaphore(%dma_wait3A_114 : memref<!tpu.dma_semaphore, #tpu.memory_space<semaphore_mem>>) src(%dma_wait3A_117 : memref<6272xf32, #tpu.memory_space<hbm>>) dst(%dma_wait3A_116 : memref<6272xf32, #tpu.memory_space<vmem>>)
    %scan3A_118 = arith.constant 0 : i32
    %scan3A_119 = arith.constant 49 : i32
    %scan3A_120 = arith.addi %scan3A_118, %scan3A_119 : i32
    %scan3A_121 = arith.constant 1 : i32
    %scan3A_122:4 = scf.for %scan3A_3012 = %scan3A_118 to %scan3A_120 step %scan3A_121 iter_args(%scan3A_3013 = %broadcast_in_dim3A_86, %scan3A_3014 = %broadcast_in_dim3A_86, %scan3A_3015 = %broadcast_in_dim3A_86, %scan3A_3016 = %broadcast_in_dim3A_86) -> (vector<16xf32>, vector<16xf32>, vector<16xf32>, vector<16xf32>)  : i32 {
      %mul3A_3017 = arith.constant 32 : i32
      %mul3A_3018 = arith.muli %scan3A_3012, %mul3A_3017 : i32
      %add3A_3019 = arith.constant 6272 : i32
      %add3A_3020 = arith.addi %add3A_3019, %mul3A_3018 : i32
      %get3A_3021 = arith.index_cast %add3A_3020 : i32 to index
      %get3A_3022 = tpu.vector_load %arg5[%get3A_3021] {strides = array<i32>} : memref<25088xf32, #tpu.memory_space<vmem>>, vector<16xf32>,
      %get3A_3023 = vector.shape_cast %get3A_3022 : vector<16xf32> to vector<16xf32>
      %add3A_3024 = arith.constant 16 : i32
      %add3A_3025 = arith.addi %add3A_3020, %add3A_3024 : i32
      %get3A_3026 = arith.index_cast %add3A_3025 : i32 to index
      %get3A_3027 = tpu.vector_load %arg5[%get3A_3026] {strides = array<i32>} : memref<25088xf32, #tpu.memory_space<vmem>>, vector<16xf32>,
      %get3A_3028 = vector.shape_cast %get3A_3027 : vector<16xf32> to vector<16xf32>
      %max3A_3029 = arith.maximumf %get3A_3023, %get3A_3028 : vector<16xf32>
      %max3A_3030 = arith.maximumf %scan3A_3013, %max3A_3029 : vector<16xf32>
      %mul3A_3031 = arith.constant 32 : i32
      %mul3A_3032 = arith.muli %scan3A_3012, %mul3A_3031 : i32
      %add3A_3033 = arith.constant 7840 : i32
      %add3A_3034 = arith.addi %add3A_3033, %mul3A_3032 : i32
      %get3A_3035 = arith.index_cast %add3A_3034 : i32 to index
      %get3A_3036 = tpu.vector_load %arg5[%get3A_3035] {strides = array<i32>} : memref<25088xf32, #tpu.memory_space<vmem>>, vector<16xf32>,
      %get3A_3037 = vector.shape_cast %get3A_3036 : vector<16xf32> to vector<16xf32>
      %add3A_3038 = arith.constant 16 : i32
      %add3A_3039 = arith.addi %add3A_3034, %add3A_3038 : i32
      %get3A_3040 = arith.index_cast %add3A_3039 : i32 to index
      %get3A_3041 = tpu.vector_load %arg5[%get3A_3040] {strides = array<i32>} : memref<25088xf32, #tpu.memory_space<vmem>>, vector<16xf32>,
      %get3A_3042 = vector.shape_cast %get3A_3041 : vector<16xf32> to vector<16xf32>
      %max3A_3043 = arith.maximumf %get3A_3037, %get3A_3042 : vector<16xf32>
      %max3A_3044 = arith.maximumf %scan3A_3014, %max3A_3043 : vector<16xf32>
      %mul3A_3045 = arith.constant 32 : i32
      %mul3A_3046 = arith.muli %scan3A_3012, %mul3A_3045 : i32
      %add3A_3047 = arith.constant 9408 : i32
      %add3A_3048 = arith.addi %add3A_3047, %mul3A_3046 : i32
      %get3A_3049 = arith.index_cast %add3A_3048 : i32 to index
      %get3A_3050 = tpu.vector_load %arg5[%get3A_3049] {strides = array<i32>} : memref<25088xf32, #tpu.memory_space<vmem>>, vector<16xf32>,
      %get3A_3051 = vector.shape_cast %get3A_3050 : vector<16xf32> to vector<16xf32>
      %add3A_3052 = arith.constant 16 : i32
      %add3A_3053 = arith.addi %add3A_3048, %add3A_3052 : i32
      %get3A_3054 = arith.index_cast %add3A_3053 : i32 to index
      %get3A_3055 = tpu.vector_load %arg5[%get3A_3054] {strides = array<i32>} : memref<25088xf32, #tpu.memory_space<vmem>>, vector<16xf32>,
      %get3A_3056 = vector.shape_cast %get3A_3055 : vector<16xf32> to vector<16xf32>
      %max3A_3057 = arith.maximumf %get3A_3051, %get3A_3056 : vector<16xf32>
      %max3A_3058 = arith.maximumf %scan3A_3015, %max3A_3057 : vector<16xf32>
      %mul3A_3059 = arith.constant 32 : i32
      %mul3A_3060 = arith.muli %scan3A_3012, %mul3A_3059 : i32
      %add3A_3061 = arith.constant 10976 : i32
      %add3A_3062 = arith.addi %add3A_3061, %mul3A_3060 : i32
      %get3A_3063 = arith.index_cast %add3A_3062 : i32 to index
      %get3A_3064 = tpu.vector_load %arg5[%get3A_3063] {strides = array<i32>} : memref<25088xf32, #tpu.memory_space<vmem>>, vector<16xf32>,
      %get3A_3065 = vector.shape_cast %get3A_3064 : vector<16xf32> to vector<16xf32>
      %add3A_3066 = arith.constant 16 : i32
      %add3A_3067 = arith.addi %add3A_3062, %add3A_3066 : i32
      %get3A_3068 = arith.index_cast %add3A_3067 : i32 to index
      %get3A_3069 = tpu.vector_load %arg5[%get3A_3068] {strides = array<i32>} : memref<25088xf32, #tpu.memory_space<vmem>>, vector<16xf32>,
      %get3A_3070 = vector.shape_cast %get3A_3069 : vector<16xf32> to vector<16xf32>
      %max3A_3071 = arith.maximumf %get3A_3065, %get3A_3070 : vector<16xf32>
      %max3A_3072 = arith.maximumf %scan3A_3016, %max3A_3071 : vector<16xf32>
      scf.yield %max3A_3030, %max3A_3044, %max3A_3058, %max3A_3072 : vector<16xf32>, vector<16xf32>, vector<16xf32>, vector<16xf32>
    }
    %scan3A_123 = arith.constant 49 : i32
    %dma_wait3A_124 = arith.constant 2 : i32
    %dma_wait3A_125 = arith.constant 12544 : i32
    %dma_wait3A_126 = tpu.memref_slice %arg5[%dma_wait3A_125] : memref<25088xf32, #tpu.memory_space<vmem>> -> memref<6272xf32, #tpu.memory_space<vmem>>
    %dma_wait3A_127 = tpu.memref_slice %arg2[%add3A_65] : memref<3200000xf32, #tpu.memory_space<hbm>> -> memref<6272xf32, #tpu.memory_space<hbm>>
    %dma_wait3A_128 = tpu.memref_slice %arg10[%dma_wait3A_124] : memref<4x!tpu.dma_semaphore, #tpu.memory_space<semaphore_mem>> -> memref<1x!tpu.dma_semaphore, #tpu.memory_space<semaphore_mem>>
    %dma_wait3A_129 = tpu.memref_squeeze %dma_wait3A_128 : memref<1x!tpu.dma_semaphore, #tpu.memory_space<semaphore_mem>> -> memref<!tpu.dma_semaphore, #tpu.memory_space<semaphore_mem>>
    %dma_wait3A_130 = arith.constant 12544 : i32
    %dma_wait3A_131 = tpu.memref_slice %arg5[%dma_wait3A_130] : memref<25088xf32, #tpu.memory_space<vmem>> -> memref<6272xf32, #tpu.memory_space<vmem>>
    %dma_wait3A_132 = tpu.memref_slice %arg2[%add3A_65] : memref<3200000xf32, #tpu.memory_space<hbm>> -> memref<6272xf32, #tpu.memory_space<hbm>>
    tpu.wait_dma2 semaphore(%dma_wait3A_129 : memref<!tpu.dma_semaphore, #tpu.memory_space<semaphore_mem>>) src(%dma_wait3A_132 : memref<6272xf32, #tpu.memory_space<hbm>>) dst(%dma_wait3A_131 : memref<6272xf32, #tpu.memory_space<vmem>>)
    %scan3A_133 = arith.constant 0 : i32
    %scan3A_134 = arith.constant 49 : i32
    %scan3A_135 = arith.addi %scan3A_133, %scan3A_134 : i32
    %scan3A_136 = arith.constant 1 : i32
    %scan3A_137:4 = scf.for %scan3A_3012 = %scan3A_133 to %scan3A_135 step %scan3A_136 iter_args(%scan3A_3013 = %broadcast_in_dim3A_86, %scan3A_3014 = %broadcast_in_dim3A_86, %scan3A_3015 = %broadcast_in_dim3A_86, %scan3A_3016 = %broadcast_in_dim3A_86) -> (vector<16xf32>, vector<16xf32>, vector<16xf32>, vector<16xf32>)  : i32 {
      %mul3A_3017 = arith.constant 32 : i32
      %mul3A_3018 = arith.muli %scan3A_3012, %mul3A_3017 : i32
      %add3A_3019 = arith.constant 12544 : i32
      %add3A_3020 = arith.addi %add3A_3019, %mul3A_3018 : i32
      %get3A_3021 = arith.index_cast %add3A_3020 : i32 to index
      %get3A_3022 = tpu.vector_load %arg5[%get3A_3021] {strides = array<i32>} : memref<25088xf32, #tpu.memory_space<vmem>>, vector<16xf32>,
      %get3A_3023 = vector.shape_cast %get3A_3022 : vector<16xf32> to vector<16xf32>
      %add3A_3024 = arith.constant 16 : i32
      %add3A_3025 = arith.addi %add3A_3020, %add3A_3024 : i32
      %get3A_3026 = arith.index_cast %add3A_3025 : i32 to index
      %get3A_3027 = tpu.vector_load %arg5[%get3A_3026] {strides = array<i32>} : memref<25088xf32, #tpu.memory_space<vmem>>, vector<16xf32>,
      %get3A_3028 = vector.shape_cast %get3A_3027 : vector<16xf32> to vector<16xf32>
      %max3A_3029 = arith.maximumf %get3A_3023, %get3A_3028 : vector<16xf32>
      %max3A_3030 = arith.maximumf %scan3A_3013, %max3A_3029 : vector<16xf32>
      %mul3A_3031 = arith.constant 32 : i32
      %mul3A_3032 = arith.muli %scan3A_3012, %mul3A_3031 : i32
      %add3A_3033 = arith.constant 14112 : i32
      %add3A_3034 = arith.addi %add3A_3033, %mul3A_3032 : i32
      %get3A_3035 = arith.index_cast %add3A_3034 : i32 to index
      %get3A_3036 = tpu.vector_load %arg5[%get3A_3035] {strides = array<i32>} : memref<25088xf32, #tpu.memory_space<vmem>>, vector<16xf32>,
      %get3A_3037 = vector.shape_cast %get3A_3036 : vector<16xf32> to vector<16xf32>
      %add3A_3038 = arith.constant 16 : i32
      %add3A_3039 = arith.addi %add3A_3034, %add3A_3038 : i32
      %get3A_3040 = arith.index_cast %add3A_3039 : i32 to index
      %get3A_3041 = tpu.vector_load %arg5[%get3A_3040] {strides = array<i32>} : memref<25088xf32, #tpu.memory_space<vmem>>, vector<16xf32>,
      %get3A_3042 = vector.shape_cast %get3A_3041 : vector<16xf32> to vector<16xf32>
      %max3A_3043 = arith.maximumf %get3A_3037, %get3A_3042 : vector<16xf32>
      %max3A_3044 = arith.maximumf %scan3A_3014, %max3A_3043 : vector<16xf32>
      %mul3A_3045 = arith.constant 32 : i32
      %mul3A_3046 = arith.muli %scan3A_3012, %mul3A_3045 : i32
      %add3A_3047 = arith.constant 15680 : i32
      %add3A_3048 = arith.addi %add3A_3047, %mul3A_3046 : i32
      %get3A_3049 = arith.index_cast %add3A_3048 : i32 to index
      %get3A_3050 = tpu.vector_load %arg5[%get3A_3049] {strides = array<i32>} : memref<25088xf32, #tpu.memory_space<vmem>>, vector<16xf32>,
      %get3A_3051 = vector.shape_cast %get3A_3050 : vector<16xf32> to vector<16xf32>
      %add3A_3052 = arith.constant 16 : i32
      %add3A_3053 = arith.addi %add3A_3048, %add3A_3052 : i32
      %get3A_3054 = arith.index_cast %add3A_3053 : i32 to index
      %get3A_3055 = tpu.vector_load %arg5[%get3A_3054] {strides = array<i32>} : memref<25088xf32, #tpu.memory_space<vmem>>, vector<16xf32>,
      %get3A_3056 = vector.shape_cast %get3A_3055 : vector<16xf32> to vector<16xf32>
      %max3A_3057 = arith.maximumf %get3A_3051, %get3A_3056 : vector<16xf32>
      %max3A_3058 = arith.maximumf %scan3A_3015, %max3A_3057 : vector<16xf32>
      %mul3A_3059 = arith.constant 32 : i32
      %mul3A_3060 = arith.muli %scan3A_3012, %mul3A_3059 : i32
      %add3A_3061 = arith.constant 17248 : i32
      %add3A_3062 = arith.addi %add3A_3061, %mul3A_3060 : i32
      %get3A_3063 = arith.index_cast %add3A_3062 : i32 to index
      %get3A_3064 = tpu.vector_load %arg5[%get3A_3063] {strides = array<i32>} : memref<25088xf32, #tpu.memory_space<vmem>>, vector<16xf32>,
      %get3A_3065 = vector.shape_cast %get3A_3064 : vector<16xf32> to vector<16xf32>
      %add3A_3066 = arith.constant 16 : i32
      %add3A_3067 = arith.addi %add3A_3062, %add3A_3066 : i32
      %get3A_3068 = arith.index_cast %add3A_3067 : i32 to index
      %get3A_3069 = tpu.vector_load %arg5[%get3A_3068] {strides = array<i32>} : memref<25088xf32, #tpu.memory_space<vmem>>, vector<16xf32>,
      %get3A_3070 = vector.shape_cast %get3A_3069 : vector<16xf32> to vector<16xf32>
      %max3A_3071 = arith.maximumf %get3A_3065, %get3A_3070 : vector<16xf32>
      %max3A_3072 = arith.maximumf %scan3A_3016, %max3A_3071 : vector<16xf32>
      scf.yield %max3A_3030, %max3A_3044, %max3A_3058, %max3A_3072 : vector<16xf32>, vector<16xf32>, vector<16xf32>, vector<16xf32>
    }
    %scan3A_138 = arith.constant 49 : i32
    %dma_wait3A_139 = arith.constant 3 : i32
    %dma_wait3A_140 = arith.constant 18816 : i32
    %dma_wait3A_141 = tpu.memref_slice %arg5[%dma_wait3A_140] : memref<25088xf32, #tpu.memory_space<vmem>> -> memref<6184xf32, #tpu.memory_space<vmem>>
    %dma_wait3A_142 = tpu.memref_slice %arg2[%add3A_76] : memref<3200000xf32, #tpu.memory_space<hbm>> -> memref<6184xf32, #tpu.memory_space<hbm>>
    %dma_wait3A_143 = tpu.memref_slice %arg10[%dma_wait3A_139] : memref<4x!tpu.dma_semaphore, #tpu.memory_space<semaphore_mem>> -> memref<1x!tpu.dma_semaphore, #tpu.memory_space<semaphore_mem>>
    %dma_wait3A_144 = tpu.memref_squeeze %dma_wait3A_143 : memref<1x!tpu.dma_semaphore, #tpu.memory_space<semaphore_mem>> -> memref<!tpu.dma_semaphore, #tpu.memory_space<semaphore_mem>>
    %dma_wait3A_145 = arith.constant 18816 : i32
    %dma_wait3A_146 = tpu.memref_slice %arg5[%dma_wait3A_145] : memref<25088xf32, #tpu.memory_space<vmem>> -> memref<6184xf32, #tpu.memory_space<vmem>>
    %dma_wait3A_147 = tpu.memref_slice %arg2[%add3A_76] : memref<3200000xf32, #tpu.memory_space<hbm>> -> memref<6184xf32, #tpu.memory_space<hbm>>
    tpu.wait_dma2 semaphore(%dma_wait3A_144 : memref<!tpu.dma_semaphore, #tpu.memory_space<semaphore_mem>>) src(%dma_wait3A_147 : memref<6184xf32, #tpu.memory_space<hbm>>) dst(%dma_wait3A_146 : memref<6184xf32, #tpu.memory_space<vmem>>)
    %get3A = arith.constant 24992 : index
    %get3A_148 = tpu.vector_load %arg5[%get3A] {strides = array<i32>} : memref<25088xf32, #tpu.memory_space<vmem>>, vector<16xf32>,
    %get3A_149 = vector.shape_cast %get3A_148 : vector<16xf32> to vector<16xf32>
    %lt3A_150 = arith.constant 8 : i32
    %lt3A_151 = vector.broadcast %lt3A_150 : i32 to vector<16xi32>
    %lt3A_152 = arith.cmpi slt, %iota3A, %lt3A_151 : vector<16xi32>
    %select_n3A_153 = arith.select %lt3A_152, %get3A_149, %broadcast_in_dim3A_86 : vector<16xi1>, vector<16xf32>
    %swap3A_154 = arith.constant 24992 : index
    %swap3A_155 = tpu.vector_load %arg5[%swap3A_154] {strides = array<i32>} : memref<25088xf32, #tpu.memory_space<vmem>>, vector<16xf32>,
    %swap3A_156 = vector.shape_cast %swap3A_155 : vector<16xf32> to vector<16xf32>
    %swap3A_157 = vector.shape_cast %select_n3A_153 : vector<16xf32> to vector<16xf32>
    tpu.vector_store %arg5[%swap3A_154], %swap3A_157 {strides = array<i32>} : memref<25088xf32, #tpu.memory_space<vmem>>, vector<16xf32>,
    %swap3A_158 = arith.constant 25008 : index
    %swap3A_159 = tpu.vector_load %arg5[%swap3A_158] {strides = array<i32>} : memref<25088xf32, #tpu.memory_space<vmem>>, vector<16xf32>,
    %swap3A_160 = vector.shape_cast %swap3A_159 : vector<16xf32> to vector<16xf32>
    %swap3A_161 = vector.shape_cast %broadcast_in_dim3A_86 : vector<16xf32> to vector<16xf32>
    tpu.vector_store %arg5[%swap3A_158], %swap3A_161 {strides = array<i32>} : memref<25088xf32, #tpu.memory_space<vmem>>, vector<16xf32>,
    %swap3A_162 = arith.constant 25024 : index
    %swap3A_163 = tpu.vector_load %arg5[%swap3A_162] {strides = array<i32>} : memref<25088xf32, #tpu.memory_space<vmem>>, vector<16xf32>,
    %swap3A_164 = vector.shape_cast %swap3A_163 : vector<16xf32> to vector<16xf32>
    %swap3A_165 = vector.shape_cast %broadcast_in_dim3A_86 : vector<16xf32> to vector<16xf32>
    tpu.vector_store %arg5[%swap3A_162], %swap3A_165 {strides = array<i32>} : memref<25088xf32, #tpu.memory_space<vmem>>, vector<16xf32>,
    %swap3A_166 = arith.constant 25040 : index
    %swap3A_167 = tpu.vector_load %arg5[%swap3A_166] {strides = array<i32>} : memref<25088xf32, #tpu.memory_space<vmem>>, vector<16xf32>,
    %swap3A_168 = vector.shape_cast %swap3A_167 : vector<16xf32> to vector<16xf32>
    %swap3A_169 = vector.shape_cast %broadcast_in_dim3A_86 : vector<16xf32> to vector<16xf32>
    tpu.vector_store %arg5[%swap3A_166], %swap3A_169 {strides = array<i32>} : memref<25088xf32, #tpu.memory_space<vmem>>, vector<16xf32>,
    %swap3A_170 = arith.constant 25056 : index
    %swap3A_171 = tpu.vector_load %arg5[%swap3A_170] {strides = array<i32>} : memref<25088xf32, #tpu.memory_space<vmem>>, vector<16xf32>,
    %swap3A_172 = vector.shape_cast %swap3A_171 : vector<16xf32> to vector<16xf32>
    %swap3A_173 = vector.shape_cast %broadcast_in_dim3A_86 : vector<16xf32> to vector<16xf32>
    tpu.vector_store %arg5[%swap3A_170], %swap3A_173 {strides = array<i32>} : memref<25088xf32, #tpu.memory_space<vmem>>, vector<16xf32>,
    %swap3A_174 = arith.constant 25072 : index
    %swap3A_175 = tpu.vector_load %arg5[%swap3A_174] {strides = array<i32>} : memref<25088xf32, #tpu.memory_space<vmem>>, vector<16xf32>,
    %swap3A_176 = vector.shape_cast %swap3A_175 : vector<16xf32> to vector<16xf32>
    %swap3A_177 = vector.shape_cast %broadcast_in_dim3A_86 : vector<16xf32> to vector<16xf32>
    tpu.vector_store %arg5[%swap3A_174], %swap3A_177 {strides = array<i32>} : memref<25088xf32, #tpu.memory_space<vmem>>, vector<16xf32>,
    %scan3A_178 = arith.constant 0 : i32
    %scan3A_179 = arith.constant 49 : i32
    %scan3A_180 = arith.addi %scan3A_178, %scan3A_179 : i32
    %scan3A_181 = arith.constant 1 : i32
    %scan3A_182:4 = scf.for %scan3A_3012 = %scan3A_178 to %scan3A_180 step %scan3A_181 iter_args(%scan3A_3013 = %broadcast_in_dim3A_86, %scan3A_3014 = %broadcast_in_dim3A_86, %scan3A_3015 = %broadcast_in_dim3A_86, %scan3A_3016 = %broadcast_in_dim3A_86) -> (vector<16xf32>, vector<16xf32>, vector<16xf32>, vector<16xf32>)  : i32 {
      %mul3A_3017 = arith.constant 32 : i32
      %mul3A_3018 = arith.muli %scan3A_3012, %mul3A_3017 : i32
      %add3A_3019 = arith.constant 18816 : i32
      %add3A_3020 = arith.addi %add3A_3019, %mul3A_3018 : i32
      %get3A_3021 = arith.index_cast %add3A_3020 : i32 to index
      %get3A_3022 = tpu.vector_load %arg5[%get3A_3021] {strides = array<i32>} : memref<25088xf32, #tpu.memory_space<vmem>>, vector<16xf32>,
      %get3A_3023 = vector.shape_cast %get3A_3022 : vector<16xf32> to vector<16xf32>
      %add3A_3024 = arith.constant 16 : i32
      %add3A_3025 = arith.addi %add3A_3020, %add3A_3024 : i32
      %get3A_3026 = arith.index_cast %add3A_3025 : i32 to index
      %get3A_3027 = tpu.vector_load %arg5[%get3A_3026] {strides = array<i32>} : memref<25088xf32, #tpu.memory_space<vmem>>, vector<16xf32>,
      %get3A_3028 = vector.shape_cast %get3A_3027 : vector<16xf32> to vector<16xf32>
      %max3A_3029 = arith.maximumf %get3A_3023, %get3A_3028 : vector<16xf32>
      %max3A_3030 = arith.maximumf %scan3A_3013, %max3A_3029 : vector<16xf32>
      %mul3A_3031 = arith.constant 32 : i32
      %mul3A_3032 = arith.muli %scan3A_3012, %mul3A_3031 : i32
      %add3A_3033 = arith.constant 20384 : i32
      %add3A_3034 = arith.addi %add3A_3033, %mul3A_3032 : i32
      %get3A_3035 = arith.index_cast %add3A_3034 : i32 to index
      %get3A_3036 = tpu.vector_load %arg5[%get3A_3035] {strides = array<i32>} : memref<25088xf32, #tpu.memory_space<vmem>>, vector<16xf32>,
      %get3A_3037 = vector.shape_cast %get3A_3036 : vector<16xf32> to vector<16xf32>
      %add3A_3038 = arith.constant 16 : i32
      %add3A_3039 = arith.addi %add3A_3034, %add3A_3038 : i32
      %get3A_3040 = arith.index_cast %add3A_3039 : i32 to index
      %get3A_3041 = tpu.vector_load %arg5[%get3A_3040] {strides = array<i32>} : memref<25088xf32, #tpu.memory_space<vmem>>, vector<16xf32>,
      %get3A_3042 = vector.shape_cast %get3A_3041 : vector<16xf32> to vector<16xf32>
      %max3A_3043 = arith.maximumf %get3A_3037, %get3A_3042 : vector<16xf32>
      %max3A_3044 = arith.maximumf %scan3A_3014, %max3A_3043 : vector<16xf32>
      %mul3A_3045 = arith.constant 32 : i32
      %mul3A_3046 = arith.muli %scan3A_3012, %mul3A_3045 : i32
      %add3A_3047 = arith.constant 21952 : i32
      %add3A_3048 = arith.addi %add3A_3047, %mul3A_3046 : i32
      %get3A_3049 = arith.index_cast %add3A_3048 : i32 to index
      %get3A_3050 = tpu.vector_load %arg5[%get3A_3049] {strides = array<i32>} : memref<25088xf32, #tpu.memory_space<vmem>>, vector<16xf32>,
      %get3A_3051 = vector.shape_cast %get3A_3050 : vector<16xf32> to vector<16xf32>
      %add3A_3052 = arith.constant 16 : i32
      %add3A_3053 = arith.addi %add3A_3048, %add3A_3052 : i32
      %get3A_3054 = arith.index_cast %add3A_3053 : i32 to index
      %get3A_3055 = tpu.vector_load %arg5[%get3A_3054] {strides = array<i32>} : memref<25088xf32, #tpu.memory_space<vmem>>, vector<16xf32>,
      %get3A_3056 = vector.shape_cast %get3A_3055 : vector<16xf32> to vector<16xf32>
      %max3A_3057 = arith.maximumf %get3A_3051, %get3A_3056 : vector<16xf32>
      %max3A_3058 = arith.maximumf %scan3A_3015, %max3A_3057 : vector<16xf32>
      %mul3A_3059 = arith.constant 32 : i32
      %mul3A_3060 = arith.muli %scan3A_3012, %mul3A_3059 : i32
      %add3A_3061 = arith.constant 23520 : i32
      %add3A_3062 = arith.addi %add3A_3061, %mul3A_3060 : i32
      %get3A_3063 = arith.index_cast %add3A_3062 : i32 to index
      %get3A_3064 = tpu.vector_load %arg5[%get3A_3063] {strides = array<i32>} : memref<25088xf32, #tpu.memory_space<vmem>>, vector<16xf32>,
      %get3A_3065 = vector.shape_cast %get3A_3064 : vector<16xf32> to vector<16xf32>
      %add3A_3066 = arith.constant 16 : i32
      %add3A_3067 = arith.addi %add3A_3062, %add3A_3066 : i32
      %get3A_3068 = arith.index_cast %add3A_3067 : i32 to index
      %get3A_3069 = tpu.vector_load %arg5[%get3A_3068] {strides = array<i32>} : memref<25088xf32, #tpu.memory_space<vmem>>, vector<16xf32>,
      %get3A_3070 = vector.shape_cast %get3A_3069 : vector<16xf32> to vector<16xf32>
      %max3A_3071 = arith.maximumf %get3A_3065, %get3A_3070 : vector<16xf32>
      %max3A_3072 = arith.maximumf %scan3A_3016, %max3A_3071 : vector<16xf32>
      scf.yield %max3A_3030, %max3A_3044, %max3A_3058, %max3A_3072 : vector<16xf32>, vector<16xf32>, vector<16xf32>, vector<16xf32>
    }
    %scan3A_183 = arith.constant 49 : i32
    %broadcast_in_dim3A_184 = arith.constant 2147483647 : i32
    %broadcast_in_dim3A_185 = vector.broadcast %broadcast_in_dim3A_184 : i32 to vector<16xi32>
    %broadcast_in_dim3A_186 = arith.constant 16 : i32
    %broadcast_in_dim3A_187 = vector.broadcast %broadcast_in_dim3A_186 : i32 to vector<16xi32>
    %max3A = arith.maximumf %scan3A_107#0, %scan3A_107#1 : vector<16xf32>
    %max3A_188 = arith.maximumf %max3A, %scan3A_107#2 : vector<16xf32>
    %max3A_189 = arith.maximumf %max3A_188, %scan3A_107#3 : vector<16xf32>
    %max3A_190 = arith.maximumf %max3A_189, %scan3A_122#0 : vector<16xf32>
    %max3A_191 = arith.maximumf %max3A_190, %scan3A_122#1 : vector<16xf32>
    %max3A_192 = arith.maximumf %max3A_191, %scan3A_122#2 : vector<16xf32>
    %max3A_193 = arith.maximumf %max3A_192, %scan3A_122#3 : vector<16xf32>
    %max3A_194 = arith.maximumf %max3A_193, %scan3A_137#0 : vector<16xf32>
    %max3A_195 = arith.maximumf %max3A_194, %scan3A_137#1 : vector<16xf32>
    %max3A_196 = arith.maximumf %max3A_195, %scan3A_137#2 : vector<16xf32>
    %max3A_197 = arith.maximumf %max3A_196, %scan3A_137#3 : vector<16xf32>
    %max3A_198 = arith.maximumf %max3A_197, %scan3A_182#0 : vector<16xf32>
    %max3A_199 = arith.maximumf %max3A_198, %scan3A_182#1 : vector<16xf32>
    %max3A_200 = arith.maximumf %max3A_199, %scan3A_182#2 : vector<16xf32>
    %max3A_201 = arith.maximumf %max3A_200, %scan3A_182#3 : vector<16xf32>
    %swap3A_202 = arith.constant 0 : index
    %swap3A_203 = tpu.vector_load %arg6[%swap3A_202] {strides = array<i32>} : memref<32xf32, #tpu.memory_space<vmem>>, vector<16xf32>,
    %swap3A_204 = vector.shape_cast %swap3A_203 : vector<16xf32> to vector<16xf32>
    %swap3A_205 = vector.shape_cast %max3A_201 : vector<16xf32> to vector<16xf32>
    tpu.vector_store %arg6[%swap3A_202], %swap3A_205 {strides = array<i32>} : memref<32xf32, #tpu.memory_space<vmem>>, vector<16xf32>,
    %get3A_206 = arith.constant 8 : index
    %get3A_207 = tpu.vector_load %arg6[%get3A_206] {strides = array<i32>} : memref<32xf32, #tpu.memory_space<vmem>>, vector<16xf32>,
    %get3A_208 = vector.shape_cast %get3A_207 : vector<16xf32> to vector<16xf32>
    %max3A_209 = arith.maximumf %max3A_201, %get3A_208 : vector<16xf32>
    %swap3A_210 = arith.constant 0 : index
    %swap3A_211 = tpu.vector_load %arg6[%swap3A_210] {strides = array<i32>} : memref<32xf32, #tpu.memory_space<vmem>>, vector<16xf32>,
    %swap3A_212 = vector.shape_cast %swap3A_211 : vector<16xf32> to vector<16xf32>
    %swap3A_213 = vector.shape_cast %max3A_209 : vector<16xf32> to vector<16xf32>
    tpu.vector_store %arg6[%swap3A_210], %swap3A_213 {strides = array<i32>} : memref<32xf32, #tpu.memory_space<vmem>>, vector<16xf32>,
    %get3A_214 = arith.constant 4 : index
    %get3A_215 = tpu.vector_load %arg6[%get3A_214] {strides = array<i32>} : memref<32xf32, #tpu.memory_space<vmem>>, vector<16xf32>,
    %get3A_216 = vector.shape_cast %get3A_215 : vector<16xf32> to vector<16xf32>
    %max3A_217 = arith.maximumf %max3A_209, %get3A_216 : vector<16xf32>
    %swap3A_218 = arith.constant 0 : index
    %swap3A_219 = tpu.vector_load %arg6[%swap3A_218] {strides = array<i32>} : memref<32xf32, #tpu.memory_space<vmem>>, vector<16xf32>,
    %swap3A_220 = vector.shape_cast %swap3A_219 : vector<16xf32> to vector<16xf32>
    %swap3A_221 = vector.shape_cast %max3A_217 : vector<16xf32> to vector<16xf32>
    tpu.vector_store %arg6[%swap3A_218], %swap3A_221 {strides = array<i32>} : memref<32xf32, #tpu.memory_space<vmem>>, vector<16xf32>,
    %get3A_222 = arith.constant 2 : index
    %get3A_223 = tpu.vector_load %arg6[%get3A_222] {strides = array<i32>} : memref<32xf32, #tpu.memory_space<vmem>>, vector<16xf32>,
    %get3A_224 = vector.shape_cast %get3A_223 : vector<16xf32> to vector<16xf32>
    %max3A_225 = arith.maximumf %max3A_217, %get3A_224 : vector<16xf32>
    %swap3A_226 = arith.constant 0 : index
    %swap3A_227 = tpu.vector_load %arg6[%swap3A_226] {strides = array<i32>} : memref<32xf32, #tpu.memory_space<vmem>>, vector<16xf32>,
    %swap3A_228 = vector.shape_cast %swap3A_227 : vector<16xf32> to vector<16xf32>
    %swap3A_229 = vector.shape_cast %max3A_225 : vector<16xf32> to vector<16xf32>
    tpu.vector_store %arg6[%swap3A_226], %swap3A_229 {strides = array<i32>} : memref<32xf32, #tpu.memory_space<vmem>>, vector<16xf32>,
    %get3A_230 = arith.constant 1 : index
    %get3A_231 = tpu.vector_load %arg6[%get3A_230] {strides = array<i32>} : memref<32xf32, #tpu.memory_space<vmem>>, vector<16xf32>,
    %get3A_232 = vector.shape_cast %get3A_231 : vector<16xf32> to vector<16xf32>
    %max3A_233 = arith.maximumf %max3A_225, %get3A_232 : vector<16xf32>
    %slice3A = vector.extract_strided_slice %max3A_233 {offsets = [0], sizes = [1], strides = [1]} : vector<16xf32> to vector<1xf32>
    %squeeze3A = vector.extract %slice3A[0] : f32 from vector<1xf32>
    %eq3A_234 = vector.broadcast %squeeze3A : f32 to vector<16xf32>
    %eq3A_235 = arith.cmpf oeq, %scan3A_107#0, %eq3A_234 : vector<16xf32>
    %min3A = arith.constant 0 : i32
    %min3A_236 = vector.broadcast %min3A : i32 to vector<16xi32>
    %min3A_237 = arith.minsi %broadcast_in_dim3A_187, %min3A_236 : vector<16xi32>
    %select_n3A_238 = arith.select %eq3A_235, %min3A_237, %broadcast_in_dim3A_187 : vector<16xi1>, vector<16xi32>
    %eq3A_239 = vector.broadcast %squeeze3A : f32 to vector<16xf32>
    %eq3A_240 = arith.cmpf oeq, %scan3A_107#1, %eq3A_239 : vector<16xf32>
    %min3A_241 = arith.constant 1 : i32
    %min3A_242 = vector.broadcast %min3A_241 : i32 to vector<16xi32>
    %min3A_243 = arith.minsi %select_n3A_238, %min3A_242 : vector<16xi32>
    %select_n3A_244 = arith.select %eq3A_240, %min3A_243, %select_n3A_238 : vector<16xi1>, vector<16xi32>
    %eq3A_245 = vector.broadcast %squeeze3A : f32 to vector<16xf32>
    %eq3A_246 = arith.cmpf oeq, %scan3A_107#2, %eq3A_245 : vector<16xf32>
    %min3A_247 = arith.constant 2 : i32
    %min3A_248 = vector.broadcast %min3A_247 : i32 to vector<16xi32>
    %min3A_249 = arith.minsi %select_n3A_244, %min3A_248 : vector<16xi32>
    %select_n3A_250 = arith.select %eq3A_246, %min3A_249, %select_n3A_244 : vector<16xi1>, vector<16xi32>
    %eq3A_251 = vector.broadcast %squeeze3A : f32 to vector<16xf32>
    %eq3A_252 = arith.cmpf oeq, %scan3A_107#3, %eq3A_251 : vector<16xf32>
    %min3A_253 = arith.constant 3 : i32
    %min3A_254 = vector.broadcast %min3A_253 : i32 to vector<16xi32>
    %min3A_255 = arith.minsi %select_n3A_250, %min3A_254 : vector<16xi32>
    %select_n3A_256 = arith.select %eq3A_252, %min3A_255, %select_n3A_250 : vector<16xi1>, vector<16xi32>
    %eq3A_257 = vector.broadcast %squeeze3A : f32 to vector<16xf32>
    %eq3A_258 = arith.cmpf oeq, %scan3A_122#0, %eq3A_257 : vector<16xf32>
    %min3A_259 = arith.constant 4 : i32
    %min3A_260 = vector.broadcast %min3A_259 : i32 to vector<16xi32>
    %min3A_261 = arith.minsi %select_n3A_256, %min3A_260 : vector<16xi32>
    %select_n3A_262 = arith.select %eq3A_258, %min3A_261, %select_n3A_256 : vector<16xi1>, vector<16xi32>
    %eq3A_263 = vector.broadcast %squeeze3A : f32 to vector<16xf32>
    %eq3A_264 = arith.cmpf oeq, %scan3A_122#1, %eq3A_263 : vector<16xf32>
    %min3A_265 = arith.constant 5 : i32
    %min3A_266 = vector.broadcast %min3A_265 : i32 to vector<16xi32>
    %min3A_267 = arith.minsi %select_n3A_262, %min3A_266 : vector<16xi32>
    %select_n3A_268 = arith.select %eq3A_264, %min3A_267, %select_n3A_262 : vector<16xi1>, vector<16xi32>
    %eq3A_269 = vector.broadcast %squeeze3A : f32 to vector<16xf32>
    %eq3A_270 = arith.cmpf oeq, %scan3A_122#2, %eq3A_269 : vector<16xf32>
    %min3A_271 = arith.constant 6 : i32
    %min3A_272 = vector.broadcast %min3A_271 : i32 to vector<16xi32>
    %min3A_273 = arith.minsi %select_n3A_268, %min3A_272 : vector<16xi32>
    %select_n3A_274 = arith.select %eq3A_270, %min3A_273, %select_n3A_268 : vector<16xi1>, vector<16xi32>
    %eq3A_275 = vector.broadcast %squeeze3A : f32 to vector<16xf32>
    %eq3A_276 = arith.cmpf oeq, %scan3A_122#3, %eq3A_275 : vector<16xf32>
    %min3A_277 = arith.constant 7 : i32
    %min3A_278 = vector.broadcast %min3A_277 : i32 to vector<16xi32>
    %min3A_279 = arith.minsi %select_n3A_274, %min3A_278 : vector<16xi32>
    %select_n3A_280 = arith.select %eq3A_276, %min3A_279, %select_n3A_274 : vector<16xi1>, vector<16xi32>
    %eq3A_281 = vector.broadcast %squeeze3A : f32 to vector<16xf32>
    %eq3A_282 = arith.cmpf oeq, %scan3A_137#0, %eq3A_281 : vector<16xf32>
    %min3A_283 = arith.constant 8 : i32
    %min3A_284 = vector.broadcast %min3A_283 : i32 to vector<16xi32>
    %min3A_285 = arith.minsi %select_n3A_280, %min3A_284 : vector<16xi32>
    %select_n3A_286 = arith.select %eq3A_282, %min3A_285, %select_n3A_280 : vector<16xi1>, vector<16xi32>
    %eq3A_287 = vector.broadcast %squeeze3A : f32 to vector<16xf32>
    %eq3A_288 = arith.cmpf oeq, %scan3A_137#1, %eq3A_287 : vector<16xf32>
    %min3A_289 = arith.constant 9 : i32
    %min3A_290 = vector.broadcast %min3A_289 : i32 to vector<16xi32>
    %min3A_291 = arith.minsi %select_n3A_286, %min3A_290 : vector<16xi32>
    %select_n3A_292 = arith.select %eq3A_288, %min3A_291, %select_n3A_286 : vector<16xi1>, vector<16xi32>
    %eq3A_293 = vector.broadcast %squeeze3A : f32 to vector<16xf32>
    %eq3A_294 = arith.cmpf oeq, %scan3A_137#2, %eq3A_293 : vector<16xf32>
    %min3A_295 = arith.constant 10 : i32
    %min3A_296 = vector.broadcast %min3A_295 : i32 to vector<16xi32>
    %min3A_297 = arith.minsi %select_n3A_292, %min3A_296 : vector<16xi32>
    %select_n3A_298 = arith.select %eq3A_294, %min3A_297, %select_n3A_292 : vector<16xi1>, vector<16xi32>
    %eq3A_299 = vector.broadcast %squeeze3A : f32 to vector<16xf32>
    %eq3A_300 = arith.cmpf oeq, %scan3A_137#3, %eq3A_299 : vector<16xf32>
    %min3A_301 = arith.constant 11 : i32
    %min3A_302 = vector.broadcast %min3A_301 : i32 to vector<16xi32>
    %min3A_303 = arith.minsi %select_n3A_298, %min3A_302 : vector<16xi32>
    %select_n3A_304 = arith.select %eq3A_300, %min3A_303, %select_n3A_298 : vector<16xi1>, vector<16xi32>
    %eq3A_305 = vector.broadcast %squeeze3A : f32 to vector<16xf32>
    %eq3A_306 = arith.cmpf oeq, %scan3A_182#0, %eq3A_305 : vector<16xf32>
    %min3A_307 = arith.constant 12 : i32
    %min3A_308 = vector.broadcast %min3A_307 : i32 to vector<16xi32>
    %min3A_309 = arith.minsi %select_n3A_304, %min3A_308 : vector<16xi32>
    %select_n3A_310 = arith.select %eq3A_306, %min3A_309, %select_n3A_304 : vector<16xi1>, vector<16xi32>
    %eq3A_311 = vector.broadcast %squeeze3A : f32 to vector<16xf32>
    %eq3A_312 = arith.cmpf oeq, %scan3A_182#1, %eq3A_311 : vector<16xf32>
    %min3A_313 = arith.constant 13 : i32
    %min3A_314 = vector.broadcast %min3A_313 : i32 to vector<16xi32>
    %min3A_315 = arith.minsi %select_n3A_310, %min3A_314 : vector<16xi32>
    %select_n3A_316 = arith.select %eq3A_312, %min3A_315, %select_n3A_310 : vector<16xi1>, vector<16xi32>
    %eq3A_317 = vector.broadcast %squeeze3A : f32 to vector<16xf32>
    %eq3A_318 = arith.cmpf oeq, %scan3A_182#2, %eq3A_317 : vector<16xf32>
    %min3A_319 = arith.constant 14 : i32
    %min3A_320 = vector.broadcast %min3A_319 : i32 to vector<16xi32>
    %min3A_321 = arith.minsi %select_n3A_316, %min3A_320 : vector<16xi32>
    %select_n3A_322 = arith.select %eq3A_318, %min3A_321, %select_n3A_316 : vector<16xi1>, vector<16xi32>
    %eq3A_323 = vector.broadcast %squeeze3A : f32 to vector<16xf32>
    %eq3A_324 = arith.cmpf oeq, %scan3A_182#3, %eq3A_323 : vector<16xf32>
    %min3A_325 = arith.constant 15 : i32
    %min3A_326 = vector.broadcast %min3A_325 : i32 to vector<16xi32>
    %min3A_327 = arith.minsi %select_n3A_322, %min3A_326 : vector<16xi32>
    %select_n3A_328 = arith.select %eq3A_324, %min3A_327, %select_n3A_322 : vector<16xi1>, vector<16xi32>
    %swap3A_329 = arith.constant 0 : index
    %swap3A_330 = tpu.vector_load %arg7[%swap3A_329] {strides = array<i32>} : memref<32xi32, #tpu.memory_space<vmem>>, vector<16xi32>,
    %swap3A_331 = vector.shape_cast %swap3A_330 : vector<16xi32> to vector<16xi32>
    %swap3A_332 = vector.shape_cast %select_n3A_328 : vector<16xi32> to vector<16xi32>
    tpu.vector_store %arg7[%swap3A_329], %swap3A_332 {strides = array<i32>} : memref<32xi32, #tpu.memory_space<vmem>>, vector<16xi32>,
    %get3A_333 = arith.constant 8 : index
    %get3A_334 = tpu.vector_load %arg7[%get3A_333] {strides = array<i32>} : memref<32xi32, #tpu.memory_space<vmem>>, vector<16xi32>,
    %get3A_335 = vector.shape_cast %get3A_334 : vector<16xi32> to vector<16xi32>
    %min3A_336 = arith.minsi %select_n3A_328, %get3A_335 : vector<16xi32>
    %swap3A_337 = arith.constant 0 : index
    %swap3A_338 = tpu.vector_load %arg7[%swap3A_337] {strides = array<i32>} : memref<32xi32, #tpu.memory_space<vmem>>, vector<16xi32>,
    %swap3A_339 = vector.shape_cast %swap3A_338 : vector<16xi32> to vector<16xi32>
    %swap3A_340 = vector.shape_cast %min3A_336 : vector<16xi32> to vector<16xi32>
    tpu.vector_store %arg7[%swap3A_337], %swap3A_340 {strides = array<i32>} : memref<32xi32, #tpu.memory_space<vmem>>, vector<16xi32>,
    %get3A_341 = arith.constant 4 : index
    %get3A_342 = tpu.vector_load %arg7[%get3A_341] {strides = array<i32>} : memref<32xi32, #tpu.memory_space<vmem>>, vector<16xi32>,
    %get3A_343 = vector.shape_cast %get3A_342 : vector<16xi32> to vector<16xi32>
    %min3A_344 = arith.minsi %min3A_336, %get3A_343 : vector<16xi32>
    %swap3A_345 = arith.constant 0 : index
    %swap3A_346 = tpu.vector_load %arg7[%swap3A_345] {strides = array<i32>} : memref<32xi32, #tpu.memory_space<vmem>>, vector<16xi32>,
    %swap3A_347 = vector.shape_cast %swap3A_346 : vector<16xi32> to vector<16xi32>
    %swap3A_348 = vector.shape_cast %min3A_344 : vector<16xi32> to vector<16xi32>
    tpu.vector_store %arg7[%swap3A_345], %swap3A_348 {strides = array<i32>} : memref<32xi32, #tpu.memory_space<vmem>>, vector<16xi32>,
    %get3A_349 = arith.constant 2 : index
    %get3A_350 = tpu.vector_load %arg7[%get3A_349] {strides = array<i32>} : memref<32xi32, #tpu.memory_space<vmem>>, vector<16xi32>,
    %get3A_351 = vector.shape_cast %get3A_350 : vector<16xi32> to vector<16xi32>
    %min3A_352 = arith.minsi %min3A_344, %get3A_351 : vector<16xi32>
    %swap3A_353 = arith.constant 0 : index
    %swap3A_354 = tpu.vector_load %arg7[%swap3A_353] {strides = array<i32>} : memref<32xi32, #tpu.memory_space<vmem>>, vector<16xi32>,
    %swap3A_355 = vector.shape_cast %swap3A_354 : vector<16xi32> to vector<16xi32>
    %swap3A_356 = vector.shape_cast %min3A_352 : vector<16xi32> to vector<16xi32>
    tpu.vector_store %arg7[%swap3A_353], %swap3A_356 {strides = array<i32>} : memref<32xi32, #tpu.memory_space<vmem>>, vector<16xi32>,
    %get3A_357 = arith.constant 1 : index
    %get3A_358 = tpu.vector_load %arg7[%get3A_357] {strides = array<i32>} : memref<32xi32, #tpu.memory_space<vmem>>, vector<16xi32>,
    %get3A_359 = vector.shape_cast %get3A_358 : vector<16xi32> to vector<16xi32>
    %min3A_360 = arith.minsi %min3A_352, %get3A_359 : vector<16xi32>
    %slice3A_361 = vector.extract_strided_slice %min3A_360 {offsets = [0], sizes = [1], strides = [1]} : vector<16xi32> to vector<1xi32>
    %squeeze3A_362 = vector.extract %slice3A_361[0] : i32 from vector<1xi32>
    %mul3A_363 = arith.constant 1568 : i32
    %mul3A_364 = arith.muli %squeeze3A_362, %mul3A_363 : i32
    %broadcast_in_dim3A_365 = arith.constant 2147483647 : i32
    %broadcast_in_dim3A_366 = vector.broadcast %broadcast_in_dim3A_365 : i32 to vector<16xi32>
    %scan3A_367 = arith.constant 0 : i32
    %scan3A_368 = arith.constant 98 : i32
    %scan3A_369 = arith.addi %scan3A_367, %scan3A_368 : i32
    %scan3A_370 = arith.constant 1 : i32
    %scan3A_371 = scf.for %scan3A_3012 = %scan3A_367 to %scan3A_369 step %scan3A_370 iter_args(%scan3A_3013 = %broadcast_in_dim3A_366) -> (vector<16xi32>)  : i32 {
      %mul3A_3014 = arith.constant 16 : i32
      %mul3A_3015 = arith.muli %scan3A_3012, %mul3A_3014 : i32
      %add3A_3016 = arith.addi %mul3A_364, %mul3A_3015 : i32
      %get3A_3017 = arith.index_cast %add3A_3016 : i32 to index
      %get3A_3018 = tpu.vector_load %arg5[%get3A_3017] {strides = array<i32>} : memref<25088xf32, #tpu.memory_space<vmem>>, vector<16xf32>,
      %get3A_3019 = vector.shape_cast %get3A_3018 : vector<16xf32> to vector<16xf32>
      %eq3A_3020 = vector.broadcast %squeeze3A : f32 to vector<16xf32>
      %eq3A_3021 = arith.cmpf oeq, %get3A_3019, %eq3A_3020 : vector<16xf32>
      %mul3A_3022 = arith.constant 16 : i32
      %mul3A_3023 = arith.muli %scan3A_3012, %mul3A_3022 : i32
      %add3A_3024 = vector.broadcast %mul3A_3023 : i32 to vector<16xi32>
      %add3A_3025 = arith.addi %add3A_3024, %iota3A : vector<16xi32>
      %jit3A_3026 = arith.constant 2147483647 : i32
      %broadcast_in_dim3A_3027 = vector.broadcast %jit3A_3026 : i32 to vector<16xi32>
      %select_n3A_3028 = arith.select %eq3A_3021, %add3A_3025, %broadcast_in_dim3A_3027 : vector<16xi1>, vector<16xi32>
      %min3A_3029 = arith.minsi %scan3A_3013, %select_n3A_3028 : vector<16xi32>
      scf.yield %min3A_3029 : vector<16xi32>
    }
    %scan3A_372 = arith.constant 98 : i32
    %swap3A_373 = arith.constant 0 : index
    %swap3A_374 = tpu.vector_load %arg7[%swap3A_373] {strides = array<i32>} : memref<32xi32, #tpu.memory_space<vmem>>, vector<16xi32>,
    %swap3A_375 = vector.shape_cast %swap3A_374 : vector<16xi32> to vector<16xi32>
    %swap3A_376 = vector.shape_cast %scan3A_371 : vector<16xi32> to vector<16xi32>
    tpu.vector_store %arg7[%swap3A_373], %swap3A_376 {strides = array<i32>} : memref<32xi32, #tpu.memory_space<vmem>>, vector<16xi32>,
    %get3A_377 = arith.constant 8 : index
    %get3A_378 = tpu.vector_load %arg7[%get3A_377] {strides = array<i32>} : memref<32xi32, #tpu.memory_space<vmem>>, vector<16xi32>,
    %get3A_379 = vector.shape_cast %get3A_378 : vector<16xi32> to vector<16xi32>
    %min3A_380 = arith.minsi %scan3A_371, %get3A_379 : vector<16xi32>
    %swap3A_381 = arith.constant 0 : index
    %swap3A_382 = tpu.vector_load %arg7[%swap3A_381] {strides = array<i32>} : memref<32xi32, #tpu.memory_space<vmem>>, vector<16xi32>,
    %swap3A_383 = vector.shape_cast %swap3A_382 : vector<16xi32> to vector<16xi32>
    %swap3A_384 = vector.shape_cast %min3A_380 : vector<16xi32> to vector<16xi32>
    tpu.vector_store %arg7[%swap3A_381], %swap3A_384 {strides = array<i32>} : memref<32xi32, #tpu.memory_space<vmem>>, vector<16xi32>,
    %get3A_385 = arith.constant 4 : index
    %get3A_386 = tpu.vector_load %arg7[%get3A_385] {strides = array<i32>} : memref<32xi32, #tpu.memory_space<vmem>>, vector<16xi32>,
    %get3A_387 = vector.shape_cast %get3A_386 : vector<16xi32> to vector<16xi32>
    %min3A_388 = arith.minsi %min3A_380, %get3A_387 : vector<16xi32>
    %swap3A_389 = arith.constant 0 : index
    %swap3A_390 = tpu.vector_load %arg7[%swap3A_389] {strides = array<i32>} : memref<32xi32, #tpu.memory_space<vmem>>, vector<16xi32>,
    %swap3A_391 = vector.shape_cast %swap3A_390 : vector<16xi32> to vector<16xi32>
    %swap3A_392 = vector.shape_cast %min3A_388 : vector<16xi32> to vector<16xi32>
    tpu.vector_store %arg7[%swap3A_389], %swap3A_392 {strides = array<i32>} : memref<32xi32, #tpu.memory_space<vmem>>, vector<16xi32>,
    %get3A_393 = arith.constant 2 : index
    %get3A_394 = tpu.vector_load %arg7[%get3A_393] {strides = array<i32>} : memref<32xi32, #tpu.memory_space<vmem>>, vector<16xi32>,
    %get3A_395 = vector.shape_cast %get3A_394 : vector<16xi32> to vector<16xi32>
    %min3A_396 = arith.minsi %min3A_388, %get3A_395 : vector<16xi32>
    %swap3A_397 = arith.constant 0 : index
    %swap3A_398 = tpu.vector_load %arg7[%swap3A_397] {strides = array<i32>} : memref<32xi32, #tpu.memory_space<vmem>>, vector<16xi32>,
    %swap3A_399 = vector.shape_cast %swap3A_398 : vector<16xi32> to vector<16xi32>
    %swap3A_400 = vector.shape_cast %min3A_396 : vector<16xi32> to vector<16xi32>
    tpu.vector_store %arg7[%swap3A_397], %swap3A_400 {strides = array<i32>} : memref<32xi32, #tpu.memory_space<vmem>>, vector<16xi32>,
    %get3A_401 = arith.constant 1 : index
    %get3A_402 = tpu.vector_load %arg7[%get3A_401] {strides = array<i32>} : memref<32xi32, #tpu.memory_space<vmem>>, vector<16xi32>,
    %get3A_403 = vector.shape_cast %get3A_402 : vector<16xi32> to vector<16xi32>
    %min3A_404 = arith.minsi %min3A_396, %get3A_403 : vector<16xi32>
    %slice3A_405 = vector.extract_strided_slice %min3A_404 {offsets = [0], sizes = [1], strides = [1]} : vector<16xi32> to vector<1xi32>
    %squeeze3A_406 = vector.extract %slice3A_405[0] : i32 from vector<1xi32>
    %eq3A_407 = arith.constant 0 : i32
    %eq3A_408 = vector.broadcast %eq3A_407 : i32 to vector<16xi32>
    %eq3A_409 = arith.cmpi eq, %iota3A, %eq3A_408 : vector<16xi32>
    %broadcast_in_dim3A_410 = vector.broadcast %squeeze3A : f32 to vector<16xf32>
    %select_n3A_411 = arith.select %eq3A_409, %broadcast_in_dim3A_410, %broadcast_in_dim3A_86 : vector<16xi1>, vector<16xf32>
    %eq3A_412 = arith.constant 0 : i32
    %eq3A_413 = vector.broadcast %eq3A_412 : i32 to vector<16xi32>
    %eq3A_414 = arith.cmpi eq, %iota3A, %eq3A_413 : vector<16xi32>
    %mul3A_415 = arith.constant 1568 : i32
    %mul3A_416 = arith.muli %squeeze3A_362, %mul3A_415 : i32
    %add3A_417 = arith.addi %add3A_42, %mul3A_416 : i32
    %add3A_418 = arith.addi %add3A_417, %squeeze3A_406 : i32
    %broadcast_in_dim3A_419 = vector.broadcast %add3A_418 : i32 to vector<16xi32>
    %select_n3A_420 = arith.select %eq3A_414, %broadcast_in_dim3A_419, %broadcast_in_dim3A_185 : vector<16xi1>, vector<16xi32>
    %jit3A_421 = arith.constant 16 : i32
    %div3A_422 = arith.divsi %squeeze3A_406, %jit3A_421 : i32
    %sign3A_423 = arith.constant 0 : i32
    %sign3A_424 = arith.cmpi sgt, %squeeze3A_406, %sign3A_423 : i32
    %sign3A_425 = arith.extui %sign3A_424 : i1 to i32
    %sign3A_426 = arith.constant 0 : i32
    %sign3A_427 = arith.cmpi slt, %squeeze3A_406, %sign3A_426 : i32
    %sign3A_428 = arith.extui %sign3A_427 : i1 to i32
    %sign3A_429 = arith.subi %sign3A_425, %sign3A_428 : i32
    %sign3A_430 = arith.constant 0 : i32
    %sign3A_431 = arith.cmpi sgt, %jit3A_421, %sign3A_430 : i32
    %sign3A_432 = arith.extui %sign3A_431 : i1 to i32
    %sign3A_433 = arith.constant 0 : i32
    %sign3A_434 = arith.cmpi slt, %jit3A_421, %sign3A_433 : i32
    %sign3A_435 = arith.extui %sign3A_434 : i1 to i32
    %sign3A_436 = arith.subi %sign3A_432, %sign3A_435 : i32
    %ne3A_437 = arith.cmpi ne, %sign3A_429, %sign3A_436 : i32
    %rem3A_438 = arith.remsi %squeeze3A_406, %jit3A_421 : i32
    %ne3A_439 = arith.constant 0 : i32
    %ne3A_440 = arith.cmpi ne, %rem3A_438, %ne3A_439 : i32
    %and3A_441 = arith.andi %ne3A_437, %ne3A_440 : i1
    %sub3A_442 = arith.constant 1 : i32
    %sub3A_443 = arith.subi %div3A_422, %sub3A_442 : i32
    %select_n3A_444 = arith.select %and3A_441, %sub3A_443, %div3A_422 : i32
    %jit3A_445 = arith.constant 16 : i32
    %eq3A_446 = arith.constant 0 : i32
    %eq3A_447 = arith.cmpi eq, %jit3A_445, %eq3A_446 : i32
    %jit3A_448 = arith.constant 1 : i32
    %select_n3A_449 = arith.select %eq3A_447, %jit3A_448, %jit3A_445 : i32
    %rem3A_450 = arith.remsi %squeeze3A_406, %select_n3A_449 : i32
    %ne3A_451 = arith.constant 0 : i32
    %ne3A_452 = arith.cmpi ne, %rem3A_450, %ne3A_451 : i32
    %lt3A_453 = arith.constant 0 : i32
    %lt3A_454 = arith.cmpi slt, %rem3A_450, %lt3A_453 : i32
    %lt3A_455 = arith.constant 0 : i32
    %lt3A_456 = arith.cmpi slt, %select_n3A_449, %lt3A_455 : i32
    %ne3A_457 = arith.xori %lt3A_454, %lt3A_456 : i1
    %and3A_458 = arith.andi %ne3A_457, %ne3A_452 : i1
    %add3A_459 = arith.addi %rem3A_450, %select_n3A_449 : i32
    %select_n3A_460 = arith.select %and3A_458, %add3A_459, %rem3A_450 : i32
    %mul3A_461 = arith.constant 16 : i32
    %mul3A_462 = arith.muli %select_n3A_444, %mul3A_461 : i32
    %add3A_463 = arith.addi %mul3A_364, %mul3A_462 : i32
    %get3A_464 = arith.index_cast %add3A_463 : i32 to index
    %get3A_465 = tpu.vector_load %arg5[%get3A_464] {strides = array<i32>} : memref<25088xf32, #tpu.memory_space<vmem>>, vector<16xf32>,
    %get3A_466 = vector.shape_cast %get3A_465 : vector<16xf32> to vector<16xf32>
    %eq3A_467 = vector.broadcast %select_n3A_460 : i32 to vector<16xi32>
    %eq3A_468 = arith.cmpi eq, %iota3A, %eq3A_467 : vector<16xi32>
    %select_n3A_469 = arith.select %eq3A_468, %broadcast_in_dim3A_86, %get3A_466 : vector<16xi1>, vector<16xf32>
    %mul3A_470 = arith.constant 16 : i32
    %mul3A_471 = arith.muli %select_n3A_444, %mul3A_470 : i32
    %add3A_472 = arith.addi %mul3A_364, %mul3A_471 : i32
    %swap3A_473 = arith.index_cast %add3A_472 : i32 to index
    %swap3A_474 = tpu.vector_load %arg5[%swap3A_473] {strides = array<i32>} : memref<25088xf32, #tpu.memory_space<vmem>>, vector<16xf32>,
    %swap3A_475 = vector.shape_cast %swap3A_474 : vector<16xf32> to vector<16xf32>
    %swap3A_476 = vector.shape_cast %select_n3A_469 : vector<16xf32> to vector<16xf32>
    tpu.vector_store %arg5[%swap3A_473], %swap3A_476 {strides = array<i32>} : memref<25088xf32, #tpu.memory_space<vmem>>, vector<16xf32>,
    %scan3A_477 = arith.constant 0 : i32
    %scan3A_478 = arith.constant 49 : i32
    %scan3A_479 = arith.addi %scan3A_477, %scan3A_478 : i32
    %scan3A_480 = arith.constant 1 : i32
    %scan3A_481:2 = scf.for %scan3A_3012 = %scan3A_477 to %scan3A_479 step %scan3A_480 iter_args(%scan3A_3013 = %broadcast_in_dim3A_86, %scan3A_3014 = %broadcast_in_dim3A_86) -> (vector<16xf32>, vector<16xf32>)  : i32 {
      %mul3A_3015 = arith.constant 32 : i32
      %mul3A_3016 = arith.muli %scan3A_3012, %mul3A_3015 : i32
      %add3A_3017 = arith.addi %mul3A_364, %mul3A_3016 : i32
      %get3A_3018 = arith.index_cast %add3A_3017 : i32 to index
      %get3A_3019 = tpu.vector_load %arg5[%get3A_3018] {strides = array<i32>} : memref<25088xf32, #tpu.memory_space<vmem>>, vector<16xf32>,
      %get3A_3020 = vector.shape_cast %get3A_3019 : vector<16xf32> to vector<16xf32>
      %max3A_3021 = arith.maximumf %scan3A_3013, %get3A_3020 : vector<16xf32>
      %add3A_3022 = arith.constant 16 : i32
      %add3A_3023 = arith.addi %add3A_3017, %add3A_3022 : i32
      %get3A_3024 = arith.index_cast %add3A_3023 : i32 to index
      %get3A_3025 = tpu.vector_load %arg5[%get3A_3024] {strides = array<i32>} : memref<25088xf32, #tpu.memory_space<vmem>>, vector<16xf32>,
      %get3A_3026 = vector.shape_cast %get3A_3025 : vector<16xf32> to vector<16xf32>
      %max3A_3027 = arith.maximumf %scan3A_3014, %get3A_3026 : vector<16xf32>
      scf.yield %max3A_3021, %max3A_3027 : vector<16xf32>, vector<16xf32>
    }
    %scan3A_482 = arith.constant 49 : i32
    %max3A_483 = arith.maximumf %scan3A_481#0, %scan3A_481#1 : vector<16xf32>
    %eq3A_484 = arith.constant 0 : i32
    %eq3A_485 = arith.cmpi eq, %squeeze3A_362, %eq3A_484 : i32
    %select_n3A_486 = arith.select %eq3A_485, %max3A_483, %scan3A_107#0 : vector<16xf32>
    %eq3A_487 = arith.constant 1 : i32
    %eq3A_488 = arith.cmpi eq, %squeeze3A_362, %eq3A_487 : i32
    %select_n3A_489 = arith.select %eq3A_488, %max3A_483, %scan3A_107#1 : vector<16xf32>
    %eq3A_490 = arith.constant 2 : i32
    %eq3A_491 = arith.cmpi eq, %squeeze3A_362, %eq3A_490 : i32
    %select_n3A_492 = arith.select %eq3A_491, %max3A_483, %scan3A_107#2 : vector<16xf32>
    %eq3A_493 = arith.constant 3 : i32
    %eq3A_494 = arith.cmpi eq, %squeeze3A_362, %eq3A_493 : i32
    %select_n3A_495 = arith.select %eq3A_494, %max3A_483, %scan3A_107#3 : vector<16xf32>
    %eq3A_496 = arith.constant 4 : i32
    %eq3A_497 = arith.cmpi eq, %squeeze3A_362, %eq3A_496 : i32
    %select_n3A_498 = arith.select %eq3A_497, %max3A_483, %scan3A_122#0 : vector<16xf32>
    %eq3A_499 = arith.constant 5 : i32
    %eq3A_500 = arith.cmpi eq, %squeeze3A_362, %eq3A_499 : i32
    %select_n3A_501 = arith.select %eq3A_500, %max3A_483, %scan3A_122#1 : vector<16xf32>
    %eq3A_502 = arith.constant 6 : i32
    %eq3A_503 = arith.cmpi eq, %squeeze3A_362, %eq3A_502 : i32
    %select_n3A_504 = arith.select %eq3A_503, %max3A_483, %scan3A_122#2 : vector<16xf32>
    %eq3A_505 = arith.constant 7 : i32
    %eq3A_506 = arith.cmpi eq, %squeeze3A_362, %eq3A_505 : i32
    %select_n3A_507 = arith.select %eq3A_506, %max3A_483, %scan3A_122#3 : vector<16xf32>
    %eq3A_508 = arith.constant 8 : i32
    %eq3A_509 = arith.cmpi eq, %squeeze3A_362, %eq3A_508 : i32
    %select_n3A_510 = arith.select %eq3A_509, %max3A_483, %scan3A_137#0 : vector<16xf32>
    %eq3A_511 = arith.constant 9 : i32
    %eq3A_512 = arith.cmpi eq, %squeeze3A_362, %eq3A_511 : i32
    %select_n3A_513 = arith.select %eq3A_512, %max3A_483, %scan3A_137#1 : vector<16xf32>
    %eq3A_514 = arith.constant 10 : i32
    %eq3A_515 = arith.cmpi eq, %squeeze3A_362, %eq3A_514 : i32
    %select_n3A_516 = arith.select %eq3A_515, %max3A_483, %scan3A_137#2 : vector<16xf32>
    %eq3A_517 = arith.constant 11 : i32
    %eq3A_518 = arith.cmpi eq, %squeeze3A_362, %eq3A_517 : i32
    %select_n3A_519 = arith.select %eq3A_518, %max3A_483, %scan3A_137#3 : vector<16xf32>
    %eq3A_520 = arith.constant 12 : i32
    %eq3A_521 = arith.cmpi eq, %squeeze3A_362, %eq3A_520 : i32
    %select_n3A_522 = arith.select %eq3A_521, %max3A_483, %scan3A_182#0 : vector<16xf32>
    %eq3A_523 = arith.constant 13 : i32
    %eq3A_524 = arith.cmpi eq, %squeeze3A_362, %eq3A_523 : i32
    %select_n3A_525 = arith.select %eq3A_524, %max3A_483, %scan3A_182#1 : vector<16xf32>
    %eq3A_526 = arith.constant 14 : i32
    %eq3A_527 = arith.cmpi eq, %squeeze3A_362, %eq3A_526 : i32
    %select_n3A_528 = arith.select %eq3A_527, %max3A_483, %scan3A_182#2 : vector<16xf32>
    %eq3A_529 = arith.constant 15 : i32
    %eq3A_530 = arith.cmpi eq, %squeeze3A_362, %eq3A_529 : i32
    %select_n3A_531 = arith.select %eq3A_530, %max3A_483, %scan3A_182#3 : vector<16xf32>
    %max3A_532 = arith.maximumf %select_n3A_486, %select_n3A_489 : vector<16xf32>
    %max3A_533 = arith.maximumf %max3A_532, %select_n3A_492 : vector<16xf32>
    %max3A_534 = arith.maximumf %max3A_533, %select_n3A_495 : vector<16xf32>
    %max3A_535 = arith.maximumf %max3A_534, %select_n3A_498 : vector<16xf32>
    %max3A_536 = arith.maximumf %max3A_535, %select_n3A_501 : vector<16xf32>
    %max3A_537 = arith.maximumf %max3A_536, %select_n3A_504 : vector<16xf32>
    %max3A_538 = arith.maximumf %max3A_537, %select_n3A_507 : vector<16xf32>
    %max3A_539 = arith.maximumf %max3A_538, %select_n3A_510 : vector<16xf32>
    %max3A_540 = arith.maximumf %max3A_539, %select_n3A_513 : vector<16xf32>
    %max3A_541 = arith.maximumf %max3A_540, %select_n3A_516 : vector<16xf32>
    %max3A_542 = arith.maximumf %max3A_541, %select_n3A_519 : vector<16xf32>
    %max3A_543 = arith.maximumf %max3A_542, %select_n3A_522 : vector<16xf32>
    %max3A_544 = arith.maximumf %max3A_543, %select_n3A_525 : vector<16xf32>
    %max3A_545 = arith.maximumf %max3A_544, %select_n3A_528 : vector<16xf32>
    %max3A_546 = arith.maximumf %max3A_545, %select_n3A_531 : vector<16xf32>
    %swap3A_547 = arith.constant 0 : index
    %swap3A_548 = tpu.vector_load %arg6[%swap3A_547] {strides = array<i32>} : memref<32xf32, #tpu.memory_space<vmem>>, vector<16xf32>,
    %swap3A_549 = vector.shape_cast %swap3A_548 : vector<16xf32> to vector<16xf32>
    %swap3A_550 = vector.shape_cast %max3A_546 : vector<16xf32> to vector<16xf32>
    tpu.vector_store %arg6[%swap3A_547], %swap3A_550 {strides = array<i32>} : memref<32xf32, #tpu.memory_space<vmem>>, vector<16xf32>,
    %get3A_551 = arith.constant 8 : index
    %get3A_552 = tpu.vector_load %arg6[%get3A_551] {strides = array<i32>} : memref<32xf32, #tpu.memory_space<vmem>>, vector<16xf32>,
    %get3A_553 = vector.shape_cast %get3A_552 : vector<16xf32> to vector<16xf32>
    %max3A_554 = arith.maximumf %max3A_546, %get3A_553 : vector<16xf32>
    %swap3A_555 = arith.constant 0 : index
    %swap3A_556 = tpu.vector_load %arg6[%swap3A_555] {strides = array<i32>} : memref<32xf32, #tpu.memory_space<vmem>>, vector<16xf32>,
    %swap3A_557 = vector.shape_cast %swap3A_556 : vector<16xf32> to vector<16xf32>
    %swap3A_558 = vector.shape_cast %max3A_554 : vector<16xf32> to vector<16xf32>
    tpu.vector_store %arg6[%swap3A_555], %swap3A_558 {strides = array<i32>} : memref<32xf32, #tpu.memory_space<vmem>>, vector<16xf32>,
    %get3A_559 = arith.constant 4 : index
    %get3A_560 = tpu.vector_load %arg6[%get3A_559] {strides = array<i32>} : memref<32xf32, #tpu.memory_space<vmem>>, vector<16xf32>,
    %get3A_561 = vector.shape_cast %get3A_560 : vector<16xf32> to vector<16xf32>
    %max3A_562 = arith.maximumf %max3A_554, %get3A_561 : vector<16xf32>
    %swap3A_563 = arith.constant 0 : index
    %swap3A_564 = tpu.vector_load %arg6[%swap3A_563] {strides = array<i32>} : memref<32xf32, #tpu.memory_space<vmem>>, vector<16xf32>,
    %swap3A_565 = vector.shape_cast %swap3A_564 : vector<16xf32> to vector<16xf32>
    %swap3A_566 = vector.shape_cast %max3A_562 : vector<16xf32> to vector<16xf32>
    tpu.vector_store %arg6[%swap3A_563], %swap3A_566 {strides = array<i32>} : memref<32xf32, #tpu.memory_space<vmem>>, vector<16xf32>,
    %get3A_567 = arith.constant 2 : index
    %get3A_568 = tpu.vector_load %arg6[%get3A_567] {strides = array<i32>} : memref<32xf32, #tpu.memory_space<vmem>>, vector<16xf32>,
    %get3A_569 = vector.shape_cast %get3A_568 : vector<16xf32> to vector<16xf32>
    %max3A_570 = arith.maximumf %max3A_562, %get3A_569 : vector<16xf32>
    %swap3A_571 = arith.constant 0 : index
    %swap3A_572 = tpu.vector_load %arg6[%swap3A_571] {strides = array<i32>} : memref<32xf32, #tpu.memory_space<vmem>>, vector<16xf32>,
    %swap3A_573 = vector.shape_cast %swap3A_572 : vector<16xf32> to vector<16xf32>
    %swap3A_574 = vector.shape_cast %max3A_570 : vector<16xf32> to vector<16xf32>
    tpu.vector_store %arg6[%swap3A_571], %swap3A_574 {strides = array<i32>} : memref<32xf32, #tpu.memory_space<vmem>>, vector<16xf32>,
    %get3A_575 = arith.constant 1 : index
    %get3A_576 = tpu.vector_load %arg6[%get3A_575] {strides = array<i32>} : memref<32xf32, #tpu.memory_space<vmem>>, vector<16xf32>,
    %get3A_577 = vector.shape_cast %get3A_576 : vector<16xf32> to vector<16xf32>
    %max3A_578 = arith.maximumf %max3A_570, %get3A_577 : vector<16xf32>
    %slice3A_579 = vector.extract_strided_slice %max3A_578 {offsets = [0], sizes = [1], strides = [1]} : vector<16xf32> to vector<1xf32>
    %squeeze3A_580 = vector.extract %slice3A_579[0] : f32 from vector<1xf32>
    %eq3A_581 = vector.broadcast %squeeze3A_580 : f32 to vector<16xf32>
    %eq3A_582 = arith.cmpf oeq, %select_n3A_486, %eq3A_581 : vector<16xf32>
    %min3A_583 = arith.constant 0 : i32
    %min3A_584 = vector.broadcast %min3A_583 : i32 to vector<16xi32>
    %min3A_585 = arith.minsi %broadcast_in_dim3A_187, %min3A_584 : vector<16xi32>
    %select_n3A_586 = arith.select %eq3A_582, %min3A_585, %broadcast_in_dim3A_187 : vector<16xi1>, vector<16xi32>
    %eq3A_587 = vector.broadcast %squeeze3A_580 : f32 to vector<16xf32>
    %eq3A_588 = arith.cmpf oeq, %select_n3A_489, %eq3A_587 : vector<16xf32>
    %min3A_589 = arith.constant 1 : i32
    %min3A_590 = vector.broadcast %min3A_589 : i32 to vector<16xi32>
    %min3A_591 = arith.minsi %select_n3A_586, %min3A_590 : vector<16xi32>
    %select_n3A_592 = arith.select %eq3A_588, %min3A_591, %select_n3A_586 : vector<16xi1>, vector<16xi32>
    %eq3A_593 = vector.broadcast %squeeze3A_580 : f32 to vector<16xf32>
    %eq3A_594 = arith.cmpf oeq, %select_n3A_492, %eq3A_593 : vector<16xf32>
    %min3A_595 = arith.constant 2 : i32
    %min3A_596 = vector.broadcast %min3A_595 : i32 to vector<16xi32>
    %min3A_597 = arith.minsi %select_n3A_592, %min3A_596 : vector<16xi32>
    %select_n3A_598 = arith.select %eq3A_594, %min3A_597, %select_n3A_592 : vector<16xi1>, vector<16xi32>
    %eq3A_599 = vector.broadcast %squeeze3A_580 : f32 to vector<16xf32>
    %eq3A_600 = arith.cmpf oeq, %select_n3A_495, %eq3A_599 : vector<16xf32>
    %min3A_601 = arith.constant 3 : i32
    %min3A_602 = vector.broadcast %min3A_601 : i32 to vector<16xi32>
    %min3A_603 = arith.minsi %select_n3A_598, %min3A_602 : vector<16xi32>
    %select_n3A_604 = arith.select %eq3A_600, %min3A_603, %select_n3A_598 : vector<16xi1>, vector<16xi32>
    %eq3A_605 = vector.broadcast %squeeze3A_580 : f32 to vector<16xf32>
    %eq3A_606 = arith.cmpf oeq, %select_n3A_498, %eq3A_605 : vector<16xf32>
    %min3A_607 = arith.constant 4 : i32
    %min3A_608 = vector.broadcast %min3A_607 : i32 to vector<16xi32>
    %min3A_609 = arith.minsi %select_n3A_604, %min3A_608 : vector<16xi32>
    %select_n3A_610 = arith.select %eq3A_606, %min3A_609, %select_n3A_604 : vector<16xi1>, vector<16xi32>
    %eq3A_611 = vector.broadcast %squeeze3A_580 : f32 to vector<16xf32>
    %eq3A_612 = arith.cmpf oeq, %select_n3A_501, %eq3A_611 : vector<16xf32>
    %min3A_613 = arith.constant 5 : i32
    %min3A_614 = vector.broadcast %min3A_613 : i32 to vector<16xi32>
    %min3A_615 = arith.minsi %select_n3A_610, %min3A_614 : vector<16xi32>
    %select_n3A_616 = arith.select %eq3A_612, %min3A_615, %select_n3A_610 : vector<16xi1>, vector<16xi32>
    %eq3A_617 = vector.broadcast %squeeze3A_580 : f32 to vector<16xf32>
    %eq3A_618 = arith.cmpf oeq, %select_n3A_504, %eq3A_617 : vector<16xf32>
    %min3A_619 = arith.constant 6 : i32
    %min3A_620 = vector.broadcast %min3A_619 : i32 to vector<16xi32>
    %min3A_621 = arith.minsi %select_n3A_616, %min3A_620 : vector<16xi32>
    %select_n3A_622 = arith.select %eq3A_618, %min3A_621, %select_n3A_616 : vector<16xi1>, vector<16xi32>
    %eq3A_623 = vector.broadcast %squeeze3A_580 : f32 to vector<16xf32>
    %eq3A_624 = arith.cmpf oeq, %select_n3A_507, %eq3A_623 : vector<16xf32>
    %min3A_625 = arith.constant 7 : i32
    %min3A_626 = vector.broadcast %min3A_625 : i32 to vector<16xi32>
    %min3A_627 = arith.minsi %select_n3A_622, %min3A_626 : vector<16xi32>
    %select_n3A_628 = arith.select %eq3A_624, %min3A_627, %select_n3A_622 : vector<16xi1>, vector<16xi32>
    %eq3A_629 = vector.broadcast %squeeze3A_580 : f32 to vector<16xf32>
    %eq3A_630 = arith.cmpf oeq, %select_n3A_510, %eq3A_629 : vector<16xf32>
    %min3A_631 = arith.constant 8 : i32
    %min3A_632 = vector.broadcast %min3A_631 : i32 to vector<16xi32>
    %min3A_633 = arith.minsi %select_n3A_628, %min3A_632 : vector<16xi32>
    %select_n3A_634 = arith.select %eq3A_630, %min3A_633, %select_n3A_628 : vector<16xi1>, vector<16xi32>
    %eq3A_635 = vector.broadcast %squeeze3A_580 : f32 to vector<16xf32>
    %eq3A_636 = arith.cmpf oeq, %select_n3A_513, %eq3A_635 : vector<16xf32>
    %min3A_637 = arith.constant 9 : i32
    %min3A_638 = vector.broadcast %min3A_637 : i32 to vector<16xi32>
    %min3A_639 = arith.minsi %select_n3A_634, %min3A_638 : vector<16xi32>
    %select_n3A_640 = arith.select %eq3A_636, %min3A_639, %select_n3A_634 : vector<16xi1>, vector<16xi32>
    %eq3A_641 = vector.broadcast %squeeze3A_580 : f32 to vector<16xf32>
    %eq3A_642 = arith.cmpf oeq, %select_n3A_516, %eq3A_641 : vector<16xf32>
    %min3A_643 = arith.constant 10 : i32
    %min3A_644 = vector.broadcast %min3A_643 : i32 to vector<16xi32>
    %min3A_645 = arith.minsi %select_n3A_640, %min3A_644 : vector<16xi32>
    %select_n3A_646 = arith.select %eq3A_642, %min3A_645, %select_n3A_640 : vector<16xi1>, vector<16xi32>
    %eq3A_647 = vector.broadcast %squeeze3A_580 : f32 to vector<16xf32>
    %eq3A_648 = arith.cmpf oeq, %select_n3A_519, %eq3A_647 : vector<16xf32>
    %min3A_649 = arith.constant 11 : i32
    %min3A_650 = vector.broadcast %min3A_649 : i32 to vector<16xi32>
    %min3A_651 = arith.minsi %select_n3A_646, %min3A_650 : vector<16xi32>
    %select_n3A_652 = arith.select %eq3A_648, %min3A_651, %select_n3A_646 : vector<16xi1>, vector<16xi32>
    %eq3A_653 = vector.broadcast %squeeze3A_580 : f32 to vector<16xf32>
    %eq3A_654 = arith.cmpf oeq, %select_n3A_522, %eq3A_653 : vector<16xf32>
    %min3A_655 = arith.constant 12 : i32
    %min3A_656 = vector.broadcast %min3A_655 : i32 to vector<16xi32>
    %min3A_657 = arith.minsi %select_n3A_652, %min3A_656 : vector<16xi32>
    %select_n3A_658 = arith.select %eq3A_654, %min3A_657, %select_n3A_652 : vector<16xi1>, vector<16xi32>
    %eq3A_659 = vector.broadcast %squeeze3A_580 : f32 to vector<16xf32>
    %eq3A_660 = arith.cmpf oeq, %select_n3A_525, %eq3A_659 : vector<16xf32>
    %min3A_661 = arith.constant 13 : i32
    %min3A_662 = vector.broadcast %min3A_661 : i32 to vector<16xi32>
    %min3A_663 = arith.minsi %select_n3A_658, %min3A_662 : vector<16xi32>
    %select_n3A_664 = arith.select %eq3A_660, %min3A_663, %select_n3A_658 : vector<16xi1>, vector<16xi32>
    %eq3A_665 = vector.broadcast %squeeze3A_580 : f32 to vector<16xf32>
    %eq3A_666 = arith.cmpf oeq, %select_n3A_528, %eq3A_665 : vector<16xf32>
    %min3A_667 = arith.constant 14 : i32
    %min3A_668 = vector.broadcast %min3A_667 : i32 to vector<16xi32>
    %min3A_669 = arith.minsi %select_n3A_664, %min3A_668 : vector<16xi32>
    %select_n3A_670 = arith.select %eq3A_666, %min3A_669, %select_n3A_664 : vector<16xi1>, vector<16xi32>
    %eq3A_671 = vector.broadcast %squeeze3A_580 : f32 to vector<16xf32>
    %eq3A_672 = arith.cmpf oeq, %select_n3A_531, %eq3A_671 : vector<16xf32>
    %min3A_673 = arith.constant 15 : i32
    %min3A_674 = vector.broadcast %min3A_673 : i32 to vector<16xi32>
    %min3A_675 = arith.minsi %select_n3A_670, %min3A_674 : vector<16xi32>
    %select_n3A_676 = arith.select %eq3A_672, %min3A_675, %select_n3A_670 : vector<16xi1>, vector<16xi32>
    %swap3A_677 = arith.constant 0 : index
    %swap3A_678 = tpu.vector_load %arg7[%swap3A_677] {strides = array<i32>} : memref<32xi32, #tpu.memory_space<vmem>>, vector<16xi32>,
    %swap3A_679 = vector.shape_cast %swap3A_678 : vector<16xi32> to vector<16xi32>
    %swap3A_680 = vector.shape_cast %select_n3A_676 : vector<16xi32> to vector<16xi32>
    tpu.vector_store %arg7[%swap3A_677], %swap3A_680 {strides = array<i32>} : memref<32xi32, #tpu.memory_space<vmem>>, vector<16xi32>,
    %get3A_681 = arith.constant 8 : index
    %get3A_682 = tpu.vector_load %arg7[%get3A_681] {strides = array<i32>} : memref<32xi32, #tpu.memory_space<vmem>>, vector<16xi32>,
    %get3A_683 = vector.shape_cast %get3A_682 : vector<16xi32> to vector<16xi32>
    %min3A_684 = arith.minsi %select_n3A_676, %get3A_683 : vector<16xi32>
    %swap3A_685 = arith.constant 0 : index
    %swap3A_686 = tpu.vector_load %arg7[%swap3A_685] {strides = array<i32>} : memref<32xi32, #tpu.memory_space<vmem>>, vector<16xi32>,
    %swap3A_687 = vector.shape_cast %swap3A_686 : vector<16xi32> to vector<16xi32>
    %swap3A_688 = vector.shape_cast %min3A_684 : vector<16xi32> to vector<16xi32>
    tpu.vector_store %arg7[%swap3A_685], %swap3A_688 {strides = array<i32>} : memref<32xi32, #tpu.memory_space<vmem>>, vector<16xi32>,
    %get3A_689 = arith.constant 4 : index
    %get3A_690 = tpu.vector_load %arg7[%get3A_689] {strides = array<i32>} : memref<32xi32, #tpu.memory_space<vmem>>, vector<16xi32>,
    %get3A_691 = vector.shape_cast %get3A_690 : vector<16xi32> to vector<16xi32>
    %min3A_692 = arith.minsi %min3A_684, %get3A_691 : vector<16xi32>
    %swap3A_693 = arith.constant 0 : index
    %swap3A_694 = tpu.vector_load %arg7[%swap3A_693] {strides = array<i32>} : memref<32xi32, #tpu.memory_space<vmem>>, vector<16xi32>,
    %swap3A_695 = vector.shape_cast %swap3A_694 : vector<16xi32> to vector<16xi32>
    %swap3A_696 = vector.shape_cast %min3A_692 : vector<16xi32> to vector<16xi32>
    tpu.vector_store %arg7[%swap3A_693], %swap3A_696 {strides = array<i32>} : memref<32xi32, #tpu.memory_space<vmem>>, vector<16xi32>,
    %get3A_697 = arith.constant 2 : index
    %get3A_698 = tpu.vector_load %arg7[%get3A_697] {strides = array<i32>} : memref<32xi32, #tpu.memory_space<vmem>>, vector<16xi32>,
    %get3A_699 = vector.shape_cast %get3A_698 : vector<16xi32> to vector<16xi32>
    %min3A_700 = arith.minsi %min3A_692, %get3A_699 : vector<16xi32>
    %swap3A_701 = arith.constant 0 : index
    %swap3A_702 = tpu.vector_load %arg7[%swap3A_701] {strides = array<i32>} : memref<32xi32, #tpu.memory_space<vmem>>, vector<16xi32>,
    %swap3A_703 = vector.shape_cast %swap3A_702 : vector<16xi32> to vector<16xi32>
    %swap3A_704 = vector.shape_cast %min3A_700 : vector<16xi32> to vector<16xi32>
    tpu.vector_store %arg7[%swap3A_701], %swap3A_704 {strides = array<i32>} : memref<32xi32, #tpu.memory_space<vmem>>, vector<16xi32>,
    %get3A_705 = arith.constant 1 : index
    %get3A_706 = tpu.vector_load %arg7[%get3A_705] {strides = array<i32>} : memref<32xi32, #tpu.memory_space<vmem>>, vector<16xi32>,
    %get3A_707 = vector.shape_cast %get3A_706 : vector<16xi32> to vector<16xi32>
    %min3A_708 = arith.minsi %min3A_700, %get3A_707 : vector<16xi32>
    %slice3A_709 = vector.extract_strided_slice %min3A_708 {offsets = [0], sizes = [1], strides = [1]} : vector<16xi32> to vector<1xi32>
    %squeeze3A_710 = vector.extract %slice3A_709[0] : i32 from vector<1xi32>
    %mul3A_711 = arith.constant 1568 : i32
    %mul3A_712 = arith.muli %squeeze3A_710, %mul3A_711 : i32
    %broadcast_in_dim3A_713 = arith.constant 2147483647 : i32
    %broadcast_in_dim3A_714 = vector.broadcast %broadcast_in_dim3A_713 : i32 to vector<16xi32>
    %scan3A_715 = arith.constant 0 : i32
    %scan3A_716 = arith.constant 98 : i32
    %scan3A_717 = arith.addi %scan3A_715, %scan3A_716 : i32
    %scan3A_718 = arith.constant 1 : i32
    %scan3A_719 = scf.for %scan3A_3012 = %scan3A_715 to %scan3A_717 step %scan3A_718 iter_args(%scan3A_3013 = %broadcast_in_dim3A_714) -> (vector<16xi32>)  : i32 {
      %mul3A_3014 = arith.constant 16 : i32
      %mul3A_3015 = arith.muli %scan3A_3012, %mul3A_3014 : i32
      %add3A_3016 = arith.addi %mul3A_712, %mul3A_3015 : i32
      %get3A_3017 = arith.index_cast %add3A_3016 : i32 to index
      %get3A_3018 = tpu.vector_load %arg5[%get3A_3017] {strides = array<i32>} : memref<25088xf32, #tpu.memory_space<vmem>>, vector<16xf32>,
      %get3A_3019 = vector.shape_cast %get3A_3018 : vector<16xf32> to vector<16xf32>
      %eq3A_3020 = vector.broadcast %squeeze3A_580 : f32 to vector<16xf32>
      %eq3A_3021 = arith.cmpf oeq, %get3A_3019, %eq3A_3020 : vector<16xf32>
      %mul3A_3022 = arith.constant 16 : i32
      %mul3A_3023 = arith.muli %scan3A_3012, %mul3A_3022 : i32
      %add3A_3024 = vector.broadcast %mul3A_3023 : i32 to vector<16xi32>
      %add3A_3025 = arith.addi %add3A_3024, %iota3A : vector<16xi32>
      %jit3A_3026 = arith.constant 2147483647 : i32
      %broadcast_in_dim3A_3027 = vector.broadcast %jit3A_3026 : i32 to vector<16xi32>
      %select_n3A_3028 = arith.select %eq3A_3021, %add3A_3025, %broadcast_in_dim3A_3027 : vector<16xi1>, vector<16xi32>
      %min3A_3029 = arith.minsi %scan3A_3013, %select_n3A_3028 : vector<16xi32>
      scf.yield %min3A_3029 : vector<16xi32>
    }
    %scan3A_720 = arith.constant 98 : i32
    %swap3A_721 = arith.constant 0 : index
    %swap3A_722 = tpu.vector_load %arg7[%swap3A_721] {strides = array<i32>} : memref<32xi32, #tpu.memory_space<vmem>>, vector<16xi32>,
    %swap3A_723 = vector.shape_cast %swap3A_722 : vector<16xi32> to vector<16xi32>
    %swap3A_724 = vector.shape_cast %scan3A_719 : vector<16xi32> to vector<16xi32>
    tpu.vector_store %arg7[%swap3A_721], %swap3A_724 {strides = array<i32>} : memref<32xi32, #tpu.memory_space<vmem>>, vector<16xi32>,
    %get3A_725 = arith.constant 8 : index
    %get3A_726 = tpu.vector_load %arg7[%get3A_725] {strides = array<i32>} : memref<32xi32, #tpu.memory_space<vmem>>, vector<16xi32>,
    %get3A_727 = vector.shape_cast %get3A_726 : vector<16xi32> to vector<16xi32>
    %min3A_728 = arith.minsi %scan3A_719, %get3A_727 : vector<16xi32>
    %swap3A_729 = arith.constant 0 : index
    %swap3A_730 = tpu.vector_load %arg7[%swap3A_729] {strides = array<i32>} : memref<32xi32, #tpu.memory_space<vmem>>, vector<16xi32>,
    %swap3A_731 = vector.shape_cast %swap3A_730 : vector<16xi32> to vector<16xi32>
    %swap3A_732 = vector.shape_cast %min3A_728 : vector<16xi32> to vector<16xi32>
    tpu.vector_store %arg7[%swap3A_729], %swap3A_732 {strides = array<i32>} : memref<32xi32, #tpu.memory_space<vmem>>, vector<16xi32>,
    %get3A_733 = arith.constant 4 : index
    %get3A_734 = tpu.vector_load %arg7[%get3A_733] {strides = array<i32>} : memref<32xi32, #tpu.memory_space<vmem>>, vector<16xi32>,
    %get3A_735 = vector.shape_cast %get3A_734 : vector<16xi32> to vector<16xi32>
    %min3A_736 = arith.minsi %min3A_728, %get3A_735 : vector<16xi32>
    %swap3A_737 = arith.constant 0 : index
    %swap3A_738 = tpu.vector_load %arg7[%swap3A_737] {strides = array<i32>} : memref<32xi32, #tpu.memory_space<vmem>>, vector<16xi32>,
    %swap3A_739 = vector.shape_cast %swap3A_738 : vector<16xi32> to vector<16xi32>
    %swap3A_740 = vector.shape_cast %min3A_736 : vector<16xi32> to vector<16xi32>
    tpu.vector_store %arg7[%swap3A_737], %swap3A_740 {strides = array<i32>} : memref<32xi32, #tpu.memory_space<vmem>>, vector<16xi32>,
    %get3A_741 = arith.constant 2 : index
    %get3A_742 = tpu.vector_load %arg7[%get3A_741] {strides = array<i32>} : memref<32xi32, #tpu.memory_space<vmem>>, vector<16xi32>,
    %get3A_743 = vector.shape_cast %get3A_742 : vector<16xi32> to vector<16xi32>
    %min3A_744 = arith.minsi %min3A_736, %get3A_743 : vector<16xi32>
    %swap3A_745 = arith.constant 0 : index
    %swap3A_746 = tpu.vector_load %arg7[%swap3A_745] {strides = array<i32>} : memref<32xi32, #tpu.memory_space<vmem>>, vector<16xi32>,
    %swap3A_747 = vector.shape_cast %swap3A_746 : vector<16xi32> to vector<16xi32>
    %swap3A_748 = vector.shape_cast %min3A_744 : vector<16xi32> to vector<16xi32>
    tpu.vector_store %arg7[%swap3A_745], %swap3A_748 {strides = array<i32>} : memref<32xi32, #tpu.memory_space<vmem>>, vector<16xi32>,
    %get3A_749 = arith.constant 1 : index
    %get3A_750 = tpu.vector_load %arg7[%get3A_749] {strides = array<i32>} : memref<32xi32, #tpu.memory_space<vmem>>, vector<16xi32>,
    %get3A_751 = vector.shape_cast %get3A_750 : vector<16xi32> to vector<16xi32>
    %min3A_752 = arith.minsi %min3A_744, %get3A_751 : vector<16xi32>
    %slice3A_753 = vector.extract_strided_slice %min3A_752 {offsets = [0], sizes = [1], strides = [1]} : vector<16xi32> to vector<1xi32>
    %squeeze3A_754 = vector.extract %slice3A_753[0] : i32 from vector<1xi32>
    %eq3A_755 = arith.constant 1 : i32
    %eq3A_756 = vector.broadcast %eq3A_755 : i32 to vector<16xi32>
    %eq3A_757 = arith.cmpi eq, %iota3A, %eq3A_756 : vector<16xi32>
    %broadcast_in_dim3A_758 = vector.broadcast %squeeze3A_580 : f32 to vector<16xf32>
    %select_n3A_759 = arith.select %eq3A_757, %broadcast_in_dim3A_758, %select_n3A_411 : vector<16xi1>, vector<16xf32>
    %eq3A_760 = arith.constant 1 : i32
    %eq3A_761 = vector.broadcast %eq3A_760 : i32 to vector<16xi32>
    %eq3A_762 = arith.cmpi eq, %iota3A, %eq3A_761 : vector<16xi32>
    %mul3A_763 = arith.constant 1568 : i32
    %mul3A_764 = arith.muli %squeeze3A_710, %mul3A_763 : i32
    %add3A_765 = arith.addi %add3A_42, %mul3A_764 : i32
    %add3A_766 = arith.addi %add3A_765, %squeeze3A_754 : i32
    %broadcast_in_dim3A_767 = vector.broadcast %add3A_766 : i32 to vector<16xi32>
    %select_n3A_768 = arith.select %eq3A_762, %broadcast_in_dim3A_767, %select_n3A_420 : vector<16xi1>, vector<16xi32>
    %jit3A_769 = arith.constant 16 : i32
    %div3A_770 = arith.divsi %squeeze3A_754, %jit3A_769 : i32
    %sign3A_771 = arith.constant 0 : i32
    %sign3A_772 = arith.cmpi sgt, %squeeze3A_754, %sign3A_771 : i32
    %sign3A_773 = arith.extui %sign3A_772 : i1 to i32
    %sign3A_774 = arith.constant 0 : i32
    %sign3A_775 = arith.cmpi slt, %squeeze3A_754, %sign3A_774 : i32
    %sign3A_776 = arith.extui %sign3A_775 : i1 to i32
    %sign3A_777 = arith.subi %sign3A_773, %sign3A_776 : i32
    %sign3A_778 = arith.constant 0 : i32
    %sign3A_779 = arith.cmpi sgt, %jit3A_769, %sign3A_778 : i32
    %sign3A_780 = arith.extui %sign3A_779 : i1 to i32
    %sign3A_781 = arith.constant 0 : i32
    %sign3A_782 = arith.cmpi slt, %jit3A_769, %sign3A_781 : i32
    %sign3A_783 = arith.extui %sign3A_782 : i1 to i32
    %sign3A_784 = arith.subi %sign3A_780, %sign3A_783 : i32
    %ne3A_785 = arith.cmpi ne, %sign3A_777, %sign3A_784 : i32
    %rem3A_786 = arith.remsi %squeeze3A_754, %jit3A_769 : i32
    %ne3A_787 = arith.constant 0 : i32
    %ne3A_788 = arith.cmpi ne, %rem3A_786, %ne3A_787 : i32
    %and3A_789 = arith.andi %ne3A_785, %ne3A_788 : i1
    %sub3A_790 = arith.constant 1 : i32
    %sub3A_791 = arith.subi %div3A_770, %sub3A_790 : i32
    %select_n3A_792 = arith.select %and3A_789, %sub3A_791, %div3A_770 : i32
    %jit3A_793 = arith.constant 16 : i32
    %eq3A_794 = arith.constant 0 : i32
    %eq3A_795 = arith.cmpi eq, %jit3A_793, %eq3A_794 : i32
    %jit3A_796 = arith.constant 1 : i32
    %select_n3A_797 = arith.select %eq3A_795, %jit3A_796, %jit3A_793 : i32
    %rem3A_798 = arith.remsi %squeeze3A_754, %select_n3A_797 : i32
    %ne3A_799 = arith.constant 0 : i32
    %ne3A_800 = arith.cmpi ne, %rem3A_798, %ne3A_799 : i32
    %lt3A_801 = arith.constant 0 : i32
    %lt3A_802 = arith.cmpi slt, %rem3A_798, %lt3A_801 : i32
    %lt3A_803 = arith.constant 0 : i32
    %lt3A_804 = arith.cmpi slt, %select_n3A_797, %lt3A_803 : i32
    %ne3A_805 = arith.xori %lt3A_802, %lt3A_804 : i1
    %and3A_806 = arith.andi %ne3A_805, %ne3A_800 : i1
    %add3A_807 = arith.addi %rem3A_798, %select_n3A_797 : i32
    %select_n3A_808 = arith.select %and3A_806, %add3A_807, %rem3A_798 : i32
    %mul3A_809 = arith.constant 16 : i32
    %mul3A_810 = arith.muli %select_n3A_792, %mul3A_809 : i32
    %add3A_811 = arith.addi %mul3A_712, %mul3A_810 : i32
    %get3A_812 = arith.index_cast %add3A_811 : i32 to index
    %get3A_813 = tpu.vector_load %arg5[%get3A_812] {strides = array<i32>} : memref<25088xf32, #tpu.memory_space<vmem>>, vector<16xf32>,
    %get3A_814 = vector.shape_cast %get3A_813 : vector<16xf32> to vector<16xf32>
    %eq3A_815 = vector.broadcast %select_n3A_808 : i32 to vector<16xi32>
    %eq3A_816 = arith.cmpi eq, %iota3A, %eq3A_815 : vector<16xi32>
    %select_n3A_817 = arith.select %eq3A_816, %broadcast_in_dim3A_86, %get3A_814 : vector<16xi1>, vector<16xf32>
    %mul3A_818 = arith.constant 16 : i32
    %mul3A_819 = arith.muli %select_n3A_792, %mul3A_818 : i32
    %add3A_820 = arith.addi %mul3A_712, %mul3A_819 : i32
    %swap3A_821 = arith.index_cast %add3A_820 : i32 to index
    %swap3A_822 = tpu.vector_load %arg5[%swap3A_821] {strides = array<i32>} : memref<25088xf32, #tpu.memory_space<vmem>>, vector<16xf32>,
    %swap3A_823 = vector.shape_cast %swap3A_822 : vector<16xf32> to vector<16xf32>
    %swap3A_824 = vector.shape_cast %select_n3A_817 : vector<16xf32> to vector<16xf32>
    tpu.vector_store %arg5[%swap3A_821], %swap3A_824 {strides = array<i32>} : memref<25088xf32, #tpu.memory_space<vmem>>, vector<16xf32>,
    %scan3A_825 = arith.constant 0 : i32
    %scan3A_826 = arith.constant 49 : i32
    %scan3A_827 = arith.addi %scan3A_825, %scan3A_826 : i32
    %scan3A_828 = arith.constant 1 : i32
    %scan3A_829:2 = scf.for %scan3A_3012 = %scan3A_825 to %scan3A_827 step %scan3A_828 iter_args(%scan3A_3013 = %broadcast_in_dim3A_86, %scan3A_3014 = %broadcast_in_dim3A_86) -> (vector<16xf32>, vector<16xf32>)  : i32 {
      %mul3A_3015 = arith.constant 32 : i32
      %mul3A_3016 = arith.muli %scan3A_3012, %mul3A_3015 : i32
      %add3A_3017 = arith.addi %mul3A_712, %mul3A_3016 : i32
      %get3A_3018 = arith.index_cast %add3A_3017 : i32 to index
      %get3A_3019 = tpu.vector_load %arg5[%get3A_3018] {strides = array<i32>} : memref<25088xf32, #tpu.memory_space<vmem>>, vector<16xf32>,
      %get3A_3020 = vector.shape_cast %get3A_3019 : vector<16xf32> to vector<16xf32>
      %max3A_3021 = arith.maximumf %scan3A_3013, %get3A_3020 : vector<16xf32>
      %add3A_3022 = arith.constant 16 : i32
      %add3A_3023 = arith.addi %add3A_3017, %add3A_3022 : i32
      %get3A_3024 = arith.index_cast %add3A_3023 : i32 to index
      %get3A_3025 = tpu.vector_load %arg5[%get3A_3024] {strides = array<i32>} : memref<25088xf32, #tpu.memory_space<vmem>>, vector<16xf32>,
      %get3A_3026 = vector.shape_cast %get3A_3025 : vector<16xf32> to vector<16xf32>
      %max3A_3027 = arith.maximumf %scan3A_3014, %get3A_3026 : vector<16xf32>
      scf.yield %max3A_3021, %max3A_3027 : vector<16xf32>, vector<16xf32>
    }
    %scan3A_830 = arith.constant 49 : i32
    %max3A_831 = arith.maximumf %scan3A_829#0, %scan3A_829#1 : vector<16xf32>
    %eq3A_832 = arith.constant 0 : i32
    %eq3A_833 = arith.cmpi eq, %squeeze3A_710, %eq3A_832 : i32
    %select_n3A_834 = arith.select %eq3A_833, %max3A_831, %select_n3A_486 : vector<16xf32>
    %eq3A_835 = arith.constant 1 : i32
    %eq3A_836 = arith.cmpi eq, %squeeze3A_710, %eq3A_835 : i32
    %select_n3A_837 = arith.select %eq3A_836, %max3A_831, %select_n3A_489 : vector<16xf32>
    %eq3A_838 = arith.constant 2 : i32
    %eq3A_839 = arith.cmpi eq, %squeeze3A_710, %eq3A_838 : i32
    %select_n3A_840 = arith.select %eq3A_839, %max3A_831, %select_n3A_492 : vector<16xf32>
    %eq3A_841 = arith.constant 3 : i32
    %eq3A_842 = arith.cmpi eq, %squeeze3A_710, %eq3A_841 : i32
    %select_n3A_843 = arith.select %eq3A_842, %max3A_831, %select_n3A_495 : vector<16xf32>
    %eq3A_844 = arith.constant 4 : i32
    %eq3A_845 = arith.cmpi eq, %squeeze3A_710, %eq3A_844 : i32
    %select_n3A_846 = arith.select %eq3A_845, %max3A_831, %select_n3A_498 : vector<16xf32>
    %eq3A_847 = arith.constant 5 : i32
    %eq3A_848 = arith.cmpi eq, %squeeze3A_710, %eq3A_847 : i32
    %select_n3A_849 = arith.select %eq3A_848, %max3A_831, %select_n3A_501 : vector<16xf32>
    %eq3A_850 = arith.constant 6 : i32
    %eq3A_851 = arith.cmpi eq, %squeeze3A_710, %eq3A_850 : i32
    %select_n3A_852 = arith.select %eq3A_851, %max3A_831, %select_n3A_504 : vector<16xf32>
    %eq3A_853 = arith.constant 7 : i32
    %eq3A_854 = arith.cmpi eq, %squeeze3A_710, %eq3A_853 : i32
    %select_n3A_855 = arith.select %eq3A_854, %max3A_831, %select_n3A_507 : vector<16xf32>
    %eq3A_856 = arith.constant 8 : i32
    %eq3A_857 = arith.cmpi eq, %squeeze3A_710, %eq3A_856 : i32
    %select_n3A_858 = arith.select %eq3A_857, %max3A_831, %select_n3A_510 : vector<16xf32>
    %eq3A_859 = arith.constant 9 : i32
    %eq3A_860 = arith.cmpi eq, %squeeze3A_710, %eq3A_859 : i32
    %select_n3A_861 = arith.select %eq3A_860, %max3A_831, %select_n3A_513 : vector<16xf32>
    %eq3A_862 = arith.constant 10 : i32
    %eq3A_863 = arith.cmpi eq, %squeeze3A_710, %eq3A_862 : i32
    %select_n3A_864 = arith.select %eq3A_863, %max3A_831, %select_n3A_516 : vector<16xf32>
    %eq3A_865 = arith.constant 11 : i32
    %eq3A_866 = arith.cmpi eq, %squeeze3A_710, %eq3A_865 : i32
    %select_n3A_867 = arith.select %eq3A_866, %max3A_831, %select_n3A_519 : vector<16xf32>
    %eq3A_868 = arith.constant 12 : i32
    %eq3A_869 = arith.cmpi eq, %squeeze3A_710, %eq3A_868 : i32
    %select_n3A_870 = arith.select %eq3A_869, %max3A_831, %select_n3A_522 : vector<16xf32>
    %eq3A_871 = arith.constant 13 : i32
    %eq3A_872 = arith.cmpi eq, %squeeze3A_710, %eq3A_871 : i32
    %select_n3A_873 = arith.select %eq3A_872, %max3A_831, %select_n3A_525 : vector<16xf32>
    %eq3A_874 = arith.constant 14 : i32
    %eq3A_875 = arith.cmpi eq, %squeeze3A_710, %eq3A_874 : i32
    %select_n3A_876 = arith.select %eq3A_875, %max3A_831, %select_n3A_528 : vector<16xf32>
    %eq3A_877 = arith.constant 15 : i32
    %eq3A_878 = arith.cmpi eq, %squeeze3A_710, %eq3A_877 : i32
    %select_n3A_879 = arith.select %eq3A_878, %max3A_831, %select_n3A_531 : vector<16xf32>
    %max3A_880 = arith.maximumf %select_n3A_834, %select_n3A_837 : vector<16xf32>
    %max3A_881 = arith.maximumf %max3A_880, %select_n3A_840 : vector<16xf32>
    %max3A_882 = arith.maximumf %max3A_881, %select_n3A_843 : vector<16xf32>
    %max3A_883 = arith.maximumf %max3A_882, %select_n3A_846 : vector<16xf32>
    %max3A_884 = arith.maximumf %max3A_883, %select_n3A_849 : vector<16xf32>
    %max3A_885 = arith.maximumf %max3A_884, %select_n3A_852 : vector<16xf32>
    %max3A_886 = arith.maximumf %max3A_885, %select_n3A_855 : vector<16xf32>
    %max3A_887 = arith.maximumf %max3A_886, %select_n3A_858 : vector<16xf32>
    %max3A_888 = arith.maximumf %max3A_887, %select_n3A_861 : vector<16xf32>
    %max3A_889 = arith.maximumf %max3A_888, %select_n3A_864 : vector<16xf32>
    %max3A_890 = arith.maximumf %max3A_889, %select_n3A_867 : vector<16xf32>
    %max3A_891 = arith.maximumf %max3A_890, %select_n3A_870 : vector<16xf32>
    %max3A_892 = arith.maximumf %max3A_891, %select_n3A_873 : vector<16xf32>
    %max3A_893 = arith.maximumf %max3A_892, %select_n3A_876 : vector<16xf32>
    %max3A_894 = arith.maximumf %max3A_893, %select_n3A_879 : vector<16xf32>
    %swap3A_895 = arith.constant 0 : index
    %swap3A_896 = tpu.vector_load %arg6[%swap3A_895] {strides = array<i32>} : memref<32xf32, #tpu.memory_space<vmem>>, vector<16xf32>,
    %swap3A_897 = vector.shape_cast %swap3A_896 : vector<16xf32> to vector<16xf32>
    %swap3A_898 = vector.shape_cast %max3A_894 : vector<16xf32> to vector<16xf32>
    tpu.vector_store %arg6[%swap3A_895], %swap3A_898 {strides = array<i32>} : memref<32xf32, #tpu.memory_space<vmem>>, vector<16xf32>,
    %get3A_899 = arith.constant 8 : index
    %get3A_900 = tpu.vector_load %arg6[%get3A_899] {strides = array<i32>} : memref<32xf32, #tpu.memory_space<vmem>>, vector<16xf32>,
    %get3A_901 = vector.shape_cast %get3A_900 : vector<16xf32> to vector<16xf32>
    %max3A_902 = arith.maximumf %max3A_894, %get3A_901 : vector<16xf32>
    %swap3A_903 = arith.constant 0 : index
    %swap3A_904 = tpu.vector_load %arg6[%swap3A_903] {strides = array<i32>} : memref<32xf32, #tpu.memory_space<vmem>>, vector<16xf32>,
    %swap3A_905 = vector.shape_cast %swap3A_904 : vector<16xf32> to vector<16xf32>
    %swap3A_906 = vector.shape_cast %max3A_902 : vector<16xf32> to vector<16xf32>
    tpu.vector_store %arg6[%swap3A_903], %swap3A_906 {strides = array<i32>} : memref<32xf32, #tpu.memory_space<vmem>>, vector<16xf32>,
    %get3A_907 = arith.constant 4 : index
    %get3A_908 = tpu.vector_load %arg6[%get3A_907] {strides = array<i32>} : memref<32xf32, #tpu.memory_space<vmem>>, vector<16xf32>,
    %get3A_909 = vector.shape_cast %get3A_908 : vector<16xf32> to vector<16xf32>
    %max3A_910 = arith.maximumf %max3A_902, %get3A_909 : vector<16xf32>
    %swap3A_911 = arith.constant 0 : index
    %swap3A_912 = tpu.vector_load %arg6[%swap3A_911] {strides = array<i32>} : memref<32xf32, #tpu.memory_space<vmem>>, vector<16xf32>,
    %swap3A_913 = vector.shape_cast %swap3A_912 : vector<16xf32> to vector<16xf32>
    %swap3A_914 = vector.shape_cast %max3A_910 : vector<16xf32> to vector<16xf32>
    tpu.vector_store %arg6[%swap3A_911], %swap3A_914 {strides = array<i32>} : memref<32xf32, #tpu.memory_space<vmem>>, vector<16xf32>,
    %get3A_915 = arith.constant 2 : index
    %get3A_916 = tpu.vector_load %arg6[%get3A_915] {strides = array<i32>} : memref<32xf32, #tpu.memory_space<vmem>>, vector<16xf32>,
    %get3A_917 = vector.shape_cast %get3A_916 : vector<16xf32> to vector<16xf32>
    %max3A_918 = arith.maximumf %max3A_910, %get3A_917 : vector<16xf32>
    %swap3A_919 = arith.constant 0 : index
    %swap3A_920 = tpu.vector_load %arg6[%swap3A_919] {strides = array<i32>} : memref<32xf32, #tpu.memory_space<vmem>>, vector<16xf32>,
    %swap3A_921 = vector.shape_cast %swap3A_920 : vector<16xf32> to vector<16xf32>
    %swap3A_922 = vector.shape_cast %max3A_918 : vector<16xf32> to vector<16xf32>
    tpu.vector_store %arg6[%swap3A_919], %swap3A_922 {strides = array<i32>} : memref<32xf32, #tpu.memory_space<vmem>>, vector<16xf32>,
    %get3A_923 = arith.constant 1 : index
    %get3A_924 = tpu.vector_load %arg6[%get3A_923] {strides = array<i32>} : memref<32xf32, #tpu.memory_space<vmem>>, vector<16xf32>,
    %get3A_925 = vector.shape_cast %get3A_924 : vector<16xf32> to vector<16xf32>
    %max3A_926 = arith.maximumf %max3A_918, %get3A_925 : vector<16xf32>
    %slice3A_927 = vector.extract_strided_slice %max3A_926 {offsets = [0], sizes = [1], strides = [1]} : vector<16xf32> to vector<1xf32>
    %squeeze3A_928 = vector.extract %slice3A_927[0] : f32 from vector<1xf32>
    %eq3A_929 = vector.broadcast %squeeze3A_928 : f32 to vector<16xf32>
    %eq3A_930 = arith.cmpf oeq, %select_n3A_834, %eq3A_929 : vector<16xf32>
    %min3A_931 = arith.constant 0 : i32
    %min3A_932 = vector.broadcast %min3A_931 : i32 to vector<16xi32>
    %min3A_933 = arith.minsi %broadcast_in_dim3A_187, %min3A_932 : vector<16xi32>
    %select_n3A_934 = arith.select %eq3A_930, %min3A_933, %broadcast_in_dim3A_187 : vector<16xi1>, vector<16xi32>
    %eq3A_935 = vector.broadcast %squeeze3A_928 : f32 to vector<16xf32>
    %eq3A_936 = arith.cmpf oeq, %select_n3A_837, %eq3A_935 : vector<16xf32>
    %min3A_937 = arith.constant 1 : i32
    %min3A_938 = vector.broadcast %min3A_937 : i32 to vector<16xi32>
    %min3A_939 = arith.minsi %select_n3A_934, %min3A_938 : vector<16xi32>
    %select_n3A_940 = arith.select %eq3A_936, %min3A_939, %select_n3A_934 : vector<16xi1>, vector<16xi32>
    %eq3A_941 = vector.broadcast %squeeze3A_928 : f32 to vector<16xf32>
    %eq3A_942 = arith.cmpf oeq, %select_n3A_840, %eq3A_941 : vector<16xf32>
    %min3A_943 = arith.constant 2 : i32
    %min3A_944 = vector.broadcast %min3A_943 : i32 to vector<16xi32>
    %min3A_945 = arith.minsi %select_n3A_940, %min3A_944 : vector<16xi32>
    %select_n3A_946 = arith.select %eq3A_942, %min3A_945, %select_n3A_940 : vector<16xi1>, vector<16xi32>
    %eq3A_947 = vector.broadcast %squeeze3A_928 : f32 to vector<16xf32>
    %eq3A_948 = arith.cmpf oeq, %select_n3A_843, %eq3A_947 : vector<16xf32>
    %min3A_949 = arith.constant 3 : i32
    %min3A_950 = vector.broadcast %min3A_949 : i32 to vector<16xi32>
    %min3A_951 = arith.minsi %select_n3A_946, %min3A_950 : vector<16xi32>
    %select_n3A_952 = arith.select %eq3A_948, %min3A_951, %select_n3A_946 : vector<16xi1>, vector<16xi32>
    %eq3A_953 = vector.broadcast %squeeze3A_928 : f32 to vector<16xf32>
    %eq3A_954 = arith.cmpf oeq, %select_n3A_846, %eq3A_953 : vector<16xf32>
    %min3A_955 = arith.constant 4 : i32
    %min3A_956 = vector.broadcast %min3A_955 : i32 to vector<16xi32>
    %min3A_957 = arith.minsi %select_n3A_952, %min3A_956 : vector<16xi32>
    %select_n3A_958 = arith.select %eq3A_954, %min3A_957, %select_n3A_952 : vector<16xi1>, vector<16xi32>
    %eq3A_959 = vector.broadcast %squeeze3A_928 : f32 to vector<16xf32>
    %eq3A_960 = arith.cmpf oeq, %select_n3A_849, %eq3A_959 : vector<16xf32>
    %min3A_961 = arith.constant 5 : i32
    %min3A_962 = vector.broadcast %min3A_961 : i32 to vector<16xi32>
    %min3A_963 = arith.minsi %select_n3A_958, %min3A_962 : vector<16xi32>
    %select_n3A_964 = arith.select %eq3A_960, %min3A_963, %select_n3A_958 : vector<16xi1>, vector<16xi32>
    %eq3A_965 = vector.broadcast %squeeze3A_928 : f32 to vector<16xf32>
    %eq3A_966 = arith.cmpf oeq, %select_n3A_852, %eq3A_965 : vector<16xf32>
    %min3A_967 = arith.constant 6 : i32
    %min3A_968 = vector.broadcast %min3A_967 : i32 to vector<16xi32>
    %min3A_969 = arith.minsi %select_n3A_964, %min3A_968 : vector<16xi32>
    %select_n3A_970 = arith.select %eq3A_966, %min3A_969, %select_n3A_964 : vector<16xi1>, vector<16xi32>
    %eq3A_971 = vector.broadcast %squeeze3A_928 : f32 to vector<16xf32>
    %eq3A_972 = arith.cmpf oeq, %select_n3A_855, %eq3A_971 : vector<16xf32>
    %min3A_973 = arith.constant 7 : i32
    %min3A_974 = vector.broadcast %min3A_973 : i32 to vector<16xi32>
    %min3A_975 = arith.minsi %select_n3A_970, %min3A_974 : vector<16xi32>
    %select_n3A_976 = arith.select %eq3A_972, %min3A_975, %select_n3A_970 : vector<16xi1>, vector<16xi32>
    %eq3A_977 = vector.broadcast %squeeze3A_928 : f32 to vector<16xf32>
    %eq3A_978 = arith.cmpf oeq, %select_n3A_858, %eq3A_977 : vector<16xf32>
    %min3A_979 = arith.constant 8 : i32
    %min3A_980 = vector.broadcast %min3A_979 : i32 to vector<16xi32>
    %min3A_981 = arith.minsi %select_n3A_976, %min3A_980 : vector<16xi32>
    %select_n3A_982 = arith.select %eq3A_978, %min3A_981, %select_n3A_976 : vector<16xi1>, vector<16xi32>
    %eq3A_983 = vector.broadcast %squeeze3A_928 : f32 to vector<16xf32>
    %eq3A_984 = arith.cmpf oeq, %select_n3A_861, %eq3A_983 : vector<16xf32>
    %min3A_985 = arith.constant 9 : i32
    %min3A_986 = vector.broadcast %min3A_985 : i32 to vector<16xi32>
    %min3A_987 = arith.minsi %select_n3A_982, %min3A_986 : vector<16xi32>
    %select_n3A_988 = arith.select %eq3A_984, %min3A_987, %select_n3A_982 : vector<16xi1>, vector<16xi32>
    %eq3A_989 = vector.broadcast %squeeze3A_928 : f32 to vector<16xf32>
    %eq3A_990 = arith.cmpf oeq, %select_n3A_864, %eq3A_989 : vector<16xf32>
    %min3A_991 = arith.constant 10 : i32
    %min3A_992 = vector.broadcast %min3A_991 : i32 to vector<16xi32>
    %min3A_993 = arith.minsi %select_n3A_988, %min3A_992 : vector<16xi32>
    %select_n3A_994 = arith.select %eq3A_990, %min3A_993, %select_n3A_988 : vector<16xi1>, vector<16xi32>
    %eq3A_995 = vector.broadcast %squeeze3A_928 : f32 to vector<16xf32>
    %eq3A_996 = arith.cmpf oeq, %select_n3A_867, %eq3A_995 : vector<16xf32>
    %min3A_997 = arith.constant 11 : i32
    %min3A_998 = vector.broadcast %min3A_997 : i32 to vector<16xi32>
    %min3A_999 = arith.minsi %select_n3A_994, %min3A_998 : vector<16xi32>
    %select_n3A_1000 = arith.select %eq3A_996, %min3A_999, %select_n3A_994 : vector<16xi1>, vector<16xi32>
    %eq3A_1001 = vector.broadcast %squeeze3A_928 : f32 to vector<16xf32>
    %eq3A_1002 = arith.cmpf oeq, %select_n3A_870, %eq3A_1001 : vector<16xf32>
    %min3A_1003 = arith.constant 12 : i32
    %min3A_1004 = vector.broadcast %min3A_1003 : i32 to vector<16xi32>
    %min3A_1005 = arith.minsi %select_n3A_1000, %min3A_1004 : vector<16xi32>
    %select_n3A_1006 = arith.select %eq3A_1002, %min3A_1005, %select_n3A_1000 : vector<16xi1>, vector<16xi32>
    %eq3A_1007 = vector.broadcast %squeeze3A_928 : f32 to vector<16xf32>
    %eq3A_1008 = arith.cmpf oeq, %select_n3A_873, %eq3A_1007 : vector<16xf32>
    %min3A_1009 = arith.constant 13 : i32
    %min3A_1010 = vector.broadcast %min3A_1009 : i32 to vector<16xi32>
    %min3A_1011 = arith.minsi %select_n3A_1006, %min3A_1010 : vector<16xi32>
    %select_n3A_1012 = arith.select %eq3A_1008, %min3A_1011, %select_n3A_1006 : vector<16xi1>, vector<16xi32>
    %eq3A_1013 = vector.broadcast %squeeze3A_928 : f32 to vector<16xf32>
    %eq3A_1014 = arith.cmpf oeq, %select_n3A_876, %eq3A_1013 : vector<16xf32>
    %min3A_1015 = arith.constant 14 : i32
    %min3A_1016 = vector.broadcast %min3A_1015 : i32 to vector<16xi32>
    %min3A_1017 = arith.minsi %select_n3A_1012, %min3A_1016 : vector<16xi32>
    %select_n3A_1018 = arith.select %eq3A_1014, %min3A_1017, %select_n3A_1012 : vector<16xi1>, vector<16xi32>
    %eq3A_1019 = vector.broadcast %squeeze3A_928 : f32 to vector<16xf32>
    %eq3A_1020 = arith.cmpf oeq, %select_n3A_879, %eq3A_1019 : vector<16xf32>
    %min3A_1021 = arith.constant 15 : i32
    %min3A_1022 = vector.broadcast %min3A_1021 : i32 to vector<16xi32>
    %min3A_1023 = arith.minsi %select_n3A_1018, %min3A_1022 : vector<16xi32>
    %select_n3A_1024 = arith.select %eq3A_1020, %min3A_1023, %select_n3A_1018 : vector<16xi1>, vector<16xi32>
    %swap3A_1025 = arith.constant 0 : index
    %swap3A_1026 = tpu.vector_load %arg7[%swap3A_1025] {strides = array<i32>} : memref<32xi32, #tpu.memory_space<vmem>>, vector<16xi32>,
    %swap3A_1027 = vector.shape_cast %swap3A_1026 : vector<16xi32> to vector<16xi32>
    %swap3A_1028 = vector.shape_cast %select_n3A_1024 : vector<16xi32> to vector<16xi32>
    tpu.vector_store %arg7[%swap3A_1025], %swap3A_1028 {strides = array<i32>} : memref<32xi32, #tpu.memory_space<vmem>>, vector<16xi32>,
    %get3A_1029 = arith.constant 8 : index
    %get3A_1030 = tpu.vector_load %arg7[%get3A_1029] {strides = array<i32>} : memref<32xi32, #tpu.memory_space<vmem>>, vector<16xi32>,
    %get3A_1031 = vector.shape_cast %get3A_1030 : vector<16xi32> to vector<16xi32>
    %min3A_1032 = arith.minsi %select_n3A_1024, %get3A_1031 : vector<16xi32>
    %swap3A_1033 = arith.constant 0 : index
    %swap3A_1034 = tpu.vector_load %arg7[%swap3A_1033] {strides = array<i32>} : memref<32xi32, #tpu.memory_space<vmem>>, vector<16xi32>,
    %swap3A_1035 = vector.shape_cast %swap3A_1034 : vector<16xi32> to vector<16xi32>
    %swap3A_1036 = vector.shape_cast %min3A_1032 : vector<16xi32> to vector<16xi32>
    tpu.vector_store %arg7[%swap3A_1033], %swap3A_1036 {strides = array<i32>} : memref<32xi32, #tpu.memory_space<vmem>>, vector<16xi32>,
    %get3A_1037 = arith.constant 4 : index
    %get3A_1038 = tpu.vector_load %arg7[%get3A_1037] {strides = array<i32>} : memref<32xi32, #tpu.memory_space<vmem>>, vector<16xi32>,
    %get3A_1039 = vector.shape_cast %get3A_1038 : vector<16xi32> to vector<16xi32>
    %min3A_1040 = arith.minsi %min3A_1032, %get3A_1039 : vector<16xi32>
    %swap3A_1041 = arith.constant 0 : index
    %swap3A_1042 = tpu.vector_load %arg7[%swap3A_1041] {strides = array<i32>} : memref<32xi32, #tpu.memory_space<vmem>>, vector<16xi32>,
    %swap3A_1043 = vector.shape_cast %swap3A_1042 : vector<16xi32> to vector<16xi32>
    %swap3A_1044 = vector.shape_cast %min3A_1040 : vector<16xi32> to vector<16xi32>
    tpu.vector_store %arg7[%swap3A_1041], %swap3A_1044 {strides = array<i32>} : memref<32xi32, #tpu.memory_space<vmem>>, vector<16xi32>,
    %get3A_1045 = arith.constant 2 : index
    %get3A_1046 = tpu.vector_load %arg7[%get3A_1045] {strides = array<i32>} : memref<32xi32, #tpu.memory_space<vmem>>, vector<16xi32>,
    %get3A_1047 = vector.shape_cast %get3A_1046 : vector<16xi32> to vector<16xi32>
    %min3A_1048 = arith.minsi %min3A_1040, %get3A_1047 : vector<16xi32>
    %swap3A_1049 = arith.constant 0 : index
    %swap3A_1050 = tpu.vector_load %arg7[%swap3A_1049] {strides = array<i32>} : memref<32xi32, #tpu.memory_space<vmem>>, vector<16xi32>,
    %swap3A_1051 = vector.shape_cast %swap3A_1050 : vector<16xi32> to vector<16xi32>
    %swap3A_1052 = vector.shape_cast %min3A_1048 : vector<16xi32> to vector<16xi32>
    tpu.vector_store %arg7[%swap3A_1049], %swap3A_1052 {strides = array<i32>} : memref<32xi32, #tpu.memory_space<vmem>>, vector<16xi32>,
    %get3A_1053 = arith.constant 1 : index
    %get3A_1054 = tpu.vector_load %arg7[%get3A_1053] {strides = array<i32>} : memref<32xi32, #tpu.memory_space<vmem>>, vector<16xi32>,
    %get3A_1055 = vector.shape_cast %get3A_1054 : vector<16xi32> to vector<16xi32>
    %min3A_1056 = arith.minsi %min3A_1048, %get3A_1055 : vector<16xi32>
    %slice3A_1057 = vector.extract_strided_slice %min3A_1056 {offsets = [0], sizes = [1], strides = [1]} : vector<16xi32> to vector<1xi32>
    %squeeze3A_1058 = vector.extract %slice3A_1057[0] : i32 from vector<1xi32>
    %mul3A_1059 = arith.constant 1568 : i32
    %mul3A_1060 = arith.muli %squeeze3A_1058, %mul3A_1059 : i32
    %broadcast_in_dim3A_1061 = arith.constant 2147483647 : i32
    %broadcast_in_dim3A_1062 = vector.broadcast %broadcast_in_dim3A_1061 : i32 to vector<16xi32>
    %scan3A_1063 = arith.constant 0 : i32
    %scan3A_1064 = arith.constant 98 : i32
    %scan3A_1065 = arith.addi %scan3A_1063, %scan3A_1064 : i32
    %scan3A_1066 = arith.constant 1 : i32
    %scan3A_1067 = scf.for %scan3A_3012 = %scan3A_1063 to %scan3A_1065 step %scan3A_1066 iter_args(%scan3A_3013 = %broadcast_in_dim3A_1062) -> (vector<16xi32>)  : i32 {
      %mul3A_3014 = arith.constant 16 : i32
      %mul3A_3015 = arith.muli %scan3A_3012, %mul3A_3014 : i32
      %add3A_3016 = arith.addi %mul3A_1060, %mul3A_3015 : i32
      %get3A_3017 = arith.index_cast %add3A_3016 : i32 to index
      %get3A_3018 = tpu.vector_load %arg5[%get3A_3017] {strides = array<i32>} : memref<25088xf32, #tpu.memory_space<vmem>>, vector<16xf32>,
      %get3A_3019 = vector.shape_cast %get3A_3018 : vector<16xf32> to vector<16xf32>
      %eq3A_3020 = vector.broadcast %squeeze3A_928 : f32 to vector<16xf32>
      %eq3A_3021 = arith.cmpf oeq, %get3A_3019, %eq3A_3020 : vector<16xf32>
      %mul3A_3022 = arith.constant 16 : i32
      %mul3A_3023 = arith.muli %scan3A_3012, %mul3A_3022 : i32
      %add3A_3024 = vector.broadcast %mul3A_3023 : i32 to vector<16xi32>
      %add3A_3025 = arith.addi %add3A_3024, %iota3A : vector<16xi32>
      %jit3A_3026 = arith.constant 2147483647 : i32
      %broadcast_in_dim3A_3027 = vector.broadcast %jit3A_3026 : i32 to vector<16xi32>
      %select_n3A_3028 = arith.select %eq3A_3021, %add3A_3025, %broadcast_in_dim3A_3027 : vector<16xi1>, vector<16xi32>
      %min3A_3029 = arith.minsi %scan3A_3013, %select_n3A_3028 : vector<16xi32>
      scf.yield %min3A_3029 : vector<16xi32>
    }
    %scan3A_1068 = arith.constant 98 : i32
    %swap3A_1069 = arith.constant 0 : index
    %swap3A_1070 = tpu.vector_load %arg7[%swap3A_1069] {strides = array<i32>} : memref<32xi32, #tpu.memory_space<vmem>>, vector<16xi32>,
    %swap3A_1071 = vector.shape_cast %swap3A_1070 : vector<16xi32> to vector<16xi32>
    %swap3A_1072 = vector.shape_cast %scan3A_1067 : vector<16xi32> to vector<16xi32>
    tpu.vector_store %arg7[%swap3A_1069], %swap3A_1072 {strides = array<i32>} : memref<32xi32, #tpu.memory_space<vmem>>, vector<16xi32>,
    %get3A_1073 = arith.constant 8 : index
    %get3A_1074 = tpu.vector_load %arg7[%get3A_1073] {strides = array<i32>} : memref<32xi32, #tpu.memory_space<vmem>>, vector<16xi32>,
    %get3A_1075 = vector.shape_cast %get3A_1074 : vector<16xi32> to vector<16xi32>
    %min3A_1076 = arith.minsi %scan3A_1067, %get3A_1075 : vector<16xi32>
    %swap3A_1077 = arith.constant 0 : index
    %swap3A_1078 = tpu.vector_load %arg7[%swap3A_1077] {strides = array<i32>} : memref<32xi32, #tpu.memory_space<vmem>>, vector<16xi32>,
    %swap3A_1079 = vector.shape_cast %swap3A_1078 : vector<16xi32> to vector<16xi32>
    %swap3A_1080 = vector.shape_cast %min3A_1076 : vector<16xi32> to vector<16xi32>
    tpu.vector_store %arg7[%swap3A_1077], %swap3A_1080 {strides = array<i32>} : memref<32xi32, #tpu.memory_space<vmem>>, vector<16xi32>,
    %get3A_1081 = arith.constant 4 : index
    %get3A_1082 = tpu.vector_load %arg7[%get3A_1081] {strides = array<i32>} : memref<32xi32, #tpu.memory_space<vmem>>, vector<16xi32>,
    %get3A_1083 = vector.shape_cast %get3A_1082 : vector<16xi32> to vector<16xi32>
    %min3A_1084 = arith.minsi %min3A_1076, %get3A_1083 : vector<16xi32>
    %swap3A_1085 = arith.constant 0 : index
    %swap3A_1086 = tpu.vector_load %arg7[%swap3A_1085] {strides = array<i32>} : memref<32xi32, #tpu.memory_space<vmem>>, vector<16xi32>,
    %swap3A_1087 = vector.shape_cast %swap3A_1086 : vector<16xi32> to vector<16xi32>
    %swap3A_1088 = vector.shape_cast %min3A_1084 : vector<16xi32> to vector<16xi32>
    tpu.vector_store %arg7[%swap3A_1085], %swap3A_1088 {strides = array<i32>} : memref<32xi32, #tpu.memory_space<vmem>>, vector<16xi32>,
    %get3A_1089 = arith.constant 2 : index
    %get3A_1090 = tpu.vector_load %arg7[%get3A_1089] {strides = array<i32>} : memref<32xi32, #tpu.memory_space<vmem>>, vector<16xi32>,
    %get3A_1091 = vector.shape_cast %get3A_1090 : vector<16xi32> to vector<16xi32>
    %min3A_1092 = arith.minsi %min3A_1084, %get3A_1091 : vector<16xi32>
    %swap3A_1093 = arith.constant 0 : index
    %swap3A_1094 = tpu.vector_load %arg7[%swap3A_1093] {strides = array<i32>} : memref<32xi32, #tpu.memory_space<vmem>>, vector<16xi32>,
    %swap3A_1095 = vector.shape_cast %swap3A_1094 : vector<16xi32> to vector<16xi32>
    %swap3A_1096 = vector.shape_cast %min3A_1092 : vector<16xi32> to vector<16xi32>
    tpu.vector_store %arg7[%swap3A_1093], %swap3A_1096 {strides = array<i32>} : memref<32xi32, #tpu.memory_space<vmem>>, vector<16xi32>,
    %get3A_1097 = arith.constant 1 : index
    %get3A_1098 = tpu.vector_load %arg7[%get3A_1097] {strides = array<i32>} : memref<32xi32, #tpu.memory_space<vmem>>, vector<16xi32>,
    %get3A_1099 = vector.shape_cast %get3A_1098 : vector<16xi32> to vector<16xi32>
    %min3A_1100 = arith.minsi %min3A_1092, %get3A_1099 : vector<16xi32>
    %slice3A_1101 = vector.extract_strided_slice %min3A_1100 {offsets = [0], sizes = [1], strides = [1]} : vector<16xi32> to vector<1xi32>
    %squeeze3A_1102 = vector.extract %slice3A_1101[0] : i32 from vector<1xi32>
    %eq3A_1103 = arith.constant 2 : i32
    %eq3A_1104 = vector.broadcast %eq3A_1103 : i32 to vector<16xi32>
    %eq3A_1105 = arith.cmpi eq, %iota3A, %eq3A_1104 : vector<16xi32>
    %broadcast_in_dim3A_1106 = vector.broadcast %squeeze3A_928 : f32 to vector<16xf32>
    %select_n3A_1107 = arith.select %eq3A_1105, %broadcast_in_dim3A_1106, %select_n3A_759 : vector<16xi1>, vector<16xf32>
    %eq3A_1108 = arith.constant 2 : i32
    %eq3A_1109 = vector.broadcast %eq3A_1108 : i32 to vector<16xi32>
    %eq3A_1110 = arith.cmpi eq, %iota3A, %eq3A_1109 : vector<16xi32>
    %mul3A_1111 = arith.constant 1568 : i32
    %mul3A_1112 = arith.muli %squeeze3A_1058, %mul3A_1111 : i32
    %add3A_1113 = arith.addi %add3A_42, %mul3A_1112 : i32
    %add3A_1114 = arith.addi %add3A_1113, %squeeze3A_1102 : i32
    %broadcast_in_dim3A_1115 = vector.broadcast %add3A_1114 : i32 to vector<16xi32>
    %select_n3A_1116 = arith.select %eq3A_1110, %broadcast_in_dim3A_1115, %select_n3A_768 : vector<16xi1>, vector<16xi32>
    %jit3A_1117 = arith.constant 16 : i32
    %div3A_1118 = arith.divsi %squeeze3A_1102, %jit3A_1117 : i32
    %sign3A_1119 = arith.constant 0 : i32
    %sign3A_1120 = arith.cmpi sgt, %squeeze3A_1102, %sign3A_1119 : i32
    %sign3A_1121 = arith.extui %sign3A_1120 : i1 to i32
    %sign3A_1122 = arith.constant 0 : i32
    %sign3A_1123 = arith.cmpi slt, %squeeze3A_1102, %sign3A_1122 : i32
    %sign3A_1124 = arith.extui %sign3A_1123 : i1 to i32
    %sign3A_1125 = arith.subi %sign3A_1121, %sign3A_1124 : i32
    %sign3A_1126 = arith.constant 0 : i32
    %sign3A_1127 = arith.cmpi sgt, %jit3A_1117, %sign3A_1126 : i32
    %sign3A_1128 = arith.extui %sign3A_1127 : i1 to i32
    %sign3A_1129 = arith.constant 0 : i32
    %sign3A_1130 = arith.cmpi slt, %jit3A_1117, %sign3A_1129 : i32
    %sign3A_1131 = arith.extui %sign3A_1130 : i1 to i32
    %sign3A_1132 = arith.subi %sign3A_1128, %sign3A_1131 : i32
    %ne3A_1133 = arith.cmpi ne, %sign3A_1125, %sign3A_1132 : i32
    %rem3A_1134 = arith.remsi %squeeze3A_1102, %jit3A_1117 : i32
    %ne3A_1135 = arith.constant 0 : i32
    %ne3A_1136 = arith.cmpi ne, %rem3A_1134, %ne3A_1135 : i32
    %and3A_1137 = arith.andi %ne3A_1133, %ne3A_1136 : i1
    %sub3A_1138 = arith.constant 1 : i32
    %sub3A_1139 = arith.subi %div3A_1118, %sub3A_1138 : i32
    %select_n3A_1140 = arith.select %and3A_1137, %sub3A_1139, %div3A_1118 : i32
    %jit3A_1141 = arith.constant 16 : i32
    %eq3A_1142 = arith.constant 0 : i32
    %eq3A_1143 = arith.cmpi eq, %jit3A_1141, %eq3A_1142 : i32
    %jit3A_1144 = arith.constant 1 : i32
    %select_n3A_1145 = arith.select %eq3A_1143, %jit3A_1144, %jit3A_1141 : i32
    %rem3A_1146 = arith.remsi %squeeze3A_1102, %select_n3A_1145 : i32
    %ne3A_1147 = arith.constant 0 : i32
    %ne3A_1148 = arith.cmpi ne, %rem3A_1146, %ne3A_1147 : i32
    %lt3A_1149 = arith.constant 0 : i32
    %lt3A_1150 = arith.cmpi slt, %rem3A_1146, %lt3A_1149 : i32
    %lt3A_1151 = arith.constant 0 : i32
    %lt3A_1152 = arith.cmpi slt, %select_n3A_1145, %lt3A_1151 : i32
    %ne3A_1153 = arith.xori %lt3A_1150, %lt3A_1152 : i1
    %and3A_1154 = arith.andi %ne3A_1153, %ne3A_1148 : i1
    %add3A_1155 = arith.addi %rem3A_1146, %select_n3A_1145 : i32
    %select_n3A_1156 = arith.select %and3A_1154, %add3A_1155, %rem3A_1146 : i32
    %mul3A_1157 = arith.constant 16 : i32
    %mul3A_1158 = arith.muli %select_n3A_1140, %mul3A_1157 : i32
    %add3A_1159 = arith.addi %mul3A_1060, %mul3A_1158 : i32
    %get3A_1160 = arith.index_cast %add3A_1159 : i32 to index
    %get3A_1161 = tpu.vector_load %arg5[%get3A_1160] {strides = array<i32>} : memref<25088xf32, #tpu.memory_space<vmem>>, vector<16xf32>,
    %get3A_1162 = vector.shape_cast %get3A_1161 : vector<16xf32> to vector<16xf32>
    %eq3A_1163 = vector.broadcast %select_n3A_1156 : i32 to vector<16xi32>
    %eq3A_1164 = arith.cmpi eq, %iota3A, %eq3A_1163 : vector<16xi32>
    %select_n3A_1165 = arith.select %eq3A_1164, %broadcast_in_dim3A_86, %get3A_1162 : vector<16xi1>, vector<16xf32>
    %mul3A_1166 = arith.constant 16 : i32
    %mul3A_1167 = arith.muli %select_n3A_1140, %mul3A_1166 : i32
    %add3A_1168 = arith.addi %mul3A_1060, %mul3A_1167 : i32
    %swap3A_1169 = arith.index_cast %add3A_1168 : i32 to index
    %swap3A_1170 = tpu.vector_load %arg5[%swap3A_1169] {strides = array<i32>} : memref<25088xf32, #tpu.memory_space<vmem>>, vector<16xf32>,
    %swap3A_1171 = vector.shape_cast %swap3A_1170 : vector<16xf32> to vector<16xf32>
    %swap3A_1172 = vector.shape_cast %select_n3A_1165 : vector<16xf32> to vector<16xf32>
    tpu.vector_store %arg5[%swap3A_1169], %swap3A_1172 {strides = array<i32>} : memref<25088xf32, #tpu.memory_space<vmem>>, vector<16xf32>,
    %scan3A_1173 = arith.constant 0 : i32
    %scan3A_1174 = arith.constant 49 : i32
    %scan3A_1175 = arith.addi %scan3A_1173, %scan3A_1174 : i32
    %scan3A_1176 = arith.constant 1 : i32
    %scan3A_1177:2 = scf.for %scan3A_3012 = %scan3A_1173 to %scan3A_1175 step %scan3A_1176 iter_args(%scan3A_3013 = %broadcast_in_dim3A_86, %scan3A_3014 = %broadcast_in_dim3A_86) -> (vector<16xf32>, vector<16xf32>)  : i32 {
      %mul3A_3015 = arith.constant 32 : i32
      %mul3A_3016 = arith.muli %scan3A_3012, %mul3A_3015 : i32
      %add3A_3017 = arith.addi %mul3A_1060, %mul3A_3016 : i32
      %get3A_3018 = arith.index_cast %add3A_3017 : i32 to index
      %get3A_3019 = tpu.vector_load %arg5[%get3A_3018] {strides = array<i32>} : memref<25088xf32, #tpu.memory_space<vmem>>, vector<16xf32>,
      %get3A_3020 = vector.shape_cast %get3A_3019 : vector<16xf32> to vector<16xf32>
      %max3A_3021 = arith.maximumf %scan3A_3013, %get3A_3020 : vector<16xf32>
      %add3A_3022 = arith.constant 16 : i32
      %add3A_3023 = arith.addi %add3A_3017, %add3A_3022 : i32
      %get3A_3024 = arith.index_cast %add3A_3023 : i32 to index
      %get3A_3025 = tpu.vector_load %arg5[%get3A_3024] {strides = array<i32>} : memref<25088xf32, #tpu.memory_space<vmem>>, vector<16xf32>,
      %get3A_3026 = vector.shape_cast %get3A_3025 : vector<16xf32> to vector<16xf32>
      %max3A_3027 = arith.maximumf %scan3A_3014, %get3A_3026 : vector<16xf32>
      scf.yield %max3A_3021, %max3A_3027 : vector<16xf32>, vector<16xf32>
    }
    %scan3A_1178 = arith.constant 49 : i32
    %max3A_1179 = arith.maximumf %scan3A_1177#0, %scan3A_1177#1 : vector<16xf32>
    %eq3A_1180 = arith.constant 0 : i32
    %eq3A_1181 = arith.cmpi eq, %squeeze3A_1058, %eq3A_1180 : i32
    %select_n3A_1182 = arith.select %eq3A_1181, %max3A_1179, %select_n3A_834 : vector<16xf32>
    %eq3A_1183 = arith.constant 1 : i32
    %eq3A_1184 = arith.cmpi eq, %squeeze3A_1058, %eq3A_1183 : i32
    %select_n3A_1185 = arith.select %eq3A_1184, %max3A_1179, %select_n3A_837 : vector<16xf32>
    %eq3A_1186 = arith.constant 2 : i32
    %eq3A_1187 = arith.cmpi eq, %squeeze3A_1058, %eq3A_1186 : i32
    %select_n3A_1188 = arith.select %eq3A_1187, %max3A_1179, %select_n3A_840 : vector<16xf32>
    %eq3A_1189 = arith.constant 3 : i32
    %eq3A_1190 = arith.cmpi eq, %squeeze3A_1058, %eq3A_1189 : i32
    %select_n3A_1191 = arith.select %eq3A_1190, %max3A_1179, %select_n3A_843 : vector<16xf32>
    %eq3A_1192 = arith.constant 4 : i32
    %eq3A_1193 = arith.cmpi eq, %squeeze3A_1058, %eq3A_1192 : i32
    %select_n3A_1194 = arith.select %eq3A_1193, %max3A_1179, %select_n3A_846 : vector<16xf32>
    %eq3A_1195 = arith.constant 5 : i32
    %eq3A_1196 = arith.cmpi eq, %squeeze3A_1058, %eq3A_1195 : i32
    %select_n3A_1197 = arith.select %eq3A_1196, %max3A_1179, %select_n3A_849 : vector<16xf32>
    %eq3A_1198 = arith.constant 6 : i32
    %eq3A_1199 = arith.cmpi eq, %squeeze3A_1058, %eq3A_1198 : i32
    %select_n3A_1200 = arith.select %eq3A_1199, %max3A_1179, %select_n3A_852 : vector<16xf32>
    %eq3A_1201 = arith.constant 7 : i32
    %eq3A_1202 = arith.cmpi eq, %squeeze3A_1058, %eq3A_1201 : i32
    %select_n3A_1203 = arith.select %eq3A_1202, %max3A_1179, %select_n3A_855 : vector<16xf32>
    %eq3A_1204 = arith.constant 8 : i32
    %eq3A_1205 = arith.cmpi eq, %squeeze3A_1058, %eq3A_1204 : i32
    %select_n3A_1206 = arith.select %eq3A_1205, %max3A_1179, %select_n3A_858 : vector<16xf32>
    %eq3A_1207 = arith.constant 9 : i32
    %eq3A_1208 = arith.cmpi eq, %squeeze3A_1058, %eq3A_1207 : i32
    %select_n3A_1209 = arith.select %eq3A_1208, %max3A_1179, %select_n3A_861 : vector<16xf32>
    %eq3A_1210 = arith.constant 10 : i32
    %eq3A_1211 = arith.cmpi eq, %squeeze3A_1058, %eq3A_1210 : i32
    %select_n3A_1212 = arith.select %eq3A_1211, %max3A_1179, %select_n3A_864 : vector<16xf32>
    %eq3A_1213 = arith.constant 11 : i32
    %eq3A_1214 = arith.cmpi eq, %squeeze3A_1058, %eq3A_1213 : i32
    %select_n3A_1215 = arith.select %eq3A_1214, %max3A_1179, %select_n3A_867 : vector<16xf32>
    %eq3A_1216 = arith.constant 12 : i32
    %eq3A_1217 = arith.cmpi eq, %squeeze3A_1058, %eq3A_1216 : i32
    %select_n3A_1218 = arith.select %eq3A_1217, %max3A_1179, %select_n3A_870 : vector<16xf32>
    %eq3A_1219 = arith.constant 13 : i32
    %eq3A_1220 = arith.cmpi eq, %squeeze3A_1058, %eq3A_1219 : i32
    %select_n3A_1221 = arith.select %eq3A_1220, %max3A_1179, %select_n3A_873 : vector<16xf32>
    %eq3A_1222 = arith.constant 14 : i32
    %eq3A_1223 = arith.cmpi eq, %squeeze3A_1058, %eq3A_1222 : i32
    %select_n3A_1224 = arith.select %eq3A_1223, %max3A_1179, %select_n3A_876 : vector<16xf32>
    %eq3A_1225 = arith.constant 15 : i32
    %eq3A_1226 = arith.cmpi eq, %squeeze3A_1058, %eq3A_1225 : i32
    %select_n3A_1227 = arith.select %eq3A_1226, %max3A_1179, %select_n3A_879 : vector<16xf32>
    %max3A_1228 = arith.maximumf %select_n3A_1182, %select_n3A_1185 : vector<16xf32>
    %max3A_1229 = arith.maximumf %max3A_1228, %select_n3A_1188 : vector<16xf32>
    %max3A_1230 = arith.maximumf %max3A_1229, %select_n3A_1191 : vector<16xf32>
    %max3A_1231 = arith.maximumf %max3A_1230, %select_n3A_1194 : vector<16xf32>
    %max3A_1232 = arith.maximumf %max3A_1231, %select_n3A_1197 : vector<16xf32>
    %max3A_1233 = arith.maximumf %max3A_1232, %select_n3A_1200 : vector<16xf32>
    %max3A_1234 = arith.maximumf %max3A_1233, %select_n3A_1203 : vector<16xf32>
    %max3A_1235 = arith.maximumf %max3A_1234, %select_n3A_1206 : vector<16xf32>
    %max3A_1236 = arith.maximumf %max3A_1235, %select_n3A_1209 : vector<16xf32>
    %max3A_1237 = arith.maximumf %max3A_1236, %select_n3A_1212 : vector<16xf32>
    %max3A_1238 = arith.maximumf %max3A_1237, %select_n3A_1215 : vector<16xf32>
    %max3A_1239 = arith.maximumf %max3A_1238, %select_n3A_1218 : vector<16xf32>
    %max3A_1240 = arith.maximumf %max3A_1239, %select_n3A_1221 : vector<16xf32>
    %max3A_1241 = arith.maximumf %max3A_1240, %select_n3A_1224 : vector<16xf32>
    %max3A_1242 = arith.maximumf %max3A_1241, %select_n3A_1227 : vector<16xf32>
    %swap3A_1243 = arith.constant 0 : index
    %swap3A_1244 = tpu.vector_load %arg6[%swap3A_1243] {strides = array<i32>} : memref<32xf32, #tpu.memory_space<vmem>>, vector<16xf32>,
    %swap3A_1245 = vector.shape_cast %swap3A_1244 : vector<16xf32> to vector<16xf32>
    %swap3A_1246 = vector.shape_cast %max3A_1242 : vector<16xf32> to vector<16xf32>
    tpu.vector_store %arg6[%swap3A_1243], %swap3A_1246 {strides = array<i32>} : memref<32xf32, #tpu.memory_space<vmem>>, vector<16xf32>,
    %get3A_1247 = arith.constant 8 : index
    %get3A_1248 = tpu.vector_load %arg6[%get3A_1247] {strides = array<i32>} : memref<32xf32, #tpu.memory_space<vmem>>, vector<16xf32>,
    %get3A_1249 = vector.shape_cast %get3A_1248 : vector<16xf32> to vector<16xf32>
    %max3A_1250 = arith.maximumf %max3A_1242, %get3A_1249 : vector<16xf32>
    %swap3A_1251 = arith.constant 0 : index
    %swap3A_1252 = tpu.vector_load %arg6[%swap3A_1251] {strides = array<i32>} : memref<32xf32, #tpu.memory_space<vmem>>, vector<16xf32>,
    %swap3A_1253 = vector.shape_cast %swap3A_1252 : vector<16xf32> to vector<16xf32>
    %swap3A_1254 = vector.shape_cast %max3A_1250 : vector<16xf32> to vector<16xf32>
    tpu.vector_store %arg6[%swap3A_1251], %swap3A_1254 {strides = array<i32>} : memref<32xf32, #tpu.memory_space<vmem>>, vector<16xf32>,
    %get3A_1255 = arith.constant 4 : index
    %get3A_1256 = tpu.vector_load %arg6[%get3A_1255] {strides = array<i32>} : memref<32xf32, #tpu.memory_space<vmem>>, vector<16xf32>,
    %get3A_1257 = vector.shape_cast %get3A_1256 : vector<16xf32> to vector<16xf32>
    %max3A_1258 = arith.maximumf %max3A_1250, %get3A_1257 : vector<16xf32>
    %swap3A_1259 = arith.constant 0 : index
    %swap3A_1260 = tpu.vector_load %arg6[%swap3A_1259] {strides = array<i32>} : memref<32xf32, #tpu.memory_space<vmem>>, vector<16xf32>,
    %swap3A_1261 = vector.shape_cast %swap3A_1260 : vector<16xf32> to vector<16xf32>
    %swap3A_1262 = vector.shape_cast %max3A_1258 : vector<16xf32> to vector<16xf32>
    tpu.vector_store %arg6[%swap3A_1259], %swap3A_1262 {strides = array<i32>} : memref<32xf32, #tpu.memory_space<vmem>>, vector<16xf32>,
    %get3A_1263 = arith.constant 2 : index
    %get3A_1264 = tpu.vector_load %arg6[%get3A_1263] {strides = array<i32>} : memref<32xf32, #tpu.memory_space<vmem>>, vector<16xf32>,
    %get3A_1265 = vector.shape_cast %get3A_1264 : vector<16xf32> to vector<16xf32>
    %max3A_1266 = arith.maximumf %max3A_1258, %get3A_1265 : vector<16xf32>
    %swap3A_1267 = arith.constant 0 : index
    %swap3A_1268 = tpu.vector_load %arg6[%swap3A_1267] {strides = array<i32>} : memref<32xf32, #tpu.memory_space<vmem>>, vector<16xf32>,
    %swap3A_1269 = vector.shape_cast %swap3A_1268 : vector<16xf32> to vector<16xf32>
    %swap3A_1270 = vector.shape_cast %max3A_1266 : vector<16xf32> to vector<16xf32>
    tpu.vector_store %arg6[%swap3A_1267], %swap3A_1270 {strides = array<i32>} : memref<32xf32, #tpu.memory_space<vmem>>, vector<16xf32>,
    %get3A_1271 = arith.constant 1 : index
    %get3A_1272 = tpu.vector_load %arg6[%get3A_1271] {strides = array<i32>} : memref<32xf32, #tpu.memory_space<vmem>>, vector<16xf32>,
    %get3A_1273 = vector.shape_cast %get3A_1272 : vector<16xf32> to vector<16xf32>
    %max3A_1274 = arith.maximumf %max3A_1266, %get3A_1273 : vector<16xf32>
    %slice3A_1275 = vector.extract_strided_slice %max3A_1274 {offsets = [0], sizes = [1], strides = [1]} : vector<16xf32> to vector<1xf32>
    %squeeze3A_1276 = vector.extract %slice3A_1275[0] : f32 from vector<1xf32>
    %eq3A_1277 = vector.broadcast %squeeze3A_1276 : f32 to vector<16xf32>
    %eq3A_1278 = arith.cmpf oeq, %select_n3A_1182, %eq3A_1277 : vector<16xf32>
    %min3A_1279 = arith.constant 0 : i32
    %min3A_1280 = vector.broadcast %min3A_1279 : i32 to vector<16xi32>
    %min3A_1281 = arith.minsi %broadcast_in_dim3A_187, %min3A_1280 : vector<16xi32>
    %select_n3A_1282 = arith.select %eq3A_1278, %min3A_1281, %broadcast_in_dim3A_187 : vector<16xi1>, vector<16xi32>
    %eq3A_1283 = vector.broadcast %squeeze3A_1276 : f32 to vector<16xf32>
    %eq3A_1284 = arith.cmpf oeq, %select_n3A_1185, %eq3A_1283 : vector<16xf32>
    %min3A_1285 = arith.constant 1 : i32
    %min3A_1286 = vector.broadcast %min3A_1285 : i32 to vector<16xi32>
    %min3A_1287 = arith.minsi %select_n3A_1282, %min3A_1286 : vector<16xi32>
    %select_n3A_1288 = arith.select %eq3A_1284, %min3A_1287, %select_n3A_1282 : vector<16xi1>, vector<16xi32>
    %eq3A_1289 = vector.broadcast %squeeze3A_1276 : f32 to vector<16xf32>
    %eq3A_1290 = arith.cmpf oeq, %select_n3A_1188, %eq3A_1289 : vector<16xf32>
    %min3A_1291 = arith.constant 2 : i32
    %min3A_1292 = vector.broadcast %min3A_1291 : i32 to vector<16xi32>
    %min3A_1293 = arith.minsi %select_n3A_1288, %min3A_1292 : vector<16xi32>
    %select_n3A_1294 = arith.select %eq3A_1290, %min3A_1293, %select_n3A_1288 : vector<16xi1>, vector<16xi32>
    %eq3A_1295 = vector.broadcast %squeeze3A_1276 : f32 to vector<16xf32>
    %eq3A_1296 = arith.cmpf oeq, %select_n3A_1191, %eq3A_1295 : vector<16xf32>
    %min3A_1297 = arith.constant 3 : i32
    %min3A_1298 = vector.broadcast %min3A_1297 : i32 to vector<16xi32>
    %min3A_1299 = arith.minsi %select_n3A_1294, %min3A_1298 : vector<16xi32>
    %select_n3A_1300 = arith.select %eq3A_1296, %min3A_1299, %select_n3A_1294 : vector<16xi1>, vector<16xi32>
    %eq3A_1301 = vector.broadcast %squeeze3A_1276 : f32 to vector<16xf32>
    %eq3A_1302 = arith.cmpf oeq, %select_n3A_1194, %eq3A_1301 : vector<16xf32>
    %min3A_1303 = arith.constant 4 : i32
    %min3A_1304 = vector.broadcast %min3A_1303 : i32 to vector<16xi32>
    %min3A_1305 = arith.minsi %select_n3A_1300, %min3A_1304 : vector<16xi32>
    %select_n3A_1306 = arith.select %eq3A_1302, %min3A_1305, %select_n3A_1300 : vector<16xi1>, vector<16xi32>
    %eq3A_1307 = vector.broadcast %squeeze3A_1276 : f32 to vector<16xf32>
    %eq3A_1308 = arith.cmpf oeq, %select_n3A_1197, %eq3A_1307 : vector<16xf32>
    %min3A_1309 = arith.constant 5 : i32
    %min3A_1310 = vector.broadcast %min3A_1309 : i32 to vector<16xi32>
    %min3A_1311 = arith.minsi %select_n3A_1306, %min3A_1310 : vector<16xi32>
    %select_n3A_1312 = arith.select %eq3A_1308, %min3A_1311, %select_n3A_1306 : vector<16xi1>, vector<16xi32>
    %eq3A_1313 = vector.broadcast %squeeze3A_1276 : f32 to vector<16xf32>
    %eq3A_1314 = arith.cmpf oeq, %select_n3A_1200, %eq3A_1313 : vector<16xf32>
    %min3A_1315 = arith.constant 6 : i32
    %min3A_1316 = vector.broadcast %min3A_1315 : i32 to vector<16xi32>
    %min3A_1317 = arith.minsi %select_n3A_1312, %min3A_1316 : vector<16xi32>
    %select_n3A_1318 = arith.select %eq3A_1314, %min3A_1317, %select_n3A_1312 : vector<16xi1>, vector<16xi32>
    %eq3A_1319 = vector.broadcast %squeeze3A_1276 : f32 to vector<16xf32>
    %eq3A_1320 = arith.cmpf oeq, %select_n3A_1203, %eq3A_1319 : vector<16xf32>
    %min3A_1321 = arith.constant 7 : i32
    %min3A_1322 = vector.broadcast %min3A_1321 : i32 to vector<16xi32>
    %min3A_1323 = arith.minsi %select_n3A_1318, %min3A_1322 : vector<16xi32>
    %select_n3A_1324 = arith.select %eq3A_1320, %min3A_1323, %select_n3A_1318 : vector<16xi1>, vector<16xi32>
    %eq3A_1325 = vector.broadcast %squeeze3A_1276 : f32 to vector<16xf32>
    %eq3A_1326 = arith.cmpf oeq, %select_n3A_1206, %eq3A_1325 : vector<16xf32>
    %min3A_1327 = arith.constant 8 : i32
    %min3A_1328 = vector.broadcast %min3A_1327 : i32 to vector<16xi32>
    %min3A_1329 = arith.minsi %select_n3A_1324, %min3A_1328 : vector<16xi32>
    %select_n3A_1330 = arith.select %eq3A_1326, %min3A_1329, %select_n3A_1324 : vector<16xi1>, vector<16xi32>
    %eq3A_1331 = vector.broadcast %squeeze3A_1276 : f32 to vector<16xf32>
    %eq3A_1332 = arith.cmpf oeq, %select_n3A_1209, %eq3A_1331 : vector<16xf32>
    %min3A_1333 = arith.constant 9 : i32
    %min3A_1334 = vector.broadcast %min3A_1333 : i32 to vector<16xi32>
    %min3A_1335 = arith.minsi %select_n3A_1330, %min3A_1334 : vector<16xi32>
    %select_n3A_1336 = arith.select %eq3A_1332, %min3A_1335, %select_n3A_1330 : vector<16xi1>, vector<16xi32>
    %eq3A_1337 = vector.broadcast %squeeze3A_1276 : f32 to vector<16xf32>
    %eq3A_1338 = arith.cmpf oeq, %select_n3A_1212, %eq3A_1337 : vector<16xf32>
    %min3A_1339 = arith.constant 10 : i32
    %min3A_1340 = vector.broadcast %min3A_1339 : i32 to vector<16xi32>
    %min3A_1341 = arith.minsi %select_n3A_1336, %min3A_1340 : vector<16xi32>
    %select_n3A_1342 = arith.select %eq3A_1338, %min3A_1341, %select_n3A_1336 : vector<16xi1>, vector<16xi32>
    %eq3A_1343 = vector.broadcast %squeeze3A_1276 : f32 to vector<16xf32>
    %eq3A_1344 = arith.cmpf oeq, %select_n3A_1215, %eq3A_1343 : vector<16xf32>
    %min3A_1345 = arith.constant 11 : i32
    %min3A_1346 = vector.broadcast %min3A_1345 : i32 to vector<16xi32>
    %min3A_1347 = arith.minsi %select_n3A_1342, %min3A_1346 : vector<16xi32>
    %select_n3A_1348 = arith.select %eq3A_1344, %min3A_1347, %select_n3A_1342 : vector<16xi1>, vector<16xi32>
    %eq3A_1349 = vector.broadcast %squeeze3A_1276 : f32 to vector<16xf32>
    %eq3A_1350 = arith.cmpf oeq, %select_n3A_1218, %eq3A_1349 : vector<16xf32>
    %min3A_1351 = arith.constant 12 : i32
    %min3A_1352 = vector.broadcast %min3A_1351 : i32 to vector<16xi32>
    %min3A_1353 = arith.minsi %select_n3A_1348, %min3A_1352 : vector<16xi32>
    %select_n3A_1354 = arith.select %eq3A_1350, %min3A_1353, %select_n3A_1348 : vector<16xi1>, vector<16xi32>
    %eq3A_1355 = vector.broadcast %squeeze3A_1276 : f32 to vector<16xf32>
    %eq3A_1356 = arith.cmpf oeq, %select_n3A_1221, %eq3A_1355 : vector<16xf32>
    %min3A_1357 = arith.constant 13 : i32
    %min3A_1358 = vector.broadcast %min3A_1357 : i32 to vector<16xi32>
    %min3A_1359 = arith.minsi %select_n3A_1354, %min3A_1358 : vector<16xi32>
    %select_n3A_1360 = arith.select %eq3A_1356, %min3A_1359, %select_n3A_1354 : vector<16xi1>, vector<16xi32>
    %eq3A_1361 = vector.broadcast %squeeze3A_1276 : f32 to vector<16xf32>
    %eq3A_1362 = arith.cmpf oeq, %select_n3A_1224, %eq3A_1361 : vector<16xf32>
    %min3A_1363 = arith.constant 14 : i32
    %min3A_1364 = vector.broadcast %min3A_1363 : i32 to vector<16xi32>
    %min3A_1365 = arith.minsi %select_n3A_1360, %min3A_1364 : vector<16xi32>
    %select_n3A_1366 = arith.select %eq3A_1362, %min3A_1365, %select_n3A_1360 : vector<16xi1>, vector<16xi32>
    %eq3A_1367 = vector.broadcast %squeeze3A_1276 : f32 to vector<16xf32>
    %eq3A_1368 = arith.cmpf oeq, %select_n3A_1227, %eq3A_1367 : vector<16xf32>
    %min3A_1369 = arith.constant 15 : i32
    %min3A_1370 = vector.broadcast %min3A_1369 : i32 to vector<16xi32>
    %min3A_1371 = arith.minsi %select_n3A_1366, %min3A_1370 : vector<16xi32>
    %select_n3A_1372 = arith.select %eq3A_1368, %min3A_1371, %select_n3A_1366 : vector<16xi1>, vector<16xi32>
    %swap3A_1373 = arith.constant 0 : index
    %swap3A_1374 = tpu.vector_load %arg7[%swap3A_1373] {strides = array<i32>} : memref<32xi32, #tpu.memory_space<vmem>>, vector<16xi32>,
    %swap3A_1375 = vector.shape_cast %swap3A_1374 : vector<16xi32> to vector<16xi32>
    %swap3A_1376 = vector.shape_cast %select_n3A_1372 : vector<16xi32> to vector<16xi32>
    tpu.vector_store %arg7[%swap3A_1373], %swap3A_1376 {strides = array<i32>} : memref<32xi32, #tpu.memory_space<vmem>>, vector<16xi32>,
    %get3A_1377 = arith.constant 8 : index
    %get3A_1378 = tpu.vector_load %arg7[%get3A_1377] {strides = array<i32>} : memref<32xi32, #tpu.memory_space<vmem>>, vector<16xi32>,
    %get3A_1379 = vector.shape_cast %get3A_1378 : vector<16xi32> to vector<16xi32>
    %min3A_1380 = arith.minsi %select_n3A_1372, %get3A_1379 : vector<16xi32>
    %swap3A_1381 = arith.constant 0 : index
    %swap3A_1382 = tpu.vector_load %arg7[%swap3A_1381] {strides = array<i32>} : memref<32xi32, #tpu.memory_space<vmem>>, vector<16xi32>,
    %swap3A_1383 = vector.shape_cast %swap3A_1382 : vector<16xi32> to vector<16xi32>
    %swap3A_1384 = vector.shape_cast %min3A_1380 : vector<16xi32> to vector<16xi32>
    tpu.vector_store %arg7[%swap3A_1381], %swap3A_1384 {strides = array<i32>} : memref<32xi32, #tpu.memory_space<vmem>>, vector<16xi32>,
    %get3A_1385 = arith.constant 4 : index
    %get3A_1386 = tpu.vector_load %arg7[%get3A_1385] {strides = array<i32>} : memref<32xi32, #tpu.memory_space<vmem>>, vector<16xi32>,
    %get3A_1387 = vector.shape_cast %get3A_1386 : vector<16xi32> to vector<16xi32>
    %min3A_1388 = arith.minsi %min3A_1380, %get3A_1387 : vector<16xi32>
    %swap3A_1389 = arith.constant 0 : index
    %swap3A_1390 = tpu.vector_load %arg7[%swap3A_1389] {strides = array<i32>} : memref<32xi32, #tpu.memory_space<vmem>>, vector<16xi32>,
    %swap3A_1391 = vector.shape_cast %swap3A_1390 : vector<16xi32> to vector<16xi32>
    %swap3A_1392 = vector.shape_cast %min3A_1388 : vector<16xi32> to vector<16xi32>
    tpu.vector_store %arg7[%swap3A_1389], %swap3A_1392 {strides = array<i32>} : memref<32xi32, #tpu.memory_space<vmem>>, vector<16xi32>,
    %get3A_1393 = arith.constant 2 : index
    %get3A_1394 = tpu.vector_load %arg7[%get3A_1393] {strides = array<i32>} : memref<32xi32, #tpu.memory_space<vmem>>, vector<16xi32>,
    %get3A_1395 = vector.shape_cast %get3A_1394 : vector<16xi32> to vector<16xi32>
    %min3A_1396 = arith.minsi %min3A_1388, %get3A_1395 : vector<16xi32>
    %swap3A_1397 = arith.constant 0 : index
    %swap3A_1398 = tpu.vector_load %arg7[%swap3A_1397] {strides = array<i32>} : memref<32xi32, #tpu.memory_space<vmem>>, vector<16xi32>,
    %swap3A_1399 = vector.shape_cast %swap3A_1398 : vector<16xi32> to vector<16xi32>
    %swap3A_1400 = vector.shape_cast %min3A_1396 : vector<16xi32> to vector<16xi32>
    tpu.vector_store %arg7[%swap3A_1397], %swap3A_1400 {strides = array<i32>} : memref<32xi32, #tpu.memory_space<vmem>>, vector<16xi32>,
    %get3A_1401 = arith.constant 1 : index
    %get3A_1402 = tpu.vector_load %arg7[%get3A_1401] {strides = array<i32>} : memref<32xi32, #tpu.memory_space<vmem>>, vector<16xi32>,
    %get3A_1403 = vector.shape_cast %get3A_1402 : vector<16xi32> to vector<16xi32>
    %min3A_1404 = arith.minsi %min3A_1396, %get3A_1403 : vector<16xi32>
    %slice3A_1405 = vector.extract_strided_slice %min3A_1404 {offsets = [0], sizes = [1], strides = [1]} : vector<16xi32> to vector<1xi32>
    %squeeze3A_1406 = vector.extract %slice3A_1405[0] : i32 from vector<1xi32>
    %mul3A_1407 = arith.constant 1568 : i32
    %mul3A_1408 = arith.muli %squeeze3A_1406, %mul3A_1407 : i32
    %broadcast_in_dim3A_1409 = arith.constant 2147483647 : i32
    %broadcast_in_dim3A_1410 = vector.broadcast %broadcast_in_dim3A_1409 : i32 to vector<16xi32>
    %scan3A_1411 = arith.constant 0 : i32
    %scan3A_1412 = arith.constant 98 : i32
    %scan3A_1413 = arith.addi %scan3A_1411, %scan3A_1412 : i32
    %scan3A_1414 = arith.constant 1 : i32
    %scan3A_1415 = scf.for %scan3A_3012 = %scan3A_1411 to %scan3A_1413 step %scan3A_1414 iter_args(%scan3A_3013 = %broadcast_in_dim3A_1410) -> (vector<16xi32>)  : i32 {
      %mul3A_3014 = arith.constant 16 : i32
      %mul3A_3015 = arith.muli %scan3A_3012, %mul3A_3014 : i32
      %add3A_3016 = arith.addi %mul3A_1408, %mul3A_3015 : i32
      %get3A_3017 = arith.index_cast %add3A_3016 : i32 to index
      %get3A_3018 = tpu.vector_load %arg5[%get3A_3017] {strides = array<i32>} : memref<25088xf32, #tpu.memory_space<vmem>>, vector<16xf32>,
      %get3A_3019 = vector.shape_cast %get3A_3018 : vector<16xf32> to vector<16xf32>
      %eq3A_3020 = vector.broadcast %squeeze3A_1276 : f32 to vector<16xf32>
      %eq3A_3021 = arith.cmpf oeq, %get3A_3019, %eq3A_3020 : vector<16xf32>
      %mul3A_3022 = arith.constant 16 : i32
      %mul3A_3023 = arith.muli %scan3A_3012, %mul3A_3022 : i32
      %add3A_3024 = vector.broadcast %mul3A_3023 : i32 to vector<16xi32>
      %add3A_3025 = arith.addi %add3A_3024, %iota3A : vector<16xi32>
      %jit3A_3026 = arith.constant 2147483647 : i32
      %broadcast_in_dim3A_3027 = vector.broadcast %jit3A_3026 : i32 to vector<16xi32>
      %select_n3A_3028 = arith.select %eq3A_3021, %add3A_3025, %broadcast_in_dim3A_3027 : vector<16xi1>, vector<16xi32>
      %min3A_3029 = arith.minsi %scan3A_3013, %select_n3A_3028 : vector<16xi32>
      scf.yield %min3A_3029 : vector<16xi32>
    }
    %scan3A_1416 = arith.constant 98 : i32
    %swap3A_1417 = arith.constant 0 : index
    %swap3A_1418 = tpu.vector_load %arg7[%swap3A_1417] {strides = array<i32>} : memref<32xi32, #tpu.memory_space<vmem>>, vector<16xi32>,
    %swap3A_1419 = vector.shape_cast %swap3A_1418 : vector<16xi32> to vector<16xi32>
    %swap3A_1420 = vector.shape_cast %scan3A_1415 : vector<16xi32> to vector<16xi32>
    tpu.vector_store %arg7[%swap3A_1417], %swap3A_1420 {strides = array<i32>} : memref<32xi32, #tpu.memory_space<vmem>>, vector<16xi32>,
    %get3A_1421 = arith.constant 8 : index
    %get3A_1422 = tpu.vector_load %arg7[%get3A_1421] {strides = array<i32>} : memref<32xi32, #tpu.memory_space<vmem>>, vector<16xi32>,
    %get3A_1423 = vector.shape_cast %get3A_1422 : vector<16xi32> to vector<16xi32>
    %min3A_1424 = arith.minsi %scan3A_1415, %get3A_1423 : vector<16xi32>
    %swap3A_1425 = arith.constant 0 : index
    %swap3A_1426 = tpu.vector_load %arg7[%swap3A_1425] {strides = array<i32>} : memref<32xi32, #tpu.memory_space<vmem>>, vector<16xi32>,
    %swap3A_1427 = vector.shape_cast %swap3A_1426 : vector<16xi32> to vector<16xi32>
    %swap3A_1428 = vector.shape_cast %min3A_1424 : vector<16xi32> to vector<16xi32>
    tpu.vector_store %arg7[%swap3A_1425], %swap3A_1428 {strides = array<i32>} : memref<32xi32, #tpu.memory_space<vmem>>, vector<16xi32>,
    %get3A_1429 = arith.constant 4 : index
    %get3A_1430 = tpu.vector_load %arg7[%get3A_1429] {strides = array<i32>} : memref<32xi32, #tpu.memory_space<vmem>>, vector<16xi32>,
    %get3A_1431 = vector.shape_cast %get3A_1430 : vector<16xi32> to vector<16xi32>
    %min3A_1432 = arith.minsi %min3A_1424, %get3A_1431 : vector<16xi32>
    %swap3A_1433 = arith.constant 0 : index
    %swap3A_1434 = tpu.vector_load %arg7[%swap3A_1433] {strides = array<i32>} : memref<32xi32, #tpu.memory_space<vmem>>, vector<16xi32>,
    %swap3A_1435 = vector.shape_cast %swap3A_1434 : vector<16xi32> to vector<16xi32>
    %swap3A_1436 = vector.shape_cast %min3A_1432 : vector<16xi32> to vector<16xi32>
    tpu.vector_store %arg7[%swap3A_1433], %swap3A_1436 {strides = array<i32>} : memref<32xi32, #tpu.memory_space<vmem>>, vector<16xi32>,
    %get3A_1437 = arith.constant 2 : index
    %get3A_1438 = tpu.vector_load %arg7[%get3A_1437] {strides = array<i32>} : memref<32xi32, #tpu.memory_space<vmem>>, vector<16xi32>,
    %get3A_1439 = vector.shape_cast %get3A_1438 : vector<16xi32> to vector<16xi32>
    %min3A_1440 = arith.minsi %min3A_1432, %get3A_1439 : vector<16xi32>
    %swap3A_1441 = arith.constant 0 : index
    %swap3A_1442 = tpu.vector_load %arg7[%swap3A_1441] {strides = array<i32>} : memref<32xi32, #tpu.memory_space<vmem>>, vector<16xi32>,
    %swap3A_1443 = vector.shape_cast %swap3A_1442 : vector<16xi32> to vector<16xi32>
    %swap3A_1444 = vector.shape_cast %min3A_1440 : vector<16xi32> to vector<16xi32>
    tpu.vector_store %arg7[%swap3A_1441], %swap3A_1444 {strides = array<i32>} : memref<32xi32, #tpu.memory_space<vmem>>, vector<16xi32>,
    %get3A_1445 = arith.constant 1 : index
    %get3A_1446 = tpu.vector_load %arg7[%get3A_1445] {strides = array<i32>} : memref<32xi32, #tpu.memory_space<vmem>>, vector<16xi32>,
    %get3A_1447 = vector.shape_cast %get3A_1446 : vector<16xi32> to vector<16xi32>
    %min3A_1448 = arith.minsi %min3A_1440, %get3A_1447 : vector<16xi32>
    %slice3A_1449 = vector.extract_strided_slice %min3A_1448 {offsets = [0], sizes = [1], strides = [1]} : vector<16xi32> to vector<1xi32>
    %squeeze3A_1450 = vector.extract %slice3A_1449[0] : i32 from vector<1xi32>
    %eq3A_1451 = arith.constant 3 : i32
    %eq3A_1452 = vector.broadcast %eq3A_1451 : i32 to vector<16xi32>
    %eq3A_1453 = arith.cmpi eq, %iota3A, %eq3A_1452 : vector<16xi32>
    %broadcast_in_dim3A_1454 = vector.broadcast %squeeze3A_1276 : f32 to vector<16xf32>
    %select_n3A_1455 = arith.select %eq3A_1453, %broadcast_in_dim3A_1454, %select_n3A_1107 : vector<16xi1>, vector<16xf32>
    %eq3A_1456 = arith.constant 3 : i32
    %eq3A_1457 = vector.broadcast %eq3A_1456 : i32 to vector<16xi32>
    %eq3A_1458 = arith.cmpi eq, %iota3A, %eq3A_1457 : vector<16xi32>
    %mul3A_1459 = arith.constant 1568 : i32
    %mul3A_1460 = arith.muli %squeeze3A_1406, %mul3A_1459 : i32
    %add3A_1461 = arith.addi %add3A_42, %mul3A_1460 : i32
    %add3A_1462 = arith.addi %add3A_1461, %squeeze3A_1450 : i32
    %broadcast_in_dim3A_1463 = vector.broadcast %add3A_1462 : i32 to vector<16xi32>
    %select_n3A_1464 = arith.select %eq3A_1458, %broadcast_in_dim3A_1463, %select_n3A_1116 : vector<16xi1>, vector<16xi32>
    %jit3A_1465 = arith.constant 16 : i32
    %div3A_1466 = arith.divsi %squeeze3A_1450, %jit3A_1465 : i32
    %sign3A_1467 = arith.constant 0 : i32
    %sign3A_1468 = arith.cmpi sgt, %squeeze3A_1450, %sign3A_1467 : i32
    %sign3A_1469 = arith.extui %sign3A_1468 : i1 to i32
    %sign3A_1470 = arith.constant 0 : i32
    %sign3A_1471 = arith.cmpi slt, %squeeze3A_1450, %sign3A_1470 : i32
    %sign3A_1472 = arith.extui %sign3A_1471 : i1 to i32
    %sign3A_1473 = arith.subi %sign3A_1469, %sign3A_1472 : i32
    %sign3A_1474 = arith.constant 0 : i32
    %sign3A_1475 = arith.cmpi sgt, %jit3A_1465, %sign3A_1474 : i32
    %sign3A_1476 = arith.extui %sign3A_1475 : i1 to i32
    %sign3A_1477 = arith.constant 0 : i32
    %sign3A_1478 = arith.cmpi slt, %jit3A_1465, %sign3A_1477 : i32
    %sign3A_1479 = arith.extui %sign3A_1478 : i1 to i32
    %sign3A_1480 = arith.subi %sign3A_1476, %sign3A_1479 : i32
    %ne3A_1481 = arith.cmpi ne, %sign3A_1473, %sign3A_1480 : i32
    %rem3A_1482 = arith.remsi %squeeze3A_1450, %jit3A_1465 : i32
    %ne3A_1483 = arith.constant 0 : i32
    %ne3A_1484 = arith.cmpi ne, %rem3A_1482, %ne3A_1483 : i32
    %and3A_1485 = arith.andi %ne3A_1481, %ne3A_1484 : i1
    %sub3A_1486 = arith.constant 1 : i32
    %sub3A_1487 = arith.subi %div3A_1466, %sub3A_1486 : i32
    %select_n3A_1488 = arith.select %and3A_1485, %sub3A_1487, %div3A_1466 : i32
    %jit3A_1489 = arith.constant 16 : i32
    %eq3A_1490 = arith.constant 0 : i32
    %eq3A_1491 = arith.cmpi eq, %jit3A_1489, %eq3A_1490 : i32
    %jit3A_1492 = arith.constant 1 : i32
    %select_n3A_1493 = arith.select %eq3A_1491, %jit3A_1492, %jit3A_1489 : i32
    %rem3A_1494 = arith.remsi %squeeze3A_1450, %select_n3A_1493 : i32
    %ne3A_1495 = arith.constant 0 : i32
    %ne3A_1496 = arith.cmpi ne, %rem3A_1494, %ne3A_1495 : i32
    %lt3A_1497 = arith.constant 0 : i32
    %lt3A_1498 = arith.cmpi slt, %rem3A_1494, %lt3A_1497 : i32
    %lt3A_1499 = arith.constant 0 : i32
    %lt3A_1500 = arith.cmpi slt, %select_n3A_1493, %lt3A_1499 : i32
    %ne3A_1501 = arith.xori %lt3A_1498, %lt3A_1500 : i1
    %and3A_1502 = arith.andi %ne3A_1501, %ne3A_1496 : i1
    %add3A_1503 = arith.addi %rem3A_1494, %select_n3A_1493 : i32
    %select_n3A_1504 = arith.select %and3A_1502, %add3A_1503, %rem3A_1494 : i32
    %mul3A_1505 = arith.constant 16 : i32
    %mul3A_1506 = arith.muli %select_n3A_1488, %mul3A_1505 : i32
    %add3A_1507 = arith.addi %mul3A_1408, %mul3A_1506 : i32
    %get3A_1508 = arith.index_cast %add3A_1507 : i32 to index
    %get3A_1509 = tpu.vector_load %arg5[%get3A_1508] {strides = array<i32>} : memref<25088xf32, #tpu.memory_space<vmem>>, vector<16xf32>,
    %get3A_1510 = vector.shape_cast %get3A_1509 : vector<16xf32> to vector<16xf32>
    %eq3A_1511 = vector.broadcast %select_n3A_1504 : i32 to vector<16xi32>
    %eq3A_1512 = arith.cmpi eq, %iota3A, %eq3A_1511 : vector<16xi32>
    %select_n3A_1513 = arith.select %eq3A_1512, %broadcast_in_dim3A_86, %get3A_1510 : vector<16xi1>, vector<16xf32>
    %mul3A_1514 = arith.constant 16 : i32
    %mul3A_1515 = arith.muli %select_n3A_1488, %mul3A_1514 : i32
    %add3A_1516 = arith.addi %mul3A_1408, %mul3A_1515 : i32
    %swap3A_1517 = arith.index_cast %add3A_1516 : i32 to index
    %swap3A_1518 = tpu.vector_load %arg5[%swap3A_1517] {strides = array<i32>} : memref<25088xf32, #tpu.memory_space<vmem>>, vector<16xf32>,
    %swap3A_1519 = vector.shape_cast %swap3A_1518 : vector<16xf32> to vector<16xf32>
    %swap3A_1520 = vector.shape_cast %select_n3A_1513 : vector<16xf32> to vector<16xf32>
    tpu.vector_store %arg5[%swap3A_1517], %swap3A_1520 {strides = array<i32>} : memref<25088xf32, #tpu.memory_space<vmem>>, vector<16xf32>,
    %scan3A_1521 = arith.constant 0 : i32
    %scan3A_1522 = arith.constant 49 : i32
    %scan3A_1523 = arith.addi %scan3A_1521, %scan3A_1522 : i32
    %scan3A_1524 = arith.constant 1 : i32
    %scan3A_1525:2 = scf.for %scan3A_3012 = %scan3A_1521 to %scan3A_1523 step %scan3A_1524 iter_args(%scan3A_3013 = %broadcast_in_dim3A_86, %scan3A_3014 = %broadcast_in_dim3A_86) -> (vector<16xf32>, vector<16xf32>)  : i32 {
      %mul3A_3015 = arith.constant 32 : i32
      %mul3A_3016 = arith.muli %scan3A_3012, %mul3A_3015 : i32
      %add3A_3017 = arith.addi %mul3A_1408, %mul3A_3016 : i32
      %get3A_3018 = arith.index_cast %add3A_3017 : i32 to index
      %get3A_3019 = tpu.vector_load %arg5[%get3A_3018] {strides = array<i32>} : memref<25088xf32, #tpu.memory_space<vmem>>, vector<16xf32>,
      %get3A_3020 = vector.shape_cast %get3A_3019 : vector<16xf32> to vector<16xf32>
      %max3A_3021 = arith.maximumf %scan3A_3013, %get3A_3020 : vector<16xf32>
      %add3A_3022 = arith.constant 16 : i32
      %add3A_3023 = arith.addi %add3A_3017, %add3A_3022 : i32
      %get3A_3024 = arith.index_cast %add3A_3023 : i32 to index
      %get3A_3025 = tpu.vector_load %arg5[%get3A_3024] {strides = array<i32>} : memref<25088xf32, #tpu.memory_space<vmem>>, vector<16xf32>,
      %get3A_3026 = vector.shape_cast %get3A_3025 : vector<16xf32> to vector<16xf32>
      %max3A_3027 = arith.maximumf %scan3A_3014, %get3A_3026 : vector<16xf32>
      scf.yield %max3A_3021, %max3A_3027 : vector<16xf32>, vector<16xf32>
    }
    %scan3A_1526 = arith.constant 49 : i32
    %max3A_1527 = arith.maximumf %scan3A_1525#0, %scan3A_1525#1 : vector<16xf32>
    %eq3A_1528 = arith.constant 0 : i32
    %eq3A_1529 = arith.cmpi eq, %squeeze3A_1406, %eq3A_1528 : i32
    %select_n3A_1530 = arith.select %eq3A_1529, %max3A_1527, %select_n3A_1182 : vector<16xf32>
    %eq3A_1531 = arith.constant 1 : i32
    %eq3A_1532 = arith.cmpi eq, %squeeze3A_1406, %eq3A_1531 : i32
    %select_n3A_1533 = arith.select %eq3A_1532, %max3A_1527, %select_n3A_1185 : vector<16xf32>
    %eq3A_1534 = arith.constant 2 : i32
    %eq3A_1535 = arith.cmpi eq, %squeeze3A_1406, %eq3A_1534 : i32
    %select_n3A_1536 = arith.select %eq3A_1535, %max3A_1527, %select_n3A_1188 : vector<16xf32>
    %eq3A_1537 = arith.constant 3 : i32
    %eq3A_1538 = arith.cmpi eq, %squeeze3A_1406, %eq3A_1537 : i32
    %select_n3A_1539 = arith.select %eq3A_1538, %max3A_1527, %select_n3A_1191 : vector<16xf32>
    %eq3A_1540 = arith.constant 4 : i32
    %eq3A_1541 = arith.cmpi eq, %squeeze3A_1406, %eq3A_1540 : i32
    %select_n3A_1542 = arith.select %eq3A_1541, %max3A_1527, %select_n3A_1194 : vector<16xf32>
    %eq3A_1543 = arith.constant 5 : i32
    %eq3A_1544 = arith.cmpi eq, %squeeze3A_1406, %eq3A_1543 : i32
    %select_n3A_1545 = arith.select %eq3A_1544, %max3A_1527, %select_n3A_1197 : vector<16xf32>
    %eq3A_1546 = arith.constant 6 : i32
    %eq3A_1547 = arith.cmpi eq, %squeeze3A_1406, %eq3A_1546 : i32
    %select_n3A_1548 = arith.select %eq3A_1547, %max3A_1527, %select_n3A_1200 : vector<16xf32>
    %eq3A_1549 = arith.constant 7 : i32
    %eq3A_1550 = arith.cmpi eq, %squeeze3A_1406, %eq3A_1549 : i32
    %select_n3A_1551 = arith.select %eq3A_1550, %max3A_1527, %select_n3A_1203 : vector<16xf32>
    %eq3A_1552 = arith.constant 8 : i32
    %eq3A_1553 = arith.cmpi eq, %squeeze3A_1406, %eq3A_1552 : i32
    %select_n3A_1554 = arith.select %eq3A_1553, %max3A_1527, %select_n3A_1206 : vector<16xf32>
    %eq3A_1555 = arith.constant 9 : i32
    %eq3A_1556 = arith.cmpi eq, %squeeze3A_1406, %eq3A_1555 : i32
    %select_n3A_1557 = arith.select %eq3A_1556, %max3A_1527, %select_n3A_1209 : vector<16xf32>
    %eq3A_1558 = arith.constant 10 : i32
    %eq3A_1559 = arith.cmpi eq, %squeeze3A_1406, %eq3A_1558 : i32
    %select_n3A_1560 = arith.select %eq3A_1559, %max3A_1527, %select_n3A_1212 : vector<16xf32>
    %eq3A_1561 = arith.constant 11 : i32
    %eq3A_1562 = arith.cmpi eq, %squeeze3A_1406, %eq3A_1561 : i32
    %select_n3A_1563 = arith.select %eq3A_1562, %max3A_1527, %select_n3A_1215 : vector<16xf32>
    %eq3A_1564 = arith.constant 12 : i32
    %eq3A_1565 = arith.cmpi eq, %squeeze3A_1406, %eq3A_1564 : i32
    %select_n3A_1566 = arith.select %eq3A_1565, %max3A_1527, %select_n3A_1218 : vector<16xf32>
    %eq3A_1567 = arith.constant 13 : i32
    %eq3A_1568 = arith.cmpi eq, %squeeze3A_1406, %eq3A_1567 : i32
    %select_n3A_1569 = arith.select %eq3A_1568, %max3A_1527, %select_n3A_1221 : vector<16xf32>
    %eq3A_1570 = arith.constant 14 : i32
    %eq3A_1571 = arith.cmpi eq, %squeeze3A_1406, %eq3A_1570 : i32
    %select_n3A_1572 = arith.select %eq3A_1571, %max3A_1527, %select_n3A_1224 : vector<16xf32>
    %eq3A_1573 = arith.constant 15 : i32
    %eq3A_1574 = arith.cmpi eq, %squeeze3A_1406, %eq3A_1573 : i32
    %select_n3A_1575 = arith.select %eq3A_1574, %max3A_1527, %select_n3A_1227 : vector<16xf32>
    %max3A_1576 = arith.maximumf %select_n3A_1530, %select_n3A_1533 : vector<16xf32>
    %max3A_1577 = arith.maximumf %max3A_1576, %select_n3A_1536 : vector<16xf32>
    %max3A_1578 = arith.maximumf %max3A_1577, %select_n3A_1539 : vector<16xf32>
    %max3A_1579 = arith.maximumf %max3A_1578, %select_n3A_1542 : vector<16xf32>
    %max3A_1580 = arith.maximumf %max3A_1579, %select_n3A_1545 : vector<16xf32>
    %max3A_1581 = arith.maximumf %max3A_1580, %select_n3A_1548 : vector<16xf32>
    %max3A_1582 = arith.maximumf %max3A_1581, %select_n3A_1551 : vector<16xf32>
    %max3A_1583 = arith.maximumf %max3A_1582, %select_n3A_1554 : vector<16xf32>
    %max3A_1584 = arith.maximumf %max3A_1583, %select_n3A_1557 : vector<16xf32>
    %max3A_1585 = arith.maximumf %max3A_1584, %select_n3A_1560 : vector<16xf32>
    %max3A_1586 = arith.maximumf %max3A_1585, %select_n3A_1563 : vector<16xf32>
    %max3A_1587 = arith.maximumf %max3A_1586, %select_n3A_1566 : vector<16xf32>
    %max3A_1588 = arith.maximumf %max3A_1587, %select_n3A_1569 : vector<16xf32>
    %max3A_1589 = arith.maximumf %max3A_1588, %select_n3A_1572 : vector<16xf32>
    %max3A_1590 = arith.maximumf %max3A_1589, %select_n3A_1575 : vector<16xf32>
    %swap3A_1591 = arith.constant 0 : index
    %swap3A_1592 = tpu.vector_load %arg6[%swap3A_1591] {strides = array<i32>} : memref<32xf32, #tpu.memory_space<vmem>>, vector<16xf32>,
    %swap3A_1593 = vector.shape_cast %swap3A_1592 : vector<16xf32> to vector<16xf32>
    %swap3A_1594 = vector.shape_cast %max3A_1590 : vector<16xf32> to vector<16xf32>
    tpu.vector_store %arg6[%swap3A_1591], %swap3A_1594 {strides = array<i32>} : memref<32xf32, #tpu.memory_space<vmem>>, vector<16xf32>,
    %get3A_1595 = arith.constant 8 : index
    %get3A_1596 = tpu.vector_load %arg6[%get3A_1595] {strides = array<i32>} : memref<32xf32, #tpu.memory_space<vmem>>, vector<16xf32>,
    %get3A_1597 = vector.shape_cast %get3A_1596 : vector<16xf32> to vector<16xf32>
    %max3A_1598 = arith.maximumf %max3A_1590, %get3A_1597 : vector<16xf32>
    %swap3A_1599 = arith.constant 0 : index
    %swap3A_1600 = tpu.vector_load %arg6[%swap3A_1599] {strides = array<i32>} : memref<32xf32, #tpu.memory_space<vmem>>, vector<16xf32>,
    %swap3A_1601 = vector.shape_cast %swap3A_1600 : vector<16xf32> to vector<16xf32>
    %swap3A_1602 = vector.shape_cast %max3A_1598 : vector<16xf32> to vector<16xf32>
    tpu.vector_store %arg6[%swap3A_1599], %swap3A_1602 {strides = array<i32>} : memref<32xf32, #tpu.memory_space<vmem>>, vector<16xf32>,
    %get3A_1603 = arith.constant 4 : index
    %get3A_1604 = tpu.vector_load %arg6[%get3A_1603] {strides = array<i32>} : memref<32xf32, #tpu.memory_space<vmem>>, vector<16xf32>,
    %get3A_1605 = vector.shape_cast %get3A_1604 : vector<16xf32> to vector<16xf32>
    %max3A_1606 = arith.maximumf %max3A_1598, %get3A_1605 : vector<16xf32>
    %swap3A_1607 = arith.constant 0 : index
    %swap3A_1608 = tpu.vector_load %arg6[%swap3A_1607] {strides = array<i32>} : memref<32xf32, #tpu.memory_space<vmem>>, vector<16xf32>,
    %swap3A_1609 = vector.shape_cast %swap3A_1608 : vector<16xf32> to vector<16xf32>
    %swap3A_1610 = vector.shape_cast %max3A_1606 : vector<16xf32> to vector<16xf32>
    tpu.vector_store %arg6[%swap3A_1607], %swap3A_1610 {strides = array<i32>} : memref<32xf32, #tpu.memory_space<vmem>>, vector<16xf32>,
    %get3A_1611 = arith.constant 2 : index
    %get3A_1612 = tpu.vector_load %arg6[%get3A_1611] {strides = array<i32>} : memref<32xf32, #tpu.memory_space<vmem>>, vector<16xf32>,
    %get3A_1613 = vector.shape_cast %get3A_1612 : vector<16xf32> to vector<16xf32>
    %max3A_1614 = arith.maximumf %max3A_1606, %get3A_1613 : vector<16xf32>
    %swap3A_1615 = arith.constant 0 : index
    %swap3A_1616 = tpu.vector_load %arg6[%swap3A_1615] {strides = array<i32>} : memref<32xf32, #tpu.memory_space<vmem>>, vector<16xf32>,
    %swap3A_1617 = vector.shape_cast %swap3A_1616 : vector<16xf32> to vector<16xf32>
    %swap3A_1618 = vector.shape_cast %max3A_1614 : vector<16xf32> to vector<16xf32>
    tpu.vector_store %arg6[%swap3A_1615], %swap3A_1618 {strides = array<i32>} : memref<32xf32, #tpu.memory_space<vmem>>, vector<16xf32>,
    %get3A_1619 = arith.constant 1 : index
    %get3A_1620 = tpu.vector_load %arg6[%get3A_1619] {strides = array<i32>} : memref<32xf32, #tpu.memory_space<vmem>>, vector<16xf32>,
    %get3A_1621 = vector.shape_cast %get3A_1620 : vector<16xf32> to vector<16xf32>
    %max3A_1622 = arith.maximumf %max3A_1614, %get3A_1621 : vector<16xf32>
    %slice3A_1623 = vector.extract_strided_slice %max3A_1622 {offsets = [0], sizes = [1], strides = [1]} : vector<16xf32> to vector<1xf32>
    %squeeze3A_1624 = vector.extract %slice3A_1623[0] : f32 from vector<1xf32>
    %eq3A_1625 = vector.broadcast %squeeze3A_1624 : f32 to vector<16xf32>
    %eq3A_1626 = arith.cmpf oeq, %select_n3A_1530, %eq3A_1625 : vector<16xf32>
    %min3A_1627 = arith.constant 0 : i32
    %min3A_1628 = vector.broadcast %min3A_1627 : i32 to vector<16xi32>
    %min3A_1629 = arith.minsi %broadcast_in_dim3A_187, %min3A_1628 : vector<16xi32>
    %select_n3A_1630 = arith.select %eq3A_1626, %min3A_1629, %broadcast_in_dim3A_187 : vector<16xi1>, vector<16xi32>
    %eq3A_1631 = vector.broadcast %squeeze3A_1624 : f32 to vector<16xf32>
    %eq3A_1632 = arith.cmpf oeq, %select_n3A_1533, %eq3A_1631 : vector<16xf32>
    %min3A_1633 = arith.constant 1 : i32
    %min3A_1634 = vector.broadcast %min3A_1633 : i32 to vector<16xi32>
    %min3A_1635 = arith.minsi %select_n3A_1630, %min3A_1634 : vector<16xi32>
    %select_n3A_1636 = arith.select %eq3A_1632, %min3A_1635, %select_n3A_1630 : vector<16xi1>, vector<16xi32>
    %eq3A_1637 = vector.broadcast %squeeze3A_1624 : f32 to vector<16xf32>
    %eq3A_1638 = arith.cmpf oeq, %select_n3A_1536, %eq3A_1637 : vector<16xf32>
    %min3A_1639 = arith.constant 2 : i32
    %min3A_1640 = vector.broadcast %min3A_1639 : i32 to vector<16xi32>
    %min3A_1641 = arith.minsi %select_n3A_1636, %min3A_1640 : vector<16xi32>
    %select_n3A_1642 = arith.select %eq3A_1638, %min3A_1641, %select_n3A_1636 : vector<16xi1>, vector<16xi32>
    %eq3A_1643 = vector.broadcast %squeeze3A_1624 : f32 to vector<16xf32>
    %eq3A_1644 = arith.cmpf oeq, %select_n3A_1539, %eq3A_1643 : vector<16xf32>
    %min3A_1645 = arith.constant 3 : i32
    %min3A_1646 = vector.broadcast %min3A_1645 : i32 to vector<16xi32>
    %min3A_1647 = arith.minsi %select_n3A_1642, %min3A_1646 : vector<16xi32>
    %select_n3A_1648 = arith.select %eq3A_1644, %min3A_1647, %select_n3A_1642 : vector<16xi1>, vector<16xi32>
    %eq3A_1649 = vector.broadcast %squeeze3A_1624 : f32 to vector<16xf32>
    %eq3A_1650 = arith.cmpf oeq, %select_n3A_1542, %eq3A_1649 : vector<16xf32>
    %min3A_1651 = arith.constant 4 : i32
    %min3A_1652 = vector.broadcast %min3A_1651 : i32 to vector<16xi32>
    %min3A_1653 = arith.minsi %select_n3A_1648, %min3A_1652 : vector<16xi32>
    %select_n3A_1654 = arith.select %eq3A_1650, %min3A_1653, %select_n3A_1648 : vector<16xi1>, vector<16xi32>
    %eq3A_1655 = vector.broadcast %squeeze3A_1624 : f32 to vector<16xf32>
    %eq3A_1656 = arith.cmpf oeq, %select_n3A_1545, %eq3A_1655 : vector<16xf32>
    %min3A_1657 = arith.constant 5 : i32
    %min3A_1658 = vector.broadcast %min3A_1657 : i32 to vector<16xi32>
    %min3A_1659 = arith.minsi %select_n3A_1654, %min3A_1658 : vector<16xi32>
    %select_n3A_1660 = arith.select %eq3A_1656, %min3A_1659, %select_n3A_1654 : vector<16xi1>, vector<16xi32>
    %eq3A_1661 = vector.broadcast %squeeze3A_1624 : f32 to vector<16xf32>
    %eq3A_1662 = arith.cmpf oeq, %select_n3A_1548, %eq3A_1661 : vector<16xf32>
    %min3A_1663 = arith.constant 6 : i32
    %min3A_1664 = vector.broadcast %min3A_1663 : i32 to vector<16xi32>
    %min3A_1665 = arith.minsi %select_n3A_1660, %min3A_1664 : vector<16xi32>
    %select_n3A_1666 = arith.select %eq3A_1662, %min3A_1665, %select_n3A_1660 : vector<16xi1>, vector<16xi32>
    %eq3A_1667 = vector.broadcast %squeeze3A_1624 : f32 to vector<16xf32>
    %eq3A_1668 = arith.cmpf oeq, %select_n3A_1551, %eq3A_1667 : vector<16xf32>
    %min3A_1669 = arith.constant 7 : i32
    %min3A_1670 = vector.broadcast %min3A_1669 : i32 to vector<16xi32>
    %min3A_1671 = arith.minsi %select_n3A_1666, %min3A_1670 : vector<16xi32>
    %select_n3A_1672 = arith.select %eq3A_1668, %min3A_1671, %select_n3A_1666 : vector<16xi1>, vector<16xi32>
    %eq3A_1673 = vector.broadcast %squeeze3A_1624 : f32 to vector<16xf32>
    %eq3A_1674 = arith.cmpf oeq, %select_n3A_1554, %eq3A_1673 : vector<16xf32>
    %min3A_1675 = arith.constant 8 : i32
    %min3A_1676 = vector.broadcast %min3A_1675 : i32 to vector<16xi32>
    %min3A_1677 = arith.minsi %select_n3A_1672, %min3A_1676 : vector<16xi32>
    %select_n3A_1678 = arith.select %eq3A_1674, %min3A_1677, %select_n3A_1672 : vector<16xi1>, vector<16xi32>
    %eq3A_1679 = vector.broadcast %squeeze3A_1624 : f32 to vector<16xf32>
    %eq3A_1680 = arith.cmpf oeq, %select_n3A_1557, %eq3A_1679 : vector<16xf32>
    %min3A_1681 = arith.constant 9 : i32
    %min3A_1682 = vector.broadcast %min3A_1681 : i32 to vector<16xi32>
    %min3A_1683 = arith.minsi %select_n3A_1678, %min3A_1682 : vector<16xi32>
    %select_n3A_1684 = arith.select %eq3A_1680, %min3A_1683, %select_n3A_1678 : vector<16xi1>, vector<16xi32>
    %eq3A_1685 = vector.broadcast %squeeze3A_1624 : f32 to vector<16xf32>
    %eq3A_1686 = arith.cmpf oeq, %select_n3A_1560, %eq3A_1685 : vector<16xf32>
    %min3A_1687 = arith.constant 10 : i32
    %min3A_1688 = vector.broadcast %min3A_1687 : i32 to vector<16xi32>
    %min3A_1689 = arith.minsi %select_n3A_1684, %min3A_1688 : vector<16xi32>
    %select_n3A_1690 = arith.select %eq3A_1686, %min3A_1689, %select_n3A_1684 : vector<16xi1>, vector<16xi32>
    %eq3A_1691 = vector.broadcast %squeeze3A_1624 : f32 to vector<16xf32>
    %eq3A_1692 = arith.cmpf oeq, %select_n3A_1563, %eq3A_1691 : vector<16xf32>
    %min3A_1693 = arith.constant 11 : i32
    %min3A_1694 = vector.broadcast %min3A_1693 : i32 to vector<16xi32>
    %min3A_1695 = arith.minsi %select_n3A_1690, %min3A_1694 : vector<16xi32>
    %select_n3A_1696 = arith.select %eq3A_1692, %min3A_1695, %select_n3A_1690 : vector<16xi1>, vector<16xi32>
    %eq3A_1697 = vector.broadcast %squeeze3A_1624 : f32 to vector<16xf32>
    %eq3A_1698 = arith.cmpf oeq, %select_n3A_1566, %eq3A_1697 : vector<16xf32>
    %min3A_1699 = arith.constant 12 : i32
    %min3A_1700 = vector.broadcast %min3A_1699 : i32 to vector<16xi32>
    %min3A_1701 = arith.minsi %select_n3A_1696, %min3A_1700 : vector<16xi32>
    %select_n3A_1702 = arith.select %eq3A_1698, %min3A_1701, %select_n3A_1696 : vector<16xi1>, vector<16xi32>
    %eq3A_1703 = vector.broadcast %squeeze3A_1624 : f32 to vector<16xf32>
    %eq3A_1704 = arith.cmpf oeq, %select_n3A_1569, %eq3A_1703 : vector<16xf32>
    %min3A_1705 = arith.constant 13 : i32
    %min3A_1706 = vector.broadcast %min3A_1705 : i32 to vector<16xi32>
    %min3A_1707 = arith.minsi %select_n3A_1702, %min3A_1706 : vector<16xi32>
    %select_n3A_1708 = arith.select %eq3A_1704, %min3A_1707, %select_n3A_1702 : vector<16xi1>, vector<16xi32>
    %eq3A_1709 = vector.broadcast %squeeze3A_1624 : f32 to vector<16xf32>
    %eq3A_1710 = arith.cmpf oeq, %select_n3A_1572, %eq3A_1709 : vector<16xf32>
    %min3A_1711 = arith.constant 14 : i32
    %min3A_1712 = vector.broadcast %min3A_1711 : i32 to vector<16xi32>
    %min3A_1713 = arith.minsi %select_n3A_1708, %min3A_1712 : vector<16xi32>
    %select_n3A_1714 = arith.select %eq3A_1710, %min3A_1713, %select_n3A_1708 : vector<16xi1>, vector<16xi32>
    %eq3A_1715 = vector.broadcast %squeeze3A_1624 : f32 to vector<16xf32>
    %eq3A_1716 = arith.cmpf oeq, %select_n3A_1575, %eq3A_1715 : vector<16xf32>
    %min3A_1717 = arith.constant 15 : i32
    %min3A_1718 = vector.broadcast %min3A_1717 : i32 to vector<16xi32>
    %min3A_1719 = arith.minsi %select_n3A_1714, %min3A_1718 : vector<16xi32>
    %select_n3A_1720 = arith.select %eq3A_1716, %min3A_1719, %select_n3A_1714 : vector<16xi1>, vector<16xi32>
    %swap3A_1721 = arith.constant 0 : index
    %swap3A_1722 = tpu.vector_load %arg7[%swap3A_1721] {strides = array<i32>} : memref<32xi32, #tpu.memory_space<vmem>>, vector<16xi32>,
    %swap3A_1723 = vector.shape_cast %swap3A_1722 : vector<16xi32> to vector<16xi32>
    %swap3A_1724 = vector.shape_cast %select_n3A_1720 : vector<16xi32> to vector<16xi32>
    tpu.vector_store %arg7[%swap3A_1721], %swap3A_1724 {strides = array<i32>} : memref<32xi32, #tpu.memory_space<vmem>>, vector<16xi32>,
    %get3A_1725 = arith.constant 8 : index
    %get3A_1726 = tpu.vector_load %arg7[%get3A_1725] {strides = array<i32>} : memref<32xi32, #tpu.memory_space<vmem>>, vector<16xi32>,
    %get3A_1727 = vector.shape_cast %get3A_1726 : vector<16xi32> to vector<16xi32>
    %min3A_1728 = arith.minsi %select_n3A_1720, %get3A_1727 : vector<16xi32>
    %swap3A_1729 = arith.constant 0 : index
    %swap3A_1730 = tpu.vector_load %arg7[%swap3A_1729] {strides = array<i32>} : memref<32xi32, #tpu.memory_space<vmem>>, vector<16xi32>,
    %swap3A_1731 = vector.shape_cast %swap3A_1730 : vector<16xi32> to vector<16xi32>
    %swap3A_1732 = vector.shape_cast %min3A_1728 : vector<16xi32> to vector<16xi32>
    tpu.vector_store %arg7[%swap3A_1729], %swap3A_1732 {strides = array<i32>} : memref<32xi32, #tpu.memory_space<vmem>>, vector<16xi32>,
    %get3A_1733 = arith.constant 4 : index
    %get3A_1734 = tpu.vector_load %arg7[%get3A_1733] {strides = array<i32>} : memref<32xi32, #tpu.memory_space<vmem>>, vector<16xi32>,
    %get3A_1735 = vector.shape_cast %get3A_1734 : vector<16xi32> to vector<16xi32>
    %min3A_1736 = arith.minsi %min3A_1728, %get3A_1735 : vector<16xi32>
    %swap3A_1737 = arith.constant 0 : index
    %swap3A_1738 = tpu.vector_load %arg7[%swap3A_1737] {strides = array<i32>} : memref<32xi32, #tpu.memory_space<vmem>>, vector<16xi32>,
    %swap3A_1739 = vector.shape_cast %swap3A_1738 : vector<16xi32> to vector<16xi32>
    %swap3A_1740 = vector.shape_cast %min3A_1736 : vector<16xi32> to vector<16xi32>
    tpu.vector_store %arg7[%swap3A_1737], %swap3A_1740 {strides = array<i32>} : memref<32xi32, #tpu.memory_space<vmem>>, vector<16xi32>,
    %get3A_1741 = arith.constant 2 : index
    %get3A_1742 = tpu.vector_load %arg7[%get3A_1741] {strides = array<i32>} : memref<32xi32, #tpu.memory_space<vmem>>, vector<16xi32>,
    %get3A_1743 = vector.shape_cast %get3A_1742 : vector<16xi32> to vector<16xi32>
    %min3A_1744 = arith.minsi %min3A_1736, %get3A_1743 : vector<16xi32>
    %swap3A_1745 = arith.constant 0 : index
    %swap3A_1746 = tpu.vector_load %arg7[%swap3A_1745] {strides = array<i32>} : memref<32xi32, #tpu.memory_space<vmem>>, vector<16xi32>,
    %swap3A_1747 = vector.shape_cast %swap3A_1746 : vector<16xi32> to vector<16xi32>
    %swap3A_1748 = vector.shape_cast %min3A_1744 : vector<16xi32> to vector<16xi32>
    tpu.vector_store %arg7[%swap3A_1745], %swap3A_1748 {strides = array<i32>} : memref<32xi32, #tpu.memory_space<vmem>>, vector<16xi32>,
    %get3A_1749 = arith.constant 1 : index
    %get3A_1750 = tpu.vector_load %arg7[%get3A_1749] {strides = array<i32>} : memref<32xi32, #tpu.memory_space<vmem>>, vector<16xi32>,
    %get3A_1751 = vector.shape_cast %get3A_1750 : vector<16xi32> to vector<16xi32>
    %min3A_1752 = arith.minsi %min3A_1744, %get3A_1751 : vector<16xi32>
    %slice3A_1753 = vector.extract_strided_slice %min3A_1752 {offsets = [0], sizes = [1], strides = [1]} : vector<16xi32> to vector<1xi32>
    %squeeze3A_1754 = vector.extract %slice3A_1753[0] : i32 from vector<1xi32>
    %mul3A_1755 = arith.constant 1568 : i32
    %mul3A_1756 = arith.muli %squeeze3A_1754, %mul3A_1755 : i32
    %broadcast_in_dim3A_1757 = arith.constant 2147483647 : i32
    %broadcast_in_dim3A_1758 = vector.broadcast %broadcast_in_dim3A_1757 : i32 to vector<16xi32>
    %scan3A_1759 = arith.constant 0 : i32
    %scan3A_1760 = arith.constant 98 : i32
    %scan3A_1761 = arith.addi %scan3A_1759, %scan3A_1760 : i32
    %scan3A_1762 = arith.constant 1 : i32
    %scan3A_1763 = scf.for %scan3A_3012 = %scan3A_1759 to %scan3A_1761 step %scan3A_1762 iter_args(%scan3A_3013 = %broadcast_in_dim3A_1758) -> (vector<16xi32>)  : i32 {
      %mul3A_3014 = arith.constant 16 : i32
      %mul3A_3015 = arith.muli %scan3A_3012, %mul3A_3014 : i32
      %add3A_3016 = arith.addi %mul3A_1756, %mul3A_3015 : i32
      %get3A_3017 = arith.index_cast %add3A_3016 : i32 to index
      %get3A_3018 = tpu.vector_load %arg5[%get3A_3017] {strides = array<i32>} : memref<25088xf32, #tpu.memory_space<vmem>>, vector<16xf32>,
      %get3A_3019 = vector.shape_cast %get3A_3018 : vector<16xf32> to vector<16xf32>
      %eq3A_3020 = vector.broadcast %squeeze3A_1624 : f32 to vector<16xf32>
      %eq3A_3021 = arith.cmpf oeq, %get3A_3019, %eq3A_3020 : vector<16xf32>
      %mul3A_3022 = arith.constant 16 : i32
      %mul3A_3023 = arith.muli %scan3A_3012, %mul3A_3022 : i32
      %add3A_3024 = vector.broadcast %mul3A_3023 : i32 to vector<16xi32>
      %add3A_3025 = arith.addi %add3A_3024, %iota3A : vector<16xi32>
      %jit3A_3026 = arith.constant 2147483647 : i32
      %broadcast_in_dim3A_3027 = vector.broadcast %jit3A_3026 : i32 to vector<16xi32>
      %select_n3A_3028 = arith.select %eq3A_3021, %add3A_3025, %broadcast_in_dim3A_3027 : vector<16xi1>, vector<16xi32>
      %min3A_3029 = arith.minsi %scan3A_3013, %select_n3A_3028 : vector<16xi32>
      scf.yield %min3A_3029 : vector<16xi32>
    }
    %scan3A_1764 = arith.constant 98 : i32
    %swap3A_1765 = arith.constant 0 : index
    %swap3A_1766 = tpu.vector_load %arg7[%swap3A_1765] {strides = array<i32>} : memref<32xi32, #tpu.memory_space<vmem>>, vector<16xi32>,
    %swap3A_1767 = vector.shape_cast %swap3A_1766 : vector<16xi32> to vector<16xi32>
    %swap3A_1768 = vector.shape_cast %scan3A_1763 : vector<16xi32> to vector<16xi32>
    tpu.vector_store %arg7[%swap3A_1765], %swap3A_1768 {strides = array<i32>} : memref<32xi32, #tpu.memory_space<vmem>>, vector<16xi32>,
    %get3A_1769 = arith.constant 8 : index
    %get3A_1770 = tpu.vector_load %arg7[%get3A_1769] {strides = array<i32>} : memref<32xi32, #tpu.memory_space<vmem>>, vector<16xi32>,
    %get3A_1771 = vector.shape_cast %get3A_1770 : vector<16xi32> to vector<16xi32>
    %min3A_1772 = arith.minsi %scan3A_1763, %get3A_1771 : vector<16xi32>
    %swap3A_1773 = arith.constant 0 : index
    %swap3A_1774 = tpu.vector_load %arg7[%swap3A_1773] {strides = array<i32>} : memref<32xi32, #tpu.memory_space<vmem>>, vector<16xi32>,
    %swap3A_1775 = vector.shape_cast %swap3A_1774 : vector<16xi32> to vector<16xi32>
    %swap3A_1776 = vector.shape_cast %min3A_1772 : vector<16xi32> to vector<16xi32>
    tpu.vector_store %arg7[%swap3A_1773], %swap3A_1776 {strides = array<i32>} : memref<32xi32, #tpu.memory_space<vmem>>, vector<16xi32>,
    %get3A_1777 = arith.constant 4 : index
    %get3A_1778 = tpu.vector_load %arg7[%get3A_1777] {strides = array<i32>} : memref<32xi32, #tpu.memory_space<vmem>>, vector<16xi32>,
    %get3A_1779 = vector.shape_cast %get3A_1778 : vector<16xi32> to vector<16xi32>
    %min3A_1780 = arith.minsi %min3A_1772, %get3A_1779 : vector<16xi32>
    %swap3A_1781 = arith.constant 0 : index
    %swap3A_1782 = tpu.vector_load %arg7[%swap3A_1781] {strides = array<i32>} : memref<32xi32, #tpu.memory_space<vmem>>, vector<16xi32>,
    %swap3A_1783 = vector.shape_cast %swap3A_1782 : vector<16xi32> to vector<16xi32>
    %swap3A_1784 = vector.shape_cast %min3A_1780 : vector<16xi32> to vector<16xi32>
    tpu.vector_store %arg7[%swap3A_1781], %swap3A_1784 {strides = array<i32>} : memref<32xi32, #tpu.memory_space<vmem>>, vector<16xi32>,
    %get3A_1785 = arith.constant 2 : index
    %get3A_1786 = tpu.vector_load %arg7[%get3A_1785] {strides = array<i32>} : memref<32xi32, #tpu.memory_space<vmem>>, vector<16xi32>,
    %get3A_1787 = vector.shape_cast %get3A_1786 : vector<16xi32> to vector<16xi32>
    %min3A_1788 = arith.minsi %min3A_1780, %get3A_1787 : vector<16xi32>
    %swap3A_1789 = arith.constant 0 : index
    %swap3A_1790 = tpu.vector_load %arg7[%swap3A_1789] {strides = array<i32>} : memref<32xi32, #tpu.memory_space<vmem>>, vector<16xi32>,
    %swap3A_1791 = vector.shape_cast %swap3A_1790 : vector<16xi32> to vector<16xi32>
    %swap3A_1792 = vector.shape_cast %min3A_1788 : vector<16xi32> to vector<16xi32>
    tpu.vector_store %arg7[%swap3A_1789], %swap3A_1792 {strides = array<i32>} : memref<32xi32, #tpu.memory_space<vmem>>, vector<16xi32>,
    %get3A_1793 = arith.constant 1 : index
    %get3A_1794 = tpu.vector_load %arg7[%get3A_1793] {strides = array<i32>} : memref<32xi32, #tpu.memory_space<vmem>>, vector<16xi32>,
    %get3A_1795 = vector.shape_cast %get3A_1794 : vector<16xi32> to vector<16xi32>
    %min3A_1796 = arith.minsi %min3A_1788, %get3A_1795 : vector<16xi32>
    %slice3A_1797 = vector.extract_strided_slice %min3A_1796 {offsets = [0], sizes = [1], strides = [1]} : vector<16xi32> to vector<1xi32>
    %squeeze3A_1798 = vector.extract %slice3A_1797[0] : i32 from vector<1xi32>
    %eq3A_1799 = arith.constant 4 : i32
    %eq3A_1800 = vector.broadcast %eq3A_1799 : i32 to vector<16xi32>
    %eq3A_1801 = arith.cmpi eq, %iota3A, %eq3A_1800 : vector<16xi32>
    %broadcast_in_dim3A_1802 = vector.broadcast %squeeze3A_1624 : f32 to vector<16xf32>
    %select_n3A_1803 = arith.select %eq3A_1801, %broadcast_in_dim3A_1802, %select_n3A_1455 : vector<16xi1>, vector<16xf32>
    %eq3A_1804 = arith.constant 4 : i32
    %eq3A_1805 = vector.broadcast %eq3A_1804 : i32 to vector<16xi32>
    %eq3A_1806 = arith.cmpi eq, %iota3A, %eq3A_1805 : vector<16xi32>
    %mul3A_1807 = arith.constant 1568 : i32
    %mul3A_1808 = arith.muli %squeeze3A_1754, %mul3A_1807 : i32
    %add3A_1809 = arith.addi %add3A_42, %mul3A_1808 : i32
    %add3A_1810 = arith.addi %add3A_1809, %squeeze3A_1798 : i32
    %broadcast_in_dim3A_1811 = vector.broadcast %add3A_1810 : i32 to vector<16xi32>
    %select_n3A_1812 = arith.select %eq3A_1806, %broadcast_in_dim3A_1811, %select_n3A_1464 : vector<16xi1>, vector<16xi32>
    %jit3A_1813 = arith.constant 16 : i32
    %div3A_1814 = arith.divsi %squeeze3A_1798, %jit3A_1813 : i32
    %sign3A_1815 = arith.constant 0 : i32
    %sign3A_1816 = arith.cmpi sgt, %squeeze3A_1798, %sign3A_1815 : i32
    %sign3A_1817 = arith.extui %sign3A_1816 : i1 to i32
    %sign3A_1818 = arith.constant 0 : i32
    %sign3A_1819 = arith.cmpi slt, %squeeze3A_1798, %sign3A_1818 : i32
    %sign3A_1820 = arith.extui %sign3A_1819 : i1 to i32
    %sign3A_1821 = arith.subi %sign3A_1817, %sign3A_1820 : i32
    %sign3A_1822 = arith.constant 0 : i32
    %sign3A_1823 = arith.cmpi sgt, %jit3A_1813, %sign3A_1822 : i32
    %sign3A_1824 = arith.extui %sign3A_1823 : i1 to i32
    %sign3A_1825 = arith.constant 0 : i32
    %sign3A_1826 = arith.cmpi slt, %jit3A_1813, %sign3A_1825 : i32
    %sign3A_1827 = arith.extui %sign3A_1826 : i1 to i32
    %sign3A_1828 = arith.subi %sign3A_1824, %sign3A_1827 : i32
    %ne3A_1829 = arith.cmpi ne, %sign3A_1821, %sign3A_1828 : i32
    %rem3A_1830 = arith.remsi %squeeze3A_1798, %jit3A_1813 : i32
    %ne3A_1831 = arith.constant 0 : i32
    %ne3A_1832 = arith.cmpi ne, %rem3A_1830, %ne3A_1831 : i32
    %and3A_1833 = arith.andi %ne3A_1829, %ne3A_1832 : i1
    %sub3A_1834 = arith.constant 1 : i32
    %sub3A_1835 = arith.subi %div3A_1814, %sub3A_1834 : i32
    %select_n3A_1836 = arith.select %and3A_1833, %sub3A_1835, %div3A_1814 : i32
    %jit3A_1837 = arith.constant 16 : i32
    %eq3A_1838 = arith.constant 0 : i32
    %eq3A_1839 = arith.cmpi eq, %jit3A_1837, %eq3A_1838 : i32
    %jit3A_1840 = arith.constant 1 : i32
    %select_n3A_1841 = arith.select %eq3A_1839, %jit3A_1840, %jit3A_1837 : i32
    %rem3A_1842 = arith.remsi %squeeze3A_1798, %select_n3A_1841 : i32
    %ne3A_1843 = arith.constant 0 : i32
    %ne3A_1844 = arith.cmpi ne, %rem3A_1842, %ne3A_1843 : i32
    %lt3A_1845 = arith.constant 0 : i32
    %lt3A_1846 = arith.cmpi slt, %rem3A_1842, %lt3A_1845 : i32
    %lt3A_1847 = arith.constant 0 : i32
    %lt3A_1848 = arith.cmpi slt, %select_n3A_1841, %lt3A_1847 : i32
    %ne3A_1849 = arith.xori %lt3A_1846, %lt3A_1848 : i1
    %and3A_1850 = arith.andi %ne3A_1849, %ne3A_1844 : i1
    %add3A_1851 = arith.addi %rem3A_1842, %select_n3A_1841 : i32
    %select_n3A_1852 = arith.select %and3A_1850, %add3A_1851, %rem3A_1842 : i32
    %mul3A_1853 = arith.constant 16 : i32
    %mul3A_1854 = arith.muli %select_n3A_1836, %mul3A_1853 : i32
    %add3A_1855 = arith.addi %mul3A_1756, %mul3A_1854 : i32
    %get3A_1856 = arith.index_cast %add3A_1855 : i32 to index
    %get3A_1857 = tpu.vector_load %arg5[%get3A_1856] {strides = array<i32>} : memref<25088xf32, #tpu.memory_space<vmem>>, vector<16xf32>,
    %get3A_1858 = vector.shape_cast %get3A_1857 : vector<16xf32> to vector<16xf32>
    %eq3A_1859 = vector.broadcast %select_n3A_1852 : i32 to vector<16xi32>
    %eq3A_1860 = arith.cmpi eq, %iota3A, %eq3A_1859 : vector<16xi32>
    %select_n3A_1861 = arith.select %eq3A_1860, %broadcast_in_dim3A_86, %get3A_1858 : vector<16xi1>, vector<16xf32>
    %mul3A_1862 = arith.constant 16 : i32
    %mul3A_1863 = arith.muli %select_n3A_1836, %mul3A_1862 : i32
    %add3A_1864 = arith.addi %mul3A_1756, %mul3A_1863 : i32
    %swap3A_1865 = arith.index_cast %add3A_1864 : i32 to index
    %swap3A_1866 = tpu.vector_load %arg5[%swap3A_1865] {strides = array<i32>} : memref<25088xf32, #tpu.memory_space<vmem>>, vector<16xf32>,
    %swap3A_1867 = vector.shape_cast %swap3A_1866 : vector<16xf32> to vector<16xf32>
    %swap3A_1868 = vector.shape_cast %select_n3A_1861 : vector<16xf32> to vector<16xf32>
    tpu.vector_store %arg5[%swap3A_1865], %swap3A_1868 {strides = array<i32>} : memref<25088xf32, #tpu.memory_space<vmem>>, vector<16xf32>,
    %scan3A_1869 = arith.constant 0 : i32
    %scan3A_1870 = arith.constant 49 : i32
    %scan3A_1871 = arith.addi %scan3A_1869, %scan3A_1870 : i32
    %scan3A_1872 = arith.constant 1 : i32
    %scan3A_1873:2 = scf.for %scan3A_3012 = %scan3A_1869 to %scan3A_1871 step %scan3A_1872 iter_args(%scan3A_3013 = %broadcast_in_dim3A_86, %scan3A_3014 = %broadcast_in_dim3A_86) -> (vector<16xf32>, vector<16xf32>)  : i32 {
      %mul3A_3015 = arith.constant 32 : i32
      %mul3A_3016 = arith.muli %scan3A_3012, %mul3A_3015 : i32
      %add3A_3017 = arith.addi %mul3A_1756, %mul3A_3016 : i32
      %get3A_3018 = arith.index_cast %add3A_3017 : i32 to index
      %get3A_3019 = tpu.vector_load %arg5[%get3A_3018] {strides = array<i32>} : memref<25088xf32, #tpu.memory_space<vmem>>, vector<16xf32>,
      %get3A_3020 = vector.shape_cast %get3A_3019 : vector<16xf32> to vector<16xf32>
      %max3A_3021 = arith.maximumf %scan3A_3013, %get3A_3020 : vector<16xf32>
      %add3A_3022 = arith.constant 16 : i32
      %add3A_3023 = arith.addi %add3A_3017, %add3A_3022 : i32
      %get3A_3024 = arith.index_cast %add3A_3023 : i32 to index
      %get3A_3025 = tpu.vector_load %arg5[%get3A_3024] {strides = array<i32>} : memref<25088xf32, #tpu.memory_space<vmem>>, vector<16xf32>,
      %get3A_3026 = vector.shape_cast %get3A_3025 : vector<16xf32> to vector<16xf32>
      %max3A_3027 = arith.maximumf %scan3A_3014, %get3A_3026 : vector<16xf32>
      scf.yield %max3A_3021, %max3A_3027 : vector<16xf32>, vector<16xf32>
    }
    %scan3A_1874 = arith.constant 49 : i32
    %max3A_1875 = arith.maximumf %scan3A_1873#0, %scan3A_1873#1 : vector<16xf32>
    %eq3A_1876 = arith.constant 0 : i32
    %eq3A_1877 = arith.cmpi eq, %squeeze3A_1754, %eq3A_1876 : i32
    %select_n3A_1878 = arith.select %eq3A_1877, %max3A_1875, %select_n3A_1530 : vector<16xf32>
    %eq3A_1879 = arith.constant 1 : i32
    %eq3A_1880 = arith.cmpi eq, %squeeze3A_1754, %eq3A_1879 : i32
    %select_n3A_1881 = arith.select %eq3A_1880, %max3A_1875, %select_n3A_1533 : vector<16xf32>
    %eq3A_1882 = arith.constant 2 : i32
    %eq3A_1883 = arith.cmpi eq, %squeeze3A_1754, %eq3A_1882 : i32
    %select_n3A_1884 = arith.select %eq3A_1883, %max3A_1875, %select_n3A_1536 : vector<16xf32>
    %eq3A_1885 = arith.constant 3 : i32
    %eq3A_1886 = arith.cmpi eq, %squeeze3A_1754, %eq3A_1885 : i32
    %select_n3A_1887 = arith.select %eq3A_1886, %max3A_1875, %select_n3A_1539 : vector<16xf32>
    %eq3A_1888 = arith.constant 4 : i32
    %eq3A_1889 = arith.cmpi eq, %squeeze3A_1754, %eq3A_1888 : i32
    %select_n3A_1890 = arith.select %eq3A_1889, %max3A_1875, %select_n3A_1542 : vector<16xf32>
    %eq3A_1891 = arith.constant 5 : i32
    %eq3A_1892 = arith.cmpi eq, %squeeze3A_1754, %eq3A_1891 : i32
    %select_n3A_1893 = arith.select %eq3A_1892, %max3A_1875, %select_n3A_1545 : vector<16xf32>
    %eq3A_1894 = arith.constant 6 : i32
    %eq3A_1895 = arith.cmpi eq, %squeeze3A_1754, %eq3A_1894 : i32
    %select_n3A_1896 = arith.select %eq3A_1895, %max3A_1875, %select_n3A_1548 : vector<16xf32>
    %eq3A_1897 = arith.constant 7 : i32
    %eq3A_1898 = arith.cmpi eq, %squeeze3A_1754, %eq3A_1897 : i32
    %select_n3A_1899 = arith.select %eq3A_1898, %max3A_1875, %select_n3A_1551 : vector<16xf32>
    %eq3A_1900 = arith.constant 8 : i32
    %eq3A_1901 = arith.cmpi eq, %squeeze3A_1754, %eq3A_1900 : i32
    %select_n3A_1902 = arith.select %eq3A_1901, %max3A_1875, %select_n3A_1554 : vector<16xf32>
    %eq3A_1903 = arith.constant 9 : i32
    %eq3A_1904 = arith.cmpi eq, %squeeze3A_1754, %eq3A_1903 : i32
    %select_n3A_1905 = arith.select %eq3A_1904, %max3A_1875, %select_n3A_1557 : vector<16xf32>
    %eq3A_1906 = arith.constant 10 : i32
    %eq3A_1907 = arith.cmpi eq, %squeeze3A_1754, %eq3A_1906 : i32
    %select_n3A_1908 = arith.select %eq3A_1907, %max3A_1875, %select_n3A_1560 : vector<16xf32>
    %eq3A_1909 = arith.constant 11 : i32
    %eq3A_1910 = arith.cmpi eq, %squeeze3A_1754, %eq3A_1909 : i32
    %select_n3A_1911 = arith.select %eq3A_1910, %max3A_1875, %select_n3A_1563 : vector<16xf32>
    %eq3A_1912 = arith.constant 12 : i32
    %eq3A_1913 = arith.cmpi eq, %squeeze3A_1754, %eq3A_1912 : i32
    %select_n3A_1914 = arith.select %eq3A_1913, %max3A_1875, %select_n3A_1566 : vector<16xf32>
    %eq3A_1915 = arith.constant 13 : i32
    %eq3A_1916 = arith.cmpi eq, %squeeze3A_1754, %eq3A_1915 : i32
    %select_n3A_1917 = arith.select %eq3A_1916, %max3A_1875, %select_n3A_1569 : vector<16xf32>
    %eq3A_1918 = arith.constant 14 : i32
    %eq3A_1919 = arith.cmpi eq, %squeeze3A_1754, %eq3A_1918 : i32
    %select_n3A_1920 = arith.select %eq3A_1919, %max3A_1875, %select_n3A_1572 : vector<16xf32>
    %eq3A_1921 = arith.constant 15 : i32
    %eq3A_1922 = arith.cmpi eq, %squeeze3A_1754, %eq3A_1921 : i32
    %select_n3A_1923 = arith.select %eq3A_1922, %max3A_1875, %select_n3A_1575 : vector<16xf32>
    %max3A_1924 = arith.maximumf %select_n3A_1878, %select_n3A_1881 : vector<16xf32>
    %max3A_1925 = arith.maximumf %max3A_1924, %select_n3A_1884 : vector<16xf32>
    %max3A_1926 = arith.maximumf %max3A_1925, %select_n3A_1887 : vector<16xf32>
    %max3A_1927 = arith.maximumf %max3A_1926, %select_n3A_1890 : vector<16xf32>
    %max3A_1928 = arith.maximumf %max3A_1927, %select_n3A_1893 : vector<16xf32>
    %max3A_1929 = arith.maximumf %max3A_1928, %select_n3A_1896 : vector<16xf32>
    %max3A_1930 = arith.maximumf %max3A_1929, %select_n3A_1899 : vector<16xf32>
    %max3A_1931 = arith.maximumf %max3A_1930, %select_n3A_1902 : vector<16xf32>
    %max3A_1932 = arith.maximumf %max3A_1931, %select_n3A_1905 : vector<16xf32>
    %max3A_1933 = arith.maximumf %max3A_1932, %select_n3A_1908 : vector<16xf32>
    %max3A_1934 = arith.maximumf %max3A_1933, %select_n3A_1911 : vector<16xf32>
    %max3A_1935 = arith.maximumf %max3A_1934, %select_n3A_1914 : vector<16xf32>
    %max3A_1936 = arith.maximumf %max3A_1935, %select_n3A_1917 : vector<16xf32>
    %max3A_1937 = arith.maximumf %max3A_1936, %select_n3A_1920 : vector<16xf32>
    %max3A_1938 = arith.maximumf %max3A_1937, %select_n3A_1923 : vector<16xf32>
    %swap3A_1939 = arith.constant 0 : index
    %swap3A_1940 = tpu.vector_load %arg6[%swap3A_1939] {strides = array<i32>} : memref<32xf32, #tpu.memory_space<vmem>>, vector<16xf32>,
    %swap3A_1941 = vector.shape_cast %swap3A_1940 : vector<16xf32> to vector<16xf32>
    %swap3A_1942 = vector.shape_cast %max3A_1938 : vector<16xf32> to vector<16xf32>
    tpu.vector_store %arg6[%swap3A_1939], %swap3A_1942 {strides = array<i32>} : memref<32xf32, #tpu.memory_space<vmem>>, vector<16xf32>,
    %get3A_1943 = arith.constant 8 : index
    %get3A_1944 = tpu.vector_load %arg6[%get3A_1943] {strides = array<i32>} : memref<32xf32, #tpu.memory_space<vmem>>, vector<16xf32>,
    %get3A_1945 = vector.shape_cast %get3A_1944 : vector<16xf32> to vector<16xf32>
    %max3A_1946 = arith.maximumf %max3A_1938, %get3A_1945 : vector<16xf32>
    %swap3A_1947 = arith.constant 0 : index
    %swap3A_1948 = tpu.vector_load %arg6[%swap3A_1947] {strides = array<i32>} : memref<32xf32, #tpu.memory_space<vmem>>, vector<16xf32>,
    %swap3A_1949 = vector.shape_cast %swap3A_1948 : vector<16xf32> to vector<16xf32>
    %swap3A_1950 = vector.shape_cast %max3A_1946 : vector<16xf32> to vector<16xf32>
    tpu.vector_store %arg6[%swap3A_1947], %swap3A_1950 {strides = array<i32>} : memref<32xf32, #tpu.memory_space<vmem>>, vector<16xf32>,
    %get3A_1951 = arith.constant 4 : index
    %get3A_1952 = tpu.vector_load %arg6[%get3A_1951] {strides = array<i32>} : memref<32xf32, #tpu.memory_space<vmem>>, vector<16xf32>,
    %get3A_1953 = vector.shape_cast %get3A_1952 : vector<16xf32> to vector<16xf32>
    %max3A_1954 = arith.maximumf %max3A_1946, %get3A_1953 : vector<16xf32>
    %swap3A_1955 = arith.constant 0 : index
    %swap3A_1956 = tpu.vector_load %arg6[%swap3A_1955] {strides = array<i32>} : memref<32xf32, #tpu.memory_space<vmem>>, vector<16xf32>,
    %swap3A_1957 = vector.shape_cast %swap3A_1956 : vector<16xf32> to vector<16xf32>
    %swap3A_1958 = vector.shape_cast %max3A_1954 : vector<16xf32> to vector<16xf32>
    tpu.vector_store %arg6[%swap3A_1955], %swap3A_1958 {strides = array<i32>} : memref<32xf32, #tpu.memory_space<vmem>>, vector<16xf32>,
    %get3A_1959 = arith.constant 2 : index
    %get3A_1960 = tpu.vector_load %arg6[%get3A_1959] {strides = array<i32>} : memref<32xf32, #tpu.memory_space<vmem>>, vector<16xf32>,
    %get3A_1961 = vector.shape_cast %get3A_1960 : vector<16xf32> to vector<16xf32>
    %max3A_1962 = arith.maximumf %max3A_1954, %get3A_1961 : vector<16xf32>
    %swap3A_1963 = arith.constant 0 : index
    %swap3A_1964 = tpu.vector_load %arg6[%swap3A_1963] {strides = array<i32>} : memref<32xf32, #tpu.memory_space<vmem>>, vector<16xf32>,
    %swap3A_1965 = vector.shape_cast %swap3A_1964 : vector<16xf32> to vector<16xf32>
    %swap3A_1966 = vector.shape_cast %max3A_1962 : vector<16xf32> to vector<16xf32>
    tpu.vector_store %arg6[%swap3A_1963], %swap3A_1966 {strides = array<i32>} : memref<32xf32, #tpu.memory_space<vmem>>, vector<16xf32>,
    %get3A_1967 = arith.constant 1 : index
    %get3A_1968 = tpu.vector_load %arg6[%get3A_1967] {strides = array<i32>} : memref<32xf32, #tpu.memory_space<vmem>>, vector<16xf32>,
    %get3A_1969 = vector.shape_cast %get3A_1968 : vector<16xf32> to vector<16xf32>
    %max3A_1970 = arith.maximumf %max3A_1962, %get3A_1969 : vector<16xf32>
    %slice3A_1971 = vector.extract_strided_slice %max3A_1970 {offsets = [0], sizes = [1], strides = [1]} : vector<16xf32> to vector<1xf32>
    %squeeze3A_1972 = vector.extract %slice3A_1971[0] : f32 from vector<1xf32>
    %eq3A_1973 = vector.broadcast %squeeze3A_1972 : f32 to vector<16xf32>
    %eq3A_1974 = arith.cmpf oeq, %select_n3A_1878, %eq3A_1973 : vector<16xf32>
    %min3A_1975 = arith.constant 0 : i32
    %min3A_1976 = vector.broadcast %min3A_1975 : i32 to vector<16xi32>
    %min3A_1977 = arith.minsi %broadcast_in_dim3A_187, %min3A_1976 : vector<16xi32>
    %select_n3A_1978 = arith.select %eq3A_1974, %min3A_1977, %broadcast_in_dim3A_187 : vector<16xi1>, vector<16xi32>
    %eq3A_1979 = vector.broadcast %squeeze3A_1972 : f32 to vector<16xf32>
    %eq3A_1980 = arith.cmpf oeq, %select_n3A_1881, %eq3A_1979 : vector<16xf32>
    %min3A_1981 = arith.constant 1 : i32
    %min3A_1982 = vector.broadcast %min3A_1981 : i32 to vector<16xi32>
    %min3A_1983 = arith.minsi %select_n3A_1978, %min3A_1982 : vector<16xi32>
    %select_n3A_1984 = arith.select %eq3A_1980, %min3A_1983, %select_n3A_1978 : vector<16xi1>, vector<16xi32>
    %eq3A_1985 = vector.broadcast %squeeze3A_1972 : f32 to vector<16xf32>
    %eq3A_1986 = arith.cmpf oeq, %select_n3A_1884, %eq3A_1985 : vector<16xf32>
    %min3A_1987 = arith.constant 2 : i32
    %min3A_1988 = vector.broadcast %min3A_1987 : i32 to vector<16xi32>
    %min3A_1989 = arith.minsi %select_n3A_1984, %min3A_1988 : vector<16xi32>
    %select_n3A_1990 = arith.select %eq3A_1986, %min3A_1989, %select_n3A_1984 : vector<16xi1>, vector<16xi32>
    %eq3A_1991 = vector.broadcast %squeeze3A_1972 : f32 to vector<16xf32>
    %eq3A_1992 = arith.cmpf oeq, %select_n3A_1887, %eq3A_1991 : vector<16xf32>
    %min3A_1993 = arith.constant 3 : i32
    %min3A_1994 = vector.broadcast %min3A_1993 : i32 to vector<16xi32>
    %min3A_1995 = arith.minsi %select_n3A_1990, %min3A_1994 : vector<16xi32>
    %select_n3A_1996 = arith.select %eq3A_1992, %min3A_1995, %select_n3A_1990 : vector<16xi1>, vector<16xi32>
    %eq3A_1997 = vector.broadcast %squeeze3A_1972 : f32 to vector<16xf32>
    %eq3A_1998 = arith.cmpf oeq, %select_n3A_1890, %eq3A_1997 : vector<16xf32>
    %min3A_1999 = arith.constant 4 : i32
    %min3A_2000 = vector.broadcast %min3A_1999 : i32 to vector<16xi32>
    %min3A_2001 = arith.minsi %select_n3A_1996, %min3A_2000 : vector<16xi32>
    %select_n3A_2002 = arith.select %eq3A_1998, %min3A_2001, %select_n3A_1996 : vector<16xi1>, vector<16xi32>
    %eq3A_2003 = vector.broadcast %squeeze3A_1972 : f32 to vector<16xf32>
    %eq3A_2004 = arith.cmpf oeq, %select_n3A_1893, %eq3A_2003 : vector<16xf32>
    %min3A_2005 = arith.constant 5 : i32
    %min3A_2006 = vector.broadcast %min3A_2005 : i32 to vector<16xi32>
    %min3A_2007 = arith.minsi %select_n3A_2002, %min3A_2006 : vector<16xi32>
    %select_n3A_2008 = arith.select %eq3A_2004, %min3A_2007, %select_n3A_2002 : vector<16xi1>, vector<16xi32>
    %eq3A_2009 = vector.broadcast %squeeze3A_1972 : f32 to vector<16xf32>
    %eq3A_2010 = arith.cmpf oeq, %select_n3A_1896, %eq3A_2009 : vector<16xf32>
    %min3A_2011 = arith.constant 6 : i32
    %min3A_2012 = vector.broadcast %min3A_2011 : i32 to vector<16xi32>
    %min3A_2013 = arith.minsi %select_n3A_2008, %min3A_2012 : vector<16xi32>
    %select_n3A_2014 = arith.select %eq3A_2010, %min3A_2013, %select_n3A_2008 : vector<16xi1>, vector<16xi32>
    %eq3A_2015 = vector.broadcast %squeeze3A_1972 : f32 to vector<16xf32>
    %eq3A_2016 = arith.cmpf oeq, %select_n3A_1899, %eq3A_2015 : vector<16xf32>
    %min3A_2017 = arith.constant 7 : i32
    %min3A_2018 = vector.broadcast %min3A_2017 : i32 to vector<16xi32>
    %min3A_2019 = arith.minsi %select_n3A_2014, %min3A_2018 : vector<16xi32>
    %select_n3A_2020 = arith.select %eq3A_2016, %min3A_2019, %select_n3A_2014 : vector<16xi1>, vector<16xi32>
    %eq3A_2021 = vector.broadcast %squeeze3A_1972 : f32 to vector<16xf32>
    %eq3A_2022 = arith.cmpf oeq, %select_n3A_1902, %eq3A_2021 : vector<16xf32>
    %min3A_2023 = arith.constant 8 : i32
    %min3A_2024 = vector.broadcast %min3A_2023 : i32 to vector<16xi32>
    %min3A_2025 = arith.minsi %select_n3A_2020, %min3A_2024 : vector<16xi32>
    %select_n3A_2026 = arith.select %eq3A_2022, %min3A_2025, %select_n3A_2020 : vector<16xi1>, vector<16xi32>
    %eq3A_2027 = vector.broadcast %squeeze3A_1972 : f32 to vector<16xf32>
    %eq3A_2028 = arith.cmpf oeq, %select_n3A_1905, %eq3A_2027 : vector<16xf32>
    %min3A_2029 = arith.constant 9 : i32
    %min3A_2030 = vector.broadcast %min3A_2029 : i32 to vector<16xi32>
    %min3A_2031 = arith.minsi %select_n3A_2026, %min3A_2030 : vector<16xi32>
    %select_n3A_2032 = arith.select %eq3A_2028, %min3A_2031, %select_n3A_2026 : vector<16xi1>, vector<16xi32>
    %eq3A_2033 = vector.broadcast %squeeze3A_1972 : f32 to vector<16xf32>
    %eq3A_2034 = arith.cmpf oeq, %select_n3A_1908, %eq3A_2033 : vector<16xf32>
    %min3A_2035 = arith.constant 10 : i32
    %min3A_2036 = vector.broadcast %min3A_2035 : i32 to vector<16xi32>
    %min3A_2037 = arith.minsi %select_n3A_2032, %min3A_2036 : vector<16xi32>
    %select_n3A_2038 = arith.select %eq3A_2034, %min3A_2037, %select_n3A_2032 : vector<16xi1>, vector<16xi32>
    %eq3A_2039 = vector.broadcast %squeeze3A_1972 : f32 to vector<16xf32>
    %eq3A_2040 = arith.cmpf oeq, %select_n3A_1911, %eq3A_2039 : vector<16xf32>
    %min3A_2041 = arith.constant 11 : i32
    %min3A_2042 = vector.broadcast %min3A_2041 : i32 to vector<16xi32>
    %min3A_2043 = arith.minsi %select_n3A_2038, %min3A_2042 : vector<16xi32>
    %select_n3A_2044 = arith.select %eq3A_2040, %min3A_2043, %select_n3A_2038 : vector<16xi1>, vector<16xi32>
    %eq3A_2045 = vector.broadcast %squeeze3A_1972 : f32 to vector<16xf32>
    %eq3A_2046 = arith.cmpf oeq, %select_n3A_1914, %eq3A_2045 : vector<16xf32>
    %min3A_2047 = arith.constant 12 : i32
    %min3A_2048 = vector.broadcast %min3A_2047 : i32 to vector<16xi32>
    %min3A_2049 = arith.minsi %select_n3A_2044, %min3A_2048 : vector<16xi32>
    %select_n3A_2050 = arith.select %eq3A_2046, %min3A_2049, %select_n3A_2044 : vector<16xi1>, vector<16xi32>
    %eq3A_2051 = vector.broadcast %squeeze3A_1972 : f32 to vector<16xf32>
    %eq3A_2052 = arith.cmpf oeq, %select_n3A_1917, %eq3A_2051 : vector<16xf32>
    %min3A_2053 = arith.constant 13 : i32
    %min3A_2054 = vector.broadcast %min3A_2053 : i32 to vector<16xi32>
    %min3A_2055 = arith.minsi %select_n3A_2050, %min3A_2054 : vector<16xi32>
    %select_n3A_2056 = arith.select %eq3A_2052, %min3A_2055, %select_n3A_2050 : vector<16xi1>, vector<16xi32>
    %eq3A_2057 = vector.broadcast %squeeze3A_1972 : f32 to vector<16xf32>
    %eq3A_2058 = arith.cmpf oeq, %select_n3A_1920, %eq3A_2057 : vector<16xf32>
    %min3A_2059 = arith.constant 14 : i32
    %min3A_2060 = vector.broadcast %min3A_2059 : i32 to vector<16xi32>
    %min3A_2061 = arith.minsi %select_n3A_2056, %min3A_2060 : vector<16xi32>
    %select_n3A_2062 = arith.select %eq3A_2058, %min3A_2061, %select_n3A_2056 : vector<16xi1>, vector<16xi32>
    %eq3A_2063 = vector.broadcast %squeeze3A_1972 : f32 to vector<16xf32>
    %eq3A_2064 = arith.cmpf oeq, %select_n3A_1923, %eq3A_2063 : vector<16xf32>
    %min3A_2065 = arith.constant 15 : i32
    %min3A_2066 = vector.broadcast %min3A_2065 : i32 to vector<16xi32>
    %min3A_2067 = arith.minsi %select_n3A_2062, %min3A_2066 : vector<16xi32>
    %select_n3A_2068 = arith.select %eq3A_2064, %min3A_2067, %select_n3A_2062 : vector<16xi1>, vector<16xi32>
    %swap3A_2069 = arith.constant 0 : index
    %swap3A_2070 = tpu.vector_load %arg7[%swap3A_2069] {strides = array<i32>} : memref<32xi32, #tpu.memory_space<vmem>>, vector<16xi32>,
    %swap3A_2071 = vector.shape_cast %swap3A_2070 : vector<16xi32> to vector<16xi32>
    %swap3A_2072 = vector.shape_cast %select_n3A_2068 : vector<16xi32> to vector<16xi32>
    tpu.vector_store %arg7[%swap3A_2069], %swap3A_2072 {strides = array<i32>} : memref<32xi32, #tpu.memory_space<vmem>>, vector<16xi32>,
    %get3A_2073 = arith.constant 8 : index
    %get3A_2074 = tpu.vector_load %arg7[%get3A_2073] {strides = array<i32>} : memref<32xi32, #tpu.memory_space<vmem>>, vector<16xi32>,
    %get3A_2075 = vector.shape_cast %get3A_2074 : vector<16xi32> to vector<16xi32>
    %min3A_2076 = arith.minsi %select_n3A_2068, %get3A_2075 : vector<16xi32>
    %swap3A_2077 = arith.constant 0 : index
    %swap3A_2078 = tpu.vector_load %arg7[%swap3A_2077] {strides = array<i32>} : memref<32xi32, #tpu.memory_space<vmem>>, vector<16xi32>,
    %swap3A_2079 = vector.shape_cast %swap3A_2078 : vector<16xi32> to vector<16xi32>
    %swap3A_2080 = vector.shape_cast %min3A_2076 : vector<16xi32> to vector<16xi32>
    tpu.vector_store %arg7[%swap3A_2077], %swap3A_2080 {strides = array<i32>} : memref<32xi32, #tpu.memory_space<vmem>>, vector<16xi32>,
    %get3A_2081 = arith.constant 4 : index
    %get3A_2082 = tpu.vector_load %arg7[%get3A_2081] {strides = array<i32>} : memref<32xi32, #tpu.memory_space<vmem>>, vector<16xi32>,
    %get3A_2083 = vector.shape_cast %get3A_2082 : vector<16xi32> to vector<16xi32>
    %min3A_2084 = arith.minsi %min3A_2076, %get3A_2083 : vector<16xi32>
    %swap3A_2085 = arith.constant 0 : index
    %swap3A_2086 = tpu.vector_load %arg7[%swap3A_2085] {strides = array<i32>} : memref<32xi32, #tpu.memory_space<vmem>>, vector<16xi32>,
    %swap3A_2087 = vector.shape_cast %swap3A_2086 : vector<16xi32> to vector<16xi32>
    %swap3A_2088 = vector.shape_cast %min3A_2084 : vector<16xi32> to vector<16xi32>
    tpu.vector_store %arg7[%swap3A_2085], %swap3A_2088 {strides = array<i32>} : memref<32xi32, #tpu.memory_space<vmem>>, vector<16xi32>,
    %get3A_2089 = arith.constant 2 : index
    %get3A_2090 = tpu.vector_load %arg7[%get3A_2089] {strides = array<i32>} : memref<32xi32, #tpu.memory_space<vmem>>, vector<16xi32>,
    %get3A_2091 = vector.shape_cast %get3A_2090 : vector<16xi32> to vector<16xi32>
    %min3A_2092 = arith.minsi %min3A_2084, %get3A_2091 : vector<16xi32>
    %swap3A_2093 = arith.constant 0 : index
    %swap3A_2094 = tpu.vector_load %arg7[%swap3A_2093] {strides = array<i32>} : memref<32xi32, #tpu.memory_space<vmem>>, vector<16xi32>,
    %swap3A_2095 = vector.shape_cast %swap3A_2094 : vector<16xi32> to vector<16xi32>
    %swap3A_2096 = vector.shape_cast %min3A_2092 : vector<16xi32> to vector<16xi32>
    tpu.vector_store %arg7[%swap3A_2093], %swap3A_2096 {strides = array<i32>} : memref<32xi32, #tpu.memory_space<vmem>>, vector<16xi32>,
    %get3A_2097 = arith.constant 1 : index
    %get3A_2098 = tpu.vector_load %arg7[%get3A_2097] {strides = array<i32>} : memref<32xi32, #tpu.memory_space<vmem>>, vector<16xi32>,
    %get3A_2099 = vector.shape_cast %get3A_2098 : vector<16xi32> to vector<16xi32>
    %min3A_2100 = arith.minsi %min3A_2092, %get3A_2099 : vector<16xi32>
    %slice3A_2101 = vector.extract_strided_slice %min3A_2100 {offsets = [0], sizes = [1], strides = [1]} : vector<16xi32> to vector<1xi32>
    %squeeze3A_2102 = vector.extract %slice3A_2101[0] : i32 from vector<1xi32>
    %mul3A_2103 = arith.constant 1568 : i32
    %mul3A_2104 = arith.muli %squeeze3A_2102, %mul3A_2103 : i32
    %broadcast_in_dim3A_2105 = arith.constant 2147483647 : i32
    %broadcast_in_dim3A_2106 = vector.broadcast %broadcast_in_dim3A_2105 : i32 to vector<16xi32>
    %scan3A_2107 = arith.constant 0 : i32
    %scan3A_2108 = arith.constant 98 : i32
    %scan3A_2109 = arith.addi %scan3A_2107, %scan3A_2108 : i32
    %scan3A_2110 = arith.constant 1 : i32
    %scan3A_2111 = scf.for %scan3A_3012 = %scan3A_2107 to %scan3A_2109 step %scan3A_2110 iter_args(%scan3A_3013 = %broadcast_in_dim3A_2106) -> (vector<16xi32>)  : i32 {
      %mul3A_3014 = arith.constant 16 : i32
      %mul3A_3015 = arith.muli %scan3A_3012, %mul3A_3014 : i32
      %add3A_3016 = arith.addi %mul3A_2104, %mul3A_3015 : i32
      %get3A_3017 = arith.index_cast %add3A_3016 : i32 to index
      %get3A_3018 = tpu.vector_load %arg5[%get3A_3017] {strides = array<i32>} : memref<25088xf32, #tpu.memory_space<vmem>>, vector<16xf32>,
      %get3A_3019 = vector.shape_cast %get3A_3018 : vector<16xf32> to vector<16xf32>
      %eq3A_3020 = vector.broadcast %squeeze3A_1972 : f32 to vector<16xf32>
      %eq3A_3021 = arith.cmpf oeq, %get3A_3019, %eq3A_3020 : vector<16xf32>
      %mul3A_3022 = arith.constant 16 : i32
      %mul3A_3023 = arith.muli %scan3A_3012, %mul3A_3022 : i32
      %add3A_3024 = vector.broadcast %mul3A_3023 : i32 to vector<16xi32>
      %add3A_3025 = arith.addi %add3A_3024, %iota3A : vector<16xi32>
      %jit3A_3026 = arith.constant 2147483647 : i32
      %broadcast_in_dim3A_3027 = vector.broadcast %jit3A_3026 : i32 to vector<16xi32>
      %select_n3A_3028 = arith.select %eq3A_3021, %add3A_3025, %broadcast_in_dim3A_3027 : vector<16xi1>, vector<16xi32>
      %min3A_3029 = arith.minsi %scan3A_3013, %select_n3A_3028 : vector<16xi32>
      scf.yield %min3A_3029 : vector<16xi32>
    }
    %scan3A_2112 = arith.constant 98 : i32
    %swap3A_2113 = arith.constant 0 : index
    %swap3A_2114 = tpu.vector_load %arg7[%swap3A_2113] {strides = array<i32>} : memref<32xi32, #tpu.memory_space<vmem>>, vector<16xi32>,
    %swap3A_2115 = vector.shape_cast %swap3A_2114 : vector<16xi32> to vector<16xi32>
    %swap3A_2116 = vector.shape_cast %scan3A_2111 : vector<16xi32> to vector<16xi32>
    tpu.vector_store %arg7[%swap3A_2113], %swap3A_2116 {strides = array<i32>} : memref<32xi32, #tpu.memory_space<vmem>>, vector<16xi32>,
    %get3A_2117 = arith.constant 8 : index
    %get3A_2118 = tpu.vector_load %arg7[%get3A_2117] {strides = array<i32>} : memref<32xi32, #tpu.memory_space<vmem>>, vector<16xi32>,
    %get3A_2119 = vector.shape_cast %get3A_2118 : vector<16xi32> to vector<16xi32>
    %min3A_2120 = arith.minsi %scan3A_2111, %get3A_2119 : vector<16xi32>
    %swap3A_2121 = arith.constant 0 : index
    %swap3A_2122 = tpu.vector_load %arg7[%swap3A_2121] {strides = array<i32>} : memref<32xi32, #tpu.memory_space<vmem>>, vector<16xi32>,
    %swap3A_2123 = vector.shape_cast %swap3A_2122 : vector<16xi32> to vector<16xi32>
    %swap3A_2124 = vector.shape_cast %min3A_2120 : vector<16xi32> to vector<16xi32>
    tpu.vector_store %arg7[%swap3A_2121], %swap3A_2124 {strides = array<i32>} : memref<32xi32, #tpu.memory_space<vmem>>, vector<16xi32>,
    %get3A_2125 = arith.constant 4 : index
    %get3A_2126 = tpu.vector_load %arg7[%get3A_2125] {strides = array<i32>} : memref<32xi32, #tpu.memory_space<vmem>>, vector<16xi32>,
    %get3A_2127 = vector.shape_cast %get3A_2126 : vector<16xi32> to vector<16xi32>
    %min3A_2128 = arith.minsi %min3A_2120, %get3A_2127 : vector<16xi32>
    %swap3A_2129 = arith.constant 0 : index
    %swap3A_2130 = tpu.vector_load %arg7[%swap3A_2129] {strides = array<i32>} : memref<32xi32, #tpu.memory_space<vmem>>, vector<16xi32>,
    %swap3A_2131 = vector.shape_cast %swap3A_2130 : vector<16xi32> to vector<16xi32>
    %swap3A_2132 = vector.shape_cast %min3A_2128 : vector<16xi32> to vector<16xi32>
    tpu.vector_store %arg7[%swap3A_2129], %swap3A_2132 {strides = array<i32>} : memref<32xi32, #tpu.memory_space<vmem>>, vector<16xi32>,
    %get3A_2133 = arith.constant 2 : index
    %get3A_2134 = tpu.vector_load %arg7[%get3A_2133] {strides = array<i32>} : memref<32xi32, #tpu.memory_space<vmem>>, vector<16xi32>,
    %get3A_2135 = vector.shape_cast %get3A_2134 : vector<16xi32> to vector<16xi32>
    %min3A_2136 = arith.minsi %min3A_2128, %get3A_2135 : vector<16xi32>
    %swap3A_2137 = arith.constant 0 : index
    %swap3A_2138 = tpu.vector_load %arg7[%swap3A_2137] {strides = array<i32>} : memref<32xi32, #tpu.memory_space<vmem>>, vector<16xi32>,
    %swap3A_2139 = vector.shape_cast %swap3A_2138 : vector<16xi32> to vector<16xi32>
    %swap3A_2140 = vector.shape_cast %min3A_2136 : vector<16xi32> to vector<16xi32>
    tpu.vector_store %arg7[%swap3A_2137], %swap3A_2140 {strides = array<i32>} : memref<32xi32, #tpu.memory_space<vmem>>, vector<16xi32>,
    %get3A_2141 = arith.constant 1 : index
    %get3A_2142 = tpu.vector_load %arg7[%get3A_2141] {strides = array<i32>} : memref<32xi32, #tpu.memory_space<vmem>>, vector<16xi32>,
    %get3A_2143 = vector.shape_cast %get3A_2142 : vector<16xi32> to vector<16xi32>
    %min3A_2144 = arith.minsi %min3A_2136, %get3A_2143 : vector<16xi32>
    %slice3A_2145 = vector.extract_strided_slice %min3A_2144 {offsets = [0], sizes = [1], strides = [1]} : vector<16xi32> to vector<1xi32>
    %squeeze3A_2146 = vector.extract %slice3A_2145[0] : i32 from vector<1xi32>
    %eq3A_2147 = arith.constant 5 : i32
    %eq3A_2148 = vector.broadcast %eq3A_2147 : i32 to vector<16xi32>
    %eq3A_2149 = arith.cmpi eq, %iota3A, %eq3A_2148 : vector<16xi32>
    %broadcast_in_dim3A_2150 = vector.broadcast %squeeze3A_1972 : f32 to vector<16xf32>
    %select_n3A_2151 = arith.select %eq3A_2149, %broadcast_in_dim3A_2150, %select_n3A_1803 : vector<16xi1>, vector<16xf32>
    %eq3A_2152 = arith.constant 5 : i32
    %eq3A_2153 = vector.broadcast %eq3A_2152 : i32 to vector<16xi32>
    %eq3A_2154 = arith.cmpi eq, %iota3A, %eq3A_2153 : vector<16xi32>
    %mul3A_2155 = arith.constant 1568 : i32
    %mul3A_2156 = arith.muli %squeeze3A_2102, %mul3A_2155 : i32
    %add3A_2157 = arith.addi %add3A_42, %mul3A_2156 : i32
    %add3A_2158 = arith.addi %add3A_2157, %squeeze3A_2146 : i32
    %broadcast_in_dim3A_2159 = vector.broadcast %add3A_2158 : i32 to vector<16xi32>
    %select_n3A_2160 = arith.select %eq3A_2154, %broadcast_in_dim3A_2159, %select_n3A_1812 : vector<16xi1>, vector<16xi32>
    %jit3A_2161 = arith.constant 16 : i32
    %div3A_2162 = arith.divsi %squeeze3A_2146, %jit3A_2161 : i32
    %sign3A_2163 = arith.constant 0 : i32
    %sign3A_2164 = arith.cmpi sgt, %squeeze3A_2146, %sign3A_2163 : i32
    %sign3A_2165 = arith.extui %sign3A_2164 : i1 to i32
    %sign3A_2166 = arith.constant 0 : i32
    %sign3A_2167 = arith.cmpi slt, %squeeze3A_2146, %sign3A_2166 : i32
    %sign3A_2168 = arith.extui %sign3A_2167 : i1 to i32
    %sign3A_2169 = arith.subi %sign3A_2165, %sign3A_2168 : i32
    %sign3A_2170 = arith.constant 0 : i32
    %sign3A_2171 = arith.cmpi sgt, %jit3A_2161, %sign3A_2170 : i32
    %sign3A_2172 = arith.extui %sign3A_2171 : i1 to i32
    %sign3A_2173 = arith.constant 0 : i32
    %sign3A_2174 = arith.cmpi slt, %jit3A_2161, %sign3A_2173 : i32
    %sign3A_2175 = arith.extui %sign3A_2174 : i1 to i32
    %sign3A_2176 = arith.subi %sign3A_2172, %sign3A_2175 : i32
    %ne3A_2177 = arith.cmpi ne, %sign3A_2169, %sign3A_2176 : i32
    %rem3A_2178 = arith.remsi %squeeze3A_2146, %jit3A_2161 : i32
    %ne3A_2179 = arith.constant 0 : i32
    %ne3A_2180 = arith.cmpi ne, %rem3A_2178, %ne3A_2179 : i32
    %and3A_2181 = arith.andi %ne3A_2177, %ne3A_2180 : i1
    %sub3A_2182 = arith.constant 1 : i32
    %sub3A_2183 = arith.subi %div3A_2162, %sub3A_2182 : i32
    %select_n3A_2184 = arith.select %and3A_2181, %sub3A_2183, %div3A_2162 : i32
    %jit3A_2185 = arith.constant 16 : i32
    %eq3A_2186 = arith.constant 0 : i32
    %eq3A_2187 = arith.cmpi eq, %jit3A_2185, %eq3A_2186 : i32
    %jit3A_2188 = arith.constant 1 : i32
    %select_n3A_2189 = arith.select %eq3A_2187, %jit3A_2188, %jit3A_2185 : i32
    %rem3A_2190 = arith.remsi %squeeze3A_2146, %select_n3A_2189 : i32
    %ne3A_2191 = arith.constant 0 : i32
    %ne3A_2192 = arith.cmpi ne, %rem3A_2190, %ne3A_2191 : i32
    %lt3A_2193 = arith.constant 0 : i32
    %lt3A_2194 = arith.cmpi slt, %rem3A_2190, %lt3A_2193 : i32
    %lt3A_2195 = arith.constant 0 : i32
    %lt3A_2196 = arith.cmpi slt, %select_n3A_2189, %lt3A_2195 : i32
    %ne3A_2197 = arith.xori %lt3A_2194, %lt3A_2196 : i1
    %and3A_2198 = arith.andi %ne3A_2197, %ne3A_2192 : i1
    %add3A_2199 = arith.addi %rem3A_2190, %select_n3A_2189 : i32
    %select_n3A_2200 = arith.select %and3A_2198, %add3A_2199, %rem3A_2190 : i32
    %mul3A_2201 = arith.constant 16 : i32
    %mul3A_2202 = arith.muli %select_n3A_2184, %mul3A_2201 : i32
    %add3A_2203 = arith.addi %mul3A_2104, %mul3A_2202 : i32
    %get3A_2204 = arith.index_cast %add3A_2203 : i32 to index
    %get3A_2205 = tpu.vector_load %arg5[%get3A_2204] {strides = array<i32>} : memref<25088xf32, #tpu.memory_space<vmem>>, vector<16xf32>,
    %get3A_2206 = vector.shape_cast %get3A_2205 : vector<16xf32> to vector<16xf32>
    %eq3A_2207 = vector.broadcast %select_n3A_2200 : i32 to vector<16xi32>
    %eq3A_2208 = arith.cmpi eq, %iota3A, %eq3A_2207 : vector<16xi32>
    %select_n3A_2209 = arith.select %eq3A_2208, %broadcast_in_dim3A_86, %get3A_2206 : vector<16xi1>, vector<16xf32>
    %mul3A_2210 = arith.constant 16 : i32
    %mul3A_2211 = arith.muli %select_n3A_2184, %mul3A_2210 : i32
    %add3A_2212 = arith.addi %mul3A_2104, %mul3A_2211 : i32
    %swap3A_2213 = arith.index_cast %add3A_2212 : i32 to index
    %swap3A_2214 = tpu.vector_load %arg5[%swap3A_2213] {strides = array<i32>} : memref<25088xf32, #tpu.memory_space<vmem>>, vector<16xf32>,
    %swap3A_2215 = vector.shape_cast %swap3A_2214 : vector<16xf32> to vector<16xf32>
    %swap3A_2216 = vector.shape_cast %select_n3A_2209 : vector<16xf32> to vector<16xf32>
    tpu.vector_store %arg5[%swap3A_2213], %swap3A_2216 {strides = array<i32>} : memref<25088xf32, #tpu.memory_space<vmem>>, vector<16xf32>,
    %scan3A_2217 = arith.constant 0 : i32
    %scan3A_2218 = arith.constant 49 : i32
    %scan3A_2219 = arith.addi %scan3A_2217, %scan3A_2218 : i32
    %scan3A_2220 = arith.constant 1 : i32
    %scan3A_2221:2 = scf.for %scan3A_3012 = %scan3A_2217 to %scan3A_2219 step %scan3A_2220 iter_args(%scan3A_3013 = %broadcast_in_dim3A_86, %scan3A_3014 = %broadcast_in_dim3A_86) -> (vector<16xf32>, vector<16xf32>)  : i32 {
      %mul3A_3015 = arith.constant 32 : i32
      %mul3A_3016 = arith.muli %scan3A_3012, %mul3A_3015 : i32
      %add3A_3017 = arith.addi %mul3A_2104, %mul3A_3016 : i32
      %get3A_3018 = arith.index_cast %add3A_3017 : i32 to index
      %get3A_3019 = tpu.vector_load %arg5[%get3A_3018] {strides = array<i32>} : memref<25088xf32, #tpu.memory_space<vmem>>, vector<16xf32>,
      %get3A_3020 = vector.shape_cast %get3A_3019 : vector<16xf32> to vector<16xf32>
      %max3A_3021 = arith.maximumf %scan3A_3013, %get3A_3020 : vector<16xf32>
      %add3A_3022 = arith.constant 16 : i32
      %add3A_3023 = arith.addi %add3A_3017, %add3A_3022 : i32
      %get3A_3024 = arith.index_cast %add3A_3023 : i32 to index
      %get3A_3025 = tpu.vector_load %arg5[%get3A_3024] {strides = array<i32>} : memref<25088xf32, #tpu.memory_space<vmem>>, vector<16xf32>,
      %get3A_3026 = vector.shape_cast %get3A_3025 : vector<16xf32> to vector<16xf32>
      %max3A_3027 = arith.maximumf %scan3A_3014, %get3A_3026 : vector<16xf32>
      scf.yield %max3A_3021, %max3A_3027 : vector<16xf32>, vector<16xf32>
    }
    %scan3A_2222 = arith.constant 49 : i32
    %max3A_2223 = arith.maximumf %scan3A_2221#0, %scan3A_2221#1 : vector<16xf32>
    %eq3A_2224 = arith.constant 0 : i32
    %eq3A_2225 = arith.cmpi eq, %squeeze3A_2102, %eq3A_2224 : i32
    %select_n3A_2226 = arith.select %eq3A_2225, %max3A_2223, %select_n3A_1878 : vector<16xf32>
    %eq3A_2227 = arith.constant 1 : i32
    %eq3A_2228 = arith.cmpi eq, %squeeze3A_2102, %eq3A_2227 : i32
    %select_n3A_2229 = arith.select %eq3A_2228, %max3A_2223, %select_n3A_1881 : vector<16xf32>
    %eq3A_2230 = arith.constant 2 : i32
    %eq3A_2231 = arith.cmpi eq, %squeeze3A_2102, %eq3A_2230 : i32
    %select_n3A_2232 = arith.select %eq3A_2231, %max3A_2223, %select_n3A_1884 : vector<16xf32>
    %eq3A_2233 = arith.constant 3 : i32
    %eq3A_2234 = arith.cmpi eq, %squeeze3A_2102, %eq3A_2233 : i32
    %select_n3A_2235 = arith.select %eq3A_2234, %max3A_2223, %select_n3A_1887 : vector<16xf32>
    %eq3A_2236 = arith.constant 4 : i32
    %eq3A_2237 = arith.cmpi eq, %squeeze3A_2102, %eq3A_2236 : i32
    %select_n3A_2238 = arith.select %eq3A_2237, %max3A_2223, %select_n3A_1890 : vector<16xf32>
    %eq3A_2239 = arith.constant 5 : i32
    %eq3A_2240 = arith.cmpi eq, %squeeze3A_2102, %eq3A_2239 : i32
    %select_n3A_2241 = arith.select %eq3A_2240, %max3A_2223, %select_n3A_1893 : vector<16xf32>
    %eq3A_2242 = arith.constant 6 : i32
    %eq3A_2243 = arith.cmpi eq, %squeeze3A_2102, %eq3A_2242 : i32
    %select_n3A_2244 = arith.select %eq3A_2243, %max3A_2223, %select_n3A_1896 : vector<16xf32>
    %eq3A_2245 = arith.constant 7 : i32
    %eq3A_2246 = arith.cmpi eq, %squeeze3A_2102, %eq3A_2245 : i32
    %select_n3A_2247 = arith.select %eq3A_2246, %max3A_2223, %select_n3A_1899 : vector<16xf32>
    %eq3A_2248 = arith.constant 8 : i32
    %eq3A_2249 = arith.cmpi eq, %squeeze3A_2102, %eq3A_2248 : i32
    %select_n3A_2250 = arith.select %eq3A_2249, %max3A_2223, %select_n3A_1902 : vector<16xf32>
    %eq3A_2251 = arith.constant 9 : i32
    %eq3A_2252 = arith.cmpi eq, %squeeze3A_2102, %eq3A_2251 : i32
    %select_n3A_2253 = arith.select %eq3A_2252, %max3A_2223, %select_n3A_1905 : vector<16xf32>
    %eq3A_2254 = arith.constant 10 : i32
    %eq3A_2255 = arith.cmpi eq, %squeeze3A_2102, %eq3A_2254 : i32
    %select_n3A_2256 = arith.select %eq3A_2255, %max3A_2223, %select_n3A_1908 : vector<16xf32>
    %eq3A_2257 = arith.constant 11 : i32
    %eq3A_2258 = arith.cmpi eq, %squeeze3A_2102, %eq3A_2257 : i32
    %select_n3A_2259 = arith.select %eq3A_2258, %max3A_2223, %select_n3A_1911 : vector<16xf32>
    %eq3A_2260 = arith.constant 12 : i32
    %eq3A_2261 = arith.cmpi eq, %squeeze3A_2102, %eq3A_2260 : i32
    %select_n3A_2262 = arith.select %eq3A_2261, %max3A_2223, %select_n3A_1914 : vector<16xf32>
    %eq3A_2263 = arith.constant 13 : i32
    %eq3A_2264 = arith.cmpi eq, %squeeze3A_2102, %eq3A_2263 : i32
    %select_n3A_2265 = arith.select %eq3A_2264, %max3A_2223, %select_n3A_1917 : vector<16xf32>
    %eq3A_2266 = arith.constant 14 : i32
    %eq3A_2267 = arith.cmpi eq, %squeeze3A_2102, %eq3A_2266 : i32
    %select_n3A_2268 = arith.select %eq3A_2267, %max3A_2223, %select_n3A_1920 : vector<16xf32>
    %eq3A_2269 = arith.constant 15 : i32
    %eq3A_2270 = arith.cmpi eq, %squeeze3A_2102, %eq3A_2269 : i32
    %select_n3A_2271 = arith.select %eq3A_2270, %max3A_2223, %select_n3A_1923 : vector<16xf32>
    %max3A_2272 = arith.maximumf %select_n3A_2226, %select_n3A_2229 : vector<16xf32>
    %max3A_2273 = arith.maximumf %max3A_2272, %select_n3A_2232 : vector<16xf32>
    %max3A_2274 = arith.maximumf %max3A_2273, %select_n3A_2235 : vector<16xf32>
    %max3A_2275 = arith.maximumf %max3A_2274, %select_n3A_2238 : vector<16xf32>
    %max3A_2276 = arith.maximumf %max3A_2275, %select_n3A_2241 : vector<16xf32>
    %max3A_2277 = arith.maximumf %max3A_2276, %select_n3A_2244 : vector<16xf32>
    %max3A_2278 = arith.maximumf %max3A_2277, %select_n3A_2247 : vector<16xf32>
    %max3A_2279 = arith.maximumf %max3A_2278, %select_n3A_2250 : vector<16xf32>
    %max3A_2280 = arith.maximumf %max3A_2279, %select_n3A_2253 : vector<16xf32>
    %max3A_2281 = arith.maximumf %max3A_2280, %select_n3A_2256 : vector<16xf32>
    %max3A_2282 = arith.maximumf %max3A_2281, %select_n3A_2259 : vector<16xf32>
    %max3A_2283 = arith.maximumf %max3A_2282, %select_n3A_2262 : vector<16xf32>
    %max3A_2284 = arith.maximumf %max3A_2283, %select_n3A_2265 : vector<16xf32>
    %max3A_2285 = arith.maximumf %max3A_2284, %select_n3A_2268 : vector<16xf32>
    %max3A_2286 = arith.maximumf %max3A_2285, %select_n3A_2271 : vector<16xf32>
    %swap3A_2287 = arith.constant 0 : index
    %swap3A_2288 = tpu.vector_load %arg6[%swap3A_2287] {strides = array<i32>} : memref<32xf32, #tpu.memory_space<vmem>>, vector<16xf32>,
    %swap3A_2289 = vector.shape_cast %swap3A_2288 : vector<16xf32> to vector<16xf32>
    %swap3A_2290 = vector.shape_cast %max3A_2286 : vector<16xf32> to vector<16xf32>
    tpu.vector_store %arg6[%swap3A_2287], %swap3A_2290 {strides = array<i32>} : memref<32xf32, #tpu.memory_space<vmem>>, vector<16xf32>,
    %get3A_2291 = arith.constant 8 : index
    %get3A_2292 = tpu.vector_load %arg6[%get3A_2291] {strides = array<i32>} : memref<32xf32, #tpu.memory_space<vmem>>, vector<16xf32>,
    %get3A_2293 = vector.shape_cast %get3A_2292 : vector<16xf32> to vector<16xf32>
    %max3A_2294 = arith.maximumf %max3A_2286, %get3A_2293 : vector<16xf32>
    %swap3A_2295 = arith.constant 0 : index
    %swap3A_2296 = tpu.vector_load %arg6[%swap3A_2295] {strides = array<i32>} : memref<32xf32, #tpu.memory_space<vmem>>, vector<16xf32>,
    %swap3A_2297 = vector.shape_cast %swap3A_2296 : vector<16xf32> to vector<16xf32>
    %swap3A_2298 = vector.shape_cast %max3A_2294 : vector<16xf32> to vector<16xf32>
    tpu.vector_store %arg6[%swap3A_2295], %swap3A_2298 {strides = array<i32>} : memref<32xf32, #tpu.memory_space<vmem>>, vector<16xf32>,
    %get3A_2299 = arith.constant 4 : index
    %get3A_2300 = tpu.vector_load %arg6[%get3A_2299] {strides = array<i32>} : memref<32xf32, #tpu.memory_space<vmem>>, vector<16xf32>,
    %get3A_2301 = vector.shape_cast %get3A_2300 : vector<16xf32> to vector<16xf32>
    %max3A_2302 = arith.maximumf %max3A_2294, %get3A_2301 : vector<16xf32>
    %swap3A_2303 = arith.constant 0 : index
    %swap3A_2304 = tpu.vector_load %arg6[%swap3A_2303] {strides = array<i32>} : memref<32xf32, #tpu.memory_space<vmem>>, vector<16xf32>,
    %swap3A_2305 = vector.shape_cast %swap3A_2304 : vector<16xf32> to vector<16xf32>
    %swap3A_2306 = vector.shape_cast %max3A_2302 : vector<16xf32> to vector<16xf32>
    tpu.vector_store %arg6[%swap3A_2303], %swap3A_2306 {strides = array<i32>} : memref<32xf32, #tpu.memory_space<vmem>>, vector<16xf32>,
    %get3A_2307 = arith.constant 2 : index
    %get3A_2308 = tpu.vector_load %arg6[%get3A_2307] {strides = array<i32>} : memref<32xf32, #tpu.memory_space<vmem>>, vector<16xf32>,
    %get3A_2309 = vector.shape_cast %get3A_2308 : vector<16xf32> to vector<16xf32>
    %max3A_2310 = arith.maximumf %max3A_2302, %get3A_2309 : vector<16xf32>
    %swap3A_2311 = arith.constant 0 : index
    %swap3A_2312 = tpu.vector_load %arg6[%swap3A_2311] {strides = array<i32>} : memref<32xf32, #tpu.memory_space<vmem>>, vector<16xf32>,
    %swap3A_2313 = vector.shape_cast %swap3A_2312 : vector<16xf32> to vector<16xf32>
    %swap3A_2314 = vector.shape_cast %max3A_2310 : vector<16xf32> to vector<16xf32>
    tpu.vector_store %arg6[%swap3A_2311], %swap3A_2314 {strides = array<i32>} : memref<32xf32, #tpu.memory_space<vmem>>, vector<16xf32>,
    %get3A_2315 = arith.constant 1 : index
    %get3A_2316 = tpu.vector_load %arg6[%get3A_2315] {strides = array<i32>} : memref<32xf32, #tpu.memory_space<vmem>>, vector<16xf32>,
    %get3A_2317 = vector.shape_cast %get3A_2316 : vector<16xf32> to vector<16xf32>
    %max3A_2318 = arith.maximumf %max3A_2310, %get3A_2317 : vector<16xf32>
    %slice3A_2319 = vector.extract_strided_slice %max3A_2318 {offsets = [0], sizes = [1], strides = [1]} : vector<16xf32> to vector<1xf32>
    %squeeze3A_2320 = vector.extract %slice3A_2319[0] : f32 from vector<1xf32>
    %eq3A_2321 = vector.broadcast %squeeze3A_2320 : f32 to vector<16xf32>
    %eq3A_2322 = arith.cmpf oeq, %select_n3A_2226, %eq3A_2321 : vector<16xf32>
    %min3A_2323 = arith.constant 0 : i32
    %min3A_2324 = vector.broadcast %min3A_2323 : i32 to vector<16xi32>
    %min3A_2325 = arith.minsi %broadcast_in_dim3A_187, %min3A_2324 : vector<16xi32>
    %select_n3A_2326 = arith.select %eq3A_2322, %min3A_2325, %broadcast_in_dim3A_187 : vector<16xi1>, vector<16xi32>
    %eq3A_2327 = vector.broadcast %squeeze3A_2320 : f32 to vector<16xf32>
    %eq3A_2328 = arith.cmpf oeq, %select_n3A_2229, %eq3A_2327 : vector<16xf32>
    %min3A_2329 = arith.constant 1 : i32
    %min3A_2330 = vector.broadcast %min3A_2329 : i32 to vector<16xi32>
    %min3A_2331 = arith.minsi %select_n3A_2326, %min3A_2330 : vector<16xi32>
    %select_n3A_2332 = arith.select %eq3A_2328, %min3A_2331, %select_n3A_2326 : vector<16xi1>, vector<16xi32>
    %eq3A_2333 = vector.broadcast %squeeze3A_2320 : f32 to vector<16xf32>
    %eq3A_2334 = arith.cmpf oeq, %select_n3A_2232, %eq3A_2333 : vector<16xf32>
    %min3A_2335 = arith.constant 2 : i32
    %min3A_2336 = vector.broadcast %min3A_2335 : i32 to vector<16xi32>
    %min3A_2337 = arith.minsi %select_n3A_2332, %min3A_2336 : vector<16xi32>
    %select_n3A_2338 = arith.select %eq3A_2334, %min3A_2337, %select_n3A_2332 : vector<16xi1>, vector<16xi32>
    %eq3A_2339 = vector.broadcast %squeeze3A_2320 : f32 to vector<16xf32>
    %eq3A_2340 = arith.cmpf oeq, %select_n3A_2235, %eq3A_2339 : vector<16xf32>
    %min3A_2341 = arith.constant 3 : i32
    %min3A_2342 = vector.broadcast %min3A_2341 : i32 to vector<16xi32>
    %min3A_2343 = arith.minsi %select_n3A_2338, %min3A_2342 : vector<16xi32>
    %select_n3A_2344 = arith.select %eq3A_2340, %min3A_2343, %select_n3A_2338 : vector<16xi1>, vector<16xi32>
    %eq3A_2345 = vector.broadcast %squeeze3A_2320 : f32 to vector<16xf32>
    %eq3A_2346 = arith.cmpf oeq, %select_n3A_2238, %eq3A_2345 : vector<16xf32>
    %min3A_2347 = arith.constant 4 : i32
    %min3A_2348 = vector.broadcast %min3A_2347 : i32 to vector<16xi32>
    %min3A_2349 = arith.minsi %select_n3A_2344, %min3A_2348 : vector<16xi32>
    %select_n3A_2350 = arith.select %eq3A_2346, %min3A_2349, %select_n3A_2344 : vector<16xi1>, vector<16xi32>
    %eq3A_2351 = vector.broadcast %squeeze3A_2320 : f32 to vector<16xf32>
    %eq3A_2352 = arith.cmpf oeq, %select_n3A_2241, %eq3A_2351 : vector<16xf32>
    %min3A_2353 = arith.constant 5 : i32
    %min3A_2354 = vector.broadcast %min3A_2353 : i32 to vector<16xi32>
    %min3A_2355 = arith.minsi %select_n3A_2350, %min3A_2354 : vector<16xi32>
    %select_n3A_2356 = arith.select %eq3A_2352, %min3A_2355, %select_n3A_2350 : vector<16xi1>, vector<16xi32>
    %eq3A_2357 = vector.broadcast %squeeze3A_2320 : f32 to vector<16xf32>
    %eq3A_2358 = arith.cmpf oeq, %select_n3A_2244, %eq3A_2357 : vector<16xf32>
    %min3A_2359 = arith.constant 6 : i32
    %min3A_2360 = vector.broadcast %min3A_2359 : i32 to vector<16xi32>
    %min3A_2361 = arith.minsi %select_n3A_2356, %min3A_2360 : vector<16xi32>
    %select_n3A_2362 = arith.select %eq3A_2358, %min3A_2361, %select_n3A_2356 : vector<16xi1>, vector<16xi32>
    %eq3A_2363 = vector.broadcast %squeeze3A_2320 : f32 to vector<16xf32>
    %eq3A_2364 = arith.cmpf oeq, %select_n3A_2247, %eq3A_2363 : vector<16xf32>
    %min3A_2365 = arith.constant 7 : i32
    %min3A_2366 = vector.broadcast %min3A_2365 : i32 to vector<16xi32>
    %min3A_2367 = arith.minsi %select_n3A_2362, %min3A_2366 : vector<16xi32>
    %select_n3A_2368 = arith.select %eq3A_2364, %min3A_2367, %select_n3A_2362 : vector<16xi1>, vector<16xi32>
    %eq3A_2369 = vector.broadcast %squeeze3A_2320 : f32 to vector<16xf32>
    %eq3A_2370 = arith.cmpf oeq, %select_n3A_2250, %eq3A_2369 : vector<16xf32>
    %min3A_2371 = arith.constant 8 : i32
    %min3A_2372 = vector.broadcast %min3A_2371 : i32 to vector<16xi32>
    %min3A_2373 = arith.minsi %select_n3A_2368, %min3A_2372 : vector<16xi32>
    %select_n3A_2374 = arith.select %eq3A_2370, %min3A_2373, %select_n3A_2368 : vector<16xi1>, vector<16xi32>
    %eq3A_2375 = vector.broadcast %squeeze3A_2320 : f32 to vector<16xf32>
    %eq3A_2376 = arith.cmpf oeq, %select_n3A_2253, %eq3A_2375 : vector<16xf32>
    %min3A_2377 = arith.constant 9 : i32
    %min3A_2378 = vector.broadcast %min3A_2377 : i32 to vector<16xi32>
    %min3A_2379 = arith.minsi %select_n3A_2374, %min3A_2378 : vector<16xi32>
    %select_n3A_2380 = arith.select %eq3A_2376, %min3A_2379, %select_n3A_2374 : vector<16xi1>, vector<16xi32>
    %eq3A_2381 = vector.broadcast %squeeze3A_2320 : f32 to vector<16xf32>
    %eq3A_2382 = arith.cmpf oeq, %select_n3A_2256, %eq3A_2381 : vector<16xf32>
    %min3A_2383 = arith.constant 10 : i32
    %min3A_2384 = vector.broadcast %min3A_2383 : i32 to vector<16xi32>
    %min3A_2385 = arith.minsi %select_n3A_2380, %min3A_2384 : vector<16xi32>
    %select_n3A_2386 = arith.select %eq3A_2382, %min3A_2385, %select_n3A_2380 : vector<16xi1>, vector<16xi32>
    %eq3A_2387 = vector.broadcast %squeeze3A_2320 : f32 to vector<16xf32>
    %eq3A_2388 = arith.cmpf oeq, %select_n3A_2259, %eq3A_2387 : vector<16xf32>
    %min3A_2389 = arith.constant 11 : i32
    %min3A_2390 = vector.broadcast %min3A_2389 : i32 to vector<16xi32>
    %min3A_2391 = arith.minsi %select_n3A_2386, %min3A_2390 : vector<16xi32>
    %select_n3A_2392 = arith.select %eq3A_2388, %min3A_2391, %select_n3A_2386 : vector<16xi1>, vector<16xi32>
    %eq3A_2393 = vector.broadcast %squeeze3A_2320 : f32 to vector<16xf32>
    %eq3A_2394 = arith.cmpf oeq, %select_n3A_2262, %eq3A_2393 : vector<16xf32>
    %min3A_2395 = arith.constant 12 : i32
    %min3A_2396 = vector.broadcast %min3A_2395 : i32 to vector<16xi32>
    %min3A_2397 = arith.minsi %select_n3A_2392, %min3A_2396 : vector<16xi32>
    %select_n3A_2398 = arith.select %eq3A_2394, %min3A_2397, %select_n3A_2392 : vector<16xi1>, vector<16xi32>
    %eq3A_2399 = vector.broadcast %squeeze3A_2320 : f32 to vector<16xf32>
    %eq3A_2400 = arith.cmpf oeq, %select_n3A_2265, %eq3A_2399 : vector<16xf32>
    %min3A_2401 = arith.constant 13 : i32
    %min3A_2402 = vector.broadcast %min3A_2401 : i32 to vector<16xi32>
    %min3A_2403 = arith.minsi %select_n3A_2398, %min3A_2402 : vector<16xi32>
    %select_n3A_2404 = arith.select %eq3A_2400, %min3A_2403, %select_n3A_2398 : vector<16xi1>, vector<16xi32>
    %eq3A_2405 = vector.broadcast %squeeze3A_2320 : f32 to vector<16xf32>
    %eq3A_2406 = arith.cmpf oeq, %select_n3A_2268, %eq3A_2405 : vector<16xf32>
    %min3A_2407 = arith.constant 14 : i32
    %min3A_2408 = vector.broadcast %min3A_2407 : i32 to vector<16xi32>
    %min3A_2409 = arith.minsi %select_n3A_2404, %min3A_2408 : vector<16xi32>
    %select_n3A_2410 = arith.select %eq3A_2406, %min3A_2409, %select_n3A_2404 : vector<16xi1>, vector<16xi32>
    %eq3A_2411 = vector.broadcast %squeeze3A_2320 : f32 to vector<16xf32>
    %eq3A_2412 = arith.cmpf oeq, %select_n3A_2271, %eq3A_2411 : vector<16xf32>
    %min3A_2413 = arith.constant 15 : i32
    %min3A_2414 = vector.broadcast %min3A_2413 : i32 to vector<16xi32>
    %min3A_2415 = arith.minsi %select_n3A_2410, %min3A_2414 : vector<16xi32>
    %select_n3A_2416 = arith.select %eq3A_2412, %min3A_2415, %select_n3A_2410 : vector<16xi1>, vector<16xi32>
    %swap3A_2417 = arith.constant 0 : index
    %swap3A_2418 = tpu.vector_load %arg7[%swap3A_2417] {strides = array<i32>} : memref<32xi32, #tpu.memory_space<vmem>>, vector<16xi32>,
    %swap3A_2419 = vector.shape_cast %swap3A_2418 : vector<16xi32> to vector<16xi32>
    %swap3A_2420 = vector.shape_cast %select_n3A_2416 : vector<16xi32> to vector<16xi32>
    tpu.vector_store %arg7[%swap3A_2417], %swap3A_2420 {strides = array<i32>} : memref<32xi32, #tpu.memory_space<vmem>>, vector<16xi32>,
    %get3A_2421 = arith.constant 8 : index
    %get3A_2422 = tpu.vector_load %arg7[%get3A_2421] {strides = array<i32>} : memref<32xi32, #tpu.memory_space<vmem>>, vector<16xi32>,
    %get3A_2423 = vector.shape_cast %get3A_2422 : vector<16xi32> to vector<16xi32>
    %min3A_2424 = arith.minsi %select_n3A_2416, %get3A_2423 : vector<16xi32>
    %swap3A_2425 = arith.constant 0 : index
    %swap3A_2426 = tpu.vector_load %arg7[%swap3A_2425] {strides = array<i32>} : memref<32xi32, #tpu.memory_space<vmem>>, vector<16xi32>,
    %swap3A_2427 = vector.shape_cast %swap3A_2426 : vector<16xi32> to vector<16xi32>
    %swap3A_2428 = vector.shape_cast %min3A_2424 : vector<16xi32> to vector<16xi32>
    tpu.vector_store %arg7[%swap3A_2425], %swap3A_2428 {strides = array<i32>} : memref<32xi32, #tpu.memory_space<vmem>>, vector<16xi32>,
    %get3A_2429 = arith.constant 4 : index
    %get3A_2430 = tpu.vector_load %arg7[%get3A_2429] {strides = array<i32>} : memref<32xi32, #tpu.memory_space<vmem>>, vector<16xi32>,
    %get3A_2431 = vector.shape_cast %get3A_2430 : vector<16xi32> to vector<16xi32>
    %min3A_2432 = arith.minsi %min3A_2424, %get3A_2431 : vector<16xi32>
    %swap3A_2433 = arith.constant 0 : index
    %swap3A_2434 = tpu.vector_load %arg7[%swap3A_2433] {strides = array<i32>} : memref<32xi32, #tpu.memory_space<vmem>>, vector<16xi32>,
    %swap3A_2435 = vector.shape_cast %swap3A_2434 : vector<16xi32> to vector<16xi32>
    %swap3A_2436 = vector.shape_cast %min3A_2432 : vector<16xi32> to vector<16xi32>
    tpu.vector_store %arg7[%swap3A_2433], %swap3A_2436 {strides = array<i32>} : memref<32xi32, #tpu.memory_space<vmem>>, vector<16xi32>,
    %get3A_2437 = arith.constant 2 : index
    %get3A_2438 = tpu.vector_load %arg7[%get3A_2437] {strides = array<i32>} : memref<32xi32, #tpu.memory_space<vmem>>, vector<16xi32>,
    %get3A_2439 = vector.shape_cast %get3A_2438 : vector<16xi32> to vector<16xi32>
    %min3A_2440 = arith.minsi %min3A_2432, %get3A_2439 : vector<16xi32>
    %swap3A_2441 = arith.constant 0 : index
    %swap3A_2442 = tpu.vector_load %arg7[%swap3A_2441] {strides = array<i32>} : memref<32xi32, #tpu.memory_space<vmem>>, vector<16xi32>,
    %swap3A_2443 = vector.shape_cast %swap3A_2442 : vector<16xi32> to vector<16xi32>
    %swap3A_2444 = vector.shape_cast %min3A_2440 : vector<16xi32> to vector<16xi32>
    tpu.vector_store %arg7[%swap3A_2441], %swap3A_2444 {strides = array<i32>} : memref<32xi32, #tpu.memory_space<vmem>>, vector<16xi32>,
    %get3A_2445 = arith.constant 1 : index
    %get3A_2446 = tpu.vector_load %arg7[%get3A_2445] {strides = array<i32>} : memref<32xi32, #tpu.memory_space<vmem>>, vector<16xi32>,
    %get3A_2447 = vector.shape_cast %get3A_2446 : vector<16xi32> to vector<16xi32>
    %min3A_2448 = arith.minsi %min3A_2440, %get3A_2447 : vector<16xi32>
    %slice3A_2449 = vector.extract_strided_slice %min3A_2448 {offsets = [0], sizes = [1], strides = [1]} : vector<16xi32> to vector<1xi32>
    %squeeze3A_2450 = vector.extract %slice3A_2449[0] : i32 from vector<1xi32>
    %mul3A_2451 = arith.constant 1568 : i32
    %mul3A_2452 = arith.muli %squeeze3A_2450, %mul3A_2451 : i32
    %broadcast_in_dim3A_2453 = arith.constant 2147483647 : i32
    %broadcast_in_dim3A_2454 = vector.broadcast %broadcast_in_dim3A_2453 : i32 to vector<16xi32>
    %scan3A_2455 = arith.constant 0 : i32
    %scan3A_2456 = arith.constant 98 : i32
    %scan3A_2457 = arith.addi %scan3A_2455, %scan3A_2456 : i32
    %scan3A_2458 = arith.constant 1 : i32
    %scan3A_2459 = scf.for %scan3A_3012 = %scan3A_2455 to %scan3A_2457 step %scan3A_2458 iter_args(%scan3A_3013 = %broadcast_in_dim3A_2454) -> (vector<16xi32>)  : i32 {
      %mul3A_3014 = arith.constant 16 : i32
      %mul3A_3015 = arith.muli %scan3A_3012, %mul3A_3014 : i32
      %add3A_3016 = arith.addi %mul3A_2452, %mul3A_3015 : i32
      %get3A_3017 = arith.index_cast %add3A_3016 : i32 to index
      %get3A_3018 = tpu.vector_load %arg5[%get3A_3017] {strides = array<i32>} : memref<25088xf32, #tpu.memory_space<vmem>>, vector<16xf32>,
      %get3A_3019 = vector.shape_cast %get3A_3018 : vector<16xf32> to vector<16xf32>
      %eq3A_3020 = vector.broadcast %squeeze3A_2320 : f32 to vector<16xf32>
      %eq3A_3021 = arith.cmpf oeq, %get3A_3019, %eq3A_3020 : vector<16xf32>
      %mul3A_3022 = arith.constant 16 : i32
      %mul3A_3023 = arith.muli %scan3A_3012, %mul3A_3022 : i32
      %add3A_3024 = vector.broadcast %mul3A_3023 : i32 to vector<16xi32>
      %add3A_3025 = arith.addi %add3A_3024, %iota3A : vector<16xi32>
      %jit3A_3026 = arith.constant 2147483647 : i32
      %broadcast_in_dim3A_3027 = vector.broadcast %jit3A_3026 : i32 to vector<16xi32>
      %select_n3A_3028 = arith.select %eq3A_3021, %add3A_3025, %broadcast_in_dim3A_3027 : vector<16xi1>, vector<16xi32>
      %min3A_3029 = arith.minsi %scan3A_3013, %select_n3A_3028 : vector<16xi32>
      scf.yield %min3A_3029 : vector<16xi32>
    }
    %scan3A_2460 = arith.constant 98 : i32
    %swap3A_2461 = arith.constant 0 : index
    %swap3A_2462 = tpu.vector_load %arg7[%swap3A_2461] {strides = array<i32>} : memref<32xi32, #tpu.memory_space<vmem>>, vector<16xi32>,
    %swap3A_2463 = vector.shape_cast %swap3A_2462 : vector<16xi32> to vector<16xi32>
    %swap3A_2464 = vector.shape_cast %scan3A_2459 : vector<16xi32> to vector<16xi32>
    tpu.vector_store %arg7[%swap3A_2461], %swap3A_2464 {strides = array<i32>} : memref<32xi32, #tpu.memory_space<vmem>>, vector<16xi32>,
    %get3A_2465 = arith.constant 8 : index
    %get3A_2466 = tpu.vector_load %arg7[%get3A_2465] {strides = array<i32>} : memref<32xi32, #tpu.memory_space<vmem>>, vector<16xi32>,
    %get3A_2467 = vector.shape_cast %get3A_2466 : vector<16xi32> to vector<16xi32>
    %min3A_2468 = arith.minsi %scan3A_2459, %get3A_2467 : vector<16xi32>
    %swap3A_2469 = arith.constant 0 : index
    %swap3A_2470 = tpu.vector_load %arg7[%swap3A_2469] {strides = array<i32>} : memref<32xi32, #tpu.memory_space<vmem>>, vector<16xi32>,
    %swap3A_2471 = vector.shape_cast %swap3A_2470 : vector<16xi32> to vector<16xi32>
    %swap3A_2472 = vector.shape_cast %min3A_2468 : vector<16xi32> to vector<16xi32>
    tpu.vector_store %arg7[%swap3A_2469], %swap3A_2472 {strides = array<i32>} : memref<32xi32, #tpu.memory_space<vmem>>, vector<16xi32>,
    %get3A_2473 = arith.constant 4 : index
    %get3A_2474 = tpu.vector_load %arg7[%get3A_2473] {strides = array<i32>} : memref<32xi32, #tpu.memory_space<vmem>>, vector<16xi32>,
    %get3A_2475 = vector.shape_cast %get3A_2474 : vector<16xi32> to vector<16xi32>
    %min3A_2476 = arith.minsi %min3A_2468, %get3A_2475 : vector<16xi32>
    %swap3A_2477 = arith.constant 0 : index
    %swap3A_2478 = tpu.vector_load %arg7[%swap3A_2477] {strides = array<i32>} : memref<32xi32, #tpu.memory_space<vmem>>, vector<16xi32>,
    %swap3A_2479 = vector.shape_cast %swap3A_2478 : vector<16xi32> to vector<16xi32>
    %swap3A_2480 = vector.shape_cast %min3A_2476 : vector<16xi32> to vector<16xi32>
    tpu.vector_store %arg7[%swap3A_2477], %swap3A_2480 {strides = array<i32>} : memref<32xi32, #tpu.memory_space<vmem>>, vector<16xi32>,
    %get3A_2481 = arith.constant 2 : index
    %get3A_2482 = tpu.vector_load %arg7[%get3A_2481] {strides = array<i32>} : memref<32xi32, #tpu.memory_space<vmem>>, vector<16xi32>,
    %get3A_2483 = vector.shape_cast %get3A_2482 : vector<16xi32> to vector<16xi32>
    %min3A_2484 = arith.minsi %min3A_2476, %get3A_2483 : vector<16xi32>
    %swap3A_2485 = arith.constant 0 : index
    %swap3A_2486 = tpu.vector_load %arg7[%swap3A_2485] {strides = array<i32>} : memref<32xi32, #tpu.memory_space<vmem>>, vector<16xi32>,
    %swap3A_2487 = vector.shape_cast %swap3A_2486 : vector<16xi32> to vector<16xi32>
    %swap3A_2488 = vector.shape_cast %min3A_2484 : vector<16xi32> to vector<16xi32>
    tpu.vector_store %arg7[%swap3A_2485], %swap3A_2488 {strides = array<i32>} : memref<32xi32, #tpu.memory_space<vmem>>, vector<16xi32>,
    %get3A_2489 = arith.constant 1 : index
    %get3A_2490 = tpu.vector_load %arg7[%get3A_2489] {strides = array<i32>} : memref<32xi32, #tpu.memory_space<vmem>>, vector<16xi32>,
    %get3A_2491 = vector.shape_cast %get3A_2490 : vector<16xi32> to vector<16xi32>
    %min3A_2492 = arith.minsi %min3A_2484, %get3A_2491 : vector<16xi32>
    %slice3A_2493 = vector.extract_strided_slice %min3A_2492 {offsets = [0], sizes = [1], strides = [1]} : vector<16xi32> to vector<1xi32>
    %squeeze3A_2494 = vector.extract %slice3A_2493[0] : i32 from vector<1xi32>
    %eq3A_2495 = arith.constant 6 : i32
    %eq3A_2496 = vector.broadcast %eq3A_2495 : i32 to vector<16xi32>
    %eq3A_2497 = arith.cmpi eq, %iota3A, %eq3A_2496 : vector<16xi32>
    %broadcast_in_dim3A_2498 = vector.broadcast %squeeze3A_2320 : f32 to vector<16xf32>
    %select_n3A_2499 = arith.select %eq3A_2497, %broadcast_in_dim3A_2498, %select_n3A_2151 : vector<16xi1>, vector<16xf32>
    %eq3A_2500 = arith.constant 6 : i32
    %eq3A_2501 = vector.broadcast %eq3A_2500 : i32 to vector<16xi32>
    %eq3A_2502 = arith.cmpi eq, %iota3A, %eq3A_2501 : vector<16xi32>
    %mul3A_2503 = arith.constant 1568 : i32
    %mul3A_2504 = arith.muli %squeeze3A_2450, %mul3A_2503 : i32
    %add3A_2505 = arith.addi %add3A_42, %mul3A_2504 : i32
    %add3A_2506 = arith.addi %add3A_2505, %squeeze3A_2494 : i32
    %broadcast_in_dim3A_2507 = vector.broadcast %add3A_2506 : i32 to vector<16xi32>
    %select_n3A_2508 = arith.select %eq3A_2502, %broadcast_in_dim3A_2507, %select_n3A_2160 : vector<16xi1>, vector<16xi32>
    %jit3A_2509 = arith.constant 16 : i32
    %div3A_2510 = arith.divsi %squeeze3A_2494, %jit3A_2509 : i32
    %sign3A_2511 = arith.constant 0 : i32
    %sign3A_2512 = arith.cmpi sgt, %squeeze3A_2494, %sign3A_2511 : i32
    %sign3A_2513 = arith.extui %sign3A_2512 : i1 to i32
    %sign3A_2514 = arith.constant 0 : i32
    %sign3A_2515 = arith.cmpi slt, %squeeze3A_2494, %sign3A_2514 : i32
    %sign3A_2516 = arith.extui %sign3A_2515 : i1 to i32
    %sign3A_2517 = arith.subi %sign3A_2513, %sign3A_2516 : i32
    %sign3A_2518 = arith.constant 0 : i32
    %sign3A_2519 = arith.cmpi sgt, %jit3A_2509, %sign3A_2518 : i32
    %sign3A_2520 = arith.extui %sign3A_2519 : i1 to i32
    %sign3A_2521 = arith.constant 0 : i32
    %sign3A_2522 = arith.cmpi slt, %jit3A_2509, %sign3A_2521 : i32
    %sign3A_2523 = arith.extui %sign3A_2522 : i1 to i32
    %sign3A_2524 = arith.subi %sign3A_2520, %sign3A_2523 : i32
    %ne3A_2525 = arith.cmpi ne, %sign3A_2517, %sign3A_2524 : i32
    %rem3A_2526 = arith.remsi %squeeze3A_2494, %jit3A_2509 : i32
    %ne3A_2527 = arith.constant 0 : i32
    %ne3A_2528 = arith.cmpi ne, %rem3A_2526, %ne3A_2527 : i32
    %and3A_2529 = arith.andi %ne3A_2525, %ne3A_2528 : i1
    %sub3A_2530 = arith.constant 1 : i32
    %sub3A_2531 = arith.subi %div3A_2510, %sub3A_2530 : i32
    %select_n3A_2532 = arith.select %and3A_2529, %sub3A_2531, %div3A_2510 : i32
    %jit3A_2533 = arith.constant 16 : i32
    %eq3A_2534 = arith.constant 0 : i32
    %eq3A_2535 = arith.cmpi eq, %jit3A_2533, %eq3A_2534 : i32
    %jit3A_2536 = arith.constant 1 : i32
    %select_n3A_2537 = arith.select %eq3A_2535, %jit3A_2536, %jit3A_2533 : i32
    %rem3A_2538 = arith.remsi %squeeze3A_2494, %select_n3A_2537 : i32
    %ne3A_2539 = arith.constant 0 : i32
    %ne3A_2540 = arith.cmpi ne, %rem3A_2538, %ne3A_2539 : i32
    %lt3A_2541 = arith.constant 0 : i32
    %lt3A_2542 = arith.cmpi slt, %rem3A_2538, %lt3A_2541 : i32
    %lt3A_2543 = arith.constant 0 : i32
    %lt3A_2544 = arith.cmpi slt, %select_n3A_2537, %lt3A_2543 : i32
    %ne3A_2545 = arith.xori %lt3A_2542, %lt3A_2544 : i1
    %and3A_2546 = arith.andi %ne3A_2545, %ne3A_2540 : i1
    %add3A_2547 = arith.addi %rem3A_2538, %select_n3A_2537 : i32
    %select_n3A_2548 = arith.select %and3A_2546, %add3A_2547, %rem3A_2538 : i32
    %mul3A_2549 = arith.constant 16 : i32
    %mul3A_2550 = arith.muli %select_n3A_2532, %mul3A_2549 : i32
    %add3A_2551 = arith.addi %mul3A_2452, %mul3A_2550 : i32
    %get3A_2552 = arith.index_cast %add3A_2551 : i32 to index
    %get3A_2553 = tpu.vector_load %arg5[%get3A_2552] {strides = array<i32>} : memref<25088xf32, #tpu.memory_space<vmem>>, vector<16xf32>,
    %get3A_2554 = vector.shape_cast %get3A_2553 : vector<16xf32> to vector<16xf32>
    %eq3A_2555 = vector.broadcast %select_n3A_2548 : i32 to vector<16xi32>
    %eq3A_2556 = arith.cmpi eq, %iota3A, %eq3A_2555 : vector<16xi32>
    %select_n3A_2557 = arith.select %eq3A_2556, %broadcast_in_dim3A_86, %get3A_2554 : vector<16xi1>, vector<16xf32>
    %mul3A_2558 = arith.constant 16 : i32
    %mul3A_2559 = arith.muli %select_n3A_2532, %mul3A_2558 : i32
    %add3A_2560 = arith.addi %mul3A_2452, %mul3A_2559 : i32
    %swap3A_2561 = arith.index_cast %add3A_2560 : i32 to index
    %swap3A_2562 = tpu.vector_load %arg5[%swap3A_2561] {strides = array<i32>} : memref<25088xf32, #tpu.memory_space<vmem>>, vector<16xf32>,
    %swap3A_2563 = vector.shape_cast %swap3A_2562 : vector<16xf32> to vector<16xf32>
    %swap3A_2564 = vector.shape_cast %select_n3A_2557 : vector<16xf32> to vector<16xf32>
    tpu.vector_store %arg5[%swap3A_2561], %swap3A_2564 {strides = array<i32>} : memref<25088xf32, #tpu.memory_space<vmem>>, vector<16xf32>,
    %scan3A_2565 = arith.constant 0 : i32
    %scan3A_2566 = arith.constant 49 : i32
    %scan3A_2567 = arith.addi %scan3A_2565, %scan3A_2566 : i32
    %scan3A_2568 = arith.constant 1 : i32
    %scan3A_2569:2 = scf.for %scan3A_3012 = %scan3A_2565 to %scan3A_2567 step %scan3A_2568 iter_args(%scan3A_3013 = %broadcast_in_dim3A_86, %scan3A_3014 = %broadcast_in_dim3A_86) -> (vector<16xf32>, vector<16xf32>)  : i32 {
      %mul3A_3015 = arith.constant 32 : i32
      %mul3A_3016 = arith.muli %scan3A_3012, %mul3A_3015 : i32
      %add3A_3017 = arith.addi %mul3A_2452, %mul3A_3016 : i32
      %get3A_3018 = arith.index_cast %add3A_3017 : i32 to index
      %get3A_3019 = tpu.vector_load %arg5[%get3A_3018] {strides = array<i32>} : memref<25088xf32, #tpu.memory_space<vmem>>, vector<16xf32>,
      %get3A_3020 = vector.shape_cast %get3A_3019 : vector<16xf32> to vector<16xf32>
      %max3A_3021 = arith.maximumf %scan3A_3013, %get3A_3020 : vector<16xf32>
      %add3A_3022 = arith.constant 16 : i32
      %add3A_3023 = arith.addi %add3A_3017, %add3A_3022 : i32
      %get3A_3024 = arith.index_cast %add3A_3023 : i32 to index
      %get3A_3025 = tpu.vector_load %arg5[%get3A_3024] {strides = array<i32>} : memref<25088xf32, #tpu.memory_space<vmem>>, vector<16xf32>,
      %get3A_3026 = vector.shape_cast %get3A_3025 : vector<16xf32> to vector<16xf32>
      %max3A_3027 = arith.maximumf %scan3A_3014, %get3A_3026 : vector<16xf32>
      scf.yield %max3A_3021, %max3A_3027 : vector<16xf32>, vector<16xf32>
    }
    %scan3A_2570 = arith.constant 49 : i32
    %max3A_2571 = arith.maximumf %scan3A_2569#0, %scan3A_2569#1 : vector<16xf32>
    %eq3A_2572 = arith.constant 0 : i32
    %eq3A_2573 = arith.cmpi eq, %squeeze3A_2450, %eq3A_2572 : i32
    %select_n3A_2574 = arith.select %eq3A_2573, %max3A_2571, %select_n3A_2226 : vector<16xf32>
    %eq3A_2575 = arith.constant 1 : i32
    %eq3A_2576 = arith.cmpi eq, %squeeze3A_2450, %eq3A_2575 : i32
    %select_n3A_2577 = arith.select %eq3A_2576, %max3A_2571, %select_n3A_2229 : vector<16xf32>
    %eq3A_2578 = arith.constant 2 : i32
    %eq3A_2579 = arith.cmpi eq, %squeeze3A_2450, %eq3A_2578 : i32
    %select_n3A_2580 = arith.select %eq3A_2579, %max3A_2571, %select_n3A_2232 : vector<16xf32>
    %eq3A_2581 = arith.constant 3 : i32
    %eq3A_2582 = arith.cmpi eq, %squeeze3A_2450, %eq3A_2581 : i32
    %select_n3A_2583 = arith.select %eq3A_2582, %max3A_2571, %select_n3A_2235 : vector<16xf32>
    %eq3A_2584 = arith.constant 4 : i32
    %eq3A_2585 = arith.cmpi eq, %squeeze3A_2450, %eq3A_2584 : i32
    %select_n3A_2586 = arith.select %eq3A_2585, %max3A_2571, %select_n3A_2238 : vector<16xf32>
    %eq3A_2587 = arith.constant 5 : i32
    %eq3A_2588 = arith.cmpi eq, %squeeze3A_2450, %eq3A_2587 : i32
    %select_n3A_2589 = arith.select %eq3A_2588, %max3A_2571, %select_n3A_2241 : vector<16xf32>
    %eq3A_2590 = arith.constant 6 : i32
    %eq3A_2591 = arith.cmpi eq, %squeeze3A_2450, %eq3A_2590 : i32
    %select_n3A_2592 = arith.select %eq3A_2591, %max3A_2571, %select_n3A_2244 : vector<16xf32>
    %eq3A_2593 = arith.constant 7 : i32
    %eq3A_2594 = arith.cmpi eq, %squeeze3A_2450, %eq3A_2593 : i32
    %select_n3A_2595 = arith.select %eq3A_2594, %max3A_2571, %select_n3A_2247 : vector<16xf32>
    %eq3A_2596 = arith.constant 8 : i32
    %eq3A_2597 = arith.cmpi eq, %squeeze3A_2450, %eq3A_2596 : i32
    %select_n3A_2598 = arith.select %eq3A_2597, %max3A_2571, %select_n3A_2250 : vector<16xf32>
    %eq3A_2599 = arith.constant 9 : i32
    %eq3A_2600 = arith.cmpi eq, %squeeze3A_2450, %eq3A_2599 : i32
    %select_n3A_2601 = arith.select %eq3A_2600, %max3A_2571, %select_n3A_2253 : vector<16xf32>
    %eq3A_2602 = arith.constant 10 : i32
    %eq3A_2603 = arith.cmpi eq, %squeeze3A_2450, %eq3A_2602 : i32
    %select_n3A_2604 = arith.select %eq3A_2603, %max3A_2571, %select_n3A_2256 : vector<16xf32>
    %eq3A_2605 = arith.constant 11 : i32
    %eq3A_2606 = arith.cmpi eq, %squeeze3A_2450, %eq3A_2605 : i32
    %select_n3A_2607 = arith.select %eq3A_2606, %max3A_2571, %select_n3A_2259 : vector<16xf32>
    %eq3A_2608 = arith.constant 12 : i32
    %eq3A_2609 = arith.cmpi eq, %squeeze3A_2450, %eq3A_2608 : i32
    %select_n3A_2610 = arith.select %eq3A_2609, %max3A_2571, %select_n3A_2262 : vector<16xf32>
    %eq3A_2611 = arith.constant 13 : i32
    %eq3A_2612 = arith.cmpi eq, %squeeze3A_2450, %eq3A_2611 : i32
    %select_n3A_2613 = arith.select %eq3A_2612, %max3A_2571, %select_n3A_2265 : vector<16xf32>
    %eq3A_2614 = arith.constant 14 : i32
    %eq3A_2615 = arith.cmpi eq, %squeeze3A_2450, %eq3A_2614 : i32
    %select_n3A_2616 = arith.select %eq3A_2615, %max3A_2571, %select_n3A_2268 : vector<16xf32>
    %eq3A_2617 = arith.constant 15 : i32
    %eq3A_2618 = arith.cmpi eq, %squeeze3A_2450, %eq3A_2617 : i32
    %select_n3A_2619 = arith.select %eq3A_2618, %max3A_2571, %select_n3A_2271 : vector<16xf32>
    %max3A_2620 = arith.maximumf %select_n3A_2574, %select_n3A_2577 : vector<16xf32>
    %max3A_2621 = arith.maximumf %max3A_2620, %select_n3A_2580 : vector<16xf32>
    %max3A_2622 = arith.maximumf %max3A_2621, %select_n3A_2583 : vector<16xf32>
    %max3A_2623 = arith.maximumf %max3A_2622, %select_n3A_2586 : vector<16xf32>
    %max3A_2624 = arith.maximumf %max3A_2623, %select_n3A_2589 : vector<16xf32>
    %max3A_2625 = arith.maximumf %max3A_2624, %select_n3A_2592 : vector<16xf32>
    %max3A_2626 = arith.maximumf %max3A_2625, %select_n3A_2595 : vector<16xf32>
    %max3A_2627 = arith.maximumf %max3A_2626, %select_n3A_2598 : vector<16xf32>
    %max3A_2628 = arith.maximumf %max3A_2627, %select_n3A_2601 : vector<16xf32>
    %max3A_2629 = arith.maximumf %max3A_2628, %select_n3A_2604 : vector<16xf32>
    %max3A_2630 = arith.maximumf %max3A_2629, %select_n3A_2607 : vector<16xf32>
    %max3A_2631 = arith.maximumf %max3A_2630, %select_n3A_2610 : vector<16xf32>
    %max3A_2632 = arith.maximumf %max3A_2631, %select_n3A_2613 : vector<16xf32>
    %max3A_2633 = arith.maximumf %max3A_2632, %select_n3A_2616 : vector<16xf32>
    %max3A_2634 = arith.maximumf %max3A_2633, %select_n3A_2619 : vector<16xf32>
    %swap3A_2635 = arith.constant 0 : index
    %swap3A_2636 = tpu.vector_load %arg6[%swap3A_2635] {strides = array<i32>} : memref<32xf32, #tpu.memory_space<vmem>>, vector<16xf32>,
    %swap3A_2637 = vector.shape_cast %swap3A_2636 : vector<16xf32> to vector<16xf32>
    %swap3A_2638 = vector.shape_cast %max3A_2634 : vector<16xf32> to vector<16xf32>
    tpu.vector_store %arg6[%swap3A_2635], %swap3A_2638 {strides = array<i32>} : memref<32xf32, #tpu.memory_space<vmem>>, vector<16xf32>,
    %get3A_2639 = arith.constant 8 : index
    %get3A_2640 = tpu.vector_load %arg6[%get3A_2639] {strides = array<i32>} : memref<32xf32, #tpu.memory_space<vmem>>, vector<16xf32>,
    %get3A_2641 = vector.shape_cast %get3A_2640 : vector<16xf32> to vector<16xf32>
    %max3A_2642 = arith.maximumf %max3A_2634, %get3A_2641 : vector<16xf32>
    %swap3A_2643 = arith.constant 0 : index
    %swap3A_2644 = tpu.vector_load %arg6[%swap3A_2643] {strides = array<i32>} : memref<32xf32, #tpu.memory_space<vmem>>, vector<16xf32>,
    %swap3A_2645 = vector.shape_cast %swap3A_2644 : vector<16xf32> to vector<16xf32>
    %swap3A_2646 = vector.shape_cast %max3A_2642 : vector<16xf32> to vector<16xf32>
    tpu.vector_store %arg6[%swap3A_2643], %swap3A_2646 {strides = array<i32>} : memref<32xf32, #tpu.memory_space<vmem>>, vector<16xf32>,
    %get3A_2647 = arith.constant 4 : index
    %get3A_2648 = tpu.vector_load %arg6[%get3A_2647] {strides = array<i32>} : memref<32xf32, #tpu.memory_space<vmem>>, vector<16xf32>,
    %get3A_2649 = vector.shape_cast %get3A_2648 : vector<16xf32> to vector<16xf32>
    %max3A_2650 = arith.maximumf %max3A_2642, %get3A_2649 : vector<16xf32>
    %swap3A_2651 = arith.constant 0 : index
    %swap3A_2652 = tpu.vector_load %arg6[%swap3A_2651] {strides = array<i32>} : memref<32xf32, #tpu.memory_space<vmem>>, vector<16xf32>,
    %swap3A_2653 = vector.shape_cast %swap3A_2652 : vector<16xf32> to vector<16xf32>
    %swap3A_2654 = vector.shape_cast %max3A_2650 : vector<16xf32> to vector<16xf32>
    tpu.vector_store %arg6[%swap3A_2651], %swap3A_2654 {strides = array<i32>} : memref<32xf32, #tpu.memory_space<vmem>>, vector<16xf32>,
    %get3A_2655 = arith.constant 2 : index
    %get3A_2656 = tpu.vector_load %arg6[%get3A_2655] {strides = array<i32>} : memref<32xf32, #tpu.memory_space<vmem>>, vector<16xf32>,
    %get3A_2657 = vector.shape_cast %get3A_2656 : vector<16xf32> to vector<16xf32>
    %max3A_2658 = arith.maximumf %max3A_2650, %get3A_2657 : vector<16xf32>
    %swap3A_2659 = arith.constant 0 : index
    %swap3A_2660 = tpu.vector_load %arg6[%swap3A_2659] {strides = array<i32>} : memref<32xf32, #tpu.memory_space<vmem>>, vector<16xf32>,
    %swap3A_2661 = vector.shape_cast %swap3A_2660 : vector<16xf32> to vector<16xf32>
    %swap3A_2662 = vector.shape_cast %max3A_2658 : vector<16xf32> to vector<16xf32>
    tpu.vector_store %arg6[%swap3A_2659], %swap3A_2662 {strides = array<i32>} : memref<32xf32, #tpu.memory_space<vmem>>, vector<16xf32>,
    %get3A_2663 = arith.constant 1 : index
    %get3A_2664 = tpu.vector_load %arg6[%get3A_2663] {strides = array<i32>} : memref<32xf32, #tpu.memory_space<vmem>>, vector<16xf32>,
    %get3A_2665 = vector.shape_cast %get3A_2664 : vector<16xf32> to vector<16xf32>
    %max3A_2666 = arith.maximumf %max3A_2658, %get3A_2665 : vector<16xf32>
    %slice3A_2667 = vector.extract_strided_slice %max3A_2666 {offsets = [0], sizes = [1], strides = [1]} : vector<16xf32> to vector<1xf32>
    %squeeze3A_2668 = vector.extract %slice3A_2667[0] : f32 from vector<1xf32>
    %eq3A_2669 = vector.broadcast %squeeze3A_2668 : f32 to vector<16xf32>
    %eq3A_2670 = arith.cmpf oeq, %select_n3A_2574, %eq3A_2669 : vector<16xf32>
    %min3A_2671 = arith.constant 0 : i32
    %min3A_2672 = vector.broadcast %min3A_2671 : i32 to vector<16xi32>
    %min3A_2673 = arith.minsi %broadcast_in_dim3A_187, %min3A_2672 : vector<16xi32>
    %select_n3A_2674 = arith.select %eq3A_2670, %min3A_2673, %broadcast_in_dim3A_187 : vector<16xi1>, vector<16xi32>
    %eq3A_2675 = vector.broadcast %squeeze3A_2668 : f32 to vector<16xf32>
    %eq3A_2676 = arith.cmpf oeq, %select_n3A_2577, %eq3A_2675 : vector<16xf32>
    %min3A_2677 = arith.constant 1 : i32
    %min3A_2678 = vector.broadcast %min3A_2677 : i32 to vector<16xi32>
    %min3A_2679 = arith.minsi %select_n3A_2674, %min3A_2678 : vector<16xi32>
    %select_n3A_2680 = arith.select %eq3A_2676, %min3A_2679, %select_n3A_2674 : vector<16xi1>, vector<16xi32>
    %eq3A_2681 = vector.broadcast %squeeze3A_2668 : f32 to vector<16xf32>
    %eq3A_2682 = arith.cmpf oeq, %select_n3A_2580, %eq3A_2681 : vector<16xf32>
    %min3A_2683 = arith.constant 2 : i32
    %min3A_2684 = vector.broadcast %min3A_2683 : i32 to vector<16xi32>
    %min3A_2685 = arith.minsi %select_n3A_2680, %min3A_2684 : vector<16xi32>
    %select_n3A_2686 = arith.select %eq3A_2682, %min3A_2685, %select_n3A_2680 : vector<16xi1>, vector<16xi32>
    %eq3A_2687 = vector.broadcast %squeeze3A_2668 : f32 to vector<16xf32>
    %eq3A_2688 = arith.cmpf oeq, %select_n3A_2583, %eq3A_2687 : vector<16xf32>
    %min3A_2689 = arith.constant 3 : i32
    %min3A_2690 = vector.broadcast %min3A_2689 : i32 to vector<16xi32>
    %min3A_2691 = arith.minsi %select_n3A_2686, %min3A_2690 : vector<16xi32>
    %select_n3A_2692 = arith.select %eq3A_2688, %min3A_2691, %select_n3A_2686 : vector<16xi1>, vector<16xi32>
    %eq3A_2693 = vector.broadcast %squeeze3A_2668 : f32 to vector<16xf32>
    %eq3A_2694 = arith.cmpf oeq, %select_n3A_2586, %eq3A_2693 : vector<16xf32>
    %min3A_2695 = arith.constant 4 : i32
    %min3A_2696 = vector.broadcast %min3A_2695 : i32 to vector<16xi32>
    %min3A_2697 = arith.minsi %select_n3A_2692, %min3A_2696 : vector<16xi32>
    %select_n3A_2698 = arith.select %eq3A_2694, %min3A_2697, %select_n3A_2692 : vector<16xi1>, vector<16xi32>
    %eq3A_2699 = vector.broadcast %squeeze3A_2668 : f32 to vector<16xf32>
    %eq3A_2700 = arith.cmpf oeq, %select_n3A_2589, %eq3A_2699 : vector<16xf32>
    %min3A_2701 = arith.constant 5 : i32
    %min3A_2702 = vector.broadcast %min3A_2701 : i32 to vector<16xi32>
    %min3A_2703 = arith.minsi %select_n3A_2698, %min3A_2702 : vector<16xi32>
    %select_n3A_2704 = arith.select %eq3A_2700, %min3A_2703, %select_n3A_2698 : vector<16xi1>, vector<16xi32>
    %eq3A_2705 = vector.broadcast %squeeze3A_2668 : f32 to vector<16xf32>
    %eq3A_2706 = arith.cmpf oeq, %select_n3A_2592, %eq3A_2705 : vector<16xf32>
    %min3A_2707 = arith.constant 6 : i32
    %min3A_2708 = vector.broadcast %min3A_2707 : i32 to vector<16xi32>
    %min3A_2709 = arith.minsi %select_n3A_2704, %min3A_2708 : vector<16xi32>
    %select_n3A_2710 = arith.select %eq3A_2706, %min3A_2709, %select_n3A_2704 : vector<16xi1>, vector<16xi32>
    %eq3A_2711 = vector.broadcast %squeeze3A_2668 : f32 to vector<16xf32>
    %eq3A_2712 = arith.cmpf oeq, %select_n3A_2595, %eq3A_2711 : vector<16xf32>
    %min3A_2713 = arith.constant 7 : i32
    %min3A_2714 = vector.broadcast %min3A_2713 : i32 to vector<16xi32>
    %min3A_2715 = arith.minsi %select_n3A_2710, %min3A_2714 : vector<16xi32>
    %select_n3A_2716 = arith.select %eq3A_2712, %min3A_2715, %select_n3A_2710 : vector<16xi1>, vector<16xi32>
    %eq3A_2717 = vector.broadcast %squeeze3A_2668 : f32 to vector<16xf32>
    %eq3A_2718 = arith.cmpf oeq, %select_n3A_2598, %eq3A_2717 : vector<16xf32>
    %min3A_2719 = arith.constant 8 : i32
    %min3A_2720 = vector.broadcast %min3A_2719 : i32 to vector<16xi32>
    %min3A_2721 = arith.minsi %select_n3A_2716, %min3A_2720 : vector<16xi32>
    %select_n3A_2722 = arith.select %eq3A_2718, %min3A_2721, %select_n3A_2716 : vector<16xi1>, vector<16xi32>
    %eq3A_2723 = vector.broadcast %squeeze3A_2668 : f32 to vector<16xf32>
    %eq3A_2724 = arith.cmpf oeq, %select_n3A_2601, %eq3A_2723 : vector<16xf32>
    %min3A_2725 = arith.constant 9 : i32
    %min3A_2726 = vector.broadcast %min3A_2725 : i32 to vector<16xi32>
    %min3A_2727 = arith.minsi %select_n3A_2722, %min3A_2726 : vector<16xi32>
    %select_n3A_2728 = arith.select %eq3A_2724, %min3A_2727, %select_n3A_2722 : vector<16xi1>, vector<16xi32>
    %eq3A_2729 = vector.broadcast %squeeze3A_2668 : f32 to vector<16xf32>
    %eq3A_2730 = arith.cmpf oeq, %select_n3A_2604, %eq3A_2729 : vector<16xf32>
    %min3A_2731 = arith.constant 10 : i32
    %min3A_2732 = vector.broadcast %min3A_2731 : i32 to vector<16xi32>
    %min3A_2733 = arith.minsi %select_n3A_2728, %min3A_2732 : vector<16xi32>
    %select_n3A_2734 = arith.select %eq3A_2730, %min3A_2733, %select_n3A_2728 : vector<16xi1>, vector<16xi32>
    %eq3A_2735 = vector.broadcast %squeeze3A_2668 : f32 to vector<16xf32>
    %eq3A_2736 = arith.cmpf oeq, %select_n3A_2607, %eq3A_2735 : vector<16xf32>
    %min3A_2737 = arith.constant 11 : i32
    %min3A_2738 = vector.broadcast %min3A_2737 : i32 to vector<16xi32>
    %min3A_2739 = arith.minsi %select_n3A_2734, %min3A_2738 : vector<16xi32>
    %select_n3A_2740 = arith.select %eq3A_2736, %min3A_2739, %select_n3A_2734 : vector<16xi1>, vector<16xi32>
    %eq3A_2741 = vector.broadcast %squeeze3A_2668 : f32 to vector<16xf32>
    %eq3A_2742 = arith.cmpf oeq, %select_n3A_2610, %eq3A_2741 : vector<16xf32>
    %min3A_2743 = arith.constant 12 : i32
    %min3A_2744 = vector.broadcast %min3A_2743 : i32 to vector<16xi32>
    %min3A_2745 = arith.minsi %select_n3A_2740, %min3A_2744 : vector<16xi32>
    %select_n3A_2746 = arith.select %eq3A_2742, %min3A_2745, %select_n3A_2740 : vector<16xi1>, vector<16xi32>
    %eq3A_2747 = vector.broadcast %squeeze3A_2668 : f32 to vector<16xf32>
    %eq3A_2748 = arith.cmpf oeq, %select_n3A_2613, %eq3A_2747 : vector<16xf32>
    %min3A_2749 = arith.constant 13 : i32
    %min3A_2750 = vector.broadcast %min3A_2749 : i32 to vector<16xi32>
    %min3A_2751 = arith.minsi %select_n3A_2746, %min3A_2750 : vector<16xi32>
    %select_n3A_2752 = arith.select %eq3A_2748, %min3A_2751, %select_n3A_2746 : vector<16xi1>, vector<16xi32>
    %eq3A_2753 = vector.broadcast %squeeze3A_2668 : f32 to vector<16xf32>
    %eq3A_2754 = arith.cmpf oeq, %select_n3A_2616, %eq3A_2753 : vector<16xf32>
    %min3A_2755 = arith.constant 14 : i32
    %min3A_2756 = vector.broadcast %min3A_2755 : i32 to vector<16xi32>
    %min3A_2757 = arith.minsi %select_n3A_2752, %min3A_2756 : vector<16xi32>
    %select_n3A_2758 = arith.select %eq3A_2754, %min3A_2757, %select_n3A_2752 : vector<16xi1>, vector<16xi32>
    %eq3A_2759 = vector.broadcast %squeeze3A_2668 : f32 to vector<16xf32>
    %eq3A_2760 = arith.cmpf oeq, %select_n3A_2619, %eq3A_2759 : vector<16xf32>
    %min3A_2761 = arith.constant 15 : i32
    %min3A_2762 = vector.broadcast %min3A_2761 : i32 to vector<16xi32>
    %min3A_2763 = arith.minsi %select_n3A_2758, %min3A_2762 : vector<16xi32>
    %select_n3A_2764 = arith.select %eq3A_2760, %min3A_2763, %select_n3A_2758 : vector<16xi1>, vector<16xi32>
    %swap3A_2765 = arith.constant 0 : index
    %swap3A_2766 = tpu.vector_load %arg7[%swap3A_2765] {strides = array<i32>} : memref<32xi32, #tpu.memory_space<vmem>>, vector<16xi32>,
    %swap3A_2767 = vector.shape_cast %swap3A_2766 : vector<16xi32> to vector<16xi32>
    %swap3A_2768 = vector.shape_cast %select_n3A_2764 : vector<16xi32> to vector<16xi32>
    tpu.vector_store %arg7[%swap3A_2765], %swap3A_2768 {strides = array<i32>} : memref<32xi32, #tpu.memory_space<vmem>>, vector<16xi32>,
    %get3A_2769 = arith.constant 8 : index
    %get3A_2770 = tpu.vector_load %arg7[%get3A_2769] {strides = array<i32>} : memref<32xi32, #tpu.memory_space<vmem>>, vector<16xi32>,
    %get3A_2771 = vector.shape_cast %get3A_2770 : vector<16xi32> to vector<16xi32>
    %min3A_2772 = arith.minsi %select_n3A_2764, %get3A_2771 : vector<16xi32>
    %swap3A_2773 = arith.constant 0 : index
    %swap3A_2774 = tpu.vector_load %arg7[%swap3A_2773] {strides = array<i32>} : memref<32xi32, #tpu.memory_space<vmem>>, vector<16xi32>,
    %swap3A_2775 = vector.shape_cast %swap3A_2774 : vector<16xi32> to vector<16xi32>
    %swap3A_2776 = vector.shape_cast %min3A_2772 : vector<16xi32> to vector<16xi32>
    tpu.vector_store %arg7[%swap3A_2773], %swap3A_2776 {strides = array<i32>} : memref<32xi32, #tpu.memory_space<vmem>>, vector<16xi32>,
    %get3A_2777 = arith.constant 4 : index
    %get3A_2778 = tpu.vector_load %arg7[%get3A_2777] {strides = array<i32>} : memref<32xi32, #tpu.memory_space<vmem>>, vector<16xi32>,
    %get3A_2779 = vector.shape_cast %get3A_2778 : vector<16xi32> to vector<16xi32>
    %min3A_2780 = arith.minsi %min3A_2772, %get3A_2779 : vector<16xi32>
    %swap3A_2781 = arith.constant 0 : index
    %swap3A_2782 = tpu.vector_load %arg7[%swap3A_2781] {strides = array<i32>} : memref<32xi32, #tpu.memory_space<vmem>>, vector<16xi32>,
    %swap3A_2783 = vector.shape_cast %swap3A_2782 : vector<16xi32> to vector<16xi32>
    %swap3A_2784 = vector.shape_cast %min3A_2780 : vector<16xi32> to vector<16xi32>
    tpu.vector_store %arg7[%swap3A_2781], %swap3A_2784 {strides = array<i32>} : memref<32xi32, #tpu.memory_space<vmem>>, vector<16xi32>,
    %get3A_2785 = arith.constant 2 : index
    %get3A_2786 = tpu.vector_load %arg7[%get3A_2785] {strides = array<i32>} : memref<32xi32, #tpu.memory_space<vmem>>, vector<16xi32>,
    %get3A_2787 = vector.shape_cast %get3A_2786 : vector<16xi32> to vector<16xi32>
    %min3A_2788 = arith.minsi %min3A_2780, %get3A_2787 : vector<16xi32>
    %swap3A_2789 = arith.constant 0 : index
    %swap3A_2790 = tpu.vector_load %arg7[%swap3A_2789] {strides = array<i32>} : memref<32xi32, #tpu.memory_space<vmem>>, vector<16xi32>,
    %swap3A_2791 = vector.shape_cast %swap3A_2790 : vector<16xi32> to vector<16xi32>
    %swap3A_2792 = vector.shape_cast %min3A_2788 : vector<16xi32> to vector<16xi32>
    tpu.vector_store %arg7[%swap3A_2789], %swap3A_2792 {strides = array<i32>} : memref<32xi32, #tpu.memory_space<vmem>>, vector<16xi32>,
    %get3A_2793 = arith.constant 1 : index
    %get3A_2794 = tpu.vector_load %arg7[%get3A_2793] {strides = array<i32>} : memref<32xi32, #tpu.memory_space<vmem>>, vector<16xi32>,
    %get3A_2795 = vector.shape_cast %get3A_2794 : vector<16xi32> to vector<16xi32>
    %min3A_2796 = arith.minsi %min3A_2788, %get3A_2795 : vector<16xi32>
    %slice3A_2797 = vector.extract_strided_slice %min3A_2796 {offsets = [0], sizes = [1], strides = [1]} : vector<16xi32> to vector<1xi32>
    %squeeze3A_2798 = vector.extract %slice3A_2797[0] : i32 from vector<1xi32>
    %mul3A_2799 = arith.constant 1568 : i32
    %mul3A_2800 = arith.muli %squeeze3A_2798, %mul3A_2799 : i32
    %broadcast_in_dim3A_2801 = arith.constant 2147483647 : i32
    %broadcast_in_dim3A_2802 = vector.broadcast %broadcast_in_dim3A_2801 : i32 to vector<16xi32>
    %scan3A_2803 = arith.constant 0 : i32
    %scan3A_2804 = arith.constant 98 : i32
    %scan3A_2805 = arith.addi %scan3A_2803, %scan3A_2804 : i32
    %scan3A_2806 = arith.constant 1 : i32
    %scan3A_2807 = scf.for %scan3A_3012 = %scan3A_2803 to %scan3A_2805 step %scan3A_2806 iter_args(%scan3A_3013 = %broadcast_in_dim3A_2802) -> (vector<16xi32>)  : i32 {
      %mul3A_3014 = arith.constant 16 : i32
      %mul3A_3015 = arith.muli %scan3A_3012, %mul3A_3014 : i32
      %add3A_3016 = arith.addi %mul3A_2800, %mul3A_3015 : i32
      %get3A_3017 = arith.index_cast %add3A_3016 : i32 to index
      %get3A_3018 = tpu.vector_load %arg5[%get3A_3017] {strides = array<i32>} : memref<25088xf32, #tpu.memory_space<vmem>>, vector<16xf32>,
      %get3A_3019 = vector.shape_cast %get3A_3018 : vector<16xf32> to vector<16xf32>
      %eq3A_3020 = vector.broadcast %squeeze3A_2668 : f32 to vector<16xf32>
      %eq3A_3021 = arith.cmpf oeq, %get3A_3019, %eq3A_3020 : vector<16xf32>
      %mul3A_3022 = arith.constant 16 : i32
      %mul3A_3023 = arith.muli %scan3A_3012, %mul3A_3022 : i32
      %add3A_3024 = vector.broadcast %mul3A_3023 : i32 to vector<16xi32>
      %add3A_3025 = arith.addi %add3A_3024, %iota3A : vector<16xi32>
      %jit3A_3026 = arith.constant 2147483647 : i32
      %broadcast_in_dim3A_3027 = vector.broadcast %jit3A_3026 : i32 to vector<16xi32>
      %select_n3A_3028 = arith.select %eq3A_3021, %add3A_3025, %broadcast_in_dim3A_3027 : vector<16xi1>, vector<16xi32>
      %min3A_3029 = arith.minsi %scan3A_3013, %select_n3A_3028 : vector<16xi32>
      scf.yield %min3A_3029 : vector<16xi32>
    }
    %scan3A_2808 = arith.constant 98 : i32
    %swap3A_2809 = arith.constant 0 : index
    %swap3A_2810 = tpu.vector_load %arg7[%swap3A_2809] {strides = array<i32>} : memref<32xi32, #tpu.memory_space<vmem>>, vector<16xi32>,
    %swap3A_2811 = vector.shape_cast %swap3A_2810 : vector<16xi32> to vector<16xi32>
    %swap3A_2812 = vector.shape_cast %scan3A_2807 : vector<16xi32> to vector<16xi32>
    tpu.vector_store %arg7[%swap3A_2809], %swap3A_2812 {strides = array<i32>} : memref<32xi32, #tpu.memory_space<vmem>>, vector<16xi32>,
    %get3A_2813 = arith.constant 8 : index
    %get3A_2814 = tpu.vector_load %arg7[%get3A_2813] {strides = array<i32>} : memref<32xi32, #tpu.memory_space<vmem>>, vector<16xi32>,
    %get3A_2815 = vector.shape_cast %get3A_2814 : vector<16xi32> to vector<16xi32>
    %min3A_2816 = arith.minsi %scan3A_2807, %get3A_2815 : vector<16xi32>
    %swap3A_2817 = arith.constant 0 : index
    %swap3A_2818 = tpu.vector_load %arg7[%swap3A_2817] {strides = array<i32>} : memref<32xi32, #tpu.memory_space<vmem>>, vector<16xi32>,
    %swap3A_2819 = vector.shape_cast %swap3A_2818 : vector<16xi32> to vector<16xi32>
    %swap3A_2820 = vector.shape_cast %min3A_2816 : vector<16xi32> to vector<16xi32>
    tpu.vector_store %arg7[%swap3A_2817], %swap3A_2820 {strides = array<i32>} : memref<32xi32, #tpu.memory_space<vmem>>, vector<16xi32>,
    %get3A_2821 = arith.constant 4 : index
    %get3A_2822 = tpu.vector_load %arg7[%get3A_2821] {strides = array<i32>} : memref<32xi32, #tpu.memory_space<vmem>>, vector<16xi32>,
    %get3A_2823 = vector.shape_cast %get3A_2822 : vector<16xi32> to vector<16xi32>
    %min3A_2824 = arith.minsi %min3A_2816, %get3A_2823 : vector<16xi32>
    %swap3A_2825 = arith.constant 0 : index
    %swap3A_2826 = tpu.vector_load %arg7[%swap3A_2825] {strides = array<i32>} : memref<32xi32, #tpu.memory_space<vmem>>, vector<16xi32>,
    %swap3A_2827 = vector.shape_cast %swap3A_2826 : vector<16xi32> to vector<16xi32>
    %swap3A_2828 = vector.shape_cast %min3A_2824 : vector<16xi32> to vector<16xi32>
    tpu.vector_store %arg7[%swap3A_2825], %swap3A_2828 {strides = array<i32>} : memref<32xi32, #tpu.memory_space<vmem>>, vector<16xi32>,
    %get3A_2829 = arith.constant 2 : index
    %get3A_2830 = tpu.vector_load %arg7[%get3A_2829] {strides = array<i32>} : memref<32xi32, #tpu.memory_space<vmem>>, vector<16xi32>,
    %get3A_2831 = vector.shape_cast %get3A_2830 : vector<16xi32> to vector<16xi32>
    %min3A_2832 = arith.minsi %min3A_2824, %get3A_2831 : vector<16xi32>
    %swap3A_2833 = arith.constant 0 : index
    %swap3A_2834 = tpu.vector_load %arg7[%swap3A_2833] {strides = array<i32>} : memref<32xi32, #tpu.memory_space<vmem>>, vector<16xi32>,
    %swap3A_2835 = vector.shape_cast %swap3A_2834 : vector<16xi32> to vector<16xi32>
    %swap3A_2836 = vector.shape_cast %min3A_2832 : vector<16xi32> to vector<16xi32>
    tpu.vector_store %arg7[%swap3A_2833], %swap3A_2836 {strides = array<i32>} : memref<32xi32, #tpu.memory_space<vmem>>, vector<16xi32>,
    %get3A_2837 = arith.constant 1 : index
    %get3A_2838 = tpu.vector_load %arg7[%get3A_2837] {strides = array<i32>} : memref<32xi32, #tpu.memory_space<vmem>>, vector<16xi32>,
    %get3A_2839 = vector.shape_cast %get3A_2838 : vector<16xi32> to vector<16xi32>
    %min3A_2840 = arith.minsi %min3A_2832, %get3A_2839 : vector<16xi32>
    %slice3A_2841 = vector.extract_strided_slice %min3A_2840 {offsets = [0], sizes = [1], strides = [1]} : vector<16xi32> to vector<1xi32>
    %squeeze3A_2842 = vector.extract %slice3A_2841[0] : i32 from vector<1xi32>
    %eq3A_2843 = arith.constant 7 : i32
    %eq3A_2844 = vector.broadcast %eq3A_2843 : i32 to vector<16xi32>
    %eq3A_2845 = arith.cmpi eq, %iota3A, %eq3A_2844 : vector<16xi32>
    %broadcast_in_dim3A_2846 = vector.broadcast %squeeze3A_2668 : f32 to vector<16xf32>
    %select_n3A_2847 = arith.select %eq3A_2845, %broadcast_in_dim3A_2846, %select_n3A_2499 : vector<16xi1>, vector<16xf32>
    %eq3A_2848 = arith.constant 7 : i32
    %eq3A_2849 = vector.broadcast %eq3A_2848 : i32 to vector<16xi32>
    %eq3A_2850 = arith.cmpi eq, %iota3A, %eq3A_2849 : vector<16xi32>
    %mul3A_2851 = arith.constant 1568 : i32
    %mul3A_2852 = arith.muli %squeeze3A_2798, %mul3A_2851 : i32
    %add3A_2853 = arith.addi %add3A_42, %mul3A_2852 : i32
    %add3A_2854 = arith.addi %add3A_2853, %squeeze3A_2842 : i32
    %broadcast_in_dim3A_2855 = vector.broadcast %add3A_2854 : i32 to vector<16xi32>
    %select_n3A_2856 = arith.select %eq3A_2850, %broadcast_in_dim3A_2855, %select_n3A_2508 : vector<16xi1>, vector<16xi32>
    %jit3A_2857 = arith.constant 16 : i32
    %div3A_2858 = arith.divsi %squeeze3A_2842, %jit3A_2857 : i32
    %sign3A_2859 = arith.constant 0 : i32
    %sign3A_2860 = arith.cmpi sgt, %squeeze3A_2842, %sign3A_2859 : i32
    %sign3A_2861 = arith.extui %sign3A_2860 : i1 to i32
    %sign3A_2862 = arith.constant 0 : i32
    %sign3A_2863 = arith.cmpi slt, %squeeze3A_2842, %sign3A_2862 : i32
    %sign3A_2864 = arith.extui %sign3A_2863 : i1 to i32
    %sign3A_2865 = arith.subi %sign3A_2861, %sign3A_2864 : i32
    %sign3A_2866 = arith.constant 0 : i32
    %sign3A_2867 = arith.cmpi sgt, %jit3A_2857, %sign3A_2866 : i32
    %sign3A_2868 = arith.extui %sign3A_2867 : i1 to i32
    %sign3A_2869 = arith.constant 0 : i32
    %sign3A_2870 = arith.cmpi slt, %jit3A_2857, %sign3A_2869 : i32
    %sign3A_2871 = arith.extui %sign3A_2870 : i1 to i32
    %sign3A_2872 = arith.subi %sign3A_2868, %sign3A_2871 : i32
    %ne3A_2873 = arith.cmpi ne, %sign3A_2865, %sign3A_2872 : i32
    %rem3A_2874 = arith.remsi %squeeze3A_2842, %jit3A_2857 : i32
    %ne3A_2875 = arith.constant 0 : i32
    %ne3A_2876 = arith.cmpi ne, %rem3A_2874, %ne3A_2875 : i32
    %and3A_2877 = arith.andi %ne3A_2873, %ne3A_2876 : i1
    %sub3A_2878 = arith.constant 1 : i32
    %sub3A_2879 = arith.subi %div3A_2858, %sub3A_2878 : i32
    %select_n3A_2880 = arith.select %and3A_2877, %sub3A_2879, %div3A_2858 : i32
    %jit3A_2881 = arith.constant 16 : i32
    %eq3A_2882 = arith.constant 0 : i32
    %eq3A_2883 = arith.cmpi eq, %jit3A_2881, %eq3A_2882 : i32
    %jit3A_2884 = arith.constant 1 : i32
    %select_n3A_2885 = arith.select %eq3A_2883, %jit3A_2884, %jit3A_2881 : i32
    %rem3A_2886 = arith.remsi %squeeze3A_2842, %select_n3A_2885 : i32
    %ne3A_2887 = arith.constant 0 : i32
    %ne3A_2888 = arith.cmpi ne, %rem3A_2886, %ne3A_2887 : i32
    %lt3A_2889 = arith.constant 0 : i32
    %lt3A_2890 = arith.cmpi slt, %rem3A_2886, %lt3A_2889 : i32
    %lt3A_2891 = arith.constant 0 : i32
    %lt3A_2892 = arith.cmpi slt, %select_n3A_2885, %lt3A_2891 : i32
    %ne3A_2893 = arith.xori %lt3A_2890, %lt3A_2892 : i1
    %and3A_2894 = arith.andi %ne3A_2893, %ne3A_2888 : i1
    %add3A_2895 = arith.addi %rem3A_2886, %select_n3A_2885 : i32
    %select_n3A_2896 = arith.select %and3A_2894, %add3A_2895, %rem3A_2886 : i32
    %mul3A_2897 = arith.constant 16 : i32
    %mul3A_2898 = arith.muli %select_n3A_2880, %mul3A_2897 : i32
    %add3A_2899 = arith.addi %mul3A_2800, %mul3A_2898 : i32
    %get3A_2900 = arith.index_cast %add3A_2899 : i32 to index
    %get3A_2901 = tpu.vector_load %arg5[%get3A_2900] {strides = array<i32>} : memref<25088xf32, #tpu.memory_space<vmem>>, vector<16xf32>,
    %get3A_2902 = vector.shape_cast %get3A_2901 : vector<16xf32> to vector<16xf32>
    %eq3A_2903 = vector.broadcast %select_n3A_2896 : i32 to vector<16xi32>
    %eq3A_2904 = arith.cmpi eq, %iota3A, %eq3A_2903 : vector<16xi32>
    %select_n3A_2905 = arith.select %eq3A_2904, %broadcast_in_dim3A_86, %get3A_2902 : vector<16xi1>, vector<16xf32>
    %mul3A_2906 = arith.constant 16 : i32
    %mul3A_2907 = arith.muli %select_n3A_2880, %mul3A_2906 : i32
    %add3A_2908 = arith.addi %mul3A_2800, %mul3A_2907 : i32
    %swap3A_2909 = arith.index_cast %add3A_2908 : i32 to index
    %swap3A_2910 = tpu.vector_load %arg5[%swap3A_2909] {strides = array<i32>} : memref<25088xf32, #tpu.memory_space<vmem>>, vector<16xf32>,
    %swap3A_2911 = vector.shape_cast %swap3A_2910 : vector<16xf32> to vector<16xf32>
    %swap3A_2912 = vector.shape_cast %select_n3A_2905 : vector<16xf32> to vector<16xf32>
    tpu.vector_store %arg5[%swap3A_2909], %swap3A_2912 {strides = array<i32>} : memref<25088xf32, #tpu.memory_space<vmem>>, vector<16xf32>,
    %scan3A_2913 = arith.constant 0 : i32
    %scan3A_2914 = arith.constant 49 : i32
    %scan3A_2915 = arith.addi %scan3A_2913, %scan3A_2914 : i32
    %scan3A_2916 = arith.constant 1 : i32
    %scan3A_2917:2 = scf.for %scan3A_3012 = %scan3A_2913 to %scan3A_2915 step %scan3A_2916 iter_args(%scan3A_3013 = %broadcast_in_dim3A_86, %scan3A_3014 = %broadcast_in_dim3A_86) -> (vector<16xf32>, vector<16xf32>)  : i32 {
      %mul3A_3015 = arith.constant 32 : i32
      %mul3A_3016 = arith.muli %scan3A_3012, %mul3A_3015 : i32
      %add3A_3017 = arith.addi %mul3A_2800, %mul3A_3016 : i32
      %get3A_3018 = arith.index_cast %add3A_3017 : i32 to index
      %get3A_3019 = tpu.vector_load %arg5[%get3A_3018] {strides = array<i32>} : memref<25088xf32, #tpu.memory_space<vmem>>, vector<16xf32>,
      %get3A_3020 = vector.shape_cast %get3A_3019 : vector<16xf32> to vector<16xf32>
      %max3A_3021 = arith.maximumf %scan3A_3013, %get3A_3020 : vector<16xf32>
      %add3A_3022 = arith.constant 16 : i32
      %add3A_3023 = arith.addi %add3A_3017, %add3A_3022 : i32
      %get3A_3024 = arith.index_cast %add3A_3023 : i32 to index
      %get3A_3025 = tpu.vector_load %arg5[%get3A_3024] {strides = array<i32>} : memref<25088xf32, #tpu.memory_space<vmem>>, vector<16xf32>,
      %get3A_3026 = vector.shape_cast %get3A_3025 : vector<16xf32> to vector<16xf32>
      %max3A_3027 = arith.maximumf %scan3A_3014, %get3A_3026 : vector<16xf32>
      scf.yield %max3A_3021, %max3A_3027 : vector<16xf32>, vector<16xf32>
    }
    %scan3A_2918 = arith.constant 49 : i32
    %max3A_2919 = arith.maximumf %scan3A_2917#0, %scan3A_2917#1 : vector<16xf32>
    %eq3A_2920 = arith.constant 0 : i32
    %eq3A_2921 = arith.cmpi eq, %squeeze3A_2798, %eq3A_2920 : i32
    %select_n3A_2922 = arith.select %eq3A_2921, %max3A_2919, %select_n3A_2574 : vector<16xf32>
    %eq3A_2923 = arith.constant 1 : i32
    %eq3A_2924 = arith.cmpi eq, %squeeze3A_2798, %eq3A_2923 : i32
    %select_n3A_2925 = arith.select %eq3A_2924, %max3A_2919, %select_n3A_2577 : vector<16xf32>
    %eq3A_2926 = arith.constant 2 : i32
    %eq3A_2927 = arith.cmpi eq, %squeeze3A_2798, %eq3A_2926 : i32
    %select_n3A_2928 = arith.select %eq3A_2927, %max3A_2919, %select_n3A_2580 : vector<16xf32>
    %eq3A_2929 = arith.constant 3 : i32
    %eq3A_2930 = arith.cmpi eq, %squeeze3A_2798, %eq3A_2929 : i32
    %select_n3A_2931 = arith.select %eq3A_2930, %max3A_2919, %select_n3A_2583 : vector<16xf32>
    %eq3A_2932 = arith.constant 4 : i32
    %eq3A_2933 = arith.cmpi eq, %squeeze3A_2798, %eq3A_2932 : i32
    %select_n3A_2934 = arith.select %eq3A_2933, %max3A_2919, %select_n3A_2586 : vector<16xf32>
    %eq3A_2935 = arith.constant 5 : i32
    %eq3A_2936 = arith.cmpi eq, %squeeze3A_2798, %eq3A_2935 : i32
    %select_n3A_2937 = arith.select %eq3A_2936, %max3A_2919, %select_n3A_2589 : vector<16xf32>
    %eq3A_2938 = arith.constant 6 : i32
    %eq3A_2939 = arith.cmpi eq, %squeeze3A_2798, %eq3A_2938 : i32
    %select_n3A_2940 = arith.select %eq3A_2939, %max3A_2919, %select_n3A_2592 : vector<16xf32>
    %eq3A_2941 = arith.constant 7 : i32
    %eq3A_2942 = arith.cmpi eq, %squeeze3A_2798, %eq3A_2941 : i32
    %select_n3A_2943 = arith.select %eq3A_2942, %max3A_2919, %select_n3A_2595 : vector<16xf32>
    %eq3A_2944 = arith.constant 8 : i32
    %eq3A_2945 = arith.cmpi eq, %squeeze3A_2798, %eq3A_2944 : i32
    %select_n3A_2946 = arith.select %eq3A_2945, %max3A_2919, %select_n3A_2598 : vector<16xf32>
    %eq3A_2947 = arith.constant 9 : i32
    %eq3A_2948 = arith.cmpi eq, %squeeze3A_2798, %eq3A_2947 : i32
    %select_n3A_2949 = arith.select %eq3A_2948, %max3A_2919, %select_n3A_2601 : vector<16xf32>
    %eq3A_2950 = arith.constant 10 : i32
    %eq3A_2951 = arith.cmpi eq, %squeeze3A_2798, %eq3A_2950 : i32
    %select_n3A_2952 = arith.select %eq3A_2951, %max3A_2919, %select_n3A_2604 : vector<16xf32>
    %eq3A_2953 = arith.constant 11 : i32
    %eq3A_2954 = arith.cmpi eq, %squeeze3A_2798, %eq3A_2953 : i32
    %select_n3A_2955 = arith.select %eq3A_2954, %max3A_2919, %select_n3A_2607 : vector<16xf32>
    %eq3A_2956 = arith.constant 12 : i32
    %eq3A_2957 = arith.cmpi eq, %squeeze3A_2798, %eq3A_2956 : i32
    %select_n3A_2958 = arith.select %eq3A_2957, %max3A_2919, %select_n3A_2610 : vector<16xf32>
    %eq3A_2959 = arith.constant 13 : i32
    %eq3A_2960 = arith.cmpi eq, %squeeze3A_2798, %eq3A_2959 : i32
    %select_n3A_2961 = arith.select %eq3A_2960, %max3A_2919, %select_n3A_2613 : vector<16xf32>
    %eq3A_2962 = arith.constant 14 : i32
    %eq3A_2963 = arith.cmpi eq, %squeeze3A_2798, %eq3A_2962 : i32
    %select_n3A_2964 = arith.select %eq3A_2963, %max3A_2919, %select_n3A_2616 : vector<16xf32>
    %eq3A_2965 = arith.constant 15 : i32
    %eq3A_2966 = arith.cmpi eq, %squeeze3A_2798, %eq3A_2965 : i32
    %select_n3A_2967 = arith.select %eq3A_2966, %max3A_2919, %select_n3A_2619 : vector<16xf32>
    %swap3A_2968 = arith.constant 0 : index
    %swap3A_2969 = tpu.vector_load %arg8[%swap3A_2968] {strides = array<i32>} : memref<16xf32, #tpu.memory_space<vmem>>, vector<16xf32>,
    %swap3A_2970 = vector.shape_cast %swap3A_2969 : vector<16xf32> to vector<16xf32>
    %swap3A_2971 = vector.shape_cast %select_n3A_2847 : vector<16xf32> to vector<16xf32>
    tpu.vector_store %arg8[%swap3A_2968], %swap3A_2971 {strides = array<i32>} : memref<16xf32, #tpu.memory_space<vmem>>, vector<16xf32>,
    %swap3A_2972 = arith.constant 0 : index
    %swap3A_2973 = tpu.vector_load %arg9[%swap3A_2972] {strides = array<i32>} : memref<16xi32, #tpu.memory_space<vmem>>, vector<16xi32>,
    %swap3A_2974 = vector.shape_cast %swap3A_2973 : vector<16xi32> to vector<16xi32>
    %swap3A_2975 = vector.shape_cast %select_n3A_2856 : vector<16xi32> to vector<16xi32>
    tpu.vector_store %arg9[%swap3A_2972], %swap3A_2975 {strides = array<i32>} : memref<16xi32, #tpu.memory_space<vmem>>, vector<16xi32>,
    %dma_start3A_2976 = arith.constant 0 : i32
    %dma_start3A_2977 = arith.constant 0 : i32
    %dma_start3A_2978 = tpu.memref_slice %arg3[%add3A, %dma_start3A_2977] : memref<32x16xf32, #tpu.memory_space<hbm>> -> memref<1x16xf32, #tpu.memory_space<hbm>>
    %dma_start3A_2979 = tpu.memref_squeeze %dma_start3A_2978 : memref<1x16xf32, #tpu.memory_space<hbm>> -> memref<16xf32, #tpu.memory_space<hbm>>
    %dma_start3A_2980 = tpu.memref_slice %arg10[%dma_start3A_2976] : memref<4x!tpu.dma_semaphore, #tpu.memory_space<semaphore_mem>> -> memref<1x!tpu.dma_semaphore, #tpu.memory_space<semaphore_mem>>
    %dma_start3A_2981 = tpu.memref_squeeze %dma_start3A_2980 : memref<1x!tpu.dma_semaphore, #tpu.memory_space<semaphore_mem>> -> memref<!tpu.dma_semaphore, #tpu.memory_space<semaphore_mem>>
    %dma_start3A_2982 = arith.constant 0 : i32
    %dma_start3A_2983 = tpu.memref_slice %arg3[%add3A, %dma_start3A_2982] : memref<32x16xf32, #tpu.memory_space<hbm>> -> memref<1x16xf32, #tpu.memory_space<hbm>>
    %dma_start3A_2984 = tpu.memref_squeeze %dma_start3A_2983 : memref<1x16xf32, #tpu.memory_space<hbm>> -> memref<16xf32, #tpu.memory_space<hbm>>
    tpu.enqueue_dma source(%arg8 : memref<16xf32, #tpu.memory_space<vmem>>) target(%dma_start3A_2984 : memref<16xf32, #tpu.memory_space<hbm>>) target_semaphore(%dma_start3A_2981 : memref<!tpu.dma_semaphore, #tpu.memory_space<semaphore_mem>>)
    %dma_wait3A_2985 = arith.constant 0 : i32
    %dma_wait3A_2986 = arith.constant 0 : i32
    %dma_wait3A_2987 = tpu.memref_slice %arg3[%add3A, %dma_wait3A_2986] : memref<32x16xf32, #tpu.memory_space<hbm>> -> memref<1x16xf32, #tpu.memory_space<hbm>>
    %dma_wait3A_2988 = tpu.memref_squeeze %dma_wait3A_2987 : memref<1x16xf32, #tpu.memory_space<hbm>> -> memref<16xf32, #tpu.memory_space<hbm>>
    %dma_wait3A_2989 = tpu.memref_slice %arg10[%dma_wait3A_2985] : memref<4x!tpu.dma_semaphore, #tpu.memory_space<semaphore_mem>> -> memref<1x!tpu.dma_semaphore, #tpu.memory_space<semaphore_mem>>
    %dma_wait3A_2990 = tpu.memref_squeeze %dma_wait3A_2989 : memref<1x!tpu.dma_semaphore, #tpu.memory_space<semaphore_mem>> -> memref<!tpu.dma_semaphore, #tpu.memory_space<semaphore_mem>>
    %dma_wait3A_2991 = arith.constant 0 : i32
    %dma_wait3A_2992 = tpu.memref_slice %arg3[%add3A, %dma_wait3A_2991] : memref<32x16xf32, #tpu.memory_space<hbm>> -> memref<1x16xf32, #tpu.memory_space<hbm>>
    %dma_wait3A_2993 = tpu.memref_squeeze %dma_wait3A_2992 : memref<1x16xf32, #tpu.memory_space<hbm>> -> memref<16xf32, #tpu.memory_space<hbm>>
    tpu.wait_dma2 semaphore(%dma_wait3A_2990 : memref<!tpu.dma_semaphore, #tpu.memory_space<semaphore_mem>>) src(%arg8 : memref<16xf32, #tpu.memory_space<vmem>>) dst(%dma_wait3A_2993 : memref<16xf32, #tpu.memory_space<hbm>>)
    %dma_start3A_2994 = arith.constant 1 : i32
    %dma_start3A_2995 = arith.constant 0 : i32
    %dma_start3A_2996 = tpu.memref_slice %arg4[%add3A, %dma_start3A_2995] : memref<32x16xi32, #tpu.memory_space<hbm>> -> memref<1x16xi32, #tpu.memory_space<hbm>>
    %dma_start3A_2997 = tpu.memref_squeeze %dma_start3A_2996 : memref<1x16xi32, #tpu.memory_space<hbm>> -> memref<16xi32, #tpu.memory_space<hbm>>
    %dma_start3A_2998 = tpu.memref_slice %arg10[%dma_start3A_2994] : memref<4x!tpu.dma_semaphore, #tpu.memory_space<semaphore_mem>> -> memref<1x!tpu.dma_semaphore, #tpu.memory_space<semaphore_mem>>
    %dma_start3A_2999 = tpu.memref_squeeze %dma_start3A_2998 : memref<1x!tpu.dma_semaphore, #tpu.memory_space<semaphore_mem>> -> memref<!tpu.dma_semaphore, #tpu.memory_space<semaphore_mem>>
    %dma_start3A_3000 = arith.constant 0 : i32
    %dma_start3A_3001 = tpu.memref_slice %arg4[%add3A, %dma_start3A_3000] : memref<32x16xi32, #tpu.memory_space<hbm>> -> memref<1x16xi32, #tpu.memory_space<hbm>>
    %dma_start3A_3002 = tpu.memref_squeeze %dma_start3A_3001 : memref<1x16xi32, #tpu.memory_space<hbm>> -> memref<16xi32, #tpu.memory_space<hbm>>
    tpu.enqueue_dma source(%arg9 : memref<16xi32, #tpu.memory_space<vmem>>) target(%dma_start3A_3002 : memref<16xi32, #tpu.memory_space<hbm>>) target_semaphore(%dma_start3A_2999 : memref<!tpu.dma_semaphore, #tpu.memory_space<semaphore_mem>>)
    %dma_wait3A_3003 = arith.constant 1 : i32
    %dma_wait3A_3004 = arith.constant 0 : i32
    %dma_wait3A_3005 = tpu.memref_slice %arg4[%add3A, %dma_wait3A_3004] : memref<32x16xi32, #tpu.memory_space<hbm>> -> memref<1x16xi32, #tpu.memory_space<hbm>>
    %dma_wait3A_3006 = tpu.memref_squeeze %dma_wait3A_3005 : memref<1x16xi32, #tpu.memory_space<hbm>> -> memref<16xi32, #tpu.memory_space<hbm>>
    %dma_wait3A_3007 = tpu.memref_slice %arg10[%dma_wait3A_3003] : memref<4x!tpu.dma_semaphore, #tpu.memory_space<semaphore_mem>> -> memref<1x!tpu.dma_semaphore, #tpu.memory_space<semaphore_mem>>
    %dma_wait3A_3008 = tpu.memref_squeeze %dma_wait3A_3007 : memref<1x!tpu.dma_semaphore, #tpu.memory_space<semaphore_mem>> -> memref<!tpu.dma_semaphore, #tpu.memory_space<semaphore_mem>>
    %dma_wait3A_3009 = arith.constant 0 : i32
    %dma_wait3A_3010 = tpu.memref_slice %arg4[%add3A, %dma_wait3A_3009] : memref<32x16xi32, #tpu.memory_space<hbm>> -> memref<1x16xi32, #tpu.memory_space<hbm>>
    %dma_wait3A_3011 = tpu.memref_squeeze %dma_wait3A_3010 : memref<1x16xi32, #tpu.memory_space<hbm>> -> memref<16xi32, #tpu.memory_space<hbm>>
    tpu.wait_dma2 semaphore(%dma_wait3A_3008 : memref<!tpu.dma_semaphore, #tpu.memory_space<semaphore_mem>>) src(%arg9 : memref<16xi32, #tpu.memory_space<vmem>>) dst(%dma_wait3A_3011 : memref<16xi32, #tpu.memory_space<hbm>>)
    return
  }
}

module attributes {stable_mosaic.version = 14 : i64} {
  func.func @_merge_body(%arg0: memref<32x16xf32, #tpu.memory_space<vmem>>, %arg1: memref<32x16xi32, #tpu.memory_space<vmem>>, %arg2: memref<8x1xi32, #tpu.memory_space<smem>>, %arg3: memref<8x1xf32, #tpu.memory_space<smem>>, %arg4: memref<8x1xf32, #tpu.memory_space<vmem>>, %arg5: memref<8x2xi32, #tpu.memory_space<vmem>>, %arg6: memref<1x1xi32, #tpu.memory_space<vmem>>) attributes {dimension_semantics = [], scalar_prefetch = 0 : i64, scratch_operands = 0 : i64, tpu.core_type = #tpu.core_type<tc>} {
    %get3A = arith.constant 0 : index
    %get3A_0 = arith.constant 0 : index
    %get3A_1 = vector.load %arg0[%get3A, %get3A_0] : memref<32x16xf32, #tpu.memory_space<vmem>>, vector<32x16xf32>
    %get3A_2 = arith.constant 0 : index
    %get3A_3 = arith.constant 0 : index
    %get3A_4 = vector.load %arg1[%get3A_2, %get3A_3] : memref<32x16xi32, #tpu.memory_space<vmem>>, vector<32x16xi32>
    %jit3A = arith.constant 100000 : i32
    %div3A = vector.broadcast %jit3A : i32 to vector<32x16xi32>
    %div3A_5 = arith.divsi %get3A_4, %div3A : vector<32x16xi32>
    %sign3A = arith.constant 0 : i32
    %sign3A_6 = vector.broadcast %sign3A : i32 to vector<32x16xi32>
    %sign3A_7 = arith.cmpi sgt, %get3A_4, %sign3A_6 : vector<32x16xi32>
    %sign3A_8 = arith.extui %sign3A_7 : vector<32x16xi1> to vector<32x16xi32>
    %sign3A_9 = arith.constant 0 : i32
    %sign3A_10 = vector.broadcast %sign3A_9 : i32 to vector<32x16xi32>
    %sign3A_11 = arith.cmpi slt, %get3A_4, %sign3A_10 : vector<32x16xi32>
    %sign3A_12 = arith.extui %sign3A_11 : vector<32x16xi1> to vector<32x16xi32>
    %sign3A_13 = arith.subi %sign3A_8, %sign3A_12 : vector<32x16xi32>
    %sign3A_14 = arith.constant 0 : i32
    %sign3A_15 = arith.cmpi sgt, %jit3A, %sign3A_14 : i32
    %sign3A_16 = arith.extui %sign3A_15 : i1 to i32
    %sign3A_17 = arith.constant 0 : i32
    %sign3A_18 = arith.cmpi slt, %jit3A, %sign3A_17 : i32
    %sign3A_19 = arith.extui %sign3A_18 : i1 to i32
    %sign3A_20 = arith.subi %sign3A_16, %sign3A_19 : i32
    %ne3A = vector.broadcast %sign3A_20 : i32 to vector<32x16xi32>
    %ne3A_21 = arith.cmpi ne, %sign3A_13, %ne3A : vector<32x16xi32>
    %rem3A = vector.broadcast %jit3A : i32 to vector<32x16xi32>
    %rem3A_22 = arith.remsi %get3A_4, %rem3A : vector<32x16xi32>
    %ne3A_23 = arith.constant 0 : i32
    %ne3A_24 = vector.broadcast %ne3A_23 : i32 to vector<32x16xi32>
    %ne3A_25 = arith.cmpi ne, %rem3A_22, %ne3A_24 : vector<32x16xi32>
    %and3A = arith.andi %ne3A_21, %ne3A_25 : vector<32x16xi1>
    %sub3A = arith.constant 1 : i32
    %sub3A_26 = vector.broadcast %sub3A : i32 to vector<32x16xi32>
    %sub3A_27 = arith.subi %div3A_5, %sub3A_26 : vector<32x16xi32>
    %select_n3A = arith.select %and3A, %sub3A_27, %div3A_5 : vector<32x16xi1>, vector<32x16xi32>
    %eq3A = arith.constant 0 : i32
    %eq3A_28 = vector.broadcast %eq3A : i32 to vector<32x16xi32>
    %eq3A_29 = arith.cmpi eq, %select_n3A, %eq3A_28 : vector<32x16xi32>
    %get3A_30 = arith.constant 0 : index
    %get3A_31 = arith.constant 0 : index
    %get3A_32 = memref.load %arg3[%get3A_30, %get3A_31] : memref<8x1xf32, #tpu.memory_space<smem>>
    %add3A = vector.broadcast %get3A_32 : f32 to vector<32x16xf32>
    %add3A_33 = arith.addf %get3A_1, %add3A : vector<32x16xf32>
    %select_n3A_34 = arith.select %eq3A_29, %add3A_33, %get3A_1 : vector<32x16xi1>, vector<32x16xf32>
    %eq3A_35 = arith.constant 1 : i32
    %eq3A_36 = vector.broadcast %eq3A_35 : i32 to vector<32x16xi32>
    %eq3A_37 = arith.cmpi eq, %select_n3A, %eq3A_36 : vector<32x16xi32>
    %get3A_38 = arith.constant 1 : index
    %get3A_39 = arith.constant 0 : index
    %get3A_40 = memref.load %arg3[%get3A_38, %get3A_39] : memref<8x1xf32, #tpu.memory_space<smem>>
    %add3A_41 = vector.broadcast %get3A_40 : f32 to vector<32x16xf32>
    %add3A_42 = arith.addf %select_n3A_34, %add3A_41 : vector<32x16xf32>
    %select_n3A_43 = arith.select %eq3A_37, %add3A_42, %select_n3A_34 : vector<32x16xi1>, vector<32x16xf32>
    %eq3A_44 = arith.constant 2 : i32
    %eq3A_45 = vector.broadcast %eq3A_44 : i32 to vector<32x16xi32>
    %eq3A_46 = arith.cmpi eq, %select_n3A, %eq3A_45 : vector<32x16xi32>
    %get3A_47 = arith.constant 2 : index
    %get3A_48 = arith.constant 0 : index
    %get3A_49 = memref.load %arg3[%get3A_47, %get3A_48] : memref<8x1xf32, #tpu.memory_space<smem>>
    %add3A_50 = vector.broadcast %get3A_49 : f32 to vector<32x16xf32>
    %add3A_51 = arith.addf %select_n3A_43, %add3A_50 : vector<32x16xf32>
    %select_n3A_52 = arith.select %eq3A_46, %add3A_51, %select_n3A_43 : vector<32x16xi1>, vector<32x16xf32>
    %eq3A_53 = arith.constant 3 : i32
    %eq3A_54 = vector.broadcast %eq3A_53 : i32 to vector<32x16xi32>
    %eq3A_55 = arith.cmpi eq, %select_n3A, %eq3A_54 : vector<32x16xi32>
    %get3A_56 = arith.constant 3 : index
    %get3A_57 = arith.constant 0 : index
    %get3A_58 = memref.load %arg3[%get3A_56, %get3A_57] : memref<8x1xf32, #tpu.memory_space<smem>>
    %add3A_59 = vector.broadcast %get3A_58 : f32 to vector<32x16xf32>
    %add3A_60 = arith.addf %select_n3A_52, %add3A_59 : vector<32x16xf32>
    %select_n3A_61 = arith.select %eq3A_55, %add3A_60, %select_n3A_52 : vector<32x16xi1>, vector<32x16xf32>
    %eq3A_62 = arith.constant 4 : i32
    %eq3A_63 = vector.broadcast %eq3A_62 : i32 to vector<32x16xi32>
    %eq3A_64 = arith.cmpi eq, %select_n3A, %eq3A_63 : vector<32x16xi32>
    %get3A_65 = arith.constant 4 : index
    %get3A_66 = arith.constant 0 : index
    %get3A_67 = memref.load %arg3[%get3A_65, %get3A_66] : memref<8x1xf32, #tpu.memory_space<smem>>
    %add3A_68 = vector.broadcast %get3A_67 : f32 to vector<32x16xf32>
    %add3A_69 = arith.addf %select_n3A_61, %add3A_68 : vector<32x16xf32>
    %select_n3A_70 = arith.select %eq3A_64, %add3A_69, %select_n3A_61 : vector<32x16xi1>, vector<32x16xf32>
    %eq3A_71 = arith.constant 5 : i32
    %eq3A_72 = vector.broadcast %eq3A_71 : i32 to vector<32x16xi32>
    %eq3A_73 = arith.cmpi eq, %select_n3A, %eq3A_72 : vector<32x16xi32>
    %get3A_74 = arith.constant 5 : index
    %get3A_75 = arith.constant 0 : index
    %get3A_76 = memref.load %arg3[%get3A_74, %get3A_75] : memref<8x1xf32, #tpu.memory_space<smem>>
    %add3A_77 = vector.broadcast %get3A_76 : f32 to vector<32x16xf32>
    %add3A_78 = arith.addf %select_n3A_70, %add3A_77 : vector<32x16xf32>
    %select_n3A_79 = arith.select %eq3A_73, %add3A_78, %select_n3A_70 : vector<32x16xi1>, vector<32x16xf32>
    %eq3A_80 = arith.constant 6 : i32
    %eq3A_81 = vector.broadcast %eq3A_80 : i32 to vector<32x16xi32>
    %eq3A_82 = arith.cmpi eq, %select_n3A, %eq3A_81 : vector<32x16xi32>
    %get3A_83 = arith.constant 6 : index
    %get3A_84 = arith.constant 0 : index
    %get3A_85 = memref.load %arg3[%get3A_83, %get3A_84] : memref<8x1xf32, #tpu.memory_space<smem>>
    %add3A_86 = vector.broadcast %get3A_85 : f32 to vector<32x16xf32>
    %add3A_87 = arith.addf %select_n3A_79, %add3A_86 : vector<32x16xf32>
    %select_n3A_88 = arith.select %eq3A_82, %add3A_87, %select_n3A_79 : vector<32x16xi1>, vector<32x16xf32>
    %eq3A_89 = arith.constant 7 : i32
    %eq3A_90 = vector.broadcast %eq3A_89 : i32 to vector<32x16xi32>
    %eq3A_91 = arith.cmpi eq, %select_n3A, %eq3A_90 : vector<32x16xi32>
    %get3A_92 = arith.constant 7 : index
    %get3A_93 = arith.constant 0 : index
    %get3A_94 = memref.load %arg3[%get3A_92, %get3A_93] : memref<8x1xf32, #tpu.memory_space<smem>>
    %add3A_95 = vector.broadcast %get3A_94 : f32 to vector<32x16xf32>
    %add3A_96 = arith.addf %select_n3A_88, %add3A_95 : vector<32x16xf32>
    %select_n3A_97 = arith.select %eq3A_91, %add3A_96, %select_n3A_88 : vector<32x16xi1>, vector<32x16xf32>
    %reduce_max3A = vector.shape_cast %select_n3A_97 : vector<32x16xf32> to vector<1x32x16xf32>
    %reduce_max3A_98 = arith.constant dense<0xFF800000> : vector<1xf32>
    %reduce_max3A_99 = vector.multi_reduction <maximumf>, %reduce_max3A, %reduce_max3A_98 [1, 2] : vector<1x32x16xf32> to vector<1xf32>
    %reduce_max3A_100 = vector.shape_cast %reduce_max3A_99 : vector<1xf32> to vector<1x1x1xf32>
    %reduce_max3A_101 = vector.extract %reduce_max3A_100[0, 0, 0] : f32 from vector<1x1x1xf32>
    %eq3A_102 = vector.broadcast %reduce_max3A_101 : f32 to vector<32x16xf32>
    %eq3A_103 = arith.cmpf oeq, %select_n3A_97, %eq3A_102 : vector<32x16xf32>
    %jit3A_104 = arith.constant 2147483647 : i32
    %broadcast_in_dim3A = vector.broadcast %jit3A_104 : i32 to vector<32x16xi32>
    %select_n3A_105 = arith.select %eq3A_103, %get3A_4, %broadcast_in_dim3A : vector<32x16xi1>, vector<32x16xi32>
    %reduce_min3A = vector.shape_cast %select_n3A_105 : vector<32x16xi32> to vector<1x32x16xi32>
    %reduce_min3A_106 = arith.constant dense<2147483647> : vector<1xi32>
    %reduce_min3A_107 = vector.multi_reduction <minsi>, %reduce_min3A, %reduce_min3A_106 [1, 2] : vector<1x32x16xi32> to vector<1xi32>
    %reduce_min3A_108 = vector.shape_cast %reduce_min3A_107 : vector<1xi32> to vector<1x1x1xi32>
    %reduce_min3A_109 = vector.extract %reduce_min3A_108[0, 0, 0] : i32 from vector<1x1x1xi32>
    %eq3A_110 = vector.broadcast %reduce_min3A_109 : i32 to vector<32x16xi32>
    %eq3A_111 = arith.cmpi eq, %get3A_4, %eq3A_110 : vector<32x16xi32>
    %jit3A_112 = arith.constant 0xFF800000 : f32
    %broadcast_in_dim3A_113 = vector.broadcast %jit3A_112 : f32 to vector<32x16xf32>
    %select_n3A_114 = arith.select %eq3A_111, %broadcast_in_dim3A_113, %select_n3A_97 : vector<32x16xi1>, vector<32x16xf32>
    %reduce_max3A_115 = vector.shape_cast %select_n3A_114 : vector<32x16xf32> to vector<1x32x16xf32>
    %reduce_max3A_116 = arith.constant dense<0xFF800000> : vector<1xf32>
    %reduce_max3A_117 = vector.multi_reduction <maximumf>, %reduce_max3A_115, %reduce_max3A_116 [1, 2] : vector<1x32x16xf32> to vector<1xf32>
    %reduce_max3A_118 = vector.shape_cast %reduce_max3A_117 : vector<1xf32> to vector<1x1x1xf32>
    %reduce_max3A_119 = vector.extract %reduce_max3A_118[0, 0, 0] : f32 from vector<1x1x1xf32>
    %eq3A_120 = vector.broadcast %reduce_max3A_119 : f32 to vector<32x16xf32>
    %eq3A_121 = arith.cmpf oeq, %select_n3A_114, %eq3A_120 : vector<32x16xf32>
    %jit3A_122 = arith.constant 2147483647 : i32
    %broadcast_in_dim3A_123 = vector.broadcast %jit3A_122 : i32 to vector<32x16xi32>
    %select_n3A_124 = arith.select %eq3A_121, %get3A_4, %broadcast_in_dim3A_123 : vector<32x16xi1>, vector<32x16xi32>
    %reduce_min3A_125 = vector.shape_cast %select_n3A_124 : vector<32x16xi32> to vector<1x32x16xi32>
    %reduce_min3A_126 = arith.constant dense<2147483647> : vector<1xi32>
    %reduce_min3A_127 = vector.multi_reduction <minsi>, %reduce_min3A_125, %reduce_min3A_126 [1, 2] : vector<1x32x16xi32> to vector<1xi32>
    %reduce_min3A_128 = vector.shape_cast %reduce_min3A_127 : vector<1xi32> to vector<1x1x1xi32>
    %reduce_min3A_129 = vector.extract %reduce_min3A_128[0, 0, 0] : i32 from vector<1x1x1xi32>
    %eq3A_130 = vector.broadcast %reduce_min3A_129 : i32 to vector<32x16xi32>
    %eq3A_131 = arith.cmpi eq, %get3A_4, %eq3A_130 : vector<32x16xi32>
    %jit3A_132 = arith.constant 0xFF800000 : f32
    %broadcast_in_dim3A_133 = vector.broadcast %jit3A_132 : f32 to vector<32x16xf32>
    %select_n3A_134 = arith.select %eq3A_131, %broadcast_in_dim3A_133, %select_n3A_114 : vector<32x16xi1>, vector<32x16xf32>
    %reduce_max3A_135 = vector.shape_cast %select_n3A_134 : vector<32x16xf32> to vector<1x32x16xf32>
    %reduce_max3A_136 = arith.constant dense<0xFF800000> : vector<1xf32>
    %reduce_max3A_137 = vector.multi_reduction <maximumf>, %reduce_max3A_135, %reduce_max3A_136 [1, 2] : vector<1x32x16xf32> to vector<1xf32>
    %reduce_max3A_138 = vector.shape_cast %reduce_max3A_137 : vector<1xf32> to vector<1x1x1xf32>
    %reduce_max3A_139 = vector.extract %reduce_max3A_138[0, 0, 0] : f32 from vector<1x1x1xf32>
    %eq3A_140 = vector.broadcast %reduce_max3A_139 : f32 to vector<32x16xf32>
    %eq3A_141 = arith.cmpf oeq, %select_n3A_134, %eq3A_140 : vector<32x16xf32>
    %jit3A_142 = arith.constant 2147483647 : i32
    %broadcast_in_dim3A_143 = vector.broadcast %jit3A_142 : i32 to vector<32x16xi32>
    %select_n3A_144 = arith.select %eq3A_141, %get3A_4, %broadcast_in_dim3A_143 : vector<32x16xi1>, vector<32x16xi32>
    %reduce_min3A_145 = vector.shape_cast %select_n3A_144 : vector<32x16xi32> to vector<1x32x16xi32>
    %reduce_min3A_146 = arith.constant dense<2147483647> : vector<1xi32>
    %reduce_min3A_147 = vector.multi_reduction <minsi>, %reduce_min3A_145, %reduce_min3A_146 [1, 2] : vector<1x32x16xi32> to vector<1xi32>
    %reduce_min3A_148 = vector.shape_cast %reduce_min3A_147 : vector<1xi32> to vector<1x1x1xi32>
    %reduce_min3A_149 = vector.extract %reduce_min3A_148[0, 0, 0] : i32 from vector<1x1x1xi32>
    %eq3A_150 = vector.broadcast %reduce_min3A_149 : i32 to vector<32x16xi32>
    %eq3A_151 = arith.cmpi eq, %get3A_4, %eq3A_150 : vector<32x16xi32>
    %jit3A_152 = arith.constant 0xFF800000 : f32
    %broadcast_in_dim3A_153 = vector.broadcast %jit3A_152 : f32 to vector<32x16xf32>
    %select_n3A_154 = arith.select %eq3A_151, %broadcast_in_dim3A_153, %select_n3A_134 : vector<32x16xi1>, vector<32x16xf32>
    %reduce_max3A_155 = vector.shape_cast %select_n3A_154 : vector<32x16xf32> to vector<1x32x16xf32>
    %reduce_max3A_156 = arith.constant dense<0xFF800000> : vector<1xf32>
    %reduce_max3A_157 = vector.multi_reduction <maximumf>, %reduce_max3A_155, %reduce_max3A_156 [1, 2] : vector<1x32x16xf32> to vector<1xf32>
    %reduce_max3A_158 = vector.shape_cast %reduce_max3A_157 : vector<1xf32> to vector<1x1x1xf32>
    %reduce_max3A_159 = vector.extract %reduce_max3A_158[0, 0, 0] : f32 from vector<1x1x1xf32>
    %eq3A_160 = vector.broadcast %reduce_max3A_159 : f32 to vector<32x16xf32>
    %eq3A_161 = arith.cmpf oeq, %select_n3A_154, %eq3A_160 : vector<32x16xf32>
    %jit3A_162 = arith.constant 2147483647 : i32
    %broadcast_in_dim3A_163 = vector.broadcast %jit3A_162 : i32 to vector<32x16xi32>
    %select_n3A_164 = arith.select %eq3A_161, %get3A_4, %broadcast_in_dim3A_163 : vector<32x16xi1>, vector<32x16xi32>
    %reduce_min3A_165 = vector.shape_cast %select_n3A_164 : vector<32x16xi32> to vector<1x32x16xi32>
    %reduce_min3A_166 = arith.constant dense<2147483647> : vector<1xi32>
    %reduce_min3A_167 = vector.multi_reduction <minsi>, %reduce_min3A_165, %reduce_min3A_166 [1, 2] : vector<1x32x16xi32> to vector<1xi32>
    %reduce_min3A_168 = vector.shape_cast %reduce_min3A_167 : vector<1xi32> to vector<1x1x1xi32>
    %reduce_min3A_169 = vector.extract %reduce_min3A_168[0, 0, 0] : i32 from vector<1x1x1xi32>
    %eq3A_170 = vector.broadcast %reduce_min3A_169 : i32 to vector<32x16xi32>
    %eq3A_171 = arith.cmpi eq, %get3A_4, %eq3A_170 : vector<32x16xi32>
    %jit3A_172 = arith.constant 0xFF800000 : f32
    %broadcast_in_dim3A_173 = vector.broadcast %jit3A_172 : f32 to vector<32x16xf32>
    %select_n3A_174 = arith.select %eq3A_171, %broadcast_in_dim3A_173, %select_n3A_154 : vector<32x16xi1>, vector<32x16xf32>
    %reduce_max3A_175 = vector.shape_cast %select_n3A_174 : vector<32x16xf32> to vector<1x32x16xf32>
    %reduce_max3A_176 = arith.constant dense<0xFF800000> : vector<1xf32>
    %reduce_max3A_177 = vector.multi_reduction <maximumf>, %reduce_max3A_175, %reduce_max3A_176 [1, 2] : vector<1x32x16xf32> to vector<1xf32>
    %reduce_max3A_178 = vector.shape_cast %reduce_max3A_177 : vector<1xf32> to vector<1x1x1xf32>
    %reduce_max3A_179 = vector.extract %reduce_max3A_178[0, 0, 0] : f32 from vector<1x1x1xf32>
    %eq3A_180 = vector.broadcast %reduce_max3A_179 : f32 to vector<32x16xf32>
    %eq3A_181 = arith.cmpf oeq, %select_n3A_174, %eq3A_180 : vector<32x16xf32>
    %jit3A_182 = arith.constant 2147483647 : i32
    %broadcast_in_dim3A_183 = vector.broadcast %jit3A_182 : i32 to vector<32x16xi32>
    %select_n3A_184 = arith.select %eq3A_181, %get3A_4, %broadcast_in_dim3A_183 : vector<32x16xi1>, vector<32x16xi32>
    %reduce_min3A_185 = vector.shape_cast %select_n3A_184 : vector<32x16xi32> to vector<1x32x16xi32>
    %reduce_min3A_186 = arith.constant dense<2147483647> : vector<1xi32>
    %reduce_min3A_187 = vector.multi_reduction <minsi>, %reduce_min3A_185, %reduce_min3A_186 [1, 2] : vector<1x32x16xi32> to vector<1xi32>
    %reduce_min3A_188 = vector.shape_cast %reduce_min3A_187 : vector<1xi32> to vector<1x1x1xi32>
    %reduce_min3A_189 = vector.extract %reduce_min3A_188[0, 0, 0] : i32 from vector<1x1x1xi32>
    %eq3A_190 = vector.broadcast %reduce_min3A_189 : i32 to vector<32x16xi32>
    %eq3A_191 = arith.cmpi eq, %get3A_4, %eq3A_190 : vector<32x16xi32>
    %jit3A_192 = arith.constant 0xFF800000 : f32
    %broadcast_in_dim3A_193 = vector.broadcast %jit3A_192 : f32 to vector<32x16xf32>
    %select_n3A_194 = arith.select %eq3A_191, %broadcast_in_dim3A_193, %select_n3A_174 : vector<32x16xi1>, vector<32x16xf32>
    %reduce_max3A_195 = vector.shape_cast %select_n3A_194 : vector<32x16xf32> to vector<1x32x16xf32>
    %reduce_max3A_196 = arith.constant dense<0xFF800000> : vector<1xf32>
    %reduce_max3A_197 = vector.multi_reduction <maximumf>, %reduce_max3A_195, %reduce_max3A_196 [1, 2] : vector<1x32x16xf32> to vector<1xf32>
    %reduce_max3A_198 = vector.shape_cast %reduce_max3A_197 : vector<1xf32> to vector<1x1x1xf32>
    %reduce_max3A_199 = vector.extract %reduce_max3A_198[0, 0, 0] : f32 from vector<1x1x1xf32>
    %eq3A_200 = vector.broadcast %reduce_max3A_199 : f32 to vector<32x16xf32>
    %eq3A_201 = arith.cmpf oeq, %select_n3A_194, %eq3A_200 : vector<32x16xf32>
    %jit3A_202 = arith.constant 2147483647 : i32
    %broadcast_in_dim3A_203 = vector.broadcast %jit3A_202 : i32 to vector<32x16xi32>
    %select_n3A_204 = arith.select %eq3A_201, %get3A_4, %broadcast_in_dim3A_203 : vector<32x16xi1>, vector<32x16xi32>
    %reduce_min3A_205 = vector.shape_cast %select_n3A_204 : vector<32x16xi32> to vector<1x32x16xi32>
    %reduce_min3A_206 = arith.constant dense<2147483647> : vector<1xi32>
    %reduce_min3A_207 = vector.multi_reduction <minsi>, %reduce_min3A_205, %reduce_min3A_206 [1, 2] : vector<1x32x16xi32> to vector<1xi32>
    %reduce_min3A_208 = vector.shape_cast %reduce_min3A_207 : vector<1xi32> to vector<1x1x1xi32>
    %reduce_min3A_209 = vector.extract %reduce_min3A_208[0, 0, 0] : i32 from vector<1x1x1xi32>
    %eq3A_210 = vector.broadcast %reduce_min3A_209 : i32 to vector<32x16xi32>
    %eq3A_211 = arith.cmpi eq, %get3A_4, %eq3A_210 : vector<32x16xi32>
    %jit3A_212 = arith.constant 0xFF800000 : f32
    %broadcast_in_dim3A_213 = vector.broadcast %jit3A_212 : f32 to vector<32x16xf32>
    %select_n3A_214 = arith.select %eq3A_211, %broadcast_in_dim3A_213, %select_n3A_194 : vector<32x16xi1>, vector<32x16xf32>
    %reduce_max3A_215 = vector.shape_cast %select_n3A_214 : vector<32x16xf32> to vector<1x32x16xf32>
    %reduce_max3A_216 = arith.constant dense<0xFF800000> : vector<1xf32>
    %reduce_max3A_217 = vector.multi_reduction <maximumf>, %reduce_max3A_215, %reduce_max3A_216 [1, 2] : vector<1x32x16xf32> to vector<1xf32>
    %reduce_max3A_218 = vector.shape_cast %reduce_max3A_217 : vector<1xf32> to vector<1x1x1xf32>
    %reduce_max3A_219 = vector.extract %reduce_max3A_218[0, 0, 0] : f32 from vector<1x1x1xf32>
    %eq3A_220 = vector.broadcast %reduce_max3A_219 : f32 to vector<32x16xf32>
    %eq3A_221 = arith.cmpf oeq, %select_n3A_214, %eq3A_220 : vector<32x16xf32>
    %jit3A_222 = arith.constant 2147483647 : i32
    %broadcast_in_dim3A_223 = vector.broadcast %jit3A_222 : i32 to vector<32x16xi32>
    %select_n3A_224 = arith.select %eq3A_221, %get3A_4, %broadcast_in_dim3A_223 : vector<32x16xi1>, vector<32x16xi32>
    %reduce_min3A_225 = vector.shape_cast %select_n3A_224 : vector<32x16xi32> to vector<1x32x16xi32>
    %reduce_min3A_226 = arith.constant dense<2147483647> : vector<1xi32>
    %reduce_min3A_227 = vector.multi_reduction <minsi>, %reduce_min3A_225, %reduce_min3A_226 [1, 2] : vector<1x32x16xi32> to vector<1xi32>
    %reduce_min3A_228 = vector.shape_cast %reduce_min3A_227 : vector<1xi32> to vector<1x1x1xi32>
    %reduce_min3A_229 = vector.extract %reduce_min3A_228[0, 0, 0] : i32 from vector<1x1x1xi32>
    %eq3A_230 = vector.broadcast %reduce_min3A_229 : i32 to vector<32x16xi32>
    %eq3A_231 = arith.cmpi eq, %get3A_4, %eq3A_230 : vector<32x16xi32>
    %jit3A_232 = arith.constant 0xFF800000 : f32
    %broadcast_in_dim3A_233 = vector.broadcast %jit3A_232 : f32 to vector<32x16xf32>
    %select_n3A_234 = arith.select %eq3A_231, %broadcast_in_dim3A_233, %select_n3A_214 : vector<32x16xi1>, vector<32x16xf32>
    %reduce_max3A_235 = vector.shape_cast %select_n3A_234 : vector<32x16xf32> to vector<1x32x16xf32>
    %reduce_max3A_236 = arith.constant dense<0xFF800000> : vector<1xf32>
    %reduce_max3A_237 = vector.multi_reduction <maximumf>, %reduce_max3A_235, %reduce_max3A_236 [1, 2] : vector<1x32x16xf32> to vector<1xf32>
    %reduce_max3A_238 = vector.shape_cast %reduce_max3A_237 : vector<1xf32> to vector<1x1x1xf32>
    %reduce_max3A_239 = vector.extract %reduce_max3A_238[0, 0, 0] : f32 from vector<1x1x1xf32>
    %eq3A_240 = vector.broadcast %reduce_max3A_239 : f32 to vector<32x16xf32>
    %eq3A_241 = arith.cmpf oeq, %select_n3A_234, %eq3A_240 : vector<32x16xf32>
    %jit3A_242 = arith.constant 2147483647 : i32
    %broadcast_in_dim3A_243 = vector.broadcast %jit3A_242 : i32 to vector<32x16xi32>
    %select_n3A_244 = arith.select %eq3A_241, %get3A_4, %broadcast_in_dim3A_243 : vector<32x16xi1>, vector<32x16xi32>
    %reduce_min3A_245 = vector.shape_cast %select_n3A_244 : vector<32x16xi32> to vector<1x32x16xi32>
    %reduce_min3A_246 = arith.constant dense<2147483647> : vector<1xi32>
    %reduce_min3A_247 = vector.multi_reduction <minsi>, %reduce_min3A_245, %reduce_min3A_246 [1, 2] : vector<1x32x16xi32> to vector<1xi32>
    %reduce_min3A_248 = vector.shape_cast %reduce_min3A_247 : vector<1xi32> to vector<1x1x1xi32>
    %reduce_min3A_249 = vector.extract %reduce_min3A_248[0, 0, 0] : i32 from vector<1x1x1xi32>
    %iota3A = tpu.iota {dimensions = array<i32: 0>} : vector<8x1xi32>
    %iota3A_250 = tpu.iota {dimensions = array<i32: 0>} : vector<8x2xi32>
    %iota3A_251 = tpu.iota {dimensions = array<i32: 1>} : vector<8x2xi32>
    %broadcast_in_dim3A_252 = arith.constant 0.000000e+00 : f32
    %broadcast_in_dim3A_253 = vector.broadcast %broadcast_in_dim3A_252 : f32 to vector<8x1xf32>
    %broadcast_in_dim3A_254 = arith.constant 0 : i32
    %broadcast_in_dim3A_255 = vector.broadcast %broadcast_in_dim3A_254 : i32 to vector<8x2xi32>
    %jit3A_256 = arith.constant 100000 : i32
    %div3A_257 = arith.divsi %reduce_min3A_109, %jit3A_256 : i32
    %sign3A_258 = arith.constant 0 : i32
    %sign3A_259 = arith.cmpi sgt, %reduce_min3A_109, %sign3A_258 : i32
    %sign3A_260 = arith.extui %sign3A_259 : i1 to i32
    %sign3A_261 = arith.constant 0 : i32
    %sign3A_262 = arith.cmpi slt, %reduce_min3A_109, %sign3A_261 : i32
    %sign3A_263 = arith.extui %sign3A_262 : i1 to i32
    %sign3A_264 = arith.subi %sign3A_260, %sign3A_263 : i32
    %sign3A_265 = arith.constant 0 : i32
    %sign3A_266 = arith.cmpi sgt, %jit3A_256, %sign3A_265 : i32
    %sign3A_267 = arith.extui %sign3A_266 : i1 to i32
    %sign3A_268 = arith.constant 0 : i32
    %sign3A_269 = arith.cmpi slt, %jit3A_256, %sign3A_268 : i32
    %sign3A_270 = arith.extui %sign3A_269 : i1 to i32
    %sign3A_271 = arith.subi %sign3A_267, %sign3A_270 : i32
    %ne3A_272 = arith.cmpi ne, %sign3A_264, %sign3A_271 : i32
    %rem3A_273 = arith.remsi %reduce_min3A_109, %jit3A_256 : i32
    %ne3A_274 = arith.constant 0 : i32
    %ne3A_275 = arith.cmpi ne, %rem3A_273, %ne3A_274 : i32
    %and3A_276 = arith.andi %ne3A_272, %ne3A_275 : i1
    %sub3A_277 = arith.constant 1 : i32
    %sub3A_278 = arith.subi %div3A_257, %sub3A_277 : i32
    %select_n3A_279 = arith.select %and3A_276, %sub3A_278, %div3A_257 : i32
    %jit3A_280 = arith.constant 100000 : i32
    %eq3A_281 = arith.constant 0 : i32
    %eq3A_282 = arith.cmpi eq, %jit3A_280, %eq3A_281 : i32
    %jit3A_283 = arith.constant 1 : i32
    %select_n3A_284 = arith.select %eq3A_282, %jit3A_283, %jit3A_280 : i32
    %rem3A_285 = arith.remsi %reduce_min3A_109, %select_n3A_284 : i32
    %ne3A_286 = arith.constant 0 : i32
    %ne3A_287 = arith.cmpi ne, %rem3A_285, %ne3A_286 : i32
    %lt3A = arith.constant 0 : i32
    %lt3A_288 = arith.cmpi slt, %rem3A_285, %lt3A : i32
    %lt3A_289 = arith.constant 0 : i32
    %lt3A_290 = arith.cmpi slt, %select_n3A_284, %lt3A_289 : i32
    %ne3A_291 = arith.xori %lt3A_288, %lt3A_290 : i1
    %and3A_292 = arith.andi %ne3A_291, %ne3A_287 : i1
    %add3A_293 = arith.addi %rem3A_285, %select_n3A_284 : i32
    %select_n3A_294 = arith.select %and3A_292, %add3A_293, %rem3A_285 : i32
    %get3A_295 = arith.index_cast %select_n3A_279 : i32 to index
    %get3A_296 = arith.constant 0 : index
    %get3A_297 = memref.load %arg2[%get3A_295, %get3A_296] : memref<8x1xi32, #tpu.memory_space<smem>>
    %eq3A_298 = arith.constant 0 : i32
    %eq3A_299 = vector.broadcast %eq3A_298 : i32 to vector<8x1xi32>
    %eq3A_300 = arith.cmpi eq, %iota3A, %eq3A_299 : vector<8x1xi32>
    %broadcast_in_dim3A_301 = vector.broadcast %reduce_max3A_101 : f32 to vector<8x1xf32>
    %select_n3A_302 = arith.select %eq3A_300, %broadcast_in_dim3A_301, %broadcast_in_dim3A_253 : vector<8x1xi1>, vector<8x1xf32>
    %eq3A_303 = arith.constant 0 : i32
    %eq3A_304 = vector.broadcast %eq3A_303 : i32 to vector<8x2xi32>
    %eq3A_305 = arith.cmpi eq, %iota3A_250, %eq3A_304 : vector<8x2xi32>
    %eq3A_306 = arith.constant 0 : i32
    %eq3A_307 = vector.broadcast %eq3A_306 : i32 to vector<8x2xi32>
    %eq3A_308 = arith.cmpi eq, %iota3A_251, %eq3A_307 : vector<8x2xi32>
    %broadcast_in_dim3A_309 = vector.broadcast %get3A_297 : i32 to vector<8x2xi32>
    %broadcast_in_dim3A_310 = vector.broadcast %select_n3A_294 : i32 to vector<8x2xi32>
    %select_n3A_311 = arith.select %eq3A_308, %broadcast_in_dim3A_309, %broadcast_in_dim3A_310 : vector<8x2xi1>, vector<8x2xi32>
    %select_n3A_312 = arith.select %eq3A_305, %select_n3A_311, %broadcast_in_dim3A_255 : vector<8x2xi1>, vector<8x2xi32>
    %jit3A_313 = arith.constant 100000 : i32
    %div3A_314 = arith.divsi %reduce_min3A_129, %jit3A_313 : i32
    %sign3A_315 = arith.constant 0 : i32
    %sign3A_316 = arith.cmpi sgt, %reduce_min3A_129, %sign3A_315 : i32
    %sign3A_317 = arith.extui %sign3A_316 : i1 to i32
    %sign3A_318 = arith.constant 0 : i32
    %sign3A_319 = arith.cmpi slt, %reduce_min3A_129, %sign3A_318 : i32
    %sign3A_320 = arith.extui %sign3A_319 : i1 to i32
    %sign3A_321 = arith.subi %sign3A_317, %sign3A_320 : i32
    %sign3A_322 = arith.constant 0 : i32
    %sign3A_323 = arith.cmpi sgt, %jit3A_313, %sign3A_322 : i32
    %sign3A_324 = arith.extui %sign3A_323 : i1 to i32
    %sign3A_325 = arith.constant 0 : i32
    %sign3A_326 = arith.cmpi slt, %jit3A_313, %sign3A_325 : i32
    %sign3A_327 = arith.extui %sign3A_326 : i1 to i32
    %sign3A_328 = arith.subi %sign3A_324, %sign3A_327 : i32
    %ne3A_329 = arith.cmpi ne, %sign3A_321, %sign3A_328 : i32
    %rem3A_330 = arith.remsi %reduce_min3A_129, %jit3A_313 : i32
    %ne3A_331 = arith.constant 0 : i32
    %ne3A_332 = arith.cmpi ne, %rem3A_330, %ne3A_331 : i32
    %and3A_333 = arith.andi %ne3A_329, %ne3A_332 : i1
    %sub3A_334 = arith.constant 1 : i32
    %sub3A_335 = arith.subi %div3A_314, %sub3A_334 : i32
    %select_n3A_336 = arith.select %and3A_333, %sub3A_335, %div3A_314 : i32
    %jit3A_337 = arith.constant 100000 : i32
    %eq3A_338 = arith.constant 0 : i32
    %eq3A_339 = arith.cmpi eq, %jit3A_337, %eq3A_338 : i32
    %jit3A_340 = arith.constant 1 : i32
    %select_n3A_341 = arith.select %eq3A_339, %jit3A_340, %jit3A_337 : i32
    %rem3A_342 = arith.remsi %reduce_min3A_129, %select_n3A_341 : i32
    %ne3A_343 = arith.constant 0 : i32
    %ne3A_344 = arith.cmpi ne, %rem3A_342, %ne3A_343 : i32
    %lt3A_345 = arith.constant 0 : i32
    %lt3A_346 = arith.cmpi slt, %rem3A_342, %lt3A_345 : i32
    %lt3A_347 = arith.constant 0 : i32
    %lt3A_348 = arith.cmpi slt, %select_n3A_341, %lt3A_347 : i32
    %ne3A_349 = arith.xori %lt3A_346, %lt3A_348 : i1
    %and3A_350 = arith.andi %ne3A_349, %ne3A_344 : i1
    %add3A_351 = arith.addi %rem3A_342, %select_n3A_341 : i32
    %select_n3A_352 = arith.select %and3A_350, %add3A_351, %rem3A_342 : i32
    %get3A_353 = arith.index_cast %select_n3A_336 : i32 to index
    %get3A_354 = arith.constant 0 : index
    %get3A_355 = memref.load %arg2[%get3A_353, %get3A_354] : memref<8x1xi32, #tpu.memory_space<smem>>
    %eq3A_356 = arith.constant 1 : i32
    %eq3A_357 = vector.broadcast %eq3A_356 : i32 to vector<8x1xi32>
    %eq3A_358 = arith.cmpi eq, %iota3A, %eq3A_357 : vector<8x1xi32>
    %broadcast_in_dim3A_359 = vector.broadcast %reduce_max3A_119 : f32 to vector<8x1xf32>
    %select_n3A_360 = arith.select %eq3A_358, %broadcast_in_dim3A_359, %select_n3A_302 : vector<8x1xi1>, vector<8x1xf32>
    %eq3A_361 = arith.constant 1 : i32
    %eq3A_362 = vector.broadcast %eq3A_361 : i32 to vector<8x2xi32>
    %eq3A_363 = arith.cmpi eq, %iota3A_250, %eq3A_362 : vector<8x2xi32>
    %eq3A_364 = arith.constant 0 : i32
    %eq3A_365 = vector.broadcast %eq3A_364 : i32 to vector<8x2xi32>
    %eq3A_366 = arith.cmpi eq, %iota3A_251, %eq3A_365 : vector<8x2xi32>
    %broadcast_in_dim3A_367 = vector.broadcast %get3A_355 : i32 to vector<8x2xi32>
    %broadcast_in_dim3A_368 = vector.broadcast %select_n3A_352 : i32 to vector<8x2xi32>
    %select_n3A_369 = arith.select %eq3A_366, %broadcast_in_dim3A_367, %broadcast_in_dim3A_368 : vector<8x2xi1>, vector<8x2xi32>
    %select_n3A_370 = arith.select %eq3A_363, %select_n3A_369, %select_n3A_312 : vector<8x2xi1>, vector<8x2xi32>
    %jit3A_371 = arith.constant 100000 : i32
    %div3A_372 = arith.divsi %reduce_min3A_149, %jit3A_371 : i32
    %sign3A_373 = arith.constant 0 : i32
    %sign3A_374 = arith.cmpi sgt, %reduce_min3A_149, %sign3A_373 : i32
    %sign3A_375 = arith.extui %sign3A_374 : i1 to i32
    %sign3A_376 = arith.constant 0 : i32
    %sign3A_377 = arith.cmpi slt, %reduce_min3A_149, %sign3A_376 : i32
    %sign3A_378 = arith.extui %sign3A_377 : i1 to i32
    %sign3A_379 = arith.subi %sign3A_375, %sign3A_378 : i32
    %sign3A_380 = arith.constant 0 : i32
    %sign3A_381 = arith.cmpi sgt, %jit3A_371, %sign3A_380 : i32
    %sign3A_382 = arith.extui %sign3A_381 : i1 to i32
    %sign3A_383 = arith.constant 0 : i32
    %sign3A_384 = arith.cmpi slt, %jit3A_371, %sign3A_383 : i32
    %sign3A_385 = arith.extui %sign3A_384 : i1 to i32
    %sign3A_386 = arith.subi %sign3A_382, %sign3A_385 : i32
    %ne3A_387 = arith.cmpi ne, %sign3A_379, %sign3A_386 : i32
    %rem3A_388 = arith.remsi %reduce_min3A_149, %jit3A_371 : i32
    %ne3A_389 = arith.constant 0 : i32
    %ne3A_390 = arith.cmpi ne, %rem3A_388, %ne3A_389 : i32
    %and3A_391 = arith.andi %ne3A_387, %ne3A_390 : i1
    %sub3A_392 = arith.constant 1 : i32
    %sub3A_393 = arith.subi %div3A_372, %sub3A_392 : i32
    %select_n3A_394 = arith.select %and3A_391, %sub3A_393, %div3A_372 : i32
    %jit3A_395 = arith.constant 100000 : i32
    %eq3A_396 = arith.constant 0 : i32
    %eq3A_397 = arith.cmpi eq, %jit3A_395, %eq3A_396 : i32
    %jit3A_398 = arith.constant 1 : i32
    %select_n3A_399 = arith.select %eq3A_397, %jit3A_398, %jit3A_395 : i32
    %rem3A_400 = arith.remsi %reduce_min3A_149, %select_n3A_399 : i32
    %ne3A_401 = arith.constant 0 : i32
    %ne3A_402 = arith.cmpi ne, %rem3A_400, %ne3A_401 : i32
    %lt3A_403 = arith.constant 0 : i32
    %lt3A_404 = arith.cmpi slt, %rem3A_400, %lt3A_403 : i32
    %lt3A_405 = arith.constant 0 : i32
    %lt3A_406 = arith.cmpi slt, %select_n3A_399, %lt3A_405 : i32
    %ne3A_407 = arith.xori %lt3A_404, %lt3A_406 : i1
    %and3A_408 = arith.andi %ne3A_407, %ne3A_402 : i1
    %add3A_409 = arith.addi %rem3A_400, %select_n3A_399 : i32
    %select_n3A_410 = arith.select %and3A_408, %add3A_409, %rem3A_400 : i32
    %get3A_411 = arith.index_cast %select_n3A_394 : i32 to index
    %get3A_412 = arith.constant 0 : index
    %get3A_413 = memref.load %arg2[%get3A_411, %get3A_412] : memref<8x1xi32, #tpu.memory_space<smem>>
    %eq3A_414 = arith.constant 2 : i32
    %eq3A_415 = vector.broadcast %eq3A_414 : i32 to vector<8x1xi32>
    %eq3A_416 = arith.cmpi eq, %iota3A, %eq3A_415 : vector<8x1xi32>
    %broadcast_in_dim3A_417 = vector.broadcast %reduce_max3A_139 : f32 to vector<8x1xf32>
    %select_n3A_418 = arith.select %eq3A_416, %broadcast_in_dim3A_417, %select_n3A_360 : vector<8x1xi1>, vector<8x1xf32>
    %eq3A_419 = arith.constant 2 : i32
    %eq3A_420 = vector.broadcast %eq3A_419 : i32 to vector<8x2xi32>
    %eq3A_421 = arith.cmpi eq, %iota3A_250, %eq3A_420 : vector<8x2xi32>
    %eq3A_422 = arith.constant 0 : i32
    %eq3A_423 = vector.broadcast %eq3A_422 : i32 to vector<8x2xi32>
    %eq3A_424 = arith.cmpi eq, %iota3A_251, %eq3A_423 : vector<8x2xi32>
    %broadcast_in_dim3A_425 = vector.broadcast %get3A_413 : i32 to vector<8x2xi32>
    %broadcast_in_dim3A_426 = vector.broadcast %select_n3A_410 : i32 to vector<8x2xi32>
    %select_n3A_427 = arith.select %eq3A_424, %broadcast_in_dim3A_425, %broadcast_in_dim3A_426 : vector<8x2xi1>, vector<8x2xi32>
    %select_n3A_428 = arith.select %eq3A_421, %select_n3A_427, %select_n3A_370 : vector<8x2xi1>, vector<8x2xi32>
    %jit3A_429 = arith.constant 100000 : i32
    %div3A_430 = arith.divsi %reduce_min3A_169, %jit3A_429 : i32
    %sign3A_431 = arith.constant 0 : i32
    %sign3A_432 = arith.cmpi sgt, %reduce_min3A_169, %sign3A_431 : i32
    %sign3A_433 = arith.extui %sign3A_432 : i1 to i32
    %sign3A_434 = arith.constant 0 : i32
    %sign3A_435 = arith.cmpi slt, %reduce_min3A_169, %sign3A_434 : i32
    %sign3A_436 = arith.extui %sign3A_435 : i1 to i32
    %sign3A_437 = arith.subi %sign3A_433, %sign3A_436 : i32
    %sign3A_438 = arith.constant 0 : i32
    %sign3A_439 = arith.cmpi sgt, %jit3A_429, %sign3A_438 : i32
    %sign3A_440 = arith.extui %sign3A_439 : i1 to i32
    %sign3A_441 = arith.constant 0 : i32
    %sign3A_442 = arith.cmpi slt, %jit3A_429, %sign3A_441 : i32
    %sign3A_443 = arith.extui %sign3A_442 : i1 to i32
    %sign3A_444 = arith.subi %sign3A_440, %sign3A_443 : i32
    %ne3A_445 = arith.cmpi ne, %sign3A_437, %sign3A_444 : i32
    %rem3A_446 = arith.remsi %reduce_min3A_169, %jit3A_429 : i32
    %ne3A_447 = arith.constant 0 : i32
    %ne3A_448 = arith.cmpi ne, %rem3A_446, %ne3A_447 : i32
    %and3A_449 = arith.andi %ne3A_445, %ne3A_448 : i1
    %sub3A_450 = arith.constant 1 : i32
    %sub3A_451 = arith.subi %div3A_430, %sub3A_450 : i32
    %select_n3A_452 = arith.select %and3A_449, %sub3A_451, %div3A_430 : i32
    %jit3A_453 = arith.constant 100000 : i32
    %eq3A_454 = arith.constant 0 : i32
    %eq3A_455 = arith.cmpi eq, %jit3A_453, %eq3A_454 : i32
    %jit3A_456 = arith.constant 1 : i32
    %select_n3A_457 = arith.select %eq3A_455, %jit3A_456, %jit3A_453 : i32
    %rem3A_458 = arith.remsi %reduce_min3A_169, %select_n3A_457 : i32
    %ne3A_459 = arith.constant 0 : i32
    %ne3A_460 = arith.cmpi ne, %rem3A_458, %ne3A_459 : i32
    %lt3A_461 = arith.constant 0 : i32
    %lt3A_462 = arith.cmpi slt, %rem3A_458, %lt3A_461 : i32
    %lt3A_463 = arith.constant 0 : i32
    %lt3A_464 = arith.cmpi slt, %select_n3A_457, %lt3A_463 : i32
    %ne3A_465 = arith.xori %lt3A_462, %lt3A_464 : i1
    %and3A_466 = arith.andi %ne3A_465, %ne3A_460 : i1
    %add3A_467 = arith.addi %rem3A_458, %select_n3A_457 : i32
    %select_n3A_468 = arith.select %and3A_466, %add3A_467, %rem3A_458 : i32
    %get3A_469 = arith.index_cast %select_n3A_452 : i32 to index
    %get3A_470 = arith.constant 0 : index
    %get3A_471 = memref.load %arg2[%get3A_469, %get3A_470] : memref<8x1xi32, #tpu.memory_space<smem>>
    %eq3A_472 = arith.constant 3 : i32
    %eq3A_473 = vector.broadcast %eq3A_472 : i32 to vector<8x1xi32>
    %eq3A_474 = arith.cmpi eq, %iota3A, %eq3A_473 : vector<8x1xi32>
    %broadcast_in_dim3A_475 = vector.broadcast %reduce_max3A_159 : f32 to vector<8x1xf32>
    %select_n3A_476 = arith.select %eq3A_474, %broadcast_in_dim3A_475, %select_n3A_418 : vector<8x1xi1>, vector<8x1xf32>
    %eq3A_477 = arith.constant 3 : i32
    %eq3A_478 = vector.broadcast %eq3A_477 : i32 to vector<8x2xi32>
    %eq3A_479 = arith.cmpi eq, %iota3A_250, %eq3A_478 : vector<8x2xi32>
    %eq3A_480 = arith.constant 0 : i32
    %eq3A_481 = vector.broadcast %eq3A_480 : i32 to vector<8x2xi32>
    %eq3A_482 = arith.cmpi eq, %iota3A_251, %eq3A_481 : vector<8x2xi32>
    %broadcast_in_dim3A_483 = vector.broadcast %get3A_471 : i32 to vector<8x2xi32>
    %broadcast_in_dim3A_484 = vector.broadcast %select_n3A_468 : i32 to vector<8x2xi32>
    %select_n3A_485 = arith.select %eq3A_482, %broadcast_in_dim3A_483, %broadcast_in_dim3A_484 : vector<8x2xi1>, vector<8x2xi32>
    %select_n3A_486 = arith.select %eq3A_479, %select_n3A_485, %select_n3A_428 : vector<8x2xi1>, vector<8x2xi32>
    %jit3A_487 = arith.constant 100000 : i32
    %div3A_488 = arith.divsi %reduce_min3A_189, %jit3A_487 : i32
    %sign3A_489 = arith.constant 0 : i32
    %sign3A_490 = arith.cmpi sgt, %reduce_min3A_189, %sign3A_489 : i32
    %sign3A_491 = arith.extui %sign3A_490 : i1 to i32
    %sign3A_492 = arith.constant 0 : i32
    %sign3A_493 = arith.cmpi slt, %reduce_min3A_189, %sign3A_492 : i32
    %sign3A_494 = arith.extui %sign3A_493 : i1 to i32
    %sign3A_495 = arith.subi %sign3A_491, %sign3A_494 : i32
    %sign3A_496 = arith.constant 0 : i32
    %sign3A_497 = arith.cmpi sgt, %jit3A_487, %sign3A_496 : i32
    %sign3A_498 = arith.extui %sign3A_497 : i1 to i32
    %sign3A_499 = arith.constant 0 : i32
    %sign3A_500 = arith.cmpi slt, %jit3A_487, %sign3A_499 : i32
    %sign3A_501 = arith.extui %sign3A_500 : i1 to i32
    %sign3A_502 = arith.subi %sign3A_498, %sign3A_501 : i32
    %ne3A_503 = arith.cmpi ne, %sign3A_495, %sign3A_502 : i32
    %rem3A_504 = arith.remsi %reduce_min3A_189, %jit3A_487 : i32
    %ne3A_505 = arith.constant 0 : i32
    %ne3A_506 = arith.cmpi ne, %rem3A_504, %ne3A_505 : i32
    %and3A_507 = arith.andi %ne3A_503, %ne3A_506 : i1
    %sub3A_508 = arith.constant 1 : i32
    %sub3A_509 = arith.subi %div3A_488, %sub3A_508 : i32
    %select_n3A_510 = arith.select %and3A_507, %sub3A_509, %div3A_488 : i32
    %jit3A_511 = arith.constant 100000 : i32
    %eq3A_512 = arith.constant 0 : i32
    %eq3A_513 = arith.cmpi eq, %jit3A_511, %eq3A_512 : i32
    %jit3A_514 = arith.constant 1 : i32
    %select_n3A_515 = arith.select %eq3A_513, %jit3A_514, %jit3A_511 : i32
    %rem3A_516 = arith.remsi %reduce_min3A_189, %select_n3A_515 : i32
    %ne3A_517 = arith.constant 0 : i32
    %ne3A_518 = arith.cmpi ne, %rem3A_516, %ne3A_517 : i32
    %lt3A_519 = arith.constant 0 : i32
    %lt3A_520 = arith.cmpi slt, %rem3A_516, %lt3A_519 : i32
    %lt3A_521 = arith.constant 0 : i32
    %lt3A_522 = arith.cmpi slt, %select_n3A_515, %lt3A_521 : i32
    %ne3A_523 = arith.xori %lt3A_520, %lt3A_522 : i1
    %and3A_524 = arith.andi %ne3A_523, %ne3A_518 : i1
    %add3A_525 = arith.addi %rem3A_516, %select_n3A_515 : i32
    %select_n3A_526 = arith.select %and3A_524, %add3A_525, %rem3A_516 : i32
    %get3A_527 = arith.index_cast %select_n3A_510 : i32 to index
    %get3A_528 = arith.constant 0 : index
    %get3A_529 = memref.load %arg2[%get3A_527, %get3A_528] : memref<8x1xi32, #tpu.memory_space<smem>>
    %eq3A_530 = arith.constant 4 : i32
    %eq3A_531 = vector.broadcast %eq3A_530 : i32 to vector<8x1xi32>
    %eq3A_532 = arith.cmpi eq, %iota3A, %eq3A_531 : vector<8x1xi32>
    %broadcast_in_dim3A_533 = vector.broadcast %reduce_max3A_179 : f32 to vector<8x1xf32>
    %select_n3A_534 = arith.select %eq3A_532, %broadcast_in_dim3A_533, %select_n3A_476 : vector<8x1xi1>, vector<8x1xf32>
    %eq3A_535 = arith.constant 4 : i32
    %eq3A_536 = vector.broadcast %eq3A_535 : i32 to vector<8x2xi32>
    %eq3A_537 = arith.cmpi eq, %iota3A_250, %eq3A_536 : vector<8x2xi32>
    %eq3A_538 = arith.constant 0 : i32
    %eq3A_539 = vector.broadcast %eq3A_538 : i32 to vector<8x2xi32>
    %eq3A_540 = arith.cmpi eq, %iota3A_251, %eq3A_539 : vector<8x2xi32>
    %broadcast_in_dim3A_541 = vector.broadcast %get3A_529 : i32 to vector<8x2xi32>
    %broadcast_in_dim3A_542 = vector.broadcast %select_n3A_526 : i32 to vector<8x2xi32>
    %select_n3A_543 = arith.select %eq3A_540, %broadcast_in_dim3A_541, %broadcast_in_dim3A_542 : vector<8x2xi1>, vector<8x2xi32>
    %select_n3A_544 = arith.select %eq3A_537, %select_n3A_543, %select_n3A_486 : vector<8x2xi1>, vector<8x2xi32>
    %jit3A_545 = arith.constant 100000 : i32
    %div3A_546 = arith.divsi %reduce_min3A_209, %jit3A_545 : i32
    %sign3A_547 = arith.constant 0 : i32
    %sign3A_548 = arith.cmpi sgt, %reduce_min3A_209, %sign3A_547 : i32
    %sign3A_549 = arith.extui %sign3A_548 : i1 to i32
    %sign3A_550 = arith.constant 0 : i32
    %sign3A_551 = arith.cmpi slt, %reduce_min3A_209, %sign3A_550 : i32
    %sign3A_552 = arith.extui %sign3A_551 : i1 to i32
    %sign3A_553 = arith.subi %sign3A_549, %sign3A_552 : i32
    %sign3A_554 = arith.constant 0 : i32
    %sign3A_555 = arith.cmpi sgt, %jit3A_545, %sign3A_554 : i32
    %sign3A_556 = arith.extui %sign3A_555 : i1 to i32
    %sign3A_557 = arith.constant 0 : i32
    %sign3A_558 = arith.cmpi slt, %jit3A_545, %sign3A_557 : i32
    %sign3A_559 = arith.extui %sign3A_558 : i1 to i32
    %sign3A_560 = arith.subi %sign3A_556, %sign3A_559 : i32
    %ne3A_561 = arith.cmpi ne, %sign3A_553, %sign3A_560 : i32
    %rem3A_562 = arith.remsi %reduce_min3A_209, %jit3A_545 : i32
    %ne3A_563 = arith.constant 0 : i32
    %ne3A_564 = arith.cmpi ne, %rem3A_562, %ne3A_563 : i32
    %and3A_565 = arith.andi %ne3A_561, %ne3A_564 : i1
    %sub3A_566 = arith.constant 1 : i32
    %sub3A_567 = arith.subi %div3A_546, %sub3A_566 : i32
    %select_n3A_568 = arith.select %and3A_565, %sub3A_567, %div3A_546 : i32
    %jit3A_569 = arith.constant 100000 : i32
    %eq3A_570 = arith.constant 0 : i32
    %eq3A_571 = arith.cmpi eq, %jit3A_569, %eq3A_570 : i32
    %jit3A_572 = arith.constant 1 : i32
    %select_n3A_573 = arith.select %eq3A_571, %jit3A_572, %jit3A_569 : i32
    %rem3A_574 = arith.remsi %reduce_min3A_209, %select_n3A_573 : i32
    %ne3A_575 = arith.constant 0 : i32
    %ne3A_576 = arith.cmpi ne, %rem3A_574, %ne3A_575 : i32
    %lt3A_577 = arith.constant 0 : i32
    %lt3A_578 = arith.cmpi slt, %rem3A_574, %lt3A_577 : i32
    %lt3A_579 = arith.constant 0 : i32
    %lt3A_580 = arith.cmpi slt, %select_n3A_573, %lt3A_579 : i32
    %ne3A_581 = arith.xori %lt3A_578, %lt3A_580 : i1
    %and3A_582 = arith.andi %ne3A_581, %ne3A_576 : i1
    %add3A_583 = arith.addi %rem3A_574, %select_n3A_573 : i32
    %select_n3A_584 = arith.select %and3A_582, %add3A_583, %rem3A_574 : i32
    %get3A_585 = arith.index_cast %select_n3A_568 : i32 to index
    %get3A_586 = arith.constant 0 : index
    %get3A_587 = memref.load %arg2[%get3A_585, %get3A_586] : memref<8x1xi32, #tpu.memory_space<smem>>
    %eq3A_588 = arith.constant 5 : i32
    %eq3A_589 = vector.broadcast %eq3A_588 : i32 to vector<8x1xi32>
    %eq3A_590 = arith.cmpi eq, %iota3A, %eq3A_589 : vector<8x1xi32>
    %broadcast_in_dim3A_591 = vector.broadcast %reduce_max3A_199 : f32 to vector<8x1xf32>
    %select_n3A_592 = arith.select %eq3A_590, %broadcast_in_dim3A_591, %select_n3A_534 : vector<8x1xi1>, vector<8x1xf32>
    %eq3A_593 = arith.constant 5 : i32
    %eq3A_594 = vector.broadcast %eq3A_593 : i32 to vector<8x2xi32>
    %eq3A_595 = arith.cmpi eq, %iota3A_250, %eq3A_594 : vector<8x2xi32>
    %eq3A_596 = arith.constant 0 : i32
    %eq3A_597 = vector.broadcast %eq3A_596 : i32 to vector<8x2xi32>
    %eq3A_598 = arith.cmpi eq, %iota3A_251, %eq3A_597 : vector<8x2xi32>
    %broadcast_in_dim3A_599 = vector.broadcast %get3A_587 : i32 to vector<8x2xi32>
    %broadcast_in_dim3A_600 = vector.broadcast %select_n3A_584 : i32 to vector<8x2xi32>
    %select_n3A_601 = arith.select %eq3A_598, %broadcast_in_dim3A_599, %broadcast_in_dim3A_600 : vector<8x2xi1>, vector<8x2xi32>
    %select_n3A_602 = arith.select %eq3A_595, %select_n3A_601, %select_n3A_544 : vector<8x2xi1>, vector<8x2xi32>
    %jit3A_603 = arith.constant 100000 : i32
    %div3A_604 = arith.divsi %reduce_min3A_229, %jit3A_603 : i32
    %sign3A_605 = arith.constant 0 : i32
    %sign3A_606 = arith.cmpi sgt, %reduce_min3A_229, %sign3A_605 : i32
    %sign3A_607 = arith.extui %sign3A_606 : i1 to i32
    %sign3A_608 = arith.constant 0 : i32
    %sign3A_609 = arith.cmpi slt, %reduce_min3A_229, %sign3A_608 : i32
    %sign3A_610 = arith.extui %sign3A_609 : i1 to i32
    %sign3A_611 = arith.subi %sign3A_607, %sign3A_610 : i32
    %sign3A_612 = arith.constant 0 : i32
    %sign3A_613 = arith.cmpi sgt, %jit3A_603, %sign3A_612 : i32
    %sign3A_614 = arith.extui %sign3A_613 : i1 to i32
    %sign3A_615 = arith.constant 0 : i32
    %sign3A_616 = arith.cmpi slt, %jit3A_603, %sign3A_615 : i32
    %sign3A_617 = arith.extui %sign3A_616 : i1 to i32
    %sign3A_618 = arith.subi %sign3A_614, %sign3A_617 : i32
    %ne3A_619 = arith.cmpi ne, %sign3A_611, %sign3A_618 : i32
    %rem3A_620 = arith.remsi %reduce_min3A_229, %jit3A_603 : i32
    %ne3A_621 = arith.constant 0 : i32
    %ne3A_622 = arith.cmpi ne, %rem3A_620, %ne3A_621 : i32
    %and3A_623 = arith.andi %ne3A_619, %ne3A_622 : i1
    %sub3A_624 = arith.constant 1 : i32
    %sub3A_625 = arith.subi %div3A_604, %sub3A_624 : i32
    %select_n3A_626 = arith.select %and3A_623, %sub3A_625, %div3A_604 : i32
    %jit3A_627 = arith.constant 100000 : i32
    %eq3A_628 = arith.constant 0 : i32
    %eq3A_629 = arith.cmpi eq, %jit3A_627, %eq3A_628 : i32
    %jit3A_630 = arith.constant 1 : i32
    %select_n3A_631 = arith.select %eq3A_629, %jit3A_630, %jit3A_627 : i32
    %rem3A_632 = arith.remsi %reduce_min3A_229, %select_n3A_631 : i32
    %ne3A_633 = arith.constant 0 : i32
    %ne3A_634 = arith.cmpi ne, %rem3A_632, %ne3A_633 : i32
    %lt3A_635 = arith.constant 0 : i32
    %lt3A_636 = arith.cmpi slt, %rem3A_632, %lt3A_635 : i32
    %lt3A_637 = arith.constant 0 : i32
    %lt3A_638 = arith.cmpi slt, %select_n3A_631, %lt3A_637 : i32
    %ne3A_639 = arith.xori %lt3A_636, %lt3A_638 : i1
    %and3A_640 = arith.andi %ne3A_639, %ne3A_634 : i1
    %add3A_641 = arith.addi %rem3A_632, %select_n3A_631 : i32
    %select_n3A_642 = arith.select %and3A_640, %add3A_641, %rem3A_632 : i32
    %get3A_643 = arith.index_cast %select_n3A_626 : i32 to index
    %get3A_644 = arith.constant 0 : index
    %get3A_645 = memref.load %arg2[%get3A_643, %get3A_644] : memref<8x1xi32, #tpu.memory_space<smem>>
    %eq3A_646 = arith.constant 6 : i32
    %eq3A_647 = vector.broadcast %eq3A_646 : i32 to vector<8x1xi32>
    %eq3A_648 = arith.cmpi eq, %iota3A, %eq3A_647 : vector<8x1xi32>
    %broadcast_in_dim3A_649 = vector.broadcast %reduce_max3A_219 : f32 to vector<8x1xf32>
    %select_n3A_650 = arith.select %eq3A_648, %broadcast_in_dim3A_649, %select_n3A_592 : vector<8x1xi1>, vector<8x1xf32>
    %eq3A_651 = arith.constant 6 : i32
    %eq3A_652 = vector.broadcast %eq3A_651 : i32 to vector<8x2xi32>
    %eq3A_653 = arith.cmpi eq, %iota3A_250, %eq3A_652 : vector<8x2xi32>
    %eq3A_654 = arith.constant 0 : i32
    %eq3A_655 = vector.broadcast %eq3A_654 : i32 to vector<8x2xi32>
    %eq3A_656 = arith.cmpi eq, %iota3A_251, %eq3A_655 : vector<8x2xi32>
    %broadcast_in_dim3A_657 = vector.broadcast %get3A_645 : i32 to vector<8x2xi32>
    %broadcast_in_dim3A_658 = vector.broadcast %select_n3A_642 : i32 to vector<8x2xi32>
    %select_n3A_659 = arith.select %eq3A_656, %broadcast_in_dim3A_657, %broadcast_in_dim3A_658 : vector<8x2xi1>, vector<8x2xi32>
    %select_n3A_660 = arith.select %eq3A_653, %select_n3A_659, %select_n3A_602 : vector<8x2xi1>, vector<8x2xi32>
    %jit3A_661 = arith.constant 100000 : i32
    %div3A_662 = arith.divsi %reduce_min3A_249, %jit3A_661 : i32
    %sign3A_663 = arith.constant 0 : i32
    %sign3A_664 = arith.cmpi sgt, %reduce_min3A_249, %sign3A_663 : i32
    %sign3A_665 = arith.extui %sign3A_664 : i1 to i32
    %sign3A_666 = arith.constant 0 : i32
    %sign3A_667 = arith.cmpi slt, %reduce_min3A_249, %sign3A_666 : i32
    %sign3A_668 = arith.extui %sign3A_667 : i1 to i32
    %sign3A_669 = arith.subi %sign3A_665, %sign3A_668 : i32
    %sign3A_670 = arith.constant 0 : i32
    %sign3A_671 = arith.cmpi sgt, %jit3A_661, %sign3A_670 : i32
    %sign3A_672 = arith.extui %sign3A_671 : i1 to i32
    %sign3A_673 = arith.constant 0 : i32
    %sign3A_674 = arith.cmpi slt, %jit3A_661, %sign3A_673 : i32
    %sign3A_675 = arith.extui %sign3A_674 : i1 to i32
    %sign3A_676 = arith.subi %sign3A_672, %sign3A_675 : i32
    %ne3A_677 = arith.cmpi ne, %sign3A_669, %sign3A_676 : i32
    %rem3A_678 = arith.remsi %reduce_min3A_249, %jit3A_661 : i32
    %ne3A_679 = arith.constant 0 : i32
    %ne3A_680 = arith.cmpi ne, %rem3A_678, %ne3A_679 : i32
    %and3A_681 = arith.andi %ne3A_677, %ne3A_680 : i1
    %sub3A_682 = arith.constant 1 : i32
    %sub3A_683 = arith.subi %div3A_662, %sub3A_682 : i32
    %select_n3A_684 = arith.select %and3A_681, %sub3A_683, %div3A_662 : i32
    %jit3A_685 = arith.constant 100000 : i32
    %eq3A_686 = arith.constant 0 : i32
    %eq3A_687 = arith.cmpi eq, %jit3A_685, %eq3A_686 : i32
    %jit3A_688 = arith.constant 1 : i32
    %select_n3A_689 = arith.select %eq3A_687, %jit3A_688, %jit3A_685 : i32
    %rem3A_690 = arith.remsi %reduce_min3A_249, %select_n3A_689 : i32
    %ne3A_691 = arith.constant 0 : i32
    %ne3A_692 = arith.cmpi ne, %rem3A_690, %ne3A_691 : i32
    %lt3A_693 = arith.constant 0 : i32
    %lt3A_694 = arith.cmpi slt, %rem3A_690, %lt3A_693 : i32
    %lt3A_695 = arith.constant 0 : i32
    %lt3A_696 = arith.cmpi slt, %select_n3A_689, %lt3A_695 : i32
    %ne3A_697 = arith.xori %lt3A_694, %lt3A_696 : i1
    %and3A_698 = arith.andi %ne3A_697, %ne3A_692 : i1
    %add3A_699 = arith.addi %rem3A_690, %select_n3A_689 : i32
    %select_n3A_700 = arith.select %and3A_698, %add3A_699, %rem3A_690 : i32
    %get3A_701 = arith.index_cast %select_n3A_684 : i32 to index
    %get3A_702 = arith.constant 0 : index
    %get3A_703 = memref.load %arg2[%get3A_701, %get3A_702] : memref<8x1xi32, #tpu.memory_space<smem>>
    %eq3A_704 = arith.constant 7 : i32
    %eq3A_705 = vector.broadcast %eq3A_704 : i32 to vector<8x1xi32>
    %eq3A_706 = arith.cmpi eq, %iota3A, %eq3A_705 : vector<8x1xi32>
    %broadcast_in_dim3A_707 = vector.broadcast %reduce_max3A_239 : f32 to vector<8x1xf32>
    %select_n3A_708 = arith.select %eq3A_706, %broadcast_in_dim3A_707, %select_n3A_650 : vector<8x1xi1>, vector<8x1xf32>
    %eq3A_709 = arith.constant 7 : i32
    %eq3A_710 = vector.broadcast %eq3A_709 : i32 to vector<8x2xi32>
    %eq3A_711 = arith.cmpi eq, %iota3A_250, %eq3A_710 : vector<8x2xi32>
    %eq3A_712 = arith.constant 0 : i32
    %eq3A_713 = vector.broadcast %eq3A_712 : i32 to vector<8x2xi32>
    %eq3A_714 = arith.cmpi eq, %iota3A_251, %eq3A_713 : vector<8x2xi32>
    %broadcast_in_dim3A_715 = vector.broadcast %get3A_703 : i32 to vector<8x2xi32>
    %broadcast_in_dim3A_716 = vector.broadcast %select_n3A_700 : i32 to vector<8x2xi32>
    %select_n3A_717 = arith.select %eq3A_714, %broadcast_in_dim3A_715, %broadcast_in_dim3A_716 : vector<8x2xi1>, vector<8x2xi32>
    %select_n3A_718 = arith.select %eq3A_711, %select_n3A_717, %select_n3A_660 : vector<8x2xi1>, vector<8x2xi32>
    %swap3A = arith.constant 0 : index
    %swap3A_719 = arith.constant 0 : index
    %swap3A_720 = vector.load %arg4[%swap3A, %swap3A_719] : memref<8x1xf32, #tpu.memory_space<vmem>>, vector<8x1xf32>
    tpu.vector_store %arg4[%swap3A, %swap3A_719], %select_n3A_708 {strides = array<i32>} : memref<8x1xf32, #tpu.memory_space<vmem>>, vector<8x1xf32>,
    %swap3A_721 = arith.constant 0 : index
    %swap3A_722 = arith.constant 0 : index
    %swap3A_723 = vector.load %arg5[%swap3A_721, %swap3A_722] : memref<8x2xi32, #tpu.memory_space<vmem>>, vector<8x2xi32>
    tpu.vector_store %arg5[%swap3A_721, %swap3A_722], %select_n3A_718 {strides = array<i32>} : memref<8x2xi32, #tpu.memory_space<vmem>>, vector<8x2xi32>,
    %eq3A_724 = arith.constant 2 : i32
    %eq3A_725 = arith.cmpi eq, %select_n3A_294, %eq3A_724 : i32
    %convert_element_type3A = arith.extui %eq3A_725 : i1 to i32
    %broadcast_in_dim3A_726 = vector.broadcast %convert_element_type3A : i32 to vector<1x1xi32>
    %swap3A_727 = arith.constant 0 : index
    %swap3A_728 = arith.constant 0 : index
    %swap3A_729 = vector.load %arg6[%swap3A_727, %swap3A_728] : memref<1x1xi32, #tpu.memory_space<vmem>>, vector<1x1xi32>
    tpu.vector_store %arg6[%swap3A_727, %swap3A_728], %broadcast_in_dim3A_726 {strides = array<i32>} : memref<1x1xi32, #tpu.memory_space<vmem>>, vector<1x1xi32>,
    return
  }
}

</mosaic_0001>

<sc_bundles>
// kernel: kernel.4.cloned.1.call-start
scs
__scs_entry_jumppad:
0x0: {  	(pc) =	sbr.rel $0x88, $3  }
0x1: {  	(tag) =	ssettag $0x0;
	lr =	simm.s32 $0x1  }
0x2: {  	[smem:$0x3F9E] =	sst lr;
	_ =	strace $0xD0000000  }
0x3: {  	_ = 	snop  }
0x4: {  	_ = 	snop  }
0x5: {  	_ = 	snop  }
0x6: {  	_ = 	snop  }
0x7: {  	_ = 	snop  }
__scs_overlays_trampoline_lowered:
0x8: {  	[smem:$0x3FAD] =	sst s0  }
0x9: {  	[smem:$0x3FAE] =	sst s1  }
0xa: {  	[smem:$0x3FAF] =	sst s2  }
0xb: {  	[smem:$0x3FB0] =	sst s3  }
0xc: {  	[smem:$0x3FB1] =	sst s4  }
0xd: {  	[smem:$0x3FB2] =	sst s5  }
0xe: {  	[smem:$0x3FB3] =	sst s6  }
0xf: {  	[smem:$0x3FB4] =	sst s7  }
0x10: {  	[smem:$0x3FB5] =	sst s8  }
0x11: {  	[smem:$0x3FB6] =	sst s9;
	s0 =	simm.s32 @!p0 $0x0  }
0x12: {  	s1 =	sld [smem:$0x3F9C];
	s0 =	simm.s32 @p0 $0x1  }
0x13: {  	[smem:$0x3FB7] =	sst s0;
	s0 =	simm.s32 @!p1 $0x0  }
0x14: {  	s2 =	sld [smem:$0x3F9B];
	s0 =	simm.s32 @p1 $0x1  }
0x15: {  	[smem:$0x3FB8] =	sst s0;
	s0 =	simm.s32 @!p2 $0x0  }
0x16: {  	s3 =	sld [smem:$0x3FDB];
	s0 =	simm.s32 @p2 $0x1  }
0x17: {  	s4 =	simm.s32 $0x1BF5;
	[smem:$0x3FBA] =	sst s0  }
0x18: {  	s0 =	sld [smem:$0x3F9D];
	_ =	swait.ge [sflag:s4], $0x0  }
0x19: {  	s7 =	sld [smem:$0x3F9E]  }
0x1a: {  	s8 =	sadd.s32 $0xFFFFE003, lr  }
0x1b: {  	s9 =	sadd.s32 $0xFFFFFEF7, lr;
	s5 =	simm.s32 $0xFFFFFFFF;
	p2 =	slt.u32 s8, $0xFFFFF086  }
0x1c: {  	p1 =	slt.u32 s9, $0xF7A;
	s5 =	simm.s32 @!p2 $0x0  }
0x1d: {  	s5 =	simm.s32 @p1 $0x1;
	p0 =	seq.s32 s7, s2  }
0x1e: {  	s7 =	smul.u32 @!p0 $0xF7A, s2;
	p2 =	seq.s32 @!p0 s5, $0x0  }
0x1f: {  	s9 =	smul.u32 $0xF7A, s1;
	s8 =	simm.s32 @!p0 $0x1BF5;
	p2 =	por !p2, p0  }
0x20: {  	[sflag:s8] =	ssyncset.s32 @!p0 $0xFFFFF086;
	s6 =	sadd.s32 @!p0 s3, s7;
	s7 =	simm.s32 @!p0 $0x108  }
0x21: {  	s3 =	sadd.s32 s3, s9;
	s6 =	sadd.s32 @!p0 $0x88, s6;
	s7 =	simm.s32 @p2 $0x1082  }
0x22: {  	[simem:s7], [sflag:s8] =	dma.local @!p0 [hbm:s6], $0xF7A  }
0x23: {  	s9 =	sor.u32 $0xD0000000, s2;
	s6 =	simm.s32 $0x108;
	_ =	swait.ge @!p0 [sflag:s8], $0x0  }
0x24: {  	s3 =	sadd.s32 $0x88, s3;
	s6 =	simm.s32 @!p1 $0x1082;
	[sflag:s4] =	ssyncset.s32 $0xFFFFF086  }
0x25: {  	[simem:s6], [sflag:s4] =	dma.local [hbm:s3], $0xF7A  }
0x26: {  	[smem:$0x3F9E] =	sst s1;
	(tag) =	ssettag s2;
	_ =	strace s9  }
0x27: {  	s1 =	sld [smem:$0x3FAE]  }
0x28: {  	s2 =	sld [smem:$0x3FAF]  }
0x29: {  	s4 =	sld [smem:$0x3FB1]  }
0x2a: {  	p0 =	seq.s32 s5, $0x0;
	s5 =	sld [smem:$0x3FB2]  }
0x2b: {  	s6 =	sld [smem:$0x3FB3]  }
0x2c: {  	s7 =	sld [smem:$0x3FB4]  }
0x2d: {  	s3 =	simm.s32 $0x108;
	s8 =	sld [smem:$0x3FB5]  }
0x2e: {  	s3 =	simm.s32 @!p0 $0x1082;
	s9 =	sld [smem:$0x3FB6]  }
0x2f: {  	lr =	sadd.s32 s0, s3;
	s0 =	sld [smem:$0x3FAD]  }
0x30: {  	s3 =	sld [smem:$0x3FB0]  }
0x31: {  	[smem:$0x3FB9] =	sst s10  }
0x32: {  	s10 =	sld [smem:$0x3FB7];
	_ =	sdelay $0x3  }
0x33: {  	p0 =	seq.s32 s10, $0x1;
	s10 =	sld [smem:$0x3FB9];
	_ =	sdelay $0x3  }
0x34: {  	[smem:$0x3FB9] =	sst s10  }
0x35: {  	s10 =	sld [smem:$0x3FB8];
	_ =	sdelay $0x3  }
0x36: {  	p1 =	seq.s32 s10, $0x1;
	s10 =	sld [smem:$0x3FB9];
	_ =	sdelay $0x3  }
0x37: {  	[smem:$0x3FB9] =	sst s10  }
0x38: {  	s10 =	sld [smem:$0x3FBA]  }
0x39: {  	_ = 	snop;
	(pc) =	sbr.ind lr, $3  }
0x3a: {  	_ = 	snop  }
0x3b: {  	_ = 	snop  }
0x3c: {  	p2 =	seq.s32 s10, $0x1;
	s10 =	sld [smem:$0x3FB9]  }
0x3d: {  	_ =	shalt  }
0x3e: {  	_ =	shalt  }
0x3f: {  	_ =	shalt  }
0x40: {  	_ =	shalt  }
0x41: {  	_ =	shalt  }
0x42: {  	_ =	shalt  }
0x43: {  	_ =	shalt  }
0x44: {  	_ =	shalt  }
0x45: {  	_ =	shalt  }
0x46: {  	_ =	shalt  }
0x47: {  	_ =	shalt  }
0x48: {  	_ =	shalt  }
0x49: {  	_ =	shalt  }
0x4a: {  	_ =	shalt  }
0x4b: {  	_ =	shalt  }
0x4c: {  	_ =	shalt  }
0x4d: {  	_ =	shalt  }
0x4e: {  	_ =	shalt  }
0x4f: {  	_ =	shalt  }
0x50: {  	_ =	shalt  }
0x51: {  	_ =	shalt  }
0x52: {  	_ =	shalt  }
0x53: {  	_ =	shalt  }
0x54: {  	_ =	shalt  }
0x55: {  	_ =	shalt  }
0x56: {  	_ =	shalt  }
0x57: {  	_ =	shalt  }
0x58: {  	_ =	shalt  }
0x59: {  	_ =	shalt  }
0x5a: {  	_ =	shalt  }
0x5b: {  	_ =	shalt  }
0x5c: {  	_ =	shalt  }
0x5d: {  	_ =	shalt  }
0x5e: {  	_ =	shalt  }
0x5f: {  	_ =	shalt  }
0x60: {  	_ =	shalt  }
0x61: {  	_ =	shalt  }
0x62: {  	_ =	shalt  }
0x63: {  	_ =	shalt  }
0x64: {  	_ =	shalt  }
0x65: {  	_ =	shalt  }
0x66: {  	_ =	shalt  }
0x67: {  	_ =	shalt  }
0x68: {  	_ =	shalt  }
0x69: {  	_ =	shalt  }
0x6a: {  	_ =	shalt  }
0x6b: {  	_ =	shalt  }
0x6c: {  	_ =	shalt  }
0x6d: {  	_ =	shalt  }
0x6e: {  	_ =	shalt  }
0x6f: {  	_ =	shalt  }
0x70: {  	_ =	shalt  }
0x71: {  	_ =	shalt  }
0x72: {  	_ =	shalt  }
0x73: {  	_ =	shalt  }
0x74: {  	_ =	shalt  }
0x75: {  	_ =	shalt  }
0x76: {  	_ =	shalt  }
0x77: {  	_ =	shalt  }
0x78: {  	_ =	shalt  }
0x79: {  	_ =	shalt  }
0x7a: {  	_ =	shalt  }
0x7b: {  	_ =	shalt  }
0x7c: {  	_ =	shalt  }
0x7d: {  	_ =	shalt  }
0x7e: {  	_ =	shalt  }
0x7f: {  	_ =	shalt  }
0x80: {  	_ =	shalt  }
0x81: {  	_ =	shalt  }
0x82: {  	_ =	shalt  }
0x83: {  	_ =	shalt  }
0x84: {  	_ =	shalt  }
0x85: {  	_ =	shalt  }
0x86: {  	_ =	shalt  }
0x87: {  	_ =	shalt  }
.Lfunc_end0:
.L_simem_size_0:
called_computation_lowered:
.L_overlay_start_0:
0x88: {  	s2 =	sld [smem:$0x3FD9]  }
0x89: {  	s3 =	sld [smem:$0x3FFE];
	_ =	sdelay $0x1  }
0x8a: {  	s1 =	srdreg.scid  }
0x8b: {  	s0 =	sand.u32 $0x1, s1  }
0x8c: {  	s16 =	sshll.u32 s0, $0xA;
	s2 =	sadd.s32 s3, s2  }
0x8d: {  	s2 =	sadd.s32 s2, s16  }
0x8e: {  	[smem:$0x3FC5] =	sst s2  }
0x8f: {  	_ = 	snop  }
0x90: {  	(tm) =	ssettm $0x1  }
0x91: {  	s17 =	sld [smem:$0x3FFB];
	_ =	sdelay $0x3  }
0x92: {  	_ =	strace s17  }
0x93: {  	s2 =	sld [smem:$0x3FFC];
	_ =	sdelay $0x3  }
0x94: {  	_ =	strace s2  }
0x95: {  	s2 =	sld [smem:$0x3FFD];
	_ =	sdelay $0x3  }
0x96: {  	_ =	strace s2  }
0x97: {  	_ =	strace $0x8FFFFFFF  }
0x98: {  	s18 =	sld [smem:$0x3FDB];
	_ =	sdelay $0x1  }
0x99: {  	s19 =	simm.s32 $_scs_section_size  }
0x9a: {  	s4 =	simm.s32 $_size__tile_overlayer_lowered;
	s5 =	simm.s32 $_tile_overlayer_lowered  }
0x9b: {  	s22 =	simm.s32 $0x1BFF;
	s21 =	sshll.u32 s5, $0x1;
	s2 =	sadd.s32 s19, s18  }
0x9c: {  	s6 =	simm.s32 $0x0;
	s20 =	sshll.u32 s4, $0x1;
	s4 =	sadd.s32 s21, s2  }
0x9d: {  	[timem:s6], [sflag:s22] =	dma.local [hbm:s4], s20  }
0x9e: {  	_ =	swait.ge [sflag:s22], s20  }
0x9f: {  	s3 =	ssub.s32 $0x0, s20;
	[sflag:s22] =	ssyncset.done $0x0  }
0xa0: {  	[sflag:s22] =	ssyncadd.s32 s3;
	_ =	sdelay $0x1  }
0xa1: {  	s23 =	simm.s32 $0x1B8B  }
0xa2: {  	_ =	swait.ge [sflag:s23], $0x1  }
0xa3: {  	[sflag:s23] =	ssyncset.done $0x0  }
0xa4: {  	s25 =	simm.s32 $0x1B8E;
	s24 =	sld [smem:$0x3FFE];
	[sflag:s23] =	ssyncadd.s32 $0xFFFFFFFF  }
0xa5: {  	s26 =	simm.s32 $execute0_lowered;
	[smem:$0x3FD2] =	sst s25  }
0xa6: {  	s4 =	sshll.u32 s26, $0x1;
	_ =	strace $0x80000046;
	[dreg:$0x1] =	wrdreg $0xFFFFFFFF  }
0xa7: {  	s28 =	simm.s32 $_size_execute0_lowered;
	s2 =	sadd.s32 s2, s4;
	[dreg:$0x0] =	wrdreg $0x0  }
0xa8: {  	s4 =	sshll.u32 s28, $0x1;
	[dreg:$0x2] =	wrdreg s2  }
0xa9: {  	[dreg:$0x3] =	wrdreg s4  }
0xaa: {  	[dreg:$0x4] =	wrdreg $0xC0  }
0xab: {  	_ =	task [dreg:s6], $0x5FFFF  }
0xac: {  	[dreg:$0x1] =	wrdreg $0xFFFFFFFF  }
0xad: {  	[dreg:$0x0] =	wrdreg $0x60  }
0xae: {  	[dreg:$0x2] =	wrdreg s24  }
0xaf: {  	[dreg:$0x3] =	wrdreg $0x9  }
0xb0: {  	_ =	task.clear_ibuf [dreg:s6], $0x4FFFF;
	_ =	strace $0x90000046  }
0xb1: {  	s29 =	simm.s32 $0x9;
	_ =	strace $0x80000048  }
0xb2: {  	_ =	swait.ge [sflag:s29], $0x1  }
0xb3: {  	[sflag:s29] =	ssyncadd.s32 $0xFFFFFFFF  }
0xb4: {  	_ =	strace $0x90000048  }
0xb5: {  	_ =	sfence  }
0xb6: {  	s30 =	sld [smem:$0x0];
	_ =	sdelay $0x2  }
0xb7: {  	s31 =	sshll.u32 s1, $0xD;
	s1 =	sshrl.u32 s1, $0x2  }
0xb8: {  	s3 =	sand.u32 $0x4000, s31;
	s1 =	sadd.s32 s1, s30  }
0xb9: {  	s0 =	sor.u32 s3, s0;
	s1 =	sshll.u32 s1, $0x11  }
0xba: {  	s0 =	sor.u32 s1, s0  }
0xbb: {  	s0 =	sadd.s32 $0x8F2B, s0  }
0xbc: {  	[sflag:s0] =	ssyncadd.remote.s32 $0x1  }
0xbd: {  	_ =	sfence.sel $0xFFFF  }
0xbe: {  	[dreg:$0x0] =	wrdreg $0xFFFFFFFF;
	(pc) =	sbr.abs _section_cstart, $3  }
0xbf: {  	[dreg:$0x1] =	wrdreg $0xFFFFFFFF  }
0xc0: {  	_ =	task.clear_ibuf [dreg:s6], $0x2FFFF;
	_ =	strace $0x9FFFFFFF  }
0xc1: {  	(tm) =	ssettm $0x7FFFFFFF  }
tec
execute0_lowered:
.L_overlay_start_1:
0x0: {  	(tag) =	ssettag $0x1  }
0x1: {  	s0 =	srdreg.scid  }
0x2: {  	s7 =	stileid.u32;
	s4 =	rddreg [dreg:$0x0]  }
0x3: {  	s5 =	simm.s32 $0x1;
	s2 =	simm.s32 $0x0;
	s0 =	sand.u32 $0x1, s0  }
0x4: {  	s15 =	simm.s32 $0x2;
	s16 =	simm.s32 $0x3;
	s1 =	sshll.u32 s0, $0x4  }
0x5: {  	s17 =	simm.s32 $0x4;
	s3 =	sand.u32 $0x3, s7;
	s1 =	sor.u32 s7, s1  }
0x6: {  	s20 =	simm.s32 $0x0;
	p1 =	sne.s32 s3, $0x0;
	p0 =	seq.s32 s1, $0x0  }
0x7: {  	[smem:$0x7FF] =	sst s2;
	s9 =	sadd.s32 $0x1200, s4;
	p0 =	por !p1, !p0  }
0x8: {  	_ =	strace $0x80000047;
	s8 =	smul.u32 $0x61A8, s3;
	p0 =	por !p0, !p0  }
0x9: {  	s0 =	ssub.s32 $0x2, s0;
	s6 =	sshrl.u32 s1, $0x2;
	s5 =	simm.s32 @!p0 $0x0  }
0xa: {  	s7 =	sshll.u32 s7, $0x4;
	s26 =	sshrl.u32 s0, $0x1;
	s5 =	ssub.s32 s6, s5  }
0xb: {  	s1 =	sshll.u32 s1, $0x4;
	s25 =	sand.u32 $0x70, s7;
	s6 =	smul.u32 $0x61A80, s5  }
0xc: {  	s0 =	ssub.s32 s0, s26;
	s1 =	sand.u32 $0x180, s1;
	s5 =	smul.u32 $0x186A0, s5  }
0xd: {  	s3 =	simm.s32 $0x1;
	s11 =	smax.u32 s0, $0x1;
	s1 =	sor.u32 s25, s1  }
0xe: {  	v0 =	vimm.s32 $0x7FFFFFFF;
	vm0 =	vmmov $0xff;
	s1 =	sadd.s32 s1, s4;
	s6 =	sadd.s32 s6, s8;
	s4 =	sadd.s32 s8, s5  }
0xf: {  	v1 =	vimm.s32 $0x0;
	v2 =	vlaneseq.u32;
	vm3 =	vcmask $0xB20;
	s28 =	sadd.s32 $0x493E0, s6;
	s30 =	sadd.s32 $0x4AC60, s6;
	s31 =	sadd.s32 $0x4C4E0, s6  }
0x10: {  	vm4 =	vcmask $0xF20;
	vm5 =	vcmask $0x1320;
	vm6 =	vcmask $0x1720;
	s6 =	sadd.s32 $0x4DD60, s6;
	s7 =	sshrl.u32 s28, $0x3;
	s8 =	sshrl.u32 s31, $0x3  }
0x11: {  	vm7 =	vcmask $0x1B20;
	vm8 =	vcmask $0x300;
	vm9 =	vcmask $0x704;
	s10 =	sshrl.u32 s6, $0x3;
	s29 =	sadd.s32 s9, s7;
	s7 =	sshrl.u32 s30, $0x3  }
0x12: {  	vm10 =	vcmask $0xB08;
	vm11 =	vcmask $0xF0C;
	vm12 =	vcmask $0x1310;
	[dreg:$0x2] =	wrdreg s29;
	s6 =	sadd.s32 s9, s7;
	s7 =	sadd.s32 s9, s8  }
0x13: {  	vm13 =	vcmask $0x1714;
	vm14 =	vcmask $0x1B18;
	vm15 =	vcmask $0x1F1C;
	s8 =	sadd.s32 s9, s10;
	s9 =	sadd.s32 $0x62E00, s1;
	s10 =	sadd.s32 $0x63000, s1  }
.LBB2_1:
0x14: {  	s0 =	rddreg [dreg:$0x2]  }
0x15: {  	[tilespmem:s2], [sflag:$0x1] =	stream.linear.gather [hbm4b:s0+s2], $0x1880, $0x38;
	[tilespmem:$0x6400] =	vst v63  }
0x16: {  	s29 =	simm.s32 $0x1880  }
0x17: {  	[tilespmem:s29], [sflag:$0x2] =	stream.linear.gather [hbm4b:s6+s2], $0x1880, $0x38;
	[tilespmem:$0x6400] =	vst v63  }
0x18: {  	s30 =	simm.s32 $0x3100  }
0x19: {  	[tilespmem:s30], [sflag:$0x3] =	stream.linear.gather [hbm4b:s7+s2], $0x1880, $0x38;
	[tilespmem:$0x6400] =	vst v63  }
0x1a: {  	s31 =	simm.s32 $0x4980  }
0x1b: {  	v3 =	vimm.f32 $-Inf;
	[tilespmem:s31], [sflag:$0x4] =	stream.linear.gather [hbm4b:s8+s2], $0x1828, $0x38;
	[tilespmem:$0x6400] =	vst v63  }
0x1c: {  	[tilespmem:$0x6210] =	vst v3  }
0x1d: {  	[tilespmem:$0x6290] =	vst v0  }
0x1e: {  	_ =	swait.ge [sflag:s3], $0x1880  }
0x1f: {  	[sflag:s3] =	ssyncset.done $0x0  }
0x20: {  	s1 =	simm.s32 $0x0;
	[sflag:s3] =	ssyncadd.s32 $0xFFFFE780  }
0x21: {  	v4 =	vld [tilespmem:s1+$0x1260]  }
0x22: {  	v7 =	vld [tilespmem:s1+$0x1270]  }
0x23: {  	v9 =	vld [tilespmem:s1+$0x0]  }
0x24: {  	v12 =	vld [tilespmem:s1+$0x10];
	_ =	sdelay $0x1  }
0x25: {  	v6 =	vld [tilespmem:s1+$0x620]  }
0x26: {  	v10 =	vld [tilespmem:s1+$0x630]  }
0x27: {  	v5 =	vld [tilespmem:s1+$0xC40]  }
0x28: {  	s0 =	simm.s32 $0x20;
	v11 =	vld [tilespmem:s1+$0xC50];
	v4 =	vmax.f32 v4, v7;
	v12 =	vmax.f32 v9, v12  }
0x29: {  	v8 =	vld [tilespmem:s0+$0x1260];
	s1 =	simm.s32 $0x100;
	v9 =	vimm.f32 $-Inf;
	v7 =	vimm.f32 $-Inf;
	v4 =	vmax.f32 v3, v4  }
.LBB2_2:
0x2a: {  	p0 =	sne.s32 s1, $0x1800;
	v13 =	vld [tilespmem:s0+$0x1270];
	v3 =	vmax.f32 v3, v12  }
0x2b: {  	v12 =	vld [tilespmem:s0+$0x0];
	v6 =	vmax.f32 v6, v10  }
0x2c: {  	v14 =	vld [tilespmem:s0+$0x10];
	v9 =	vmax.f32 v9, v6  }
.Ltmp0:
0x2d: {  	v6 =	vld [tilespmem:s0+$0x620];
	v5 =	vmax.f32 v5, v11;
	(pc) =	sbr.rel @p0 .LBB2_2-.Ltmp0, $4  }
0x2e: {  	v10 =	vld [tilespmem:s0+$0x630];
	v7 =	vmax.f32 v7, v5  }
0x2f: {  	v5 =	vld [tilespmem:s0+$0xC40];
	v8 =	vmax.f32 v8, v13  }
0x30: {  	v11 =	vld [tilespmem:s0+$0xC50];
	s0 =	sshra.s32 s1, $0x2;
	v4 =	vmax.f32 v4, v8  }
0x31: {  	s1 =	sadd.s32 $0x80, s1;
	v8 =	vld [tilespmem:s0+$0x1260];
	v12 =	vmax.f32 v12, v14  }
0x32: {  	v13 =	vld [tilespmem:s0+$0x1270]  }
0x33: {  	v14 =	vld [tilespmem:s0+$0x0]  }
0x34: {  	v15 =	vld [tilespmem:s0+$0x10]  }
0x35: {  	v16 =	vld [tilespmem:s0+$0x620]  }
0x36: {  	v17 =	vld [tilespmem:s0+$0x630]  }
0x37: {  	v18 =	vld [tilespmem:s0+$0xC40]  }
0x38: {  	v19 =	vld [tilespmem:s0+$0xC50];
	_ =	swait.ge [sflag:s15], $0x1880  }
0x39: {  	[sflag:s15] =	ssyncset.done $0x0  }
0x3a: {  	s31 =	simm.s32 $0x0;
	s1 =	simm.s32 $0x2AF0;
	[sflag:s15] =	ssyncadd.s32 $0xFFFFE780  }
0x3b: {  	s0 =	sand.u32 $0x7E0, s31;
	v20 =	vld [tilespmem:s1+$0xFFFFEDA0]  }
0x3c: {  	v21 =	vld [tilespmem:s0+$0x1880]  }
0x3d: {  	v6 =	vmax.f32 v6, v10;
	v22 =	vld [tilespmem:s1+$0xFFFFF3B0]  }
0x3e: {  	v3 =	vmax.f32 v3, v12;
	v6 =	vmax.f32 v9, v6;
	v5 =	vmax.f32 v5, v11;
	v12 =	vld [tilespmem:s1+$0xFFFFF3C0]  }
0x3f: {  	v9 =	vld [tilespmem:s1+$0xFFFFF9D0];
	v23 =	vmax.f32 v7, v5;
	v5 =	vmax.f32 v8, v13;
	v7 =	vmax.f32 v14, v15  }
0x40: {  	v11 =	vld [tilespmem:s1+$0xFFFFF9E0];
	v4 =	vmax.f32 v4, v5;
	v5 =	vmax.f32 v3, v7;
	v3 =	vmax.f32 v16, v17  }
0x41: {  	v10 =	vld [tilespmem:s1+$0xFFFFFFF0];
	v13 =	vmax.f32 v18, v19;
	v8 =	vimm.f32 $-Inf;
	v7 =	vmax.f32 v6, v3  }
0x42: {  	s12 =	simm.s32 $0x20;
	s0 =	simm.s32 $0x2B10;
	v15 =	vld [tilespmem:s1+$0x0];
	v6 =	vmax.f32 v23, v13;
	v13 =	vimm.f32 $-Inf;
	v14 =	vmax.f32 v21, v20  }
0x43: {  	s12 =	sand.u32 $0x7E0, s12;
	s1 =	simm.s32 $0x40;
	v16 =	vmax.f32 v22, v12;
	v12 =	vimm.f32 $-Inf;
	v3 =	vmax.f32 v8, v14;
	v14 =	vld [tilespmem:s0+$0xFFFFEDA0]  }
.LBB2_4:
0x44: {  	p0 =	sne.s32 s1, $0x600;
	v17 =	vld [tilespmem:s12+$0x1880];
	v8 =	vmax.f32 v8, v16  }
0x45: {  	v16 =	vld [tilespmem:s0+$0xFFFFF3B0];
	v9 =	vmax.f32 v9, v11  }
0x46: {  	v18 =	vld [tilespmem:s0+$0xFFFFF3C0];
	v13 =	vmax.f32 v13, v9  }
.Ltmp1:
0x47: {  	v9 =	vld [tilespmem:s0+$0xFFFFF9D0];
	v10 =	vmax.f32 v10, v15;
	(pc) =	sbr.rel @p0 .LBB2_4-.Ltmp1, $4  }
0x48: {  	v11 =	vld [tilespmem:s0+$0xFFFFF9E0];
	v12 =	vmax.f32 v12, v10  }
0x49: {  	v14 =	vmax.f32 v17, v14;
	v10 =	vld [tilespmem:s0+$0xFFFFFFF0]  }
0x4a: {  	v3 =	vmax.f32 v3, v14;
	v15 =	vld [tilespmem:s0+$0x0];
	s0 =	sadd.s32 $0x20, s0  }
0x4b: {  	s12 =	sand.u32 $0x7E0, s1;
	s1 =	sadd.s32 $0x20, s1;
	v14 =	vld [tilespmem:s0+$0xFFFFEDA0];
	v16 =	vmax.f32 v16, v18  }
0x4c: {  	v17 =	vld [tilespmem:s12+$0x1880]  }
0x4d: {  	v18 =	vld [tilespmem:s0+$0xFFFFF3B0]  }
0x4e: {  	v19 =	vld [tilespmem:s0+$0xFFFFF3C0]  }
0x4f: {  	v20 =	vld [tilespmem:s0+$0xFFFFF9D0]  }
0x50: {  	v21 =	vld [tilespmem:s0+$0xFFFFF9E0]  }
0x51: {  	v22 =	vld [tilespmem:s0+$0xFFFFFFF0]  }
0x52: {  	v23 =	vld [tilespmem:s0+$0x0];
	_ =	swait.ge [sflag:s16], $0x1880  }
0x53: {  	[sflag:s16] =	ssyncset.done $0x0  }
0x54: {  	s30 =	simm.s32 $0x0;
	s1 =	simm.s32 $0x4370;
	[sflag:s16] =	ssyncadd.s32 $0xFFFFE780  }
0x55: {  	s0 =	sand.u32 $0x7E0, s30;
	v24 =	vld [tilespmem:s1+$0xFFFFEDA0]  }
0x56: {  	v25 =	vld [tilespmem:s0+$0x3100]  }
0x57: {  	v9 =	vmax.f32 v9, v11;
	v26 =	vld [tilespmem:s1+$0xFFFFF3B0]  }
0x58: {  	v8 =	vmax.f32 v8, v16;
	v9 =	vmax.f32 v13, v9;
	v10 =	vmax.f32 v10, v15;
	v27 =	vld [tilespmem:s1+$0xFFFFF3C0]  }
0x59: {  	v15 =	vld [tilespmem:s1+$0xFFFFF9E0];
	v13 =	vmax.f32 v12, v10;
	v10 =	vmax.f32 v17, v14;
	v11 =	vmax.f32 v18, v19  }
0x5a: {  	v12 =	vld [tilespmem:s1+$0xFFFFF9D0];
	v17 =	vmax.f32 v22, v23;
	v14 =	vimm.f32 $-Inf;
	v19 =	vimm.f32 $-Inf  }
0x5b: {  	v16 =	vld [tilespmem:s1+$0xFFFFFFF0];
	v10 =	vmax.f32 v3, v10;
	v8 =	vmax.f32 v8, v11;
	v3 =	vmax.f32 v20, v21  }
0x5c: {  	s31 =	simm.s32 $0x20;
	s0 =	simm.s32 $0x4390;
	v11 =	vmax.f32 v9, v3;
	v9 =	vmax.f32 v13, v17;
	v17 =	vld [tilespmem:s1+$0x0];
	v18 =	vmax.f32 v25, v24  }
0x5d: {  	s12 =	sand.u32 $0x7E0, s31;
	v20 =	vld [tilespmem:s0+$0xFFFFEDA0];
	s1 =	simm.s32 $0x40;
	v21 =	vmax.f32 v26, v27;
	v13 =	vmax.f32 v14, v18;
	v18 =	vimm.f32 $-Inf  }
.LBB2_6:
0x5e: {  	p0 =	sne.s32 s1, $0x600;
	v3 =	vld [tilespmem:s12+$0x3100];
	v14 =	vmax.f32 v14, v21  }
0x5f: {  	v21 =	vld [tilespmem:s0+$0xFFFFF3B0];
	v12 =	vmax.f32 v12, v15  }
0x60: {  	v22 =	vld [tilespmem:s0+$0xFFFFF3C0];
	v18 =	vmax.f32 v18, v12  }
.Ltmp2:
0x61: {  	v12 =	vld [tilespmem:s0+$0xFFFFF9D0];
	v16 =	vmax.f32 v16, v17;
	(pc) =	sbr.rel @p0 .LBB2_6-.Ltmp2, $4  }
0x62: {  	v15 =	vld [tilespmem:s0+$0xFFFFF9E0];
	v19 =	vmax.f32 v19, v16  }
0x63: {  	v3 =	vmax.f32 v3, v20;
	v16 =	vld [tilespmem:s0+$0xFFFFFFF0]  }
0x64: {  	v13 =	vmax.f32 v13, v3;
	v17 =	vld [tilespmem:s0+$0x0];
	s0 =	sadd.s32 $0x20, s0  }
0x65: {  	s12 =	sand.u32 $0x7E0, s1;
	s1 =	sadd.s32 $0x20, s1;
	v20 =	vld [tilespmem:s0+$0xFFFFEDA0];
	v21 =	vmax.f32 v21, v22  }
0x66: {  	v22 =	vld [tilespmem:s12+$0x3100]  }
0x67: {  	v23 =	vld [tilespmem:s0+$0xFFFFF3B0]  }
0x68: {  	v24 =	vld [tilespmem:s0+$0xFFFFF3C0]  }
0x69: {  	v25 =	vld [tilespmem:s0+$0xFFFFF9D0]  }
0x6a: {  	v26 =	vld [tilespmem:s0+$0xFFFFF9E0]  }
0x6b: {  	v27 =	vld [tilespmem:s0+$0xFFFFFFF0]  }
0x6c: {  	v28 =	vld [tilespmem:s0+$0x0];
	_ =	swait.ge [sflag:s17], $0x1828  }
0x6d: {  	[sflag:s17] =	ssyncset.done $0x0  }
0x6e: {  	[sflag:s17] =	ssyncadd.s32 $0xFFFFE7D8  }
0x6f: {  	v3 =	vld [tilespmem:$0x61A0];
	_ =	sdelay $0x4  }
0x70: {  	v3 =	vnsel vm0, $0xFF800000, v3  }
0x71: {  	[tilespmem:$0x61A0] =	vst v3;
	v3 =	vimm.f32 $-Inf  }
0x72: {  	[tilespmem:$0x61B0] =	vst v3  }
0x73: {  	[tilespmem:$0x61C0] =	vst v3  }
0x74: {  	[tilespmem:$0x61D0] =	vst v3  }
0x75: {  	s29 =	simm.s32 $0x0;
	[tilespmem:$0x61E0] =	vst v3  }
0x76: {  	s0 =	sand.u32 $0x7E0, s29;
	[tilespmem:$0x61F0] =	vst v3  }
0x77: {  	s30 =	simm.s32 $0x0;
	v29 =	vld [tilespmem:s0+$0x4980]  }
0x78: {  	v30 =	vld [tilespmem:s30+$0x5BE0]  }
0x79: {  	v31 =	vld [tilespmem:s30+$0x5BF0]  }
0x7a: {  	v32 =	vld [tilespmem:s30+$0x4990]  }
0x7b: {  	v14 =	vmax.f32 v14, v21;
	v12 =	vmax.f32 v12, v15;
	v15 =	vmax.f32 v16, v17;
	v17 =	vld [tilespmem:s30+$0x4FA0]  }
0x7c: {  	v12 =	vmax.f32 v18, v12;
	v16 =	vmax.f32 v19, v15;
	v15 =	vmax.f32 v22, v20;
	v20 =	vld [tilespmem:s30+$0x4FB0]  }
0x7d: {  	s1 =	simm.s32 $0x20;
	v19 =	vmax.f32 v25, v26;
	v13 =	vmax.f32 v13, v15;
	v15 =	vmax.f32 v23, v24;
	v18 =	vld [tilespmem:s30+$0x55C0]  }
0x7e: {  	s31 =	sand.u32 $0x7E0, s1;
	v12 =	vmax.f32 v12, v19;
	v15 =	vmax.f32 v14, v15;
	v14 =	vmax.f32 v27, v28;
	v24 =	vld [tilespmem:s30+$0x55D0]  }
0x7f: {  	v14 =	vmax.f32 v16, v14;
	v19 =	vld [tilespmem:s31+$0x4980];
	s0 =	simm.s32 $0x20;
	v16 =	vmax.f32 v30, v31;
	v22 =	vmax.f32 v29, v32  }
0x80: {  	s12 =	simm.s32 $0x100;
	v23 =	vimm.f32 $-Inf;
	v21 =	vld [tilespmem:s0+$0x5BE0];
	v16 =	vmax.f32 v3, v16;
	v22 =	vmax.f32 v3, v22  }
.LBB2_8:
0x81: {  	p0 =	sne.s32 s12, $0x1800;
	v25 =	vld [tilespmem:s0+$0x5BF0];
	v17 =	vmax.f32 v17, v20  }
0x82: {  	v26 =	vld [tilespmem:s0+$0x4990];
	v3 =	vmax.f32 v3, v17  }
0x83: {  	v17 =	vld [tilespmem:s0+$0x4FA0];
	v18 =	vmax.f32 v18, v24  }
.Ltmp3:
0x84: {  	v20 =	vld [tilespmem:s0+$0x4FB0];
	v23 =	vmax.f32 v23, v18;
	(pc) =	sbr.rel @p0 .LBB2_8-.Ltmp3, $4  }
0x85: {  	s1 =	sadd.s32 $0x20, s1;
	v18 =	vld [tilespmem:s0+$0x55C0]  }
0x86: {  	s13 =	sand.u32 $0x7E0, s1;
	v24 =	vld [tilespmem:s0+$0x55D0];
	v21 =	vmax.f32 v21, v25  }
0x87: {  	s0 =	sshra.s32 s12, $0x2;
	v25 =	vmax.f32 v19, v26;
	v19 =	vld [tilespmem:s13+$0x4980];
	v16 =	vmax.f32 v16, v21  }
0x88: {  	s12 =	sadd.s32 $0x80, s12;
	v21 =	vld [tilespmem:s0+$0x5BE0];
	v22 =	vmax.f32 v22, v25  }
0x89: {  	v25 =	vmax.f32 v5, v7  }
0x8a: {  	v25 =	vmax.f32 v25, v6  }
0x8b: {  	v26 =	vld [tilespmem:s0+$0x4990];
	v25 =	vmax.f32 v25, v4  }
0x8c: {  	v27 =	vld [tilespmem:s0+$0x4FA0];
	v25 =	vmax.f32 v25, v10  }
0x8d: {  	v28 =	vld [tilespmem:s0+$0x4FB0];
	v25 =	vmax.f32 v25, v8  }
0x8e: {  	v29 =	vld [tilespmem:s0+$0x55C0];
	v25 =	vmax.f32 v25, v11  }
0x8f: {  	v30 =	vld [tilespmem:s0+$0x55D0];
	v25 =	vmax.f32 v25, v9  }
0x90: {  	v17 =	vmax.f32 v17, v20;
	v20 =	vld [tilespmem:s0+$0x5BF0];
	v25 =	vmax.f32 v25, v13  }
0x91: {  	v3 =	vmax.f32 v3, v17;
	v17 =	vmax.f32 v18, v24;
	v18 =	vmax.f32 v25, v15  }
0x92: {  	v23 =	vmax.f32 v23, v17;
	v17 =	vmax.f32 v19, v26;
	v18 =	vmax.f32 v18, v12  }
0x93: {  	v19 =	vmax.f32 v27, v28;
	v17 =	vmax.f32 v22, v17;
	v22 =	vmax.f32 v18, v14  }
0x94: {  	v18 =	vmax.f32 v3, v19;
	v3 =	vmax.f32 v29, v30;
	v22 =	vmax.f32 v22, v17  }
0x95: {  	v20 =	vmax.f32 v21, v20;
	v19 =	vmax.f32 v23, v3;
	v3 =	vmax.f32 v22, v18  }
0x96: {  	v20 =	vmax.f32 v16, v20;
	v3 =	vmax.f32 v3, v19  }
0x97: {  	v3 =	vmax.f32 v3, v20  }
0x98: {  	[tilespmem:$0x6200] =	vst v3  }
0x99: {  	v16 =	vld [tilespmem:$0x6208];
	_ =	sdelay $0x4  }
0x9a: {  	v3 =	vmax.f32 v3, v16  }
0x9b: {  	[tilespmem:$0x6200] =	vst v3  }
0x9c: {  	v16 =	vld [tilespmem:$0x6204];
	_ =	sdelay $0x4  }
0x9d: {  	v3 =	vmax.f32 v3, v16  }
0x9e: {  	[tilespmem:$0x6200] =	vst v3  }
0x9f: {  	v16 =	vld [tilespmem:$0x6202];
	_ =	sdelay $0x4  }
0xa0: {  	v3 =	vmax.f32 v3, v16  }
0xa1: {  	[tilespmem:$0x6200] =	vst v3  }
0xa2: {  	v16 =	vld [tilespmem:$0x6201];
	_ =	sdelay $0x4  }
0xa3: {  	v3 =	vmax.f32 v3, v16  }
0xa4: {  	v16 =	vbroadcast v3, $0x0;
	_ =	sdelay $0x1  }
0xa5: {  	vm1 =	vne.f32 v5, v16  }
0xa6: {  	vm2 =	veq.f32 v7, v16;
	v21 =	vsel vm1, $0x10, v1;
	v22 =	vsel vm1, $0x1, v1  }
0xa7: {  	v21 =	vsel vm2, v22, v21  }
0xa8: {  	vm1 =	veq.f32 v6, v16;
	v22 =	vmin.u32 v21, $0x2  }
0xa9: {  	v21 =	vsel vm1, v22, v21  }
0xaa: {  	vm1 =	veq.f32 v4, v16;
	v22 =	vmin.u32 v21, $0x3  }
0xab: {  	v21 =	vsel vm1, v22, v21  }
0xac: {  	vm1 =	veq.f32 v10, v16;
	v22 =	vmin.u32 v21, $0x4  }
0xad: {  	v21 =	vsel vm1, v22, v21  }
0xae: {  	vm1 =	veq.f32 v8, v16;
	v22 =	vmin.u32 v21, $0x5  }
0xaf: {  	v21 =	vsel vm1, v22, v21  }
0xb0: {  	vm1 =	veq.f32 v11, v16;
	v22 =	vmin.u32 v21, $0x6  }
0xb1: {  	v21 =	vsel vm1, v22, v21  }
0xb2: {  	vm1 =	veq.f32 v9, v16;
	v22 =	vmin.u32 v21, $0x7  }
0xb3: {  	v21 =	vsel vm1, v22, v21  }
0xb4: {  	vm1 =	veq.f32 v13, v16;
	v22 =	vmin.u32 v21, $0x8  }
0xb5: {  	v21 =	vsel vm1, v22, v21  }
0xb6: {  	vm1 =	veq.f32 v15, v16;
	v22 =	vmin.u32 v21, $0x9  }
0xb7: {  	v21 =	vsel vm1, v22, v21  }
0xb8: {  	vm1 =	veq.f32 v12, v16;
	v22 =	vmin.u32 v21, $0xA  }
0xb9: {  	v21 =	vsel vm1, v22, v21  }
0xba: {  	vm1 =	veq.f32 v14, v16;
	v22 =	vmin.u32 v21, $0xB  }
0xbb: {  	v21 =	vsel vm1, v22, v21  }
0xbc: {  	vm1 =	veq.f32 v17, v16;
	v22 =	vmin.u32 v21, $0xC  }
0xbd: {  	v21 =	vsel vm1, v22, v21  }
0xbe: {  	vm1 =	veq.f32 v18, v16;
	v22 =	vmin.u32 v21, $0xD  }
0xbf: {  	v21 =	vsel vm1, v22, v21  }
0xc0: {  	vm1 =	veq.f32 v19, v16;
	v22 =	vmin.u32 v21, $0xE  }
0xc1: {  	v21 =	vsel vm1, v22, v21  }
0xc2: {  	vm1 =	veq.f32 v20, v16;
	v22 =	vmin.u32 v21, $0xF  }
0xc3: {  	v21 =	vsel vm1, v22, v21  }
0xc4: {  	[tilespmem:$0x6280] =	vst v21  }
0xc5: {  	v22 =	vld [tilespmem:$0x6288];
	_ =	sdelay $0x4  }
0xc6: {  	vm1 =	vlt.s32 v21, v22  }
0xc7: {  	v21 =	vsel vm1, v21, v22  }
0xc8: {  	[tilespmem:$0x6280] =	vst v21  }
0xc9: {  	v22 =	vld [tilespmem:$0x6284];
	_ =	sdelay $0x4  }
0xca: {  	vm1 =	vlt.s32 v21, v22  }
0xcb: {  	v21 =	vsel vm1, v21, v22  }
0xcc: {  	[tilespmem:$0x6280] =	vst v21  }
0xcd: {  	v22 =	vld [tilespmem:$0x6282];
	_ =	sdelay $0x4  }
0xce: {  	vm1 =	vlt.s32 v21, v22  }
0xcf: {  	v21 =	vsel vm1, v21, v22  }
0xd0: {  	[tilespmem:$0x6280] =	vst v21  }
0xd1: {  	v22 =	vld [tilespmem:$0x6281];
	_ =	sdelay $0x4  }
0xd2: {  	vm1 =	vlt.s32 v21, v22  }
0xd3: {  	v21 =	vsel vm1, v21, v22  }
0xd4: {  	(v2sf) =	vpush v21, $0x0;
	_ =	sdelay $0xe  }
0xd5: {  	s0 =	spop (v2sf)  }
0xd6: {  	s21 =	smul.u32 $0x620, s0;
	_ =	sdelay $0x1  }
0xd7: {  	v22 =	vld [tilespmem:s21+$0x0];
	_ =	sdelay $0x3  }
0xd8: {  	s12 =	simm.s32 $0x0  }
0xd9: {  	s1 =	simm.s32 $0x10;
	v21 =	vimm.s32 $0x7FFFFFFF;
	vm1 =	veq.f32 v22, v16;
	v22 =	vor.u32 s12, v2;
	s12 =	sadd.s32 $0x10, s21  }
.LBB2_10:
0xda: {  	v23 =	vld [tilespmem:s12+$0x0];
	p0 =	sne.s32 s1, $0x610;
	v22 =	vnsel vm1, $0x7FFFFFFF, v22;
	s13 =	smov.u32 s1;
	s1 =	sadd.s32 $0x10, s1  }
.Ltmp4:
0xdb: {  	vm1 =	vlt.s32 v21, v22;
	(pc) =	sbr.rel @p0 .LBB2_10-.Ltmp4, $2  }
0xdc: {  	v21 =	vsel vm1, v21, v22;
	_ =	sdelay $0x2  }
0xdd: {  	s12 =	sadd.s32 $0x10, s12;
	v22 =	vor.u32 s13, v2;
	vm1 =	veq.f32 v23, v16  }
0xde: {  	v16 =	vnsel vm1, $0x7FFFFFFF, v22  }
0xdf: {  	vm1 =	vlt.s32 v21, v16  }
0xe0: {  	v16 =	vsel vm1, v21, v16  }
0xe1: {  	[tilespmem:$0x6280] =	vst v16  }
0xe2: {  	v21 =	vld [tilespmem:$0x6288];
	_ =	sdelay $0x4  }
0xe3: {  	vm1 =	vlt.s32 v16, v21  }
0xe4: {  	v16 =	vsel vm1, v16, v21  }
0xe5: {  	[tilespmem:$0x6280] =	vst v16  }
0xe6: {  	v21 =	vld [tilespmem:$0x6284];
	_ =	sdelay $0x4  }
0xe7: {  	vm1 =	vlt.s32 v16, v21  }
0xe8: {  	v16 =	vsel vm1, v16, v21  }
0xe9: {  	[tilespmem:$0x6280] =	vst v16  }
0xea: {  	v21 =	vld [tilespmem:$0x6282];
	_ =	sdelay $0x4  }
0xeb: {  	vm1 =	vlt.s32 v16, v21  }
0xec: {  	v16 =	vsel vm1, v16, v21  }
0xed: {  	[tilespmem:$0x6280] =	vst v16  }
0xee: {  	v21 =	vld [tilespmem:$0x6281];
	_ =	sdelay $0x4  }
0xef: {  	vm1 =	vlt.s32 v16, v21  }
0xf0: {  	v16 =	vsel vm1, v16, v21  }
0xf1: {  	(v2sf) =	vpush v16, $0x0;
	_ =	sdelay $0xe  }
0xf2: {  	s22 =	spop (v2sf)  }
0xf3: {  	s1 =	sshra.s32 s22, $0x1F  }
0xf4: {  	s1 =	sshrl.u32 s1, $0x1C  }
0xf5: {  	s1 =	sadd.s32 s1, s22  }
0xf6: {  	s12 =	sand.u32 $0xFFFFFFF0, s1  }
0xf7: {  	p0 =	slt.s32 s22, $0x1;
	p1 =	sne.s32 s22, s12  }
0xf8: {  	p0 =	por !p0, !p1  }
0xf9: {  	s12 =	simm.s32 $0x1;
	p0 =	por !p0, !p0  }
0xfa: {  	s1 =	sshrl.u32 s1, $0x4;
	s12 =	simm.s32 @!p0 $0x0  }
0xfb: {  	s1 =	ssub.s32 s1, s12  }
0xfc: {  	s1 =	sshll.u32 s1, $0x6  }
0xfd: {  	s1 =	sshra.s32 s1, $0x2  }
0xfe: {  	s1 =	sadd.s32 s1, s21  }
0xff: {  	v21 =	vld [tilespmem:s1+$0x0];
	_ =	sdelay $0x1  }
0x100: {  	v16 =	vmov s21;
	s30 =	sand.u32 $0xF, s22  }
0x101: {  	v22 =	vmov s30  }
0x102: {  	vm1 =	veq.s32 v22, v2  }
0x103: {  	v21 =	vsel vm1, $0xFF800000, v21  }
0x104: {  	s31 =	simm.s32 $0x0;
	[tilespmem:s1+$0x0] =	vst v21  }
0x105: {  	v22 =	vld.idx.msk [tilespmem:v16+s31+$0x10 ss:$0x1], $0xffff  }
0x106: {  	v23 =	vimm.f32 $-Inf;
	v21 =	vimm.f32 $-Inf;
	s1 =	simm.s32 $0x80;
	v24 =	vld.idx.msk [tilespmem:v16+s31+$0x0 ss:$0x1], $0xffff  }
.LBB2_12:
0x107: {  	p0 =	sne.s32 s1, $0x1800  }
.Ltmp5:
0x108: {  	_ = 	snop;
	(pc) =	sbr.rel @p0 .LBB2_12-.Ltmp5, $4  }
0x109: {  	_ = 	snop  }
0x10a: {  	s12 =	sshra.s32 s1, $0x2;
	s1 =	sadd.s32 $0x80, s1  }
0x10b: {  	v21 =	vmax.f32 v21, v22;
	v22 =	vld.idx.msk [tilespmem:v16+s12+$0x10 ss:$0x1], $0xffff  }
0x10c: {  	v23 =	vmax.f32 v23, v24;
	v24 =	vld.idx.msk [tilespmem:v16+s12+$0x0 ss:$0x1], $0xffff  }
0x10d: {  	_ =	sdelay $0x3  }
0x10e: {  	v16 =	vmax.f32 v21, v22;
	v21 =	vmax.f32 v23, v24  }
0x10f: {  	p0 =	seq.s32 s0, $0x0;
	p1 =	seq.s32 s0, $0x1;
	v21 =	vmax.f32 v21, v16  }
0x110: {  	p5 =	seq.s32 s0, $0x2;
	v5 =	vpsel p0, v21, v5;
	v7 =	vpsel p1, v21, v7  }
0x111: {  	p6 =	seq.s32 s0, $0x3;
	v6 =	vpsel p5, v21, v6;
	v22 =	vmax.f32 v5, v7  }
0x112: {  	v16 =	vpsel p6, v21, v4;
	p1 =	seq.s32 s0, $0x4;
	v4 =	vmax.f32 v22, v6  }
0x113: {  	p2 =	seq.s32 s0, $0x5;
	v10 =	vpsel p1, v21, v10;
	v4 =	vmax.f32 v4, v16  }
0x114: {  	p3 =	seq.s32 s0, $0x6;
	v8 =	vpsel p2, v21, v8;
	v4 =	vmax.f32 v4, v10  }
0x115: {  	p4 =	seq.s32 s0, $0x7;
	v11 =	vpsel p3, v21, v11;
	v4 =	vmax.f32 v4, v8  }
0x116: {  	v9 =	vpsel p4, v21, v9;
	p5 =	seq.s32 s0, $0x8;
	v4 =	vmax.f32 v4, v11  }
0x117: {  	p6 =	seq.s32 s0, $0x9;
	v13 =	vpsel p5, v21, v13;
	v4 =	vmax.f32 v4, v9  }
0x118: {  	v15 =	vpsel p6, v21, v15;
	p1 =	seq.s32 s0, $0xA;
	v4 =	vmax.f32 v4, v13  }
0x119: {  	p2 =	seq.s32 s0, $0xB;
	v12 =	vpsel p1, v21, v12;
	v4 =	vmax.f32 v4, v15  }
0x11a: {  	p3 =	seq.s32 s0, $0xC;
	v14 =	vpsel p2, v21, v14;
	v4 =	vmax.f32 v4, v12  }
0x11b: {  	p4 =	seq.s32 s0, $0xD;
	v17 =	vpsel p3, v21, v17;
	v4 =	vmax.f32 v4, v14  }
0x11c: {  	v18 =	vpsel p4, v21, v18;
	p5 =	seq.s32 s0, $0xE;
	v4 =	vmax.f32 v4, v17  }
0x11d: {  	p6 =	seq.s32 s0, $0xF;
	v19 =	vpsel p5, v21, v19;
	v4 =	vmax.f32 v4, v18  }
0x11e: {  	v20 =	vpsel p6, v21, v20;
	v4 =	vmax.f32 v4, v19  }
0x11f: {  	v4 =	vmax.f32 v4, v20  }
0x120: {  	[tilespmem:$0x6200] =	vst v4  }
0x121: {  	v21 =	vld [tilespmem:$0x6208];
	_ =	sdelay $0x4  }
0x122: {  	v4 =	vmax.f32 v4, v21  }
0x123: {  	[tilespmem:$0x6200] =	vst v4  }
0x124: {  	v21 =	vld [tilespmem:$0x6204];
	_ =	sdelay $0x4  }
0x125: {  	v4 =	vmax.f32 v4, v21  }
0x126: {  	[tilespmem:$0x6200] =	vst v4  }
0x127: {  	v21 =	vld [tilespmem:$0x6202];
	_ =	sdelay $0x4  }
0x128: {  	v4 =	vmax.f32 v4, v21  }
0x129: {  	[tilespmem:$0x6200] =	vst v4  }
0x12a: {  	v21 =	vld [tilespmem:$0x6201];
	_ =	sdelay $0x4  }
0x12b: {  	v4 =	vmax.f32 v4, v21  }
0x12c: {  	v4 =	vbroadcast v4, $0x0;
	_ =	sdelay $0x1  }
0x12d: {  	vm1 =	vne.f32 v5, v4  }
0x12e: {  	vm2 =	veq.f32 v7, v4;
	v21 =	vsel vm1, $0x10, v1;
	v22 =	vsel vm1, $0x1, v1  }
0x12f: {  	v21 =	vsel vm2, v22, v21  }
0x130: {  	vm1 =	veq.f32 v6, v4;
	v22 =	vmin.u32 v21, $0x2  }
0x131: {  	v21 =	vsel vm1, v22, v21  }
0x132: {  	vm1 =	veq.f32 v16, v4;
	v22 =	vmin.u32 v21, $0x3  }
0x133: {  	v21 =	vsel vm1, v22, v21  }
0x134: {  	vm1 =	veq.f32 v10, v4;
	v22 =	vmin.u32 v21, $0x4  }
0x135: {  	v21 =	vsel vm1, v22, v21  }
0x136: {  	vm1 =	veq.f32 v8, v4;
	v22 =	vmin.u32 v21, $0x5  }
0x137: {  	v21 =	vsel vm1, v22, v21  }
0x138: {  	vm1 =	veq.f32 v11, v4;
	v22 =	vmin.u32 v21, $0x6  }
0x139: {  	v21 =	vsel vm1, v22, v21  }
0x13a: {  	vm1 =	veq.f32 v9, v4;
	v22 =	vmin.u32 v21, $0x7  }
0x13b: {  	v21 =	vsel vm1, v22, v21  }
0x13c: {  	vm1 =	veq.f32 v13, v4;
	v22 =	vmin.u32 v21, $0x8  }
0x13d: {  	v21 =	vsel vm1, v22, v21  }
0x13e: {  	vm1 =	veq.f32 v15, v4;
	v22 =	vmin.u32 v21, $0x9  }
0x13f: {  	v21 =	vsel vm1, v22, v21  }
0x140: {  	vm1 =	veq.f32 v12, v4;
	v22 =	vmin.u32 v21, $0xA  }
0x141: {  	v21 =	vsel vm1, v22, v21  }
0x142: {  	vm1 =	veq.f32 v14, v4;
	v22 =	vmin.u32 v21, $0xB  }
0x143: {  	v21 =	vsel vm1, v22, v21  }
0x144: {  	vm1 =	veq.f32 v17, v4;
	v22 =	vmin.u32 v21, $0xC  }
0x145: {  	v21 =	vsel vm1, v22, v21  }
0x146: {  	vm1 =	veq.f32 v18, v4;
	v22 =	vmin.u32 v21, $0xD  }
0x147: {  	v21 =	vsel vm1, v22, v21  }
0x148: {  	vm1 =	veq.f32 v19, v4;
	v22 =	vmin.u32 v21, $0xE  }
0x149: {  	v21 =	vsel vm1, v22, v21  }
0x14a: {  	vm1 =	veq.f32 v20, v4;
	v22 =	vmin.u32 v21, $0xF  }
0x14b: {  	v21 =	vsel vm1, v22, v21  }
0x14c: {  	[tilespmem:$0x6280] =	vst v21  }
0x14d: {  	v22 =	vld [tilespmem:$0x6288];
	_ =	sdelay $0x4  }
0x14e: {  	vm1 =	vlt.s32 v21, v22  }
0x14f: {  	v21 =	vsel vm1, v21, v22  }
0x150: {  	[tilespmem:$0x6280] =	vst v21  }
0x151: {  	v22 =	vld [tilespmem:$0x6284];
	_ =	sdelay $0x4  }
0x152: {  	vm1 =	vlt.s32 v21, v22  }
0x153: {  	v21 =	vsel vm1, v21, v22  }
0x154: {  	[tilespmem:$0x6280] =	vst v21  }
0x155: {  	v22 =	vld [tilespmem:$0x6282];
	_ =	sdelay $0x4  }
0x156: {  	vm1 =	vlt.s32 v21, v22  }
0x157: {  	v21 =	vsel vm1, v21, v22  }
0x158: {  	[tilespmem:$0x6280] =	vst v21  }
0x159: {  	v22 =	vld [tilespmem:$0x6281];
	_ =	sdelay $0x4  }
0x15a: {  	vm1 =	vlt.s32 v21, v22  }
0x15b: {  	v21 =	vsel vm1, v21, v22  }
0x15c: {  	(v2sf) =	vpush v21, $0x0;
	_ =	sdelay $0xe  }
0x15d: {  	s0 =	spop (v2sf)  }
0x15e: {  	s23 =	smul.u32 $0x620, s0;
	_ =	sdelay $0x1  }
0x15f: {  	v22 =	vld [tilespmem:s23+$0x0];
	_ =	sdelay $0x3  }
0x160: {  	s12 =	simm.s32 $0x0  }
0x161: {  	s1 =	simm.s32 $0x10;
	v21 =	vimm.s32 $0x7FFFFFFF;
	vm1 =	veq.f32 v22, v4;
	v22 =	vor.u32 s12, v2;
	s12 =	sadd.s32 $0x10, s23  }
.LBB2_14:
0x162: {  	v23 =	vld [tilespmem:s12+$0x0];
	p0 =	sne.s32 s1, $0x610;
	v22 =	vnsel vm1, $0x7FFFFFFF, v22;
	s13 =	smov.u32 s1;
	s1 =	sadd.s32 $0x10, s1  }
.Ltmp6:
0x163: {  	vm1 =	vlt.s32 v21, v22;
	(pc) =	sbr.rel @p0 .LBB2_14-.Ltmp6, $2  }
0x164: {  	v21 =	vsel vm1, v21, v22;
	_ =	sdelay $0x2  }
0x165: {  	s12 =	sadd.s32 $0x10, s12;
	v22 =	vor.u32 s13, v2;
	vm1 =	veq.f32 v23, v4  }
0x166: {  	v22 =	vnsel vm1, $0x7FFFFFFF, v22  }
0x167: {  	vm1 =	vlt.s32 v21, v22  }
0x168: {  	v21 =	vsel vm1, v21, v22  }
0x169: {  	[tilespmem:$0x6280] =	vst v21  }
0x16a: {  	v22 =	vld [tilespmem:$0x6288];
	_ =	sdelay $0x4  }
0x16b: {  	vm1 =	vlt.s32 v21, v22  }
0x16c: {  	v21 =	vsel vm1, v21, v22  }
0x16d: {  	[tilespmem:$0x6280] =	vst v21  }
0x16e: {  	v22 =	vld [tilespmem:$0x6284];
	_ =	sdelay $0x4  }
0x16f: {  	vm1 =	vlt.s32 v21, v22  }
0x170: {  	v21 =	vsel vm1, v21, v22  }
0x171: {  	[tilespmem:$0x6280] =	vst v21  }
0x172: {  	v22 =	vld [tilespmem:$0x6282];
	_ =	sdelay $0x4  }
0x173: {  	vm1 =	vlt.s32 v21, v22  }
0x174: {  	v21 =	vsel vm1, v21, v22  }
0x175: {  	[tilespmem:$0x6280] =	vst v21  }
0x176: {  	v22 =	vld [tilespmem:$0x6281];
	_ =	sdelay $0x4  }
0x177: {  	vm1 =	vlt.s32 v21, v22  }
0x178: {  	v21 =	vsel vm1, v21, v22  }
0x179: {  	(v2sf) =	vpush v21, $0x0;
	_ =	sdelay $0xe  }
0x17a: {  	s24 =	spop (v2sf)  }
0x17b: {  	s1 =	sshra.s32 s24, $0x1F  }
0x17c: {  	s1 =	sshrl.u32 s1, $0x1C  }
0x17d: {  	s1 =	sadd.s32 s1, s24  }
0x17e: {  	s12 =	sand.u32 $0xFFFFFFF0, s1  }
0x17f: {  	p0 =	slt.s32 s24, $0x1;
	p1 =	sne.s32 s24, s12  }
0x180: {  	p0 =	por !p0, !p1  }
0x181: {  	s12 =	simm.s32 $0x1;
	p0 =	por !p0, !p0  }
0x182: {  	s1 =	sshrl.u32 s1, $0x4;
	s12 =	simm.s32 @!p0 $0x0  }
0x183: {  	s1 =	ssub.s32 s1, s12  }
0x184: {  	s1 =	sshll.u32 s1, $0x6  }
0x185: {  	s1 =	sshra.s32 s1, $0x2  }
0x186: {  	s1 =	sadd.s32 s1, s23  }
0x187: {  	v22 =	vld [tilespmem:s1+$0x0];
	_ =	sdelay $0x1  }
0x188: {  	v21 =	vmov s23;
	s30 =	sand.u32 $0xF, s24  }
0x189: {  	v23 =	vmov s30  }
0x18a: {  	vm1 =	veq.s32 v23, v2  }
0x18b: {  	v22 =	vsel vm1, $0xFF800000, v22  }
0x18c: {  	s31 =	simm.s32 $0x0;
	[tilespmem:s1+$0x0] =	vst v22  }
0x18d: {  	v23 =	vld.idx.msk [tilespmem:v21+s31+$0x10 ss:$0x1], $0xffff  }
0x18e: {  	v24 =	vimm.f32 $-Inf;
	v22 =	vimm.f32 $-Inf;
	s1 =	simm.s32 $0x80;
	v25 =	vld.idx.msk [tilespmem:v21+s31+$0x0 ss:$0x1], $0xffff  }
.LBB2_16:
0x18f: {  	p0 =	sne.s32 s1, $0x1800  }
.Ltmp7:
0x190: {  	_ = 	snop;
	(pc) =	sbr.rel @p0 .LBB2_16-.Ltmp7, $4  }
0x191: {  	_ = 	snop  }
0x192: {  	s12 =	sshra.s32 s1, $0x2;
	s1 =	sadd.s32 $0x80, s1  }
0x193: {  	v22 =	vmax.f32 v22, v23;
	v23 =	vld.idx.msk [tilespmem:v21+s12+$0x10 ss:$0x1], $0xffff  }
0x194: {  	v24 =	vmax.f32 v24, v25;
	v25 =	vld.idx.msk [tilespmem:v21+s12+$0x0 ss:$0x1], $0xffff  }
0x195: {  	_ =	sdelay $0x3  }
0x196: {  	v21 =	vmax.f32 v22, v23;
	v22 =	vmax.f32 v24, v25  }
0x197: {  	p0 =	seq.s32 s0, $0x0;
	p1 =	seq.s32 s0, $0x1;
	v22 =	vmax.f32 v22, v21  }
0x198: {  	p5 =	seq.s32 s0, $0x2;
	v21 =	vpsel p0, v22, v5;
	v7 =	vpsel p1, v22, v7  }
0x199: {  	p6 =	seq.s32 s0, $0x3;
	v6 =	vpsel p5, v22, v6;
	v5 =	vmax.f32 v21, v7  }
0x19a: {  	v16 =	vpsel p6, v22, v16;
	p1 =	seq.s32 s0, $0x4;
	v5 =	vmax.f32 v5, v6  }
0x19b: {  	p2 =	seq.s32 s0, $0x5;
	v10 =	vpsel p1, v22, v10;
	v5 =	vmax.f32 v5, v16  }
0x19c: {  	p3 =	seq.s32 s0, $0x6;
	v8 =	vpsel p2, v22, v8;
	v5 =	vmax.f32 v5, v10  }
0x19d: {  	p4 =	seq.s32 s0, $0x7;
	v11 =	vpsel p3, v22, v11;
	v5 =	vmax.f32 v5, v8  }
0x19e: {  	v9 =	vpsel p4, v22, v9;
	p5 =	seq.s32 s0, $0x8;
	v5 =	vmax.f32 v5, v11  }
0x19f: {  	p6 =	seq.s32 s0, $0x9;
	v13 =	vpsel p5, v22, v13;
	v5 =	vmax.f32 v5, v9  }
0x1a0: {  	v15 =	vpsel p6, v22, v15;
	p1 =	seq.s32 s0, $0xA;
	v5 =	vmax.f32 v5, v13  }
0x1a1: {  	p2 =	seq.s32 s0, $0xB;
	v12 =	vpsel p1, v22, v12;
	v5 =	vmax.f32 v5, v15  }
0x1a2: {  	p3 =	seq.s32 s0, $0xC;
	v14 =	vpsel p2, v22, v14;
	v5 =	vmax.f32 v5, v12  }
0x1a3: {  	p4 =	seq.s32 s0, $0xD;
	v17 =	vpsel p3, v22, v17;
	v5 =	vmax.f32 v5, v14  }
0x1a4: {  	v18 =	vpsel p4, v22, v18;
	p5 =	seq.s32 s0, $0xE;
	v5 =	vmax.f32 v5, v17  }
0x1a5: {  	p6 =	seq.s32 s0, $0xF;
	v19 =	vpsel p5, v22, v19;
	v5 =	vmax.f32 v5, v18  }
0x1a6: {  	v20 =	vpsel p6, v22, v20;
	v5 =	vmax.f32 v5, v19  }
0x1a7: {  	v5 =	vmax.f32 v5, v20  }
0x1a8: {  	[tilespmem:$0x6200] =	vst v5  }
0x1a9: {  	v22 =	vld [tilespmem:$0x6208];
	_ =	sdelay $0x4  }
0x1aa: {  	v5 =	vmax.f32 v5, v22  }
0x1ab: {  	[tilespmem:$0x6200] =	vst v5  }
0x1ac: {  	v22 =	vld [tilespmem:$0x6204];
	_ =	sdelay $0x4  }
0x1ad: {  	v5 =	vmax.f32 v5, v22  }
0x1ae: {  	[tilespmem:$0x6200] =	vst v5  }
0x1af: {  	v22 =	vld [tilespmem:$0x6202];
	_ =	sdelay $0x4  }
0x1b0: {  	v5 =	vmax.f32 v5, v22  }
0x1b1: {  	[tilespmem:$0x6200] =	vst v5  }
0x1b2: {  	v22 =	vld [tilespmem:$0x6201];
	_ =	sdelay $0x4  }
0x1b3: {  	v5 =	vmax.f32 v5, v22  }
0x1b4: {  	v5 =	vbroadcast v5, $0x0;
	_ =	sdelay $0x1  }
0x1b5: {  	vm1 =	vne.f32 v21, v5  }
0x1b6: {  	vm2 =	veq.f32 v7, v5;
	v22 =	vsel vm1, $0x10, v1;
	v23 =	vsel vm1, $0x1, v1  }
0x1b7: {  	v22 =	vsel vm2, v23, v22  }
0x1b8: {  	vm1 =	veq.f32 v6, v5;
	v23 =	vmin.u32 v22, $0x2  }
0x1b9: {  	v22 =	vsel vm1, v23, v22  }
0x1ba: {  	vm1 =	veq.f32 v16, v5;
	v23 =	vmin.u32 v22, $0x3  }
0x1bb: {  	v22 =	vsel vm1, v23, v22  }
0x1bc: {  	vm1 =	veq.f32 v10, v5;
	v23 =	vmin.u32 v22, $0x4  }
0x1bd: {  	v22 =	vsel vm1, v23, v22  }
0x1be: {  	vm1 =	veq.f32 v8, v5;
	v23 =	vmin.u32 v22, $0x5  }
0x1bf: {  	v22 =	vsel vm1, v23, v22  }
0x1c0: {  	vm1 =	veq.f32 v11, v5;
	v23 =	vmin.u32 v22, $0x6  }
0x1c1: {  	v22 =	vsel vm1, v23, v22  }
0x1c2: {  	vm1 =	veq.f32 v9, v5;
	v23 =	vmin.u32 v22, $0x7  }
0x1c3: {  	v22 =	vsel vm1, v23, v22  }
0x1c4: {  	vm1 =	veq.f32 v13, v5;
	v23 =	vmin.u32 v22, $0x8  }
0x1c5: {  	v22 =	vsel vm1, v23, v22  }
0x1c6: {  	vm1 =	veq.f32 v15, v5;
	v23 =	vmin.u32 v22, $0x9  }
0x1c7: {  	v22 =	vsel vm1, v23, v22  }
0x1c8: {  	vm1 =	veq.f32 v12, v5;
	v23 =	vmin.u32 v22, $0xA  }
0x1c9: {  	v22 =	vsel vm1, v23, v22  }
0x1ca: {  	vm1 =	veq.f32 v14, v5;
	v23 =	vmin.u32 v22, $0xB  }
0x1cb: {  	v22 =	vsel vm1, v23, v22  }
0x1cc: {  	vm1 =	veq.f32 v17, v5;
	v23 =	vmin.u32 v22, $0xC  }
0x1cd: {  	v22 =	vsel vm1, v23, v22  }
0x1ce: {  	vm1 =	veq.f32 v18, v5;
	v23 =	vmin.u32 v22, $0xD  }
0x1cf: {  	v22 =	vsel vm1, v23, v22  }
0x1d0: {  	vm1 =	veq.f32 v19, v5;
	v23 =	vmin.u32 v22, $0xE  }
0x1d1: {  	v22 =	vsel vm1, v23, v22  }
0x1d2: {  	vm1 =	veq.f32 v20, v5;
	v23 =	vmin.u32 v22, $0xF  }
0x1d3: {  	v22 =	vsel vm1, v23, v22  }
0x1d4: {  	[tilespmem:$0x6280] =	vst v22  }
0x1d5: {  	v23 =	vld [tilespmem:$0x6288];
	_ =	sdelay $0x4  }
0x1d6: {  	vm1 =	vlt.s32 v22, v23  }
0x1d7: {  	v22 =	vsel vm1, v22, v23  }
0x1d8: {  	[tilespmem:$0x6280] =	vst v22  }
0x1d9: {  	v23 =	vld [tilespmem:$0x6284];
	_ =	sdelay $0x4  }
0x1da: {  	vm1 =	vlt.s32 v22, v23  }
0x1db: {  	v22 =	vsel vm1, v22, v23  }
0x1dc: {  	[tilespmem:$0x6280] =	vst v22  }
0x1dd: {  	v23 =	vld [tilespmem:$0x6282];
	_ =	sdelay $0x4  }
0x1de: {  	vm1 =	vlt.s32 v22, v23  }
0x1df: {  	v22 =	vsel vm1, v22, v23  }
0x1e0: {  	[tilespmem:$0x6280] =	vst v22  }
0x1e1: {  	v23 =	vld [tilespmem:$0x6281];
	_ =	sdelay $0x4  }
0x1e2: {  	vm1 =	vlt.s32 v22, v23  }
0x1e3: {  	v22 =	vsel vm1, v22, v23  }
0x1e4: {  	(v2sf) =	vpush v22, $0x0;
	_ =	sdelay $0xe  }
0x1e5: {  	s0 =	spop (v2sf)  }
0x1e6: {  	s25 =	smul.u32 $0x620, s0;
	_ =	sdelay $0x1  }
0x1e7: {  	v23 =	vld [tilespmem:s25+$0x0];
	_ =	sdelay $0x3  }
0x1e8: {  	s12 =	simm.s32 $0x0  }
0x1e9: {  	s1 =	simm.s32 $0x10;
	v22 =	vimm.s32 $0x7FFFFFFF;
	vm1 =	veq.f32 v23, v5;
	v23 =	vor.u32 s12, v2;
	s12 =	sadd.s32 $0x10, s25  }
.LBB2_18:
0x1ea: {  	v24 =	vld [tilespmem:s12+$0x0];
	p0 =	sne.s32 s1, $0x610;
	v23 =	vnsel vm1, $0x7FFFFFFF, v23;
	s13 =	smov.u32 s1;
	s1 =	sadd.s32 $0x10, s1  }
.Ltmp8:
0x1eb: {  	vm1 =	vlt.s32 v22, v23;
	(pc) =	sbr.rel @p0 .LBB2_18-.Ltmp8, $2  }
0x1ec: {  	v22 =	vsel vm1, v22, v23;
	_ =	sdelay $0x2  }
0x1ed: {  	s12 =	sadd.s32 $0x10, s12;
	v23 =	vor.u32 s13, v2;
	vm1 =	veq.f32 v24, v5  }
0x1ee: {  	v23 =	vnsel vm1, $0x7FFFFFFF, v23  }
0x1ef: {  	vm1 =	vlt.s32 v22, v23  }
0x1f0: {  	v22 =	vsel vm1, v22, v23  }
0x1f1: {  	[tilespmem:$0x6280] =	vst v22  }
0x1f2: {  	v23 =	vld [tilespmem:$0x6288];
	_ =	sdelay $0x4  }
0x1f3: {  	vm1 =	vlt.s32 v22, v23  }
0x1f4: {  	v22 =	vsel vm1, v22, v23  }
0x1f5: {  	[tilespmem:$0x6280] =	vst v22  }
0x1f6: {  	v23 =	vld [tilespmem:$0x6284];
	_ =	sdelay $0x4  }
0x1f7: {  	vm1 =	vlt.s32 v22, v23  }
0x1f8: {  	v22 =	vsel vm1, v22, v23  }
0x1f9: {  	[tilespmem:$0x6280] =	vst v22  }
0x1fa: {  	v23 =	vld [tilespmem:$0x6282];
	_ =	sdelay $0x4  }
0x1fb: {  	vm1 =	vlt.s32 v22, v23  }
0x1fc: {  	v22 =	vsel vm1, v22, v23  }
0x1fd: {  	[tilespmem:$0x6280] =	vst v22  }
0x1fe: {  	v23 =	vld [tilespmem:$0x6281];
	_ =	sdelay $0x4  }
0x1ff: {  	vm1 =	vlt.s32 v22, v23  }
0x200: {  	v22 =	vsel vm1, v22, v23  }
0x201: {  	(v2sf) =	vpush v22, $0x0;
	_ =	sdelay $0xe  }
0x202: {  	s26 =	spop (v2sf)  }
0x203: {  	s1 =	sshra.s32 s26, $0x1F  }
0x204: {  	s1 =	sshrl.u32 s1, $0x1C  }
0x205: {  	s1 =	sadd.s32 s1, s26  }
0x206: {  	s12 =	sand.u32 $0xFFFFFFF0, s1  }
0x207: {  	p0 =	slt.s32 s26, $0x1;
	p1 =	sne.s32 s26, s12  }
0x208: {  	p0 =	por !p0, !p1  }
0x209: {  	s12 =	simm.s32 $0x1;
	p0 =	por !p0, !p0  }
0x20a: {  	s1 =	sshrl.u32 s1, $0x4;
	s12 =	simm.s32 @!p0 $0x0  }
0x20b: {  	s1 =	ssub.s32 s1, s12  }
0x20c: {  	s1 =	sshll.u32 s1, $0x6  }
0x20d: {  	s1 =	sshra.s32 s1, $0x2  }
0x20e: {  	s1 =	sadd.s32 s1, s25  }
0x20f: {  	v23 =	vld [tilespmem:s1+$0x0];
	_ =	sdelay $0x1  }
0x210: {  	v22 =	vmov s25;
	s30 =	sand.u32 $0xF, s26  }
0x211: {  	v24 =	vmov s30  }
0x212: {  	vm1 =	veq.s32 v24, v2  }
0x213: {  	v23 =	vsel vm1, $0xFF800000, v23  }
0x214: {  	s31 =	simm.s32 $0x0;
	[tilespmem:s1+$0x0] =	vst v23  }
0x215: {  	v24 =	vld.idx.msk [tilespmem:v22+s31+$0x10 ss:$0x1], $0xffff  }
0x216: {  	v25 =	vimm.f32 $-Inf;
	v23 =	vimm.f32 $-Inf;
	s1 =	simm.s32 $0x80;
	v26 =	vld.idx.msk [tilespmem:v22+s31+$0x0 ss:$0x1], $0xffff  }
.LBB2_20:
0x217: {  	p0 =	sne.s32 s1, $0x1800  }
.Ltmp9:
0x218: {  	_ = 	snop;
	(pc) =	sbr.rel @p0 .LBB2_20-.Ltmp9, $4  }
0x219: {  	_ = 	snop  }
0x21a: {  	s12 =	sshra.s32 s1, $0x2;
	s1 =	sadd.s32 $0x80, s1  }
0x21b: {  	v23 =	vmax.f32 v23, v24;
	v24 =	vld.idx.msk [tilespmem:v22+s12+$0x10 ss:$0x1], $0xffff  }
0x21c: {  	v25 =	vmax.f32 v25, v26;
	v26 =	vld.idx.msk [tilespmem:v22+s12+$0x0 ss:$0x1], $0xffff  }
0x21d: {  	_ =	sdelay $0x3  }
0x21e: {  	v22 =	vmax.f32 v23, v24;
	v23 =	vmax.f32 v25, v26  }
0x21f: {  	p0 =	seq.s32 s0, $0x0;
	p1 =	seq.s32 s0, $0x1;
	v23 =	vmax.f32 v23, v22  }
0x220: {  	p5 =	seq.s32 s0, $0x2;
	v21 =	vpsel p0, v23, v21;
	v7 =	vpsel p1, v23, v7  }
0x221: {  	p6 =	seq.s32 s0, $0x3;
	v22 =	vpsel p5, v23, v6;
	v6 =	vmax.f32 v21, v7  }
0x222: {  	v16 =	vpsel p6, v23, v16;
	p1 =	seq.s32 s0, $0x4;
	v6 =	vmax.f32 v6, v22  }
0x223: {  	p2 =	seq.s32 s0, $0x5;
	v10 =	vpsel p1, v23, v10;
	v6 =	vmax.f32 v6, v16  }
0x224: {  	p3 =	seq.s32 s0, $0x6;
	v8 =	vpsel p2, v23, v8;
	v6 =	vmax.f32 v6, v10  }
0x225: {  	p4 =	seq.s32 s0, $0x7;
	v11 =	vpsel p3, v23, v11;
	v6 =	vmax.f32 v6, v8  }
0x226: {  	v9 =	vpsel p4, v23, v9;
	p5 =	seq.s32 s0, $0x8;
	v6 =	vmax.f32 v6, v11  }
0x227: {  	p6 =	seq.s32 s0, $0x9;
	v13 =	vpsel p5, v23, v13;
	v6 =	vmax.f32 v6, v9  }
0x228: {  	v15 =	vpsel p6, v23, v15;
	p1 =	seq.s32 s0, $0xA;
	v6 =	vmax.f32 v6, v13  }
0x229: {  	p2 =	seq.s32 s0, $0xB;
	v12 =	vpsel p1, v23, v12;
	v6 =	vmax.f32 v6, v15  }
0x22a: {  	p3 =	seq.s32 s0, $0xC;
	v14 =	vpsel p2, v23, v14;
	v6 =	vmax.f32 v6, v12  }
0x22b: {  	p4 =	seq.s32 s0, $0xD;
	v17 =	vpsel p3, v23, v17;
	v6 =	vmax.f32 v6, v14  }
0x22c: {  	v18 =	vpsel p4, v23, v18;
	p5 =	seq.s32 s0, $0xE;
	v6 =	vmax.f32 v6, v17  }
0x22d: {  	p6 =	seq.s32 s0, $0xF;
	v19 =	vpsel p5, v23, v19;
	v6 =	vmax.f32 v6, v18  }
0x22e: {  	v20 =	vpsel p6, v23, v20;
	v6 =	vmax.f32 v6, v19  }
0x22f: {  	v6 =	vmax.f32 v6, v20  }
0x230: {  	[tilespmem:$0x6200] =	vst v6  }
0x231: {  	v23 =	vld [tilespmem:$0x6208];
	_ =	sdelay $0x4  }
0x232: {  	v6 =	vmax.f32 v6, v23  }
0x233: {  	[tilespmem:$0x6200] =	vst v6  }
0x234: {  	v23 =	vld [tilespmem:$0x6204];
	_ =	sdelay $0x4  }
0x235: {  	v6 =	vmax.f32 v6, v23  }
0x236: {  	[tilespmem:$0x6200] =	vst v6  }
0x237: {  	v23 =	vld [tilespmem:$0x6202];
	_ =	sdelay $0x4  }
0x238: {  	v6 =	vmax.f32 v6, v23  }
0x239: {  	[tilespmem:$0x6200] =	vst v6  }
0x23a: {  	v23 =	vld [tilespmem:$0x6201];
	_ =	sdelay $0x4  }
0x23b: {  	v6 =	vmax.f32 v6, v23  }
0x23c: {  	v6 =	vbroadcast v6, $0x0;
	_ =	sdelay $0x1  }
0x23d: {  	vm1 =	vne.f32 v21, v6  }
0x23e: {  	vm2 =	veq.f32 v7, v6;
	v23 =	vsel vm1, $0x10, v1;
	v24 =	vsel vm1, $0x1, v1  }
0x23f: {  	v23 =	vsel vm2, v24, v23  }
0x240: {  	vm1 =	veq.f32 v22, v6;
	v24 =	vmin.u32 v23, $0x2  }
0x241: {  	v23 =	vsel vm1, v24, v23  }
0x242: {  	vm1 =	veq.f32 v16, v6;
	v24 =	vmin.u32 v23, $0x3  }
0x243: {  	v23 =	vsel vm1, v24, v23  }
0x244: {  	vm1 =	veq.f32 v10, v6;
	v24 =	vmin.u32 v23, $0x4  }
0x245: {  	v23 =	vsel vm1, v24, v23  }
0x246: {  	vm1 =	veq.f32 v8, v6;
	v24 =	vmin.u32 v23, $0x5  }
0x247: {  	v23 =	vsel vm1, v24, v23  }
0x248: {  	vm1 =	veq.f32 v11, v6;
	v24 =	vmin.u32 v23, $0x6  }
0x249: {  	v23 =	vsel vm1, v24, v23  }
0x24a: {  	vm1 =	veq.f32 v9, v6;
	v24 =	vmin.u32 v23, $0x7  }
0x24b: {  	v23 =	vsel vm1, v24, v23  }
0x24c: {  	vm1 =	veq.f32 v13, v6;
	v24 =	vmin.u32 v23, $0x8  }
0x24d: {  	v23 =	vsel vm1, v24, v23  }
0x24e: {  	vm1 =	veq.f32 v15, v6;
	v24 =	vmin.u32 v23, $0x9  }
0x24f: {  	v23 =	vsel vm1, v24, v23  }
0x250: {  	vm1 =	veq.f32 v12, v6;
	v24 =	vmin.u32 v23, $0xA  }
0x251: {  	v23 =	vsel vm1, v24, v23  }
0x252: {  	vm1 =	veq.f32 v14, v6;
	v24 =	vmin.u32 v23, $0xB  }
0x253: {  	v23 =	vsel vm1, v24, v23  }
0x254: {  	vm1 =	veq.f32 v17, v6;
	v24 =	vmin.u32 v23, $0xC  }
0x255: {  	v23 =	vsel vm1, v24, v23  }
0x256: {  	vm1 =	veq.f32 v18, v6;
	v24 =	vmin.u32 v23, $0xD  }
0x257: {  	v23 =	vsel vm1, v24, v23  }
0x258: {  	vm1 =	veq.f32 v19, v6;
	v24 =	vmin.u32 v23, $0xE  }
0x259: {  	v23 =	vsel vm1, v24, v23  }
0x25a: {  	vm1 =	veq.f32 v20, v6;
	v24 =	vmin.u32 v23, $0xF  }
0x25b: {  	v23 =	vsel vm1, v24, v23  }
0x25c: {  	[tilespmem:$0x6280] =	vst v23  }
0x25d: {  	v24 =	vld [tilespmem:$0x6288];
	_ =	sdelay $0x4  }
0x25e: {  	vm1 =	vlt.s32 v23, v24  }
0x25f: {  	v23 =	vsel vm1, v23, v24  }
0x260: {  	[tilespmem:$0x6280] =	vst v23  }
0x261: {  	v24 =	vld [tilespmem:$0x6284];
	_ =	sdelay $0x4  }
0x262: {  	vm1 =	vlt.s32 v23, v24  }
0x263: {  	v23 =	vsel vm1, v23, v24  }
0x264: {  	[tilespmem:$0x6280] =	vst v23  }
0x265: {  	v24 =	vld [tilespmem:$0x6282];
	_ =	sdelay $0x4  }
0x266: {  	vm1 =	vlt.s32 v23, v24  }
0x267: {  	v23 =	vsel vm1, v23, v24  }
0x268: {  	[tilespmem:$0x6280] =	vst v23  }
0x269: {  	v24 =	vld [tilespmem:$0x6281];
	_ =	sdelay $0x4  }
0x26a: {  	vm1 =	vlt.s32 v23, v24  }
0x26b: {  	v23 =	vsel vm1, v23, v24  }
0x26c: {  	(v2sf) =	vpush v23, $0x0;
	_ =	sdelay $0xe  }
0x26d: {  	s0 =	spop (v2sf)  }
0x26e: {  	s28 =	smul.u32 $0x620, s0;
	_ =	sdelay $0x1  }
0x26f: {  	v24 =	vld [tilespmem:s28+$0x0];
	_ =	sdelay $0x3  }
0x270: {  	s12 =	simm.s32 $0x0  }
0x271: {  	s1 =	simm.s32 $0x10;
	v23 =	vimm.s32 $0x7FFFFFFF;
	vm1 =	veq.f32 v24, v6;
	v24 =	vor.u32 s12, v2;
	s12 =	sadd.s32 $0x10, s28  }
.LBB2_22:
0x272: {  	v25 =	vld [tilespmem:s12+$0x0];
	p0 =	sne.s32 s1, $0x610;
	v24 =	vnsel vm1, $0x7FFFFFFF, v24;
	s13 =	smov.u32 s1;
	s1 =	sadd.s32 $0x10, s1  }
.Ltmp10:
0x273: {  	vm1 =	vlt.s32 v23, v24;
	(pc) =	sbr.rel @p0 .LBB2_22-.Ltmp10, $2  }
0x274: {  	v23 =	vsel vm1, v23, v24;
	_ =	sdelay $0x2  }
0x275: {  	s12 =	sadd.s32 $0x10, s12;
	v24 =	vor.u32 s13, v2;
	vm1 =	veq.f32 v25, v6  }
0x276: {  	v24 =	vnsel vm1, $0x7FFFFFFF, v24  }
0x277: {  	vm1 =	vlt.s32 v23, v24  }
0x278: {  	v23 =	vsel vm1, v23, v24  }
0x279: {  	[tilespmem:$0x6280] =	vst v23  }
0x27a: {  	v24 =	vld [tilespmem:$0x6288];
	_ =	sdelay $0x4  }
0x27b: {  	vm1 =	vlt.s32 v23, v24  }
0x27c: {  	v23 =	vsel vm1, v23, v24  }
0x27d: {  	[tilespmem:$0x6280] =	vst v23  }
0x27e: {  	v24 =	vld [tilespmem:$0x6284];
	_ =	sdelay $0x4  }
0x27f: {  	vm1 =	vlt.s32 v23, v24  }
0x280: {  	v23 =	vsel vm1, v23, v24  }
0x281: {  	[tilespmem:$0x6280] =	vst v23  }
0x282: {  	v24 =	vld [tilespmem:$0x6282];
	_ =	sdelay $0x4  }
0x283: {  	vm1 =	vlt.s32 v23, v24  }
0x284: {  	v23 =	vsel vm1, v23, v24  }
0x285: {  	[tilespmem:$0x6280] =	vst v23  }
0x286: {  	v24 =	vld [tilespmem:$0x6281];
	_ =	sdelay $0x4  }
0x287: {  	vm1 =	vlt.s32 v23, v24  }
0x288: {  	v23 =	vsel vm1, v23, v24  }
0x289: {  	(v2sf) =	vpush v23, $0x0;
	_ =	sdelay $0xe  }
0x28a: {  	s29 =	spop (v2sf)  }
0x28b: {  	s1 =	sshra.s32 s29, $0x1F  }
0x28c: {  	s1 =	sshrl.u32 s1, $0x1C  }
0x28d: {  	s1 =	sadd.s32 s1, s29  }
0x28e: {  	s12 =	sand.u32 $0xFFFFFFF0, s1  }
0x28f: {  	p0 =	slt.s32 s29, $0x1;
	p1 =	sne.s32 s29, s12  }
0x290: {  	p0 =	por !p0, !p1  }
0x291: {  	s12 =	simm.s32 $0x1;
	p0 =	por !p0, !p0  }
0x292: {  	s1 =	sshrl.u32 s1, $0x4;
	s12 =	simm.s32 @!p0 $0x0  }
0x293: {  	s1 =	ssub.s32 s1, s12  }
0x294: {  	s1 =	sshll.u32 s1, $0x6  }
0x295: {  	s1 =	sshra.s32 s1, $0x2  }
0x296: {  	s1 =	sadd.s32 s1, s28  }
0x297: {  	v24 =	vld [tilespmem:s1+$0x0];
	_ =	sdelay $0x1  }
0x298: {  	v23 =	vmov s28;
	s30 =	sand.u32 $0xF, s29  }
0x299: {  	v25 =	vmov s30  }
0x29a: {  	vm1 =	veq.s32 v25, v2  }
0x29b: {  	v24 =	vsel vm1, $0xFF800000, v24  }
0x29c: {  	s31 =	simm.s32 $0x0;
	[tilespmem:s1+$0x0] =	vst v24  }
0x29d: {  	v25 =	vld.idx.msk [tilespmem:v23+s31+$0x10 ss:$0x1], $0xffff  }
0x29e: {  	v26 =	vimm.f32 $-Inf;
	v24 =	vimm.f32 $-Inf;
	s1 =	simm.s32 $0x80;
	v27 =	vld.idx.msk [tilespmem:v23+s31+$0x0 ss:$0x1], $0xffff  }
.LBB2_24:
0x29f: {  	p0 =	sne.s32 s1, $0x1800  }
.Ltmp11:
0x2a0: {  	_ = 	snop;
	(pc) =	sbr.rel @p0 .LBB2_24-.Ltmp11, $4  }
0x2a1: {  	_ = 	snop  }
0x2a2: {  	s12 =	sshra.s32 s1, $0x2;
	s1 =	sadd.s32 $0x80, s1  }
0x2a3: {  	v24 =	vmax.f32 v24, v25;
	v25 =	vld.idx.msk [tilespmem:v23+s12+$0x10 ss:$0x1], $0xffff  }
0x2a4: {  	v26 =	vmax.f32 v26, v27;
	v27 =	vld.idx.msk [tilespmem:v23+s12+$0x0 ss:$0x1], $0xffff  }
0x2a5: {  	_ =	sdelay $0x3  }
0x2a6: {  	v23 =	vmax.f32 v24, v25;
	v24 =	vmax.f32 v26, v27  }
0x2a7: {  	p0 =	seq.s32 s0, $0x0;
	p1 =	seq.s32 s0, $0x1;
	v24 =	vmax.f32 v24, v23  }
0x2a8: {  	p5 =	seq.s32 s0, $0x2;
	v21 =	vpsel p0, v24, v21;
	v23 =	vpsel p1, v24, v7  }
0x2a9: {  	p6 =	seq.s32 s0, $0x3;
	v22 =	vpsel p5, v24, v22;
	v7 =	vmax.f32 v21, v23  }
0x2aa: {  	v16 =	vpsel p6, v24, v16;
	p1 =	seq.s32 s0, $0x4;
	v7 =	vmax.f32 v7, v22  }
0x2ab: {  	p2 =	seq.s32 s0, $0x5;
	v10 =	vpsel p1, v24, v10;
	v7 =	vmax.f32 v7, v16  }
0x2ac: {  	p3 =	seq.s32 s0, $0x6;
	v8 =	vpsel p2, v24, v8;
	v7 =	vmax.f32 v7, v10  }
0x2ad: {  	p4 =	seq.s32 s0, $0x7;
	v11 =	vpsel p3, v24, v11;
	v7 =	vmax.f32 v7, v8  }
0x2ae: {  	v9 =	vpsel p4, v24, v9;
	p5 =	seq.s32 s0, $0x8;
	v7 =	vmax.f32 v7, v11  }
0x2af: {  	p6 =	seq.s32 s0, $0x9;
	v13 =	vpsel p5, v24, v13;
	v7 =	vmax.f32 v7, v9  }
0x2b0: {  	v15 =	vpsel p6, v24, v15;
	p1 =	seq.s32 s0, $0xA;
	v7 =	vmax.f32 v7, v13  }
0x2b1: {  	p2 =	seq.s32 s0, $0xB;
	v12 =	vpsel p1, v24, v12;
	v7 =	vmax.f32 v7, v15  }
0x2b2: {  	p3 =	seq.s32 s0, $0xC;
	v14 =	vpsel p2, v24, v14;
	v7 =	vmax.f32 v7, v12  }
0x2b3: {  	p4 =	seq.s32 s0, $0xD;
	v17 =	vpsel p3, v24, v17;
	v7 =	vmax.f32 v7, v14  }
0x2b4: {  	v18 =	vpsel p4, v24, v18;
	p5 =	seq.s32 s0, $0xE;
	v7 =	vmax.f32 v7, v17  }
0x2b5: {  	p6 =	seq.s32 s0, $0xF;
	v19 =	vpsel p5, v24, v19;
	v7 =	vmax.f32 v7, v18  }
0x2b6: {  	v20 =	vpsel p6, v24, v20;
	v7 =	vmax.f32 v7, v19  }
0x2b7: {  	v7 =	vmax.f32 v7, v20  }
0x2b8: {  	[tilespmem:$0x6200] =	vst v7  }
0x2b9: {  	v24 =	vld [tilespmem:$0x6208];
	_ =	sdelay $0x4  }
0x2ba: {  	v7 =	vmax.f32 v7, v24  }
0x2bb: {  	[tilespmem:$0x6200] =	vst v7  }
0x2bc: {  	v24 =	vld [tilespmem:$0x6204];
	_ =	sdelay $0x4  }
0x2bd: {  	v7 =	vmax.f32 v7, v24  }
0x2be: {  	[tilespmem:$0x6200] =	vst v7  }
0x2bf: {  	v24 =	vld [tilespmem:$0x6202];
	_ =	sdelay $0x4  }
0x2c0: {  	v7 =	vmax.f32 v7, v24  }
0x2c1: {  	[tilespmem:$0x6200] =	vst v7  }
0x2c2: {  	v24 =	vld [tilespmem:$0x6201];
	_ =	sdelay $0x4  }
0x2c3: {  	v7 =	vmax.f32 v7, v24  }
0x2c4: {  	v7 =	vbroadcast v7, $0x0;
	_ =	sdelay $0x1  }
0x2c5: {  	vm1 =	vne.f32 v21, v7  }
0x2c6: {  	vm2 =	veq.f32 v23, v7;
	v24 =	vsel vm1, $0x10, v1;
	v25 =	vsel vm1, $0x1, v1  }
0x2c7: {  	v24 =	vsel vm2, v25, v24  }
0x2c8: {  	vm1 =	veq.f32 v22, v7;
	v25 =	vmin.u32 v24, $0x2  }
0x2c9: {  	v24 =	vsel vm1, v25, v24  }
0x2ca: {  	vm1 =	veq.f32 v16, v7;
	v25 =	vmin.u32 v24, $0x3  }
0x2cb: {  	v24 =	vsel vm1, v25, v24  }
0x2cc: {  	vm1 =	veq.f32 v10, v7;
	v25 =	vmin.u32 v24, $0x4  }
0x2cd: {  	v24 =	vsel vm1, v25, v24  }
0x2ce: {  	vm1 =	veq.f32 v8, v7;
	v25 =	vmin.u32 v24, $0x5  }
0x2cf: {  	v24 =	vsel vm1, v25, v24  }
0x2d0: {  	vm1 =	veq.f32 v11, v7;
	v25 =	vmin.u32 v24, $0x6  }
0x2d1: {  	v24 =	vsel vm1, v25, v24  }
0x2d2: {  	vm1 =	veq.f32 v9, v7;
	v25 =	vmin.u32 v24, $0x7  }
0x2d3: {  	v24 =	vsel vm1, v25, v24  }
0x2d4: {  	vm1 =	veq.f32 v13, v7;
	v25 =	vmin.u32 v24, $0x8  }
0x2d5: {  	v24 =	vsel vm1, v25, v24  }
0x2d6: {  	vm1 =	veq.f32 v15, v7;
	v25 =	vmin.u32 v24, $0x9  }
0x2d7: {  	v24 =	vsel vm1, v25, v24  }
0x2d8: {  	vm1 =	veq.f32 v12, v7;
	v25 =	vmin.u32 v24, $0xA  }
0x2d9: {  	v24 =	vsel vm1, v25, v24  }
0x2da: {  	vm1 =	veq.f32 v14, v7;
	v25 =	vmin.u32 v24, $0xB  }
0x2db: {  	v24 =	vsel vm1, v25, v24  }
0x2dc: {  	vm1 =	veq.f32 v17, v7;
	v25 =	vmin.u32 v24, $0xC  }
0x2dd: {  	v24 =	vsel vm1, v25, v24  }
0x2de: {  	vm1 =	veq.f32 v18, v7;
	v25 =	vmin.u32 v24, $0xD  }
0x2df: {  	v24 =	vsel vm1, v25, v24  }
0x2e0: {  	vm1 =	veq.f32 v19, v7;
	v25 =	vmin.u32 v24, $0xE  }
0x2e1: {  	v24 =	vsel vm1, v25, v24  }
0x2e2: {  	vm1 =	veq.f32 v20, v7;
	v25 =	vmin.u32 v24, $0xF  }
0x2e3: {  	v24 =	vsel vm1, v25, v24  }
0x2e4: {  	[tilespmem:$0x6280] =	vst v24  }
0x2e5: {  	v25 =	vld [tilespmem:$0x6288];
	_ =	sdelay $0x4  }
0x2e6: {  	vm1 =	vlt.s32 v24, v25  }
0x2e7: {  	v24 =	vsel vm1, v24, v25  }
0x2e8: {  	[tilespmem:$0x6280] =	vst v24  }
0x2e9: {  	v25 =	vld [tilespmem:$0x6284];
	_ =	sdelay $0x4  }
0x2ea: {  	vm1 =	vlt.s32 v24, v25  }
0x2eb: {  	v24 =	vsel vm1, v24, v25  }
0x2ec: {  	[tilespmem:$0x6280] =	vst v24  }
0x2ed: {  	v25 =	vld [tilespmem:$0x6282];
	_ =	sdelay $0x4  }
0x2ee: {  	vm1 =	vlt.s32 v24, v25  }
0x2ef: {  	v24 =	vsel vm1, v24, v25  }
0x2f0: {  	[tilespmem:$0x6280] =	vst v24  }
0x2f1: {  	v25 =	vld [tilespmem:$0x6281];
	_ =	sdelay $0x4  }
0x2f2: {  	vm1 =	vlt.s32 v24, v25  }
0x2f3: {  	v24 =	vsel vm1, v24, v25  }
0x2f4: {  	(v2sf) =	vpush v24, $0x0;
	_ =	sdelay $0xe  }
0x2f5: {  	s0 =	spop (v2sf)  }
0x2f6: {  	s30 =	smul.u32 $0x620, s0;
	_ =	sdelay $0x1  }
0x2f7: {  	v25 =	vld [tilespmem:s30+$0x0];
	_ =	sdelay $0x3  }
0x2f8: {  	s12 =	simm.s32 $0x0  }
0x2f9: {  	s1 =	simm.s32 $0x10;
	v24 =	vimm.s32 $0x7FFFFFFF;
	vm1 =	veq.f32 v25, v7;
	v25 =	vor.u32 s12, v2;
	s12 =	sadd.s32 $0x10, s30  }
.LBB2_26:
0x2fa: {  	v26 =	vld [tilespmem:s12+$0x0];
	p0 =	sne.s32 s1, $0x610;
	v25 =	vnsel vm1, $0x7FFFFFFF, v25;
	s13 =	smov.u32 s1;
	s1 =	sadd.s32 $0x10, s1  }
.Ltmp12:
0x2fb: {  	vm1 =	vlt.s32 v24, v25;
	(pc) =	sbr.rel @p0 .LBB2_26-.Ltmp12, $2  }
0x2fc: {  	v24 =	vsel vm1, v24, v25;
	_ =	sdelay $0x2  }
0x2fd: {  	s12 =	sadd.s32 $0x10, s12;
	v25 =	vor.u32 s13, v2;
	vm1 =	veq.f32 v26, v7  }
0x2fe: {  	v25 =	vnsel vm1, $0x7FFFFFFF, v25  }
0x2ff: {  	vm1 =	vlt.s32 v24, v25  }
0x300: {  	v24 =	vsel vm1, v24, v25  }
0x301: {  	[tilespmem:$0x6280] =	vst v24  }
0x302: {  	v25 =	vld [tilespmem:$0x6288];
	_ =	sdelay $0x4  }
0x303: {  	vm1 =	vlt.s32 v24, v25  }
0x304: {  	v24 =	vsel vm1, v24, v25  }
0x305: {  	[tilespmem:$0x6280] =	vst v24  }
0x306: {  	v25 =	vld [tilespmem:$0x6284];
	_ =	sdelay $0x4  }
0x307: {  	vm1 =	vlt.s32 v24, v25  }
0x308: {  	v24 =	vsel vm1, v24, v25  }
0x309: {  	[tilespmem:$0x6280] =	vst v24  }
0x30a: {  	v25 =	vld [tilespmem:$0x6282];
	_ =	sdelay $0x4  }
0x30b: {  	vm1 =	vlt.s32 v24, v25  }
0x30c: {  	v24 =	vsel vm1, v24, v25  }
0x30d: {  	[tilespmem:$0x6280] =	vst v24  }
0x30e: {  	v25 =	vld [tilespmem:$0x6281];
	_ =	sdelay $0x4  }
0x30f: {  	vm1 =	vlt.s32 v24, v25  }
0x310: {  	v24 =	vsel vm1, v24, v25  }
0x311: {  	(v2sf) =	vpush v24, $0x0;
	_ =	sdelay $0xe  }
0x312: {  	s31 =	spop (v2sf)  }
0x313: {  	s1 =	sshra.s32 s31, $0x1F  }
0x314: {  	s1 =	sshrl.u32 s1, $0x1C  }
0x315: {  	s1 =	sadd.s32 s1, s31  }
0x316: {  	s12 =	sand.u32 $0xFFFFFFF0, s1  }
0x317: {  	p0 =	slt.s32 s31, $0x1;
	p1 =	sne.s32 s31, s12  }
0x318: {  	p0 =	por !p0, !p1  }
0x319: {  	s12 =	simm.s32 $0x1;
	p0 =	por !p0, !p0  }
0x31a: {  	s1 =	sshrl.u32 s1, $0x4;
	s12 =	simm.s32 @!p0 $0x0  }
0x31b: {  	s1 =	ssub.s32 s1, s12  }
0x31c: {  	s1 =	sshll.u32 s1, $0x6  }
0x31d: {  	s1 =	sshra.s32 s1, $0x2  }
0x31e: {  	s1 =	sadd.s32 s1, s30  }
0x31f: {  	v25 =	vld [tilespmem:s1+$0x0];
	_ =	sdelay $0x1  }
0x320: {  	v24 =	vmov s30;
	s18 =	sand.u32 $0xF, s31  }
0x321: {  	v26 =	vmov s18  }
0x322: {  	vm1 =	veq.s32 v26, v2  }
0x323: {  	v25 =	vsel vm1, $0xFF800000, v25  }
0x324: {  	s19 =	simm.s32 $0x0;
	[tilespmem:s1+$0x0] =	vst v25  }
0x325: {  	v26 =	vld.idx.msk [tilespmem:v24+s19+$0x10 ss:$0x1], $0xffff  }
0x326: {  	v27 =	vimm.f32 $-Inf;
	v25 =	vimm.f32 $-Inf;
	s1 =	simm.s32 $0x80;
	v28 =	vld.idx.msk [tilespmem:v24+s19+$0x0 ss:$0x1], $0xffff  }
.LBB2_28:
0x327: {  	p0 =	sne.s32 s1, $0x1800  }
.Ltmp13:
0x328: {  	_ = 	snop;
	(pc) =	sbr.rel @p0 .LBB2_28-.Ltmp13, $4  }
0x329: {  	_ = 	snop  }
0x32a: {  	s12 =	sshra.s32 s1, $0x2;
	s1 =	sadd.s32 $0x80, s1  }
0x32b: {  	v25 =	vmax.f32 v25, v26;
	v26 =	vld.idx.msk [tilespmem:v24+s12+$0x10 ss:$0x1], $0xffff  }
0x32c: {  	v27 =	vmax.f32 v27, v28;
	v28 =	vld.idx.msk [tilespmem:v24+s12+$0x0 ss:$0x1], $0xffff  }
0x32d: {  	_ =	sdelay $0x3  }
0x32e: {  	v24 =	vmax.f32 v25, v26;
	v25 =	vmax.f32 v27, v28  }
0x32f: {  	p0 =	seq.s32 s0, $0x0;
	p1 =	seq.s32 s0, $0x1;
	v25 =	vmax.f32 v25, v24  }
0x330: {  	p5 =	seq.s32 s0, $0x2;
	v21 =	vpsel p0, v25, v21;
	v23 =	vpsel p1, v25, v23  }
0x331: {  	p6 =	seq.s32 s0, $0x3;
	v22 =	vpsel p5, v25, v22;
	v24 =	vmax.f32 v21, v23  }
0x332: {  	v16 =	vpsel p6, v25, v16;
	p1 =	seq.s32 s0, $0x4;
	v24 =	vmax.f32 v24, v22  }
0x333: {  	p2 =	seq.s32 s0, $0x5;
	v10 =	vpsel p1, v25, v10;
	v26 =	vmax.f32 v24, v16  }
0x334: {  	p3 =	seq.s32 s0, $0x6;
	v24 =	vpsel p2, v25, v8;
	v8 =	vmax.f32 v26, v10  }
0x335: {  	p4 =	seq.s32 s0, $0x7;
	v11 =	vpsel p3, v25, v11;
	v8 =	vmax.f32 v8, v24  }
0x336: {  	v9 =	vpsel p4, v25, v9;
	p5 =	seq.s32 s0, $0x8;
	v8 =	vmax.f32 v8, v11  }
0x337: {  	p6 =	seq.s32 s0, $0x9;
	v13 =	vpsel p5, v25, v13;
	v8 =	vmax.f32 v8, v9  }
0x338: {  	v15 =	vpsel p6, v25, v15;
	p1 =	seq.s32 s0, $0xA;
	v8 =	vmax.f32 v8, v13  }
0x339: {  	v12 =	vpsel p1, v25, v12;
	p2 =	seq.s32 s0, $0xB;
	v8 =	vmax.f32 v8, v15  }
0x33a: {  	p3 =	seq.s32 s0, $0xC;
	v14 =	vpsel p2, v25, v14;
	v8 =	vmax.f32 v8, v12  }
0x33b: {  	p4 =	seq.s32 s0, $0xD;
	v17 =	vpsel p3, v25, v17;
	v8 =	vmax.f32 v8, v14  }
0x33c: {  	v18 =	vpsel p4, v25, v18;
	p5 =	seq.s32 s0, $0xE;
	v8 =	vmax.f32 v8, v17  }
0x33d: {  	p6 =	seq.s32 s0, $0xF;
	v19 =	vpsel p5, v25, v19;
	v8 =	vmax.f32 v8, v18  }
0x33e: {  	v20 =	vpsel p6, v25, v20;
	v8 =	vmax.f32 v8, v19  }
0x33f: {  	v8 =	vmax.f32 v8, v20  }
0x340: {  	[tilespmem:$0x6200] =	vst v8  }
0x341: {  	v25 =	vld [tilespmem:$0x6208];
	_ =	sdelay $0x4  }
0x342: {  	v8 =	vmax.f32 v8, v25  }
0x343: {  	[tilespmem:$0x6200] =	vst v8  }
0x344: {  	v25 =	vld [tilespmem:$0x6204];
	_ =	sdelay $0x4  }
0x345: {  	v8 =	vmax.f32 v8, v25  }
0x346: {  	[tilespmem:$0x6200] =	vst v8  }
0x347: {  	v25 =	vld [tilespmem:$0x6202];
	_ =	sdelay $0x4  }
0x348: {  	v8 =	vmax.f32 v8, v25  }
0x349: {  	[tilespmem:$0x6200] =	vst v8  }
0x34a: {  	v25 =	vld [tilespmem:$0x6201];
	_ =	sdelay $0x4  }
0x34b: {  	v8 =	vmax.f32 v8, v25  }
0x34c: {  	v8 =	vbroadcast v8, $0x0;
	_ =	sdelay $0x1  }
0x34d: {  	vm1 =	vne.f32 v21, v8  }
0x34e: {  	vm2 =	veq.f32 v23, v8;
	v25 =	vsel vm1, $0x10, v1;
	v26 =	vsel vm1, $0x1, v1  }
0x34f: {  	v25 =	vsel vm2, v26, v25  }
0x350: {  	vm1 =	veq.f32 v22, v8;
	v26 =	vmin.u32 v25, $0x2  }
0x351: {  	v25 =	vsel vm1, v26, v25  }
0x352: {  	vm1 =	veq.f32 v16, v8;
	v26 =	vmin.u32 v25, $0x3  }
0x353: {  	v25 =	vsel vm1, v26, v25  }
0x354: {  	vm1 =	veq.f32 v10, v8;
	v26 =	vmin.u32 v25, $0x4  }
0x355: {  	v25 =	vsel vm1, v26, v25  }
0x356: {  	vm1 =	veq.f32 v24, v8;
	v26 =	vmin.u32 v25, $0x5  }
0x357: {  	v25 =	vsel vm1, v26, v25  }
0x358: {  	vm1 =	veq.f32 v11, v8;
	v26 =	vmin.u32 v25, $0x6  }
0x359: {  	v25 =	vsel vm1, v26, v25  }
0x35a: {  	vm1 =	veq.f32 v9, v8;
	v26 =	vmin.u32 v25, $0x7  }
0x35b: {  	v25 =	vsel vm1, v26, v25  }
0x35c: {  	vm1 =	veq.f32 v13, v8;
	v26 =	vmin.u32 v25, $0x8  }
0x35d: {  	v25 =	vsel vm1, v26, v25  }
0x35e: {  	vm1 =	veq.f32 v15, v8;
	v26 =	vmin.u32 v25, $0x9  }
0x35f: {  	v25 =	vsel vm1, v26, v25  }
0x360: {  	vm1 =	veq.f32 v12, v8;
	v26 =	vmin.u32 v25, $0xA  }
0x361: {  	v25 =	vsel vm1, v26, v25  }
0x362: {  	vm1 =	veq.f32 v14, v8;
	v26 =	vmin.u32 v25, $0xB  }
0x363: {  	v25 =	vsel vm1, v26, v25  }
0x364: {  	vm1 =	veq.f32 v17, v8;
	v26 =	vmin.u32 v25, $0xC  }
0x365: {  	v25 =	vsel vm1, v26, v25  }
0x366: {  	vm1 =	veq.f32 v18, v8;
	v26 =	vmin.u32 v25, $0xD  }
0x367: {  	v25 =	vsel vm1, v26, v25  }
0x368: {  	vm1 =	veq.f32 v19, v8;
	v26 =	vmin.u32 v25, $0xE  }
0x369: {  	v25 =	vsel vm1, v26, v25  }
0x36a: {  	vm1 =	veq.f32 v20, v8;
	v26 =	vmin.u32 v25, $0xF  }
0x36b: {  	v25 =	vsel vm1, v26, v25  }
0x36c: {  	[tilespmem:$0x6280] =	vst v25  }
0x36d: {  	v26 =	vld [tilespmem:$0x6288];
	_ =	sdelay $0x4  }
0x36e: {  	vm1 =	vlt.s32 v25, v26  }
0x36f: {  	v25 =	vsel vm1, v25, v26  }
0x370: {  	[tilespmem:$0x6280] =	vst v25  }
0x371: {  	v26 =	vld [tilespmem:$0x6284];
	_ =	sdelay $0x4  }
0x372: {  	vm1 =	vlt.s32 v25, v26  }
0x373: {  	v25 =	vsel vm1, v25, v26  }
0x374: {  	[tilespmem:$0x6280] =	vst v25  }
0x375: {  	v26 =	vld [tilespmem:$0x6282];
	_ =	sdelay $0x4  }
0x376: {  	vm1 =	vlt.s32 v25, v26  }
0x377: {  	v25 =	vsel vm1, v25, v26  }
0x378: {  	[tilespmem:$0x6280] =	vst v25  }
0x379: {  	v26 =	vld [tilespmem:$0x6281];
	_ =	sdelay $0x4  }
0x37a: {  	vm1 =	vlt.s32 v25, v26  }
0x37b: {  	v25 =	vsel vm1, v25, v26  }
0x37c: {  	(v2sf) =	vpush v25, $0x0;
	_ =	sdelay $0xe  }
0x37d: {  	s12 =	spop (v2sf)  }
0x37e: {  	s1 =	smul.u32 $0x620, s12;
	_ =	sdelay $0x1  }
0x37f: {  	v26 =	vld [tilespmem:s1+$0x0];
	_ =	sdelay $0x3  }
0x380: {  	s13 =	simm.s32 $0x0  }
0x381: {  	s0 =	simm.s32 $0x10;
	v25 =	vimm.s32 $0x7FFFFFFF;
	vm1 =	veq.f32 v26, v8;
	v26 =	vor.u32 s13, v2;
	s13 =	sadd.s32 $0x10, s1  }
.LBB2_30:
0x382: {  	v27 =	vld [tilespmem:s13+$0x0];
	p0 =	sne.s32 s0, $0x610;
	v26 =	vnsel vm1, $0x7FFFFFFF, v26;
	s14 =	smov.u32 s0;
	s0 =	sadd.s32 $0x10, s0  }
.Ltmp14:
0x383: {  	vm1 =	vlt.s32 v25, v26;
	(pc) =	sbr.rel @p0 .LBB2_30-.Ltmp14, $2  }
0x384: {  	v25 =	vsel vm1, v25, v26;
	_ =	sdelay $0x2  }
0x385: {  	s13 =	sadd.s32 $0x10, s13;
	v26 =	vor.u32 s14, v2;
	vm1 =	veq.f32 v27, v8  }
0x386: {  	v26 =	vnsel vm1, $0x7FFFFFFF, v26  }
0x387: {  	vm1 =	vlt.s32 v25, v26  }
0x388: {  	v25 =	vsel vm1, v25, v26  }
0x389: {  	[tilespmem:$0x6280] =	vst v25  }
0x38a: {  	v26 =	vld [tilespmem:$0x6288];
	_ =	sdelay $0x4  }
0x38b: {  	vm1 =	vlt.s32 v25, v26  }
0x38c: {  	v25 =	vsel vm1, v25, v26  }
0x38d: {  	[tilespmem:$0x6280] =	vst v25  }
0x38e: {  	v26 =	vld [tilespmem:$0x6284];
	_ =	sdelay $0x4  }
0x38f: {  	vm1 =	vlt.s32 v25, v26  }
0x390: {  	v25 =	vsel vm1, v25, v26  }
0x391: {  	[tilespmem:$0x6280] =	vst v25  }
0x392: {  	v26 =	vld [tilespmem:$0x6282];
	_ =	sdelay $0x4  }
0x393: {  	vm1 =	vlt.s32 v25, v26  }
0x394: {  	v25 =	vsel vm1, v25, v26  }
0x395: {  	[tilespmem:$0x6280] =	vst v25  }
0x396: {  	v26 =	vld [tilespmem:$0x6281];
	_ =	sdelay $0x4  }
0x397: {  	vm1 =	vlt.s32 v25, v26  }
0x398: {  	v25 =	vsel vm1, v25, v26  }
0x399: {  	(v2sf) =	vpush v25, $0x0;
	_ =	sdelay $0xe  }
0x39a: {  	s0 =	spop (v2sf)  }
0x39b: {  	s13 =	sshra.s32 s0, $0x1F  }
0x39c: {  	s13 =	sshrl.u32 s13, $0x1C  }
0x39d: {  	s13 =	sadd.s32 s13, s0  }
0x39e: {  	s14 =	sand.u32 $0xFFFFFFF0, s13  }
0x39f: {  	p0 =	slt.s32 s0, $0x1;
	p1 =	sne.s32 s0, s14  }
0x3a0: {  	p0 =	por !p0, !p1  }
0x3a1: {  	s14 =	simm.s32 $0x1;
	p0 =	por !p0, !p0  }
0x3a2: {  	s13 =	sshrl.u32 s13, $0x4;
	s14 =	simm.s32 @!p0 $0x0  }
0x3a3: {  	s13 =	ssub.s32 s13, s14  }
0x3a4: {  	s13 =	sshll.u32 s13, $0x6  }
0x3a5: {  	s13 =	sshra.s32 s13, $0x2  }
0x3a6: {  	s13 =	sadd.s32 s13, s1  }
0x3a7: {  	v26 =	vld [tilespmem:s13+$0x0];
	_ =	sdelay $0x1  }
0x3a8: {  	v25 =	vmov s1;
	s18 =	sand.u32 $0xF, s0  }
0x3a9: {  	v27 =	vmov s18  }
0x3aa: {  	vm1 =	veq.s32 v27, v2  }
0x3ab: {  	v26 =	vsel vm1, $0xFF800000, v26  }
0x3ac: {  	s19 =	simm.s32 $0x0;
	[tilespmem:s13+$0x0] =	vst v26  }
0x3ad: {  	v27 =	vld.idx.msk [tilespmem:v25+s19+$0x10 ss:$0x1], $0xffff  }
0x3ae: {  	v28 =	vimm.f32 $-Inf;
	v26 =	vimm.f32 $-Inf;
	s13 =	simm.s32 $0x80;
	v29 =	vld.idx.msk [tilespmem:v25+s19+$0x0 ss:$0x1], $0xffff  }
.LBB2_32:
0x3af: {  	p0 =	sne.s32 s13, $0x1800  }
.Ltmp15:
0x3b0: {  	_ = 	snop;
	(pc) =	sbr.rel @p0 .LBB2_32-.Ltmp15, $4  }
0x3b1: {  	_ = 	snop  }
0x3b2: {  	s14 =	sshra.s32 s13, $0x2;
	s13 =	sadd.s32 $0x80, s13  }
0x3b3: {  	v26 =	vmax.f32 v26, v27;
	v27 =	vld.idx.msk [tilespmem:v25+s14+$0x10 ss:$0x1], $0xffff  }
0x3b4: {  	v28 =	vmax.f32 v28, v29;
	v29 =	vld.idx.msk [tilespmem:v25+s14+$0x0 ss:$0x1], $0xffff  }
0x3b5: {  	_ =	sdelay $0x3  }
0x3b6: {  	v25 =	vmax.f32 v26, v27;
	v26 =	vmax.f32 v28, v29  }
0x3b7: {  	p0 =	seq.s32 s12, $0x0;
	p1 =	seq.s32 s12, $0x1;
	v26 =	vmax.f32 v26, v25  }
0x3b8: {  	p5 =	seq.s32 s12, $0x2;
	v21 =	vpsel p0, v26, v21;
	v23 =	vpsel p1, v26, v23  }
0x3b9: {  	p6 =	seq.s32 s12, $0x3;
	v22 =	vpsel p5, v26, v22;
	v25 =	vmax.f32 v21, v23  }
0x3ba: {  	v16 =	vpsel p6, v26, v16;
	p1 =	seq.s32 s12, $0x4;
	v25 =	vmax.f32 v25, v22  }
0x3bb: {  	p2 =	seq.s32 s12, $0x5;
	v10 =	vpsel p1, v26, v10;
	v25 =	vmax.f32 v25, v16  }
0x3bc: {  	p3 =	seq.s32 s12, $0x6;
	v24 =	vpsel p2, v26, v24;
	v25 =	vmax.f32 v25, v10  }
0x3bd: {  	p4 =	seq.s32 s12, $0x7;
	v11 =	vpsel p3, v26, v11;
	v27 =	vmax.f32 v25, v24  }
0x3be: {  	p5 =	seq.s32 s12, $0x8;
	v25 =	vpsel p4, v26, v9;
	v9 =	vmax.f32 v27, v11  }
0x3bf: {  	p6 =	seq.s32 s12, $0x9;
	v13 =	vpsel p5, v26, v13;
	v9 =	vmax.f32 v9, v25  }
0x3c0: {  	v15 =	vpsel p6, v26, v15;
	p1 =	seq.s32 s12, $0xA;
	v9 =	vmax.f32 v9, v13  }
0x3c1: {  	p2 =	seq.s32 s12, $0xB;
	v12 =	vpsel p1, v26, v12;
	v9 =	vmax.f32 v9, v15  }
0x3c2: {  	p3 =	seq.s32 s12, $0xC;
	v14 =	vpsel p2, v26, v14;
	v9 =	vmax.f32 v9, v12  }
0x3c3: {  	v17 =	vpsel p3, v26, v17;
	p4 =	seq.s32 s12, $0xD;
	v9 =	vmax.f32 v9, v14  }
0x3c4: {  	p5 =	seq.s32 s12, $0xE;
	v18 =	vpsel p4, v26, v18;
	v9 =	vmax.f32 v9, v17  }
0x3c5: {  	p6 =	seq.s32 s12, $0xF;
	v19 =	vpsel p5, v26, v19;
	v9 =	vmax.f32 v9, v18  }
0x3c6: {  	v20 =	vpsel p6, v26, v20;
	v9 =	vmax.f32 v9, v19  }
0x3c7: {  	v9 =	vmax.f32 v9, v20  }
0x3c8: {  	[tilespmem:$0x6200] =	vst v9  }
0x3c9: {  	v26 =	vld [tilespmem:$0x6208];
	_ =	sdelay $0x4  }
0x3ca: {  	v9 =	vmax.f32 v9, v26  }
0x3cb: {  	[tilespmem:$0x6200] =	vst v9  }
0x3cc: {  	v26 =	vld [tilespmem:$0x6204];
	_ =	sdelay $0x4  }
0x3cd: {  	v9 =	vmax.f32 v9, v26  }
0x3ce: {  	[tilespmem:$0x6200] =	vst v9  }
0x3cf: {  	v26 =	vld [tilespmem:$0x6202];
	_ =	sdelay $0x4  }
0x3d0: {  	v9 =	vmax.f32 v9, v26  }
0x3d1: {  	[tilespmem:$0x6200] =	vst v9  }
0x3d2: {  	v26 =	vld [tilespmem:$0x6201];
	_ =	sdelay $0x4  }
0x3d3: {  	v9 =	vmax.f32 v9, v26  }
0x3d4: {  	v9 =	vbroadcast v9, $0x0;
	_ =	sdelay $0x1  }
0x3d5: {  	vm1 =	vne.f32 v21, v9  }
0x3d6: {  	vm2 =	veq.f32 v23, v9;
	v26 =	vsel vm1, $0x10, v1;
	v27 =	vsel vm1, $0x1, v1  }
0x3d7: {  	v26 =	vsel vm2, v27, v26  }
0x3d8: {  	vm1 =	veq.f32 v22, v9;
	v27 =	vmin.u32 v26, $0x2  }
0x3d9: {  	v26 =	vsel vm1, v27, v26  }
0x3da: {  	vm1 =	veq.f32 v16, v9;
	v27 =	vmin.u32 v26, $0x3  }
0x3db: {  	v26 =	vsel vm1, v27, v26  }
0x3dc: {  	vm1 =	veq.f32 v10, v9;
	v27 =	vmin.u32 v26, $0x4  }
0x3dd: {  	v26 =	vsel vm1, v27, v26  }
0x3de: {  	vm1 =	veq.f32 v24, v9;
	v27 =	vmin.u32 v26, $0x5  }
0x3df: {  	v26 =	vsel vm1, v27, v26  }
0x3e0: {  	vm1 =	veq.f32 v11, v9;
	v27 =	vmin.u32 v26, $0x6  }
0x3e1: {  	v26 =	vsel vm1, v27, v26  }
0x3e2: {  	vm1 =	veq.f32 v25, v9;
	v27 =	vmin.u32 v26, $0x7  }
0x3e3: {  	v26 =	vsel vm1, v27, v26  }
0x3e4: {  	vm1 =	veq.f32 v13, v9;
	v27 =	vmin.u32 v26, $0x8  }
0x3e5: {  	v26 =	vsel vm1, v27, v26  }
0x3e6: {  	vm1 =	veq.f32 v15, v9;
	v27 =	vmin.u32 v26, $0x9  }
0x3e7: {  	v26 =	vsel vm1, v27, v26  }
0x3e8: {  	vm1 =	veq.f32 v12, v9;
	v27 =	vmin.u32 v26, $0xA  }
0x3e9: {  	v26 =	vsel vm1, v27, v26  }
0x3ea: {  	vm1 =	veq.f32 v14, v9;
	v27 =	vmin.u32 v26, $0xB  }
0x3eb: {  	v26 =	vsel vm1, v27, v26  }
0x3ec: {  	vm1 =	veq.f32 v17, v9;
	v27 =	vmin.u32 v26, $0xC  }
0x3ed: {  	v26 =	vsel vm1, v27, v26  }
0x3ee: {  	vm1 =	veq.f32 v18, v9;
	v27 =	vmin.u32 v26, $0xD  }
0x3ef: {  	v26 =	vsel vm1, v27, v26  }
0x3f0: {  	vm1 =	veq.f32 v19, v9;
	v27 =	vmin.u32 v26, $0xE  }
0x3f1: {  	v26 =	vsel vm1, v27, v26  }
0x3f2: {  	vm1 =	veq.f32 v20, v9;
	v27 =	vmin.u32 v26, $0xF  }
0x3f3: {  	v26 =	vsel vm1, v27, v26  }
0x3f4: {  	[tilespmem:$0x6280] =	vst v26  }
0x3f5: {  	v27 =	vld [tilespmem:$0x6288];
	_ =	sdelay $0x4  }
0x3f6: {  	vm1 =	vlt.s32 v26, v27  }
0x3f7: {  	v26 =	vsel vm1, v26, v27  }
0x3f8: {  	[tilespmem:$0x6280] =	vst v26  }
0x3f9: {  	v27 =	vld [tilespmem:$0x6284];
	_ =	sdelay $0x4  }
0x3fa: {  	vm1 =	vlt.s32 v26, v27  }
0x3fb: {  	v26 =	vsel vm1, v26, v27  }
0x3fc: {  	[tilespmem:$0x6280] =	vst v26  }
0x3fd: {  	v27 =	vld [tilespmem:$0x6282];
	_ =	sdelay $0x4  }
0x3fe: {  	vm1 =	vlt.s32 v26, v27  }
0x3ff: {  	v26 =	vsel vm1, v26, v27  }
0x400: {  	[tilespmem:$0x6280] =	vst v26  }
0x401: {  	v27 =	vld [tilespmem:$0x6281];
	_ =	sdelay $0x4  }
0x402: {  	vm1 =	vlt.s32 v26, v27  }
0x403: {  	v26 =	vsel vm1, v26, v27  }
0x404: {  	(v2sf) =	vpush v26, $0x0;
	_ =	sdelay $0xe  }
0x405: {  	s14 =	spop (v2sf)  }
0x406: {  	s12 =	smul.u32 $0x620, s14;
	_ =	sdelay $0x1  }
0x407: {  	v27 =	vld [tilespmem:s12+$0x0];
	_ =	sdelay $0x3  }
0x408: {  	s18 =	simm.s32 $0x0  }
0x409: {  	s13 =	simm.s32 $0x10;
	v26 =	vimm.s32 $0x7FFFFFFF;
	vm1 =	veq.f32 v27, v9;
	v27 =	vor.u32 s18, v2;
	s18 =	sadd.s32 $0x10, s12  }
.LBB2_34:
0x40a: {  	v28 =	vld [tilespmem:s18+$0x0];
	p0 =	sne.s32 s13, $0x610;
	v27 =	vnsel vm1, $0x7FFFFFFF, v27;
	s19 =	smov.u32 s13;
	s13 =	sadd.s32 $0x10, s13  }
.Ltmp16:
0x40b: {  	vm1 =	vlt.s32 v26, v27;
	(pc) =	sbr.rel @p0 .LBB2_34-.Ltmp16, $2  }
0x40c: {  	v26 =	vsel vm1, v26, v27;
	_ =	sdelay $0x2  }
0x40d: {  	s18 =	sadd.s32 $0x10, s18;
	v27 =	vor.u32 s19, v2;
	vm1 =	veq.f32 v28, v9  }
0x40e: {  	v27 =	vnsel vm1, $0x7FFFFFFF, v27  }
0x40f: {  	vm1 =	vlt.s32 v26, v27  }
0x410: {  	v26 =	vsel vm1, v26, v27  }
0x411: {  	[tilespmem:$0x6280] =	vst v26  }
0x412: {  	v27 =	vld [tilespmem:$0x6288];
	_ =	sdelay $0x4  }
0x413: {  	vm1 =	vlt.s32 v26, v27  }
0x414: {  	v26 =	vsel vm1, v26, v27  }
0x415: {  	[tilespmem:$0x6280] =	vst v26  }
0x416: {  	v27 =	vld [tilespmem:$0x6284];
	_ =	sdelay $0x4  }
0x417: {  	vm1 =	vlt.s32 v26, v27  }
0x418: {  	v26 =	vsel vm1, v26, v27  }
0x419: {  	[tilespmem:$0x6280] =	vst v26  }
0x41a: {  	v27 =	vld [tilespmem:$0x6282];
	_ =	sdelay $0x4  }
0x41b: {  	vm1 =	vlt.s32 v26, v27  }
0x41c: {  	v26 =	vsel vm1, v26, v27  }
0x41d: {  	[tilespmem:$0x6280] =	vst v26  }
0x41e: {  	v27 =	vld [tilespmem:$0x6281];
	_ =	sdelay $0x4  }
0x41f: {  	vm1 =	vlt.s32 v26, v27  }
0x420: {  	v26 =	vsel vm1, v26, v27  }
0x421: {  	(v2sf) =	vpush v26, $0x0;
	_ =	sdelay $0xe  }
0x422: {  	s13 =	spop (v2sf)  }
0x423: {  	s18 =	sshra.s32 s13, $0x1F  }
0x424: {  	s18 =	sshrl.u32 s18, $0x1C  }
0x425: {  	s18 =	sadd.s32 s18, s13  }
0x426: {  	s19 =	sand.u32 $0xFFFFFFF0, s18  }
0x427: {  	p0 =	slt.s32 s13, $0x1;
	p1 =	sne.s32 s13, s19  }
0x428: {  	p0 =	por !p0, !p1  }
0x429: {  	s19 =	simm.s32 $0x1;
	p0 =	por !p0, !p0  }
0x42a: {  	s18 =	sshrl.u32 s18, $0x4;
	s19 =	simm.s32 @!p0 $0x0  }
0x42b: {  	s18 =	ssub.s32 s18, s19  }
0x42c: {  	s18 =	sshll.u32 s18, $0x6  }
0x42d: {  	s18 =	sshra.s32 s18, $0x2  }
0x42e: {  	s18 =	sadd.s32 s18, s12  }
0x42f: {  	v27 =	vld [tilespmem:s18+$0x0];
	_ =	sdelay $0x1  }
0x430: {  	v26 =	vmov s12;
	s5 =	sand.u32 $0xF, s13  }
0x431: {  	v28 =	vmov s5  }
0x432: {  	vm1 =	veq.s32 v28, v2  }
0x433: {  	v27 =	vsel vm1, $0xFF800000, v27  }
0x434: {  	s5 =	simm.s32 $0x0;
	[tilespmem:s18+$0x0] =	vst v27  }
0x435: {  	v28 =	vld.idx.msk [tilespmem:v26+s5+$0x10 ss:$0x1], $0xffff  }
0x436: {  	v29 =	vimm.f32 $-Inf;
	v27 =	vimm.f32 $-Inf;
	s18 =	simm.s32 $0x80;
	v30 =	vld.idx.msk [tilespmem:v26+s5+$0x0 ss:$0x1], $0xffff  }
.LBB2_36:
0x437: {  	p0 =	sne.s32 s18, $0x1800  }
.Ltmp17:
0x438: {  	_ = 	snop;
	(pc) =	sbr.rel @p0 .LBB2_36-.Ltmp17, $4  }
0x439: {  	_ = 	snop  }
0x43a: {  	s19 =	sshra.s32 s18, $0x2;
	s18 =	sadd.s32 $0x80, s18  }
0x43b: {  	v27 =	vmax.f32 v27, v28;
	v28 =	vld.idx.msk [tilespmem:v26+s19+$0x10 ss:$0x1], $0xffff  }
0x43c: {  	v29 =	vmax.f32 v29, v30;
	v30 =	vld.idx.msk [tilespmem:v26+s19+$0x0 ss:$0x1], $0xffff  }
0x43d: {  	_ =	sdelay $0x3  }
0x43e: {  	v26 =	vmax.f32 v27, v28;
	v54 =	vmax.f32 v29, v30  }
0x43f: {  	p0 =	seq.s32 s14, $0x0;
	p1 =	seq.s32 s14, $0x1;
	v26 =	vmax.f32 v54, v26  }
0x440: {  	p5 =	seq.s32 s14, $0x2;
	v21 =	vpsel p0, v26, v21;
	v23 =	vpsel p1, v26, v23  }
0x441: {  	p6 =	seq.s32 s14, $0x3;
	v22 =	vpsel p5, v26, v22;
	v55 =	vmax.f32 v21, v23  }
0x442: {  	v16 =	vpsel p6, v26, v16;
	p1 =	seq.s32 s14, $0x4;
	v27 =	vmax.f32 v55, v22  }
0x443: {  	p2 =	seq.s32 s14, $0x5;
	v56 =	vpsel p1, v26, v10;
	v10 =	vmax.f32 v27, v16  }
0x444: {  	p3 =	seq.s32 s14, $0x6;
	v24 =	vpsel p2, v26, v24;
	v10 =	vmax.f32 v10, v56  }
0x445: {  	p4 =	seq.s32 s14, $0x7;
	v11 =	vpsel p3, v26, v11;
	v10 =	vmax.f32 v10, v24  }
0x446: {  	v25 =	vpsel p4, v26, v25;
	p5 =	seq.s32 s14, $0x8;
	v10 =	vmax.f32 v10, v11  }
0x447: {  	p6 =	seq.s32 s14, $0x9;
	v13 =	vpsel p5, v26, v13;
	v10 =	vmax.f32 v10, v25  }
0x448: {  	v15 =	vpsel p6, v26, v15;
	p1 =	seq.s32 s14, $0xA;
	v10 =	vmax.f32 v10, v13  }
0x449: {  	p2 =	seq.s32 s14, $0xB;
	v12 =	vpsel p1, v26, v12;
	v10 =	vmax.f32 v10, v15  }
0x44a: {  	p3 =	seq.s32 s14, $0xC;
	v14 =	vpsel p2, v26, v14;
	v10 =	vmax.f32 v10, v12  }
0x44b: {  	p4 =	seq.s32 s14, $0xD;
	v17 =	vpsel p3, v26, v17;
	v10 =	vmax.f32 v10, v14  }
0x44c: {  	v18 =	vpsel p4, v26, v18;
	p5 =	seq.s32 s14, $0xE;
	v10 =	vmax.f32 v10, v17  }
0x44d: {  	p6 =	seq.s32 s14, $0xF;
	v19 =	vpsel p5, v26, v19;
	v10 =	vmax.f32 v10, v18  }
0x44e: {  	v20 =	vpsel p6, v26, v20;
	v10 =	vmax.f32 v10, v19  }
0x44f: {  	v10 =	vmax.f32 v10, v20  }
0x450: {  	[tilespmem:$0x6200] =	vst v10  }
0x451: {  	v57 =	vld [tilespmem:$0x6208];
	_ =	sdelay $0x4  }
0x452: {  	v10 =	vmax.f32 v10, v57  }
0x453: {  	[tilespmem:$0x6200] =	vst v10  }
0x454: {  	v58 =	vld [tilespmem:$0x6204];
	_ =	sdelay $0x4  }
0x455: {  	v10 =	vmax.f32 v10, v58  }
0x456: {  	[tilespmem:$0x6200] =	vst v10  }
0x457: {  	v59 =	vld [tilespmem:$0x6202];
	_ =	sdelay $0x4  }
0x458: {  	v10 =	vmax.f32 v10, v59  }
0x459: {  	[tilespmem:$0x6200] =	vst v10  }
0x45a: {  	v60 =	vld [tilespmem:$0x6201];
	_ =	sdelay $0x4  }
0x45b: {  	v10 =	vmax.f32 v10, v60  }
0x45c: {  	v10 =	vbroadcast v10, $0x0;
	_ =	sdelay $0x1  }
0x45d: {  	vm1 =	vne.f32 v21, v10  }
0x45e: {  	vm2 =	veq.f32 v23, v10;
	v21 =	vsel vm1, $0x10, v1;
	v61 =	vsel vm1, $0x1, v1  }
0x45f: {  	v21 =	vsel vm2, v61, v21  }
0x460: {  	vm1 =	veq.f32 v22, v10;
	v62 =	vmin.u32 v21, $0x2  }
0x461: {  	v21 =	vsel vm1, v62, v21  }
0x462: {  	vm1 =	veq.f32 v16, v10;
	v63 =	vmin.u32 v21, $0x3  }
0x463: {  	v16 =	vsel vm1, v63, v21  }
0x464: {  	vm1 =	veq.f32 v56, v10;
	v21 =	vmin.u32 v16, $0x4  }
0x465: {  	v16 =	vsel vm1, v21, v16  }
0x466: {  	vm1 =	veq.f32 v24, v10;
	v21 =	vmin.u32 v16, $0x5  }
0x467: {  	v16 =	vsel vm1, v21, v16  }
0x468: {  	vm1 =	veq.f32 v11, v10;
	v11 =	vmin.u32 v16, $0x6  }
0x469: {  	v11 =	vsel vm1, v11, v16  }
0x46a: {  	vm1 =	veq.f32 v25, v10;
	v16 =	vmin.u32 v11, $0x7  }
0x46b: {  	v11 =	vsel vm1, v16, v11  }
0x46c: {  	vm1 =	veq.f32 v13, v10;
	v13 =	vmin.u32 v11, $0x8  }
0x46d: {  	v11 =	vsel vm1, v13, v11  }
0x46e: {  	vm1 =	veq.f32 v15, v10;
	v13 =	vmin.u32 v11, $0x9  }
0x46f: {  	v11 =	vsel vm1, v13, v11  }
0x470: {  	vm1 =	veq.f32 v12, v10;
	v12 =	vmin.u32 v11, $0xA  }
0x471: {  	v11 =	vsel vm1, v12, v11  }
0x472: {  	vm1 =	veq.f32 v14, v10;
	v12 =	vmin.u32 v11, $0xB  }
0x473: {  	v11 =	vsel vm1, v12, v11  }
0x474: {  	vm1 =	veq.f32 v17, v10;
	v12 =	vmin.u32 v11, $0xC  }
0x475: {  	v11 =	vsel vm1, v12, v11  }
0x476: {  	vm1 =	veq.f32 v18, v10;
	v12 =	vmin.u32 v11, $0xD  }
0x477: {  	v11 =	vsel vm1, v12, v11  }
0x478: {  	vm1 =	veq.f32 v19, v10;
	v12 =	vmin.u32 v11, $0xE  }
0x479: {  	v11 =	vsel vm1, v12, v11  }
0x47a: {  	vm1 =	veq.f32 v20, v10;
	v12 =	vmin.u32 v11, $0xF  }
0x47b: {  	v11 =	vsel vm1, v12, v11  }
0x47c: {  	[tilespmem:$0x6280] =	vst v11  }
0x47d: {  	v12 =	vld [tilespmem:$0x6288];
	_ =	sdelay $0x4  }
0x47e: {  	vm1 =	vlt.s32 v11, v12  }
0x47f: {  	v11 =	vsel vm1, v11, v12  }
0x480: {  	[tilespmem:$0x6280] =	vst v11  }
0x481: {  	v12 =	vld [tilespmem:$0x6284];
	_ =	sdelay $0x4  }
0x482: {  	vm1 =	vlt.s32 v11, v12  }
0x483: {  	v11 =	vsel vm1, v11, v12  }
0x484: {  	[tilespmem:$0x6280] =	vst v11  }
0x485: {  	v12 =	vld [tilespmem:$0x6282];
	_ =	sdelay $0x4  }
0x486: {  	vm1 =	vlt.s32 v11, v12  }
0x487: {  	v11 =	vsel vm1, v11, v12  }
0x488: {  	[tilespmem:$0x6280] =	vst v11  }
0x489: {  	v12 =	vld [tilespmem:$0x6281];
	_ =	sdelay $0x4  }
0x48a: {  	vm1 =	vlt.s32 v11, v12  }
0x48b: {  	v11 =	vsel vm1, v11, v12  }
0x48c: {  	(v2sf) =	vpush v11, $0x0;
	_ =	sdelay $0xe  }
0x48d: {  	s19 =	spop (v2sf)  }
0x48e: {  	s14 =	smul.u32 $0x620, s19;
	_ =	sdelay $0x1  }
0x48f: {  	v12 =	vld [tilespmem:s14+$0x0];
	_ =	sdelay $0x3  }
0x490: {  	s19 =	simm.s32 $0x0  }
0x491: {  	s18 =	simm.s32 $0x10;
	v11 =	vimm.s32 $0x7FFFFFFF;
	vm1 =	veq.f32 v12, v10;
	v12 =	vor.u32 s19, v2;
	s19 =	sadd.s32 $0x10, s14  }
.LBB2_38:
0x492: {  	v13 =	vld [tilespmem:s19+$0x0];
	p0 =	sne.s32 s18, $0x610;
	v12 =	vnsel vm1, $0x7FFFFFFF, v12;
	s5 =	smov.u32 s18;
	s18 =	sadd.s32 $0x10, s18  }
.Ltmp18:
0x493: {  	vm1 =	vlt.s32 v11, v12;
	(pc) =	sbr.rel @p0 .LBB2_38-.Ltmp18, $2  }
0x494: {  	v11 =	vsel vm1, v11, v12;
	_ =	sdelay $0x2  }
0x495: {  	s19 =	sadd.s32 $0x10, s19;
	v12 =	vor.u32 s5, v2;
	vm1 =	veq.f32 v13, v10  }
0x496: {  	v12 =	vnsel vm1, $0x7FFFFFFF, v12  }
0x497: {  	vm1 =	vlt.s32 v11, v12  }
0x498: {  	v11 =	vsel vm1, v11, v12  }
0x499: {  	[tilespmem:$0x6280] =	vst v11  }
0x49a: {  	v56 =	vld [tilespmem:$0x6288];
	_ =	sdelay $0x4  }
0x49b: {  	vm1 =	vlt.s32 v11, v56  }
0x49c: {  	v11 =	vsel vm1, v11, v56  }
0x49d: {  	[tilespmem:$0x6280] =	vst v11  }
0x49e: {  	v57 =	vld [tilespmem:$0x6284];
	_ =	sdelay $0x4  }
0x49f: {  	vm1 =	vlt.s32 v11, v57  }
0x4a0: {  	v11 =	vsel vm1, v11, v57  }
0x4a1: {  	[tilespmem:$0x6280] =	vst v11  }
0x4a2: {  	v58 =	vld [tilespmem:$0x6282];
	_ =	sdelay $0x4  }
0x4a3: {  	vm1 =	vlt.s32 v11, v58  }
0x4a4: {  	v11 =	vsel vm1, v11, v58  }
0x4a5: {  	[tilespmem:$0x6280] =	vst v11  }
0x4a6: {  	v59 =	vld [tilespmem:$0x6281];
	_ =	sdelay $0x4  }
0x4a7: {  	vm1 =	vlt.s32 v11, v59  }
0x4a8: {  	v11 =	vsel vm1, v11, v59  }
0x4a9: {  	(v2sf) =	vpush v11, $0x0;
	_ =	sdelay $0xe  }
0x4aa: {  	s5 =	spop (v2sf)  }
0x4ab: {  	s18 =	sshra.s32 s5, $0x1F  }
0x4ac: {  	s18 =	sshrl.u32 s18, $0x1C  }
0x4ad: {  	s18 =	sadd.s32 s18, s5  }
0x4ae: {  	s19 =	sand.u32 $0xFFFFFFF0, s18  }
0x4af: {  	p0 =	slt.s32 s5, $0x1;
	p1 =	sne.s32 s5, s19  }
0x4b0: {  	p0 =	por !p0, !p1  }
0x4b1: {  	s19 =	simm.s32 $0x1;
	p0 =	por !p0, !p0  }
0x4b2: {  	s18 =	sshrl.u32 s18, $0x4;
	s19 =	simm.s32 @!p0 $0x0  }
0x4b3: {  	s18 =	ssub.s32 s18, s19  }
0x4b4: {  	s21 =	sadd.s32 s4, s21;
	s18 =	sshll.u32 s18, $0x6  }
0x4b5: {  	vm1 =	vmmov $0x1;
	s19 =	sadd.s32 s22, s21;
	s18 =	sshra.s32 s18, $0x2  }
0x4b6: {  	s23 =	sadd.s32 s4, s23;
	v3 =	vnsel vm1, $0xFF800000, v3;
	vm1 =	vcmask $0x320;
	v60 =	vmov s19;
	s18 =	sadd.s32 s18, s14  }
0x4b7: {  	s25 =	sadd.s32 s4, s25;
	v3 =	vsel vm1, v3, v4;
	vm1 =	vcmask $0x720;
	s19 =	sadd.s32 s24, s23;
	v61 =	vnsel vm8, $0x7FFFFFFF, v60;
	v62 =	vld [tilespmem:s18+$0x0]  }
0x4b8: {  	s28 =	sadd.s32 s4, s28;
	v3 =	vsel vm1, v3, v5;
	s21 =	sadd.s32 s26, s25;
	v4 =	vsel vm9, s19, v61  }
0x4b9: {  	v3 =	vsel vm3, v3, v6;
	s25 =	sand.u32 $0xF, s5;
	s23 =	sadd.s32 s29, s28;
	s24 =	sadd.s32 s4, s30;
	v4 =	vsel vm10, s21, v4  }
0x4ba: {  	s1 =	sadd.s32 s4, s1;
	v3 =	vsel vm4, v3, v7;
	v63 =	vmov s25;
	s22 =	sadd.s32 s31, s24;
	v4 =	vsel vm11, s23, v4  }
0x4bb: {  	s0 =	sadd.s32 s0, s1;
	v3 =	vsel vm5, v3, v8;
	s26 =	sadd.s32 s4, s12;
	vm1 =	veq.s32 v63, v2;
	v4 =	vsel vm12, s22, v4  }
0x4bc: {  	v3 =	vsel vm6, v3, v9;
	s1 =	sadd.s32 s13, s26;
	s28 =	sadd.s32 s4, s14;
	v4 =	vsel vm13, s0, v4;
	v5 =	vsel vm1, $0xFF800000, v62  }
0x4bd: {  	v3 =	vsel vm7, v3, v10;
	s29 =	sadd.s32 s5, s28;
	v4 =	vsel vm14, s1, v4;
	[tilespmem:s18+$0x0] =	vst v5  }
0x4be: {  	v4 =	vsel vm15, s29, v4;
	[tilespmem:$0x6300] =	vst v3  }
0x4bf: {  	s30 =	simm.s32 $0x6300;
	[tilespmem:$0x6380] =	vst v4  }
0x4c0: {  	[hbm4b:s9+s2] =	stream.linear.scatter [tilespmem:s30], [sflag:$0x1], $0x80, $0x38;
	[tilespmem:$0x6400] =	vst v63  }
0x4c1: {  	s20 =	sadd.s32 $0x1, s20;
	_ =	swait.ge [sflag:s3], $0x80  }
0x4c2: {  	p0 =	sne.s32 s20, s11;
	[sflag:s3] =	ssyncset.done $0x0  }
.Ltmp19:
0x4c3: {  	s31 =	simm.s32 $0x6380;
	[sflag:s3] =	ssyncadd.s32 $0xFFFFFF80;
	(pc) =	sbr.rel @p0 .LBB2_1-.Ltmp19, $4  }
0x4c4: {  	[hbm4b:s10+s2] =	stream.linear.scatter [tilespmem:s31], [sflag:$0x2], $0x80, $0x38;
	[tilespmem:$0x6400] =	vst v63  }
0x4c5: {  	_ =	swait.ge [sflag:s15], $0x80  }
0x4c6: {  	[sflag:s15] =	ssyncset.done $0x0  }
0x4c7: {  	[sflag:s15] =	ssyncadd.s32 $0xFFFFFF80  }
0x4c8: {  	_ =	sfence.sel $0x180000  }
0x4c9: {  	[bflag:$0x0] =	sbarrier.arrive $0xFFFF  }
0x4ca: {  	_ =	strace $0x90000047  }
0x4cb: {  	s0 =	stileid.u32;
	[bflag:$0x2] =	sbarrier.arrive $0xFFFF  }
0x4cc: {  	p0 =	sne.s32 s0, $0x0;
	s0 =	rddreg [dreg:$0x1]  }
0x4cd: {  	s0 =	sadd.s32 @!p0 $0x100000, s0  }
0x4ce: {  	[sflag:s0] =	ssyncadd.tile.s32 @!p0 $0x1;
	_ =	shalt  }
.Lfunc_end2:
_tile_overlayer_lowered:
.L_overlay_start_2:
0x4cf: {  	(tag) =	ssettag $0x2  }
0x4d0: {  	s0 =	rddreg [dreg:$0x0];
	s2 =	stileid.u32  }
0x4d1: {  	s1 =	rddreg [dreg:$0x1];
	p0 =	sne.s32 s2, $0x0  }
0x4d2: {  	s3 =	rddreg [dreg:$0x2];
	[bflag:$0x3] =	sbarrier.arrive $0xFFFF;
	s2 =	simm.s32 @!p0 $0x1C05  }
0x4d3: {  	[timem:s3], [sflag:s2] =	dma.local @!p0 [hbm:s0], s1  }
0x4d4: {  	s0 =	simm.s32 @!p0 $0x5  }
0x4d5: {  	_ =	swait.ge @!p0 [sflag:s0], s1  }
0x4d6: {  	s1 =	ssub.s32 @!p0 $0x0, s1;
	[sflag:s0] =	ssyncset.done @!p0 $0x0  }
0x4d7: {  	[sflag:s0] =	ssyncadd.s32 @!p0 s1  }
0x4d8: {  	[bflag:$0x3] =	sbarrier.arrive $0xFFFF  }
0x4d9: {  	_ =	shalt  }

</sc_bundles>
